<compile_context>
chip_gen: v7x
topology: tpu7x:2x2x1
jax: 0.10.2.dev20260603
libtpu: 0.0.44.dev20260713+nightly
codegen_flags: <defaults>
</compile_context>

<pallas_src>
import functools

import jax
import jax.numpy as jnp
from jax import lax
from jax.experimental import pallas as pl
from jax.experimental.pallas import tpu as pltpu
from jax.experimental.pallas import tpu_sc as plsc

N = 10000
E = 320000
D_IN = 64
C = 128
B = 1024
V = 100000
OUT = 1

NC = 2
NS = 16
NW = NC * NS

CHUNK = 128
NCHUNKS = E // CHUNK
RPT = 624
NCHK_T = 80

_mesh = plsc.VectorSubcoreMesh(core_axis_name="c", subcore_axis_name="s",
                               num_cores=NC, num_subcores=NS)



@functools.partial(
    pl.kernel,
    out_type=jax.ShapeDtypeStruct((N, C), jnp.float32),
    mesh=_mesh,
    scratch_types=[
        pltpu.VMEM((CHUNK,), jnp.int32),
        pltpu.VMEM((CHUNK, C), jnp.float32),
        pltpu.SemaphoreType.DMA,
    ],
)
def _sc_prep(emb_hbm, nid_hbm, erows_hbm, nid_v, erow_v, sem):
    wid = lax.axis_index("s") * NC + lax.axis_index("c")
    nck = jnp.where(wid < 14, 3, 2)
    base = jnp.where(wid < 14, 3 * wid, 2 * wid + 14)

    def chunk_body(j, carry):
        off = (base + j) * CHUNK
        pltpu.sync_copy(nid_hbm.at[pl.ds(off, CHUNK)], nid_v)
        pltpu.async_copy(emb_hbm.at[nid_v], erow_v, sem).wait()
        pltpu.sync_copy(erow_v, erows_hbm.at[pl.ds(off, CHUNK)])
        return carry

    lax.fori_loop(0, nck, chunk_body, 0)

    @pl.when(wid == NW - 1)
    def _tail():
        toff = N - 16
        pltpu.sync_copy(nid_hbm.at[pl.ds(toff, 16)], nid_v.at[pl.ds(0, 16)])
        pltpu.async_copy(emb_hbm.at[nid_v.at[pl.ds(0, 16)]],
                         erow_v.at[pl.ds(0, 16)], sem).wait()
        pltpu.sync_copy(erow_v.at[pl.ds(0, 16)],
                        erows_hbm.at[pl.ds(toff, 16)])



_PIECES = (0, 128, 256, 384, 496)


def _edge_range(wid):
    nck = jnp.where(wid < 4, 79, 78)
    base = wid * 78 + jnp.minimum(wid, 4)
    return nck, base


def _zero_acc(acc_sh, rowidx_hbm, z_hbm, rows_v, src_v, idx16_v, sid):
    pltpu.sync_copy(z_hbm, rows_v)
    row0 = sid * RPT
    for r in _PIECES:
        pltpu.sync_copy(rowidx_hbm.at[pl.ds(row0 + r, CHUNK)], src_v)
        pltpu.sync_copy(rows_v, acc_sh.at[src_v])

    @pl.when(sid == NS - 1)
    def _zero_tail():
        pltpu.sync_copy(rowidx_hbm.at[pl.ds(N - 16, 16)], idx16_v)
        pltpu.sync_copy(rows_v.at[pl.ds(0, 16)], acc_sh.at[idx16_v])


def _copy_out(acc_sh, rowidx_hbm, p_hbm, rows_v, src_v, idx16_v, sid, cid,
              sem):
    row0 = sid * RPT
    for r in _PIECES:
        pltpu.sync_copy(rowidx_hbm.at[pl.ds(row0 + r, CHUNK)], src_v)
        pltpu.async_copy(acc_sh.at[src_v], rows_v, sem).wait()
        pltpu.sync_copy(rows_v, p_hbm.at[cid, pl.ds(row0 + r, CHUNK)])

    @pl.when(sid == NS - 1)
    def _out_tail():
        pltpu.sync_copy(rowidx_hbm.at[pl.ds(N - 16, 16)], idx16_v)
        pltpu.async_copy(acc_sh.at[idx16_v], rows_v.at[pl.ds(0, 16)],
                         sem).wait()
        pltpu.sync_copy(rows_v.at[pl.ds(0, 16)],
                        p_hbm.at[cid, pl.ds(N - 16, 16)])


PHASE_K = (40, 38)


@functools.partial(
    pl.kernel,
    out_type=jax.ShapeDtypeStruct((NC, N, C), jnp.float32),
    mesh=_mesh,
    scratch_types=[
        pltpu.VMEM((CHUNK,), jnp.int32),
        pltpu.VMEM((40, 1, CHUNK), jnp.int32),
        pltpu.VMEM((40, 1, CHUNK), jnp.int32),
        pltpu.VMEM((CHUNK, C), jnp.float32),
        pltpu.VMEM((CHUNK, C), jnp.float32),
        pltpu.VMEM((16,), jnp.int32),
        pltpu.VMEM_SHARED((N, C), jnp.float32),
        pltpu.SemaphoreType.DMA,
        pltpu.SemaphoreType.DMA,
        pltpu.SemaphoreType.DMA,
        pltpu.SemaphoreType.DMA,
    ],
)
def _sc_agg(h_hbm, src3_hbm, dst3_hbm, rowidx_hbm, z_hbm, p_hbm,
            iv, srcbuf, dstbuf, rows0, rows1, idx16_v, agg_sh,
            sg0, sg1, ss0, ss1):
    cid = lax.axis_index("c")
    sid = lax.axis_index("s")
    wid = sid * NC + cid

    _zero_acc(agg_sh, rowidx_hbm, z_hbm, rows0, iv, idx16_v, sid)
    base = wid * 78 + jnp.minimum(wid, 4)
    pltpu.sync_copy(src3_hbm.at[pl.ds(base, 40)], srcbuf)
    pltpu.sync_copy(dst3_hbm.at[pl.ds(base, 40)], dstbuf)
    plsc.subcore_barrier()

    def run_phase(K):
        pltpu.async_copy(h_hbm.at[srcbuf.at[0, 0]], rows0, sg0)
        pltpu.async_copy(h_hbm.at[srcbuf.at[1, 0]], rows1, sg1)

        def pair_body(j2, carry):
            c0 = 2 * j2
            pltpu.make_async_copy(h_hbm.at[srcbuf.at[c0, 0]], rows0,
                                  sg0).wait()
            pltpu.async_copy(rows0, agg_sh.at[dstbuf.at[c0, 0]], ss0,
                             add=True)

            @pl.when(j2 < K // 2 - 1)
            def _refill0():
                pltpu.make_async_copy(rows0, agg_sh.at[dstbuf.at[c0, 0]],
                                      ss0).wait()
                pltpu.async_copy(h_hbm.at[srcbuf.at[c0 + 2, 0]], rows0, sg0)

            pltpu.make_async_copy(h_hbm.at[srcbuf.at[c0 + 1, 0]], rows1,
                                  sg1).wait()
            pltpu.async_copy(rows1, agg_sh.at[dstbuf.at[c0 + 1, 0]], ss1,
                             add=True)

            @pl.when(j2 < K // 2 - 1)
            def _refill1():
                pltpu.make_async_copy(rows1, agg_sh.at[dstbuf.at[c0 + 1, 0]],
                                      ss1).wait()
                pltpu.async_copy(h_hbm.at[srcbuf.at[c0 + 3, 0]], rows1, sg1)

            return carry

        lax.fori_loop(0, K // 2, pair_body, 0)
        pltpu.make_async_copy(rows0, agg_sh.at[dstbuf.at[K - 2, 0]],
                              ss0).wait()
        pltpu.make_async_copy(rows1, agg_sh.at[dstbuf.at[K - 1, 0]],
                              ss1).wait()

    run_phase(PHASE_K[0])
    pltpu.sync_copy(src3_hbm.at[pl.ds(base + PHASE_K[0], 40)], srcbuf)
    pltpu.sync_copy(dst3_hbm.at[pl.ds(base + PHASE_K[0], 40)], dstbuf)
    run_phase(PHASE_K[1])

    @pl.when(wid < 4)
    def _extra_chunk():
        pltpu.sync_copy(src3_hbm.at[pl.ds(base + 78, 1)],
                        srcbuf.at[pl.ds(0, 1)])
        pltpu.sync_copy(dst3_hbm.at[pl.ds(base + 78, 1)],
                        dstbuf.at[pl.ds(0, 1)])
        pltpu.async_copy(h_hbm.at[srcbuf.at[0, 0]], rows0, sg0).wait()
        pltpu.sync_copy(rows0, agg_sh.at[dstbuf.at[0, 0]], add=True)

    plsc.subcore_barrier()
    _copy_out(agg_sh, rowidx_hbm, p_hbm, rows0, iv, idx16_v, sid, cid, sg0)


@functools.partial(
    pl.kernel,
    out_type=jax.ShapeDtypeStruct((NC, N, C), jnp.float32),
    mesh=_mesh,
    scratch_types=[
        pltpu.VMEM((CHUNK,), jnp.int32),
        pltpu.VMEM((NCHK_T, 1, CHUNK), jnp.int32),
        pltpu.VMEM((CHUNK, C), jnp.float32),
        pltpu.VMEM((16,), jnp.int32),
        pltpu.VMEM_SHARED((N, C), jnp.float32),
        pltpu.SemaphoreType.DMA,
    ],
)
def _sc_cnt(dst3_hbm, rowidx_hbm, z_hbm, ones_hbm, p_hbm,
            src_v, dstbuf, rows_v, idx16_v, cnt_sh, sem):
    cid = lax.axis_index("c")
    sid = lax.axis_index("s")
    wid = sid * NC + cid

    _zero_acc(cnt_sh, rowidx_hbm, z_hbm, rows_v, src_v, idx16_v, sid)
    plsc.subcore_barrier()

    nck = jnp.where(wid < 4, 79, 78)
    base = wid * 78 + jnp.minimum(wid, 4)
    pltpu.sync_copy(dst3_hbm.at[pl.ds(base, NCHK_T)], dstbuf)
    pltpu.sync_copy(ones_hbm, rows_v)

    def fire(j, carry):
        pltpu.async_copy(rows_v, cnt_sh.at[dstbuf.at[j, 0]], sem, add=True)
        return carry

    lax.fori_loop(0, nck, fire, 0)

    def drain(j, carry):
        pltpu.make_async_copy(rows_v, cnt_sh.at[dstbuf.at[j, 0]], sem).wait()
        return carry

    lax.fori_loop(0, nck, drain, 0)
    plsc.subcore_barrier()

    _copy_out(cnt_sh, rowidx_hbm, p_hbm, rows_v, src_v, idx16_v, sid, cid,
              sem)


_BLK = 1000


def _enc_body(x_ref, batch_ref, time_ref, seed_ref, er_ref, we_ref, wt_ref,
              be_ref, bt_ref, o_ref):
    lanes = lax.broadcasted_iota(jnp.int32, (1, B), 1)
    oh = jnp.where(batch_ref[...] == lanes, 1.0, 0.0)
    st = jnp.dot(oh, seed_ref[...], preferred_element_type=jnp.float32)
    rel = (st - time_ref[...].astype(jnp.float32)) / 86400.0
    j = lax.broadcasted_iota(jnp.int32, (1, C // 2), 1).astype(jnp.float32)
    w = jnp.exp(j * (-2.0 * jnp.log(10000.0) / C))
    ang = rel * w
    pe = jnp.concatenate([jnp.sin(ang), jnp.cos(ang)], axis=1)
    h = jnp.dot(x_ref[...], we_ref[...], preferred_element_type=jnp.float32)
    h = h + jnp.dot(pe, wt_ref[...], preferred_element_type=jnp.float32)
    o_ref[...] = h + be_ref[...] + bt_ref[...] + er_ref[...]


def _tc_encode(x, batch, time, seed_f, erows, W_enc, W_time, b_enc, b_time):
    return pl.pallas_call(
        _enc_body,
        grid=(N // _BLK,),
        in_specs=[
            pl.BlockSpec((_BLK, D_IN), lambda i: (i, 0)),
            pl.BlockSpec((_BLK, 1), lambda i: (i, 0)),
            pl.BlockSpec((_BLK, 1), lambda i: (i, 0)),
            pl.BlockSpec((B, 1), lambda i: (0, 0)),
            pl.BlockSpec((_BLK, C), lambda i: (i, 0)),
            pl.BlockSpec((D_IN, C), lambda i: (0, 0)),
            pl.BlockSpec((C, C), lambda i: (0, 0)),
            pl.BlockSpec((1, C), lambda i: (0, 0)),
            pl.BlockSpec((1, C), lambda i: (0, 0)),
        ],
        out_specs=pl.BlockSpec((_BLK, C), lambda i: (i, 0)),
        out_shape=jax.ShapeDtypeStruct((N, C), jnp.float32),
    )(x, batch, time, seed_f, erows, W_enc, W_time, b_enc, b_time)


def _comb_body(h_ref, p0_ref, p1_ref, c0_ref, c1_ref, ws_ref, wn_ref, b_ref,
               o_ref):
    cnt = c0_ref[...][:, :1] + c1_ref[...][:, :1]
    agg = (p0_ref[...] + p1_ref[...]) / jnp.maximum(cnt, 1.0)
    h = jnp.dot(h_ref[...], ws_ref[...], preferred_element_type=jnp.float32)
    h = h + jnp.dot(agg, wn_ref[...], preferred_element_type=jnp.float32)
    o_ref[...] = jnp.maximum(h + b_ref[...], 0.0)


def _tc_combine(h, p0, p1, c0, c1, Ws, Wn, b):
    return pl.pallas_call(
        _comb_body,
        grid=(N // _BLK,),
        in_specs=[
            pl.BlockSpec((_BLK, C), lambda i: (i, 0)),
            pl.BlockSpec((_BLK, C), lambda i: (i, 0)),
            pl.BlockSpec((_BLK, C), lambda i: (i, 0)),
            pl.BlockSpec((_BLK, C), lambda i: (i, 0)),
            pl.BlockSpec((_BLK, C), lambda i: (i, 0)),
            pl.BlockSpec((C, C), lambda i: (0, 0)),
            pl.BlockSpec((C, C), lambda i: (0, 0)),
            pl.BlockSpec((1, C), lambda i: (0, 0)),
        ],
        out_specs=pl.BlockSpec((_BLK, C), lambda i: (i, 0)),
        out_shape=jax.ShapeDtypeStruct((N, C), jnp.float32),
    )(h, p0, p1, c0, c1, Ws, Wn, b)


def _final_body(h_ref, q0_ref, q1_ref, c0_ref, c1_ref, ws_ref, wn_ref,
                b_ref, wh_ref, bh_ref, o_ref):
    cnt = c0_ref[...][:, :1] + c1_ref[...][:, :1]
    agg = (q0_ref[...] + q1_ref[...]) / jnp.maximum(cnt, 1.0)
    h = jnp.dot(h_ref[...], ws_ref[...], preferred_element_type=jnp.float32)
    h = h + jnp.dot(agg, wn_ref[...], preferred_element_type=jnp.float32)
    h = jnp.maximum(h + b_ref[...], 0.0)
    o_ref[...] = jnp.dot(h, wh_ref[...],
                         preferred_element_type=jnp.float32) + bh_ref[...]


def _tc_final(h, q0, q1, c0, c1, Ws, Wn, b, W_head, b_head):
    return pl.pallas_call(
        _final_body,
        grid=(1,),
        in_specs=[
            pl.BlockSpec((B, C), lambda i: (0, 0)),
            pl.BlockSpec((B, C), lambda i: (0, 0)),
            pl.BlockSpec((B, C), lambda i: (0, 0)),
            pl.BlockSpec((B, C), lambda i: (0, 0)),
            pl.BlockSpec((B, C), lambda i: (0, 0)),
            pl.BlockSpec((C, C), lambda i: (0, 0)),
            pl.BlockSpec((C, C), lambda i: (0, 0)),
            pl.BlockSpec((1, C), lambda i: (0, 0)),
            pl.BlockSpec((C, OUT), lambda i: (0, 0)),
            pl.BlockSpec((1, OUT), lambda i: (0, 0)),
        ],
        out_specs=pl.BlockSpec((B, OUT), lambda i: (0, 0)),
        out_shape=jax.ShapeDtypeStruct((B, OUT), jnp.float32),
    )(h, q0, q1, c0, c1, Ws, Wn, b, W_head, b_head)



def kernel(x, edge_index, seed_time, time, batch, n_id,
           W_enc, b_enc, W_time, b_time, emb,
           W_self0, W_neigh0, b0, W_self1, W_neigh1, b1,
           W_head, b_head):
    src = edge_index[0]
    dst = edge_index[1]
    src3 = jnp.pad(src, (0, 2560 * CHUNK - E)).reshape(2560, 1, CHUNK)
    dst3 = jnp.pad(dst, (0, 2560 * CHUNK - E)).reshape(2560, 1, CHUNK)
    rowidx = jnp.arange(N, dtype=jnp.int32)
    z128 = jnp.zeros((CHUNK, C), jnp.float32)
    ones128 = jnp.ones((CHUNK, C), jnp.float32)

    erows = _sc_prep(emb, n_id)
    cnt = _sc_cnt(dst3, rowidx, z128, ones128)
    h0 = _tc_encode(x, batch.reshape(N, 1), time.reshape(N, 1),
                    seed_time.astype(jnp.float32).reshape(B, 1), erows,
                    W_enc, W_time, b_enc.reshape(1, C), b_time.reshape(1, C))

    p = _sc_agg(h0, src3, dst3, rowidx, z128)
    h1 = _tc_combine(h0, p[0], p[1], cnt[0], cnt[1], W_self0, W_neigh0,
                     b0.reshape(1, C))

    p2 = _sc_agg(h1, src3, dst3, rowidx, z128)
    out = _tc_final(h1, p2[0], p2[1], cnt[0], cnt[1], W_self1, W_neigh1,
                    b1.reshape(1, C), W_head, b_head.reshape(1, OUT))
    return out

# --- scband reference (transcript-rebuilt; emitter-appended) ---
"""Pipeline reference for scband-model-46643344834577 (READ-ONLY COPY).

The authoritative reference and input builder live on the scoring server;
editing this copy changes nothing except your own understanding.
"""

import jax, jax.numpy as jnp
import numpy as np

N = 10000
E = 320000
D_IN = 64
C = 128
B = 1024
V = 100000
OUT = 1


def positional_encoding(t, channels):
    j = jnp.arange(channels // 2, dtype=jnp.float32)
    w = 1.0 / (10000.0 ** (2.0 * j / channels))
    ang = t[:, None] * w[None, :]
    return jnp.concatenate([jnp.sin(ang), jnp.cos(ang)], axis=-1)


def setup_inputs(seed: int = 0) -> dict:
    key = jax.random.key(seed)
    ks = jax.random.split(key, 20)
    x = jax.random.normal(ks[0], (N, D_IN), dtype=jnp.float32)
    edge_index = jax.random.randint(ks[1], (2, E), 0, N, dtype=jnp.int32)
    seed_time = jax.random.randint(ks[2], (B,), 0, 1000000, dtype=jnp.int32)
    time = jax.random.randint(ks[3], (N,), 0, 1000000, dtype=jnp.int32)
    batch = jax.random.randint(ks[4], (N,), 0, B, dtype=jnp.int32)
    n_id = jax.random.randint(ks[5], (N,), 0, V, dtype=jnp.int32)
    s = 0.05
    W_enc = jax.random.normal(ks[6], (D_IN, C), dtype=jnp.float32) * s
    b_enc = jnp.zeros((C,), dtype=jnp.float32)
    W_time = jax.random.normal(ks[7], (C, C), dtype=jnp.float32) * s
    b_time = jnp.zeros((C,), dtype=jnp.float32)
    emb = jax.random.normal(ks[8], (V, C), dtype=jnp.float32) * 0.1
    W_self0 = jax.random.normal(ks[9], (C, C), dtype=jnp.float32) * s
    W_neigh0 = jax.random.normal(ks[10], (C, C), dtype=jnp.float32) * s
    b0 = jnp.zeros((C,), dtype=jnp.float32)
    W_self1 = jax.random.normal(ks[11], (C, C), dtype=jnp.float32) * s
    W_neigh1 = jax.random.normal(ks[12], (C, C), dtype=jnp.float32) * s
    b1 = jnp.zeros((C,), dtype=jnp.float32)
    W_head = jax.random.normal(ks[13], (C, OUT), dtype=jnp.float32) * s
    b_head = jnp.zeros((OUT,), dtype=jnp.float32)
    return {"x": x, "edge_index": edge_index, "seed_time": seed_time, "time": time,
            "batch": batch, "n_id": n_id, "W_enc": W_enc, "b_enc": b_enc,
            "W_time": W_time, "b_time": b_time, "emb": emb,
            "W_self0": W_self0, "W_neigh0": W_neigh0, "b0": b0,
            "W_self1": W_self1, "W_neigh1": W_neigh1, "b1": b1,
            "W_head": W_head, "b_head": b_head}


def reference(x, edge_index, seed_time, time, batch, n_id,
              W_enc, b_enc, W_time, b_time, emb,
              W_self0, W_neigh0, b0, W_self1, W_neigh1, b1,
              W_head, b_head):
    # HeteroEncoder (collapsed to a single linear feature encoder)
    h = x @ W_enc + b_enc
    # HeteroTemporalEncoder: rel_time = seed_time[batch] - time, positional enc + linear
    rel_time = (seed_time[batch] - time).astype(jnp.float32) / 86400.0
    pe = positional_encoding(rel_time, C)
    h = h + pe @ W_time + b_time
    # Shallow embedding lookup added in
    h = h + jnp.take(emb, n_id, axis=0)
    # HeteroGraphSAGE: 2 layers, mean aggregation
    src = edge_index[0]
    dst = edge_index[1]
    for (Ws, Wn, bb) in ((W_self0, W_neigh0, b0), (W_self1, W_neigh1, b1)):
        msg = jnp.take(h, src, axis=0)
        agg = jax.ops.segment_sum(msg, dst, num_segments=N)
        cnt = jax.ops.segment_sum(jnp.ones((E, 1), dtype=jnp.float32), dst, num_segments=N)
        agg = agg / jnp.maximum(cnt, 1.0)
        h = jax.nn.relu(h @ Ws + agg @ Wn + bb)
    # MLP head on the seed nodes only
    out = h[:B] @ W_head + b_head
    return out

if __name__ == "__main__":
    import jax
    _d = setup_inputs()
    print(jax.jit(kernel)(*tuple(_d.values())))

</pallas_src>

<mosaic_0001>
#map = affine_map<(d0, d1) -> (0, 0, 0)>
#map1 = affine_map<(d0, d1) -> (0)>
#map2 = affine_map<(d0, d1) -> (0, 0)>
module attributes {stable_mosaic.version = 14 : i64} {
  func.func @_sc_cnt(%arg0: i32, %arg1: i32, %arg2: memref<2560x1x128xi32, #tpu.memory_space<hbm>>, %arg3: memref<10000xi32, #tpu.memory_space<hbm>>, %arg4: memref<128x128xf32, #tpu.memory_space<hbm>>, %arg5: memref<128x128xf32, #tpu.memory_space<hbm>>, %arg6: memref<2x10000x128xf32, #tpu.memory_space<hbm>>, %arg7: memref<128xi32, #tpu.memory_space<vmem>>, %arg8: memref<80x1x128xi32, #tpu.memory_space<vmem>>, %arg9: memref<128x128xf32, #tpu.memory_space<vmem>>, %arg10: memref<16xi32, #tpu.memory_space<vmem>>, %arg11: memref<10000x128xf32, #tpu.memory_space<vmem_shared>>, %arg12: memref<!tpu.dma_semaphore, #tpu.memory_space<semaphore_mem>>) attributes {dimension_semantics = [#tpu.dimension_semantics<core_parallel>, #tpu.dimension_semantics<subcore_parallel>], iteration_bounds = array<i64: 2, 16>, scalar_prefetch = 0 : i64, scratch_operands = 6 : i64, tpu.core_type = #tpu.core_type<sc_vector_subcore>, window_params = [{transform_indices = #map}, {transform_indices = #map1}, {transform_indices = #map2}, {transform_indices = #map2}, {transform_indices = #map}]} {
    %mul3A = arith.constant 2 : i32
    %mul3A_0 = arith.muli %arg1, %mul3A : i32
    %add3A = arith.addi %mul3A_0, %arg0 : i32
    "tpu.region"() ({
      %run_scoped3A = tpu.sem_alloc : memref<!tpu.dma_semaphore, #tpu.memory_space<semaphore_mem>>
      tpu.enqueue_dma source(%arg4 : memref<128x128xf32, #tpu.memory_space<hbm>>) target(%arg9 : memref<128x128xf32, #tpu.memory_space<vmem>>) target_semaphore(%run_scoped3A : memref<!tpu.dma_semaphore, #tpu.memory_space<semaphore_mem>>)
      tpu.wait_dma2 semaphore(%run_scoped3A : memref<!tpu.dma_semaphore, #tpu.memory_space<semaphore_mem>>) src(%arg4 : memref<128x128xf32, #tpu.memory_space<hbm>>) dst(%arg9 : memref<128x128xf32, #tpu.memory_space<vmem>>)
      tpu.yield
    }) : () -> ()
    %mul3A_1 = arith.constant 624 : i32
    %mul3A_2 = arith.muli %arg1, %mul3A_1 : i32
    %add3A_3 = arith.constant 0 : i32
    %add3A_4 = arith.addi %mul3A_2, %add3A_3 : i32
    "tpu.region"() ({
      %run_scoped3A = tpu.sem_alloc : memref<!tpu.dma_semaphore, #tpu.memory_space<semaphore_mem>>
      %dma_start3A_96 = tpu.memref_slice %arg3[%add3A_4] : memref<10000xi32, #tpu.memory_space<hbm>> -> memref<128xi32, #tpu.memory_space<hbm>>
      %dma_start3A_97 = tpu.memref_slice %arg3[%add3A_4] : memref<10000xi32, #tpu.memory_space<hbm>> -> memref<128xi32, #tpu.memory_space<hbm>>
      tpu.enqueue_dma source(%dma_start3A_97 : memref<128xi32, #tpu.memory_space<hbm>>) target(%arg7 : memref<128xi32, #tpu.memory_space<vmem>>) target_semaphore(%run_scoped3A : memref<!tpu.dma_semaphore, #tpu.memory_space<semaphore_mem>>)
      %dma_wait3A_98 = tpu.memref_slice %arg3[%add3A_4] : memref<10000xi32, #tpu.memory_space<hbm>> -> memref<128xi32, #tpu.memory_space<hbm>>
      %dma_wait3A_99 = tpu.memref_slice %arg3[%add3A_4] : memref<10000xi32, #tpu.memory_space<hbm>> -> memref<128xi32, #tpu.memory_space<hbm>>
      tpu.wait_dma2 semaphore(%run_scoped3A : memref<!tpu.dma_semaphore, #tpu.memory_space<semaphore_mem>>) src(%dma_wait3A_99 : memref<128xi32, #tpu.memory_space<hbm>>) dst(%arg7 : memref<128xi32, #tpu.memory_space<vmem>>)
      tpu.yield
    }) : () -> ()
    "tpu.region"() ({
      %run_scoped3A = tpu.sem_alloc : memref<!tpu.dma_semaphore, #tpu.memory_space<semaphore_mem>>
      %dma_start3A_96 = arith.constant 0 : i32
      %dma_start3A_97 = arith.constant 0 : i32
      %dma_start3A_98 = tpu.memref_slice %arg11[%dma_start3A_96, %dma_start3A_97] : memref<10000x128xf32, #tpu.memory_space<vmem_shared>> -> memref<10000x128xf32, #tpu.memory_space<vmem_shared>>
      tpu.enqueue_indirect_dma source(%arg9 : memref<128x128xf32, #tpu.memory_space<vmem>>) target(%dma_start3A_98 : memref<10000x128xf32, #tpu.memory_space<vmem_shared>>) offsets(%arg7 : memref<128xi32, #tpu.memory_space<vmem>>) semaphore(%run_scoped3A : memref<!tpu.dma_semaphore, #tpu.memory_space<semaphore_mem>>)
      %dma_wait3A_99 = arith.constant 0 : i32
      %dma_wait3A_100 = arith.constant 0 : i32
      %dma_wait3A_101 = tpu.memref_slice %arg11[%dma_wait3A_99, %dma_wait3A_100] : memref<10000x128xf32, #tpu.memory_space<vmem_shared>> -> memref<10000x128xf32, #tpu.memory_space<vmem_shared>>
      tpu.wait_indirect_dma semaphore(%run_scoped3A : memref<!tpu.dma_semaphore, #tpu.memory_space<semaphore_mem>>) src(%arg9 : memref<128x128xf32, #tpu.memory_space<vmem>>) dst(%dma_wait3A_101 : memref<10000x128xf32, #tpu.memory_space<vmem_shared>>)
      tpu.yield
    }) : () -> ()
    %add3A_5 = arith.constant 128 : i32
    %add3A_6 = arith.addi %mul3A_2, %add3A_5 : i32
    "tpu.region"() ({
      %run_scoped3A = tpu.sem_alloc : memref<!tpu.dma_semaphore, #tpu.memory_space<semaphore_mem>>
      %dma_start3A_96 = tpu.memref_slice %arg3[%add3A_6] : memref<10000xi32, #tpu.memory_space<hbm>> -> memref<128xi32, #tpu.memory_space<hbm>>
      %dma_start3A_97 = tpu.memref_slice %arg3[%add3A_6] : memref<10000xi32, #tpu.memory_space<hbm>> -> memref<128xi32, #tpu.memory_space<hbm>>
      tpu.enqueue_dma source(%dma_start3A_97 : memref<128xi32, #tpu.memory_space<hbm>>) target(%arg7 : memref<128xi32, #tpu.memory_space<vmem>>) target_semaphore(%run_scoped3A : memref<!tpu.dma_semaphore, #tpu.memory_space<semaphore_mem>>)
      %dma_wait3A_98 = tpu.memref_slice %arg3[%add3A_6] : memref<10000xi32, #tpu.memory_space<hbm>> -> memref<128xi32, #tpu.memory_space<hbm>>
      %dma_wait3A_99 = tpu.memref_slice %arg3[%add3A_6] : memref<10000xi32, #tpu.memory_space<hbm>> -> memref<128xi32, #tpu.memory_space<hbm>>
      tpu.wait_dma2 semaphore(%run_scoped3A : memref<!tpu.dma_semaphore, #tpu.memory_space<semaphore_mem>>) src(%dma_wait3A_99 : memref<128xi32, #tpu.memory_space<hbm>>) dst(%arg7 : memref<128xi32, #tpu.memory_space<vmem>>)
      tpu.yield
    }) : () -> ()
    "tpu.region"() ({
      %run_scoped3A = tpu.sem_alloc : memref<!tpu.dma_semaphore, #tpu.memory_space<semaphore_mem>>
      %dma_start3A_96 = arith.constant 0 : i32
      %dma_start3A_97 = arith.constant 0 : i32
      %dma_start3A_98 = tpu.memref_slice %arg11[%dma_start3A_96, %dma_start3A_97] : memref<10000x128xf32, #tpu.memory_space<vmem_shared>> -> memref<10000x128xf32, #tpu.memory_space<vmem_shared>>
      tpu.enqueue_indirect_dma source(%arg9 : memref<128x128xf32, #tpu.memory_space<vmem>>) target(%dma_start3A_98 : memref<10000x128xf32, #tpu.memory_space<vmem_shared>>) offsets(%arg7 : memref<128xi32, #tpu.memory_space<vmem>>) semaphore(%run_scoped3A : memref<!tpu.dma_semaphore, #tpu.memory_space<semaphore_mem>>)
      %dma_wait3A_99 = arith.constant 0 : i32
      %dma_wait3A_100 = arith.constant 0 : i32
      %dma_wait3A_101 = tpu.memref_slice %arg11[%dma_wait3A_99, %dma_wait3A_100] : memref<10000x128xf32, #tpu.memory_space<vmem_shared>> -> memref<10000x128xf32, #tpu.memory_space<vmem_shared>>
      tpu.wait_indirect_dma semaphore(%run_scoped3A : memref<!tpu.dma_semaphore, #tpu.memory_space<semaphore_mem>>) src(%arg9 : memref<128x128xf32, #tpu.memory_space<vmem>>) dst(%dma_wait3A_101 : memref<10000x128xf32, #tpu.memory_space<vmem_shared>>)
      tpu.yield
    }) : () -> ()
    %add3A_7 = arith.constant 256 : i32
    %add3A_8 = arith.addi %mul3A_2, %add3A_7 : i32
    "tpu.region"() ({
      %run_scoped3A = tpu.sem_alloc : memref<!tpu.dma_semaphore, #tpu.memory_space<semaphore_mem>>
      %dma_start3A_96 = tpu.memref_slice %arg3[%add3A_8] : memref<10000xi32, #tpu.memory_space<hbm>> -> memref<128xi32, #tpu.memory_space<hbm>>
      %dma_start3A_97 = tpu.memref_slice %arg3[%add3A_8] : memref<10000xi32, #tpu.memory_space<hbm>> -> memref<128xi32, #tpu.memory_space<hbm>>
      tpu.enqueue_dma source(%dma_start3A_97 : memref<128xi32, #tpu.memory_space<hbm>>) target(%arg7 : memref<128xi32, #tpu.memory_space<vmem>>) target_semaphore(%run_scoped3A : memref<!tpu.dma_semaphore, #tpu.memory_space<semaphore_mem>>)
      %dma_wait3A_98 = tpu.memref_slice %arg3[%add3A_8] : memref<10000xi32, #tpu.memory_space<hbm>> -> memref<128xi32, #tpu.memory_space<hbm>>
      %dma_wait3A_99 = tpu.memref_slice %arg3[%add3A_8] : memref<10000xi32, #tpu.memory_space<hbm>> -> memref<128xi32, #tpu.memory_space<hbm>>
      tpu.wait_dma2 semaphore(%run_scoped3A : memref<!tpu.dma_semaphore, #tpu.memory_space<semaphore_mem>>) src(%dma_wait3A_99 : memref<128xi32, #tpu.memory_space<hbm>>) dst(%arg7 : memref<128xi32, #tpu.memory_space<vmem>>)
      tpu.yield
    }) : () -> ()
    "tpu.region"() ({
      %run_scoped3A = tpu.sem_alloc : memref<!tpu.dma_semaphore, #tpu.memory_space<semaphore_mem>>
      %dma_start3A_96 = arith.constant 0 : i32
      %dma_start3A_97 = arith.constant 0 : i32
      %dma_start3A_98 = tpu.memref_slice %arg11[%dma_start3A_96, %dma_start3A_97] : memref<10000x128xf32, #tpu.memory_space<vmem_shared>> -> memref<10000x128xf32, #tpu.memory_space<vmem_shared>>
      tpu.enqueue_indirect_dma source(%arg9 : memref<128x128xf32, #tpu.memory_space<vmem>>) target(%dma_start3A_98 : memref<10000x128xf32, #tpu.memory_space<vmem_shared>>) offsets(%arg7 : memref<128xi32, #tpu.memory_space<vmem>>) semaphore(%run_scoped3A : memref<!tpu.dma_semaphore, #tpu.memory_space<semaphore_mem>>)
      %dma_wait3A_99 = arith.constant 0 : i32
      %dma_wait3A_100 = arith.constant 0 : i32
      %dma_wait3A_101 = tpu.memref_slice %arg11[%dma_wait3A_99, %dma_wait3A_100] : memref<10000x128xf32, #tpu.memory_space<vmem_shared>> -> memref<10000x128xf32, #tpu.memory_space<vmem_shared>>
      tpu.wait_indirect_dma semaphore(%run_scoped3A : memref<!tpu.dma_semaphore, #tpu.memory_space<semaphore_mem>>) src(%arg9 : memref<128x128xf32, #tpu.memory_space<vmem>>) dst(%dma_wait3A_101 : memref<10000x128xf32, #tpu.memory_space<vmem_shared>>)
      tpu.yield
    }) : () -> ()
    %add3A_9 = arith.constant 384 : i32
    %add3A_10 = arith.addi %mul3A_2, %add3A_9 : i32
    "tpu.region"() ({
      %run_scoped3A = tpu.sem_alloc : memref<!tpu.dma_semaphore, #tpu.memory_space<semaphore_mem>>
      %dma_start3A_96 = tpu.memref_slice %arg3[%add3A_10] : memref<10000xi32, #tpu.memory_space<hbm>> -> memref<128xi32, #tpu.memory_space<hbm>>
      %dma_start3A_97 = tpu.memref_slice %arg3[%add3A_10] : memref<10000xi32, #tpu.memory_space<hbm>> -> memref<128xi32, #tpu.memory_space<hbm>>
      tpu.enqueue_dma source(%dma_start3A_97 : memref<128xi32, #tpu.memory_space<hbm>>) target(%arg7 : memref<128xi32, #tpu.memory_space<vmem>>) target_semaphore(%run_scoped3A : memref<!tpu.dma_semaphore, #tpu.memory_space<semaphore_mem>>)
      %dma_wait3A_98 = tpu.memref_slice %arg3[%add3A_10] : memref<10000xi32, #tpu.memory_space<hbm>> -> memref<128xi32, #tpu.memory_space<hbm>>
      %dma_wait3A_99 = tpu.memref_slice %arg3[%add3A_10] : memref<10000xi32, #tpu.memory_space<hbm>> -> memref<128xi32, #tpu.memory_space<hbm>>
      tpu.wait_dma2 semaphore(%run_scoped3A : memref<!tpu.dma_semaphore, #tpu.memory_space<semaphore_mem>>) src(%dma_wait3A_99 : memref<128xi32, #tpu.memory_space<hbm>>) dst(%arg7 : memref<128xi32, #tpu.memory_space<vmem>>)
      tpu.yield
    }) : () -> ()
    "tpu.region"() ({
      %run_scoped3A = tpu.sem_alloc : memref<!tpu.dma_semaphore, #tpu.memory_space<semaphore_mem>>
      %dma_start3A_96 = arith.constant 0 : i32
      %dma_start3A_97 = arith.constant 0 : i32
      %dma_start3A_98 = tpu.memref_slice %arg11[%dma_start3A_96, %dma_start3A_97] : memref<10000x128xf32, #tpu.memory_space<vmem_shared>> -> memref<10000x128xf32, #tpu.memory_space<vmem_shared>>
      tpu.enqueue_indirect_dma source(%arg9 : memref<128x128xf32, #tpu.memory_space<vmem>>) target(%dma_start3A_98 : memref<10000x128xf32, #tpu.memory_space<vmem_shared>>) offsets(%arg7 : memref<128xi32, #tpu.memory_space<vmem>>) semaphore(%run_scoped3A : memref<!tpu.dma_semaphore, #tpu.memory_space<semaphore_mem>>)
      %dma_wait3A_99 = arith.constant 0 : i32
      %dma_wait3A_100 = arith.constant 0 : i32
      %dma_wait3A_101 = tpu.memref_slice %arg11[%dma_wait3A_99, %dma_wait3A_100] : memref<10000x128xf32, #tpu.memory_space<vmem_shared>> -> memref<10000x128xf32, #tpu.memory_space<vmem_shared>>
      tpu.wait_indirect_dma semaphore(%run_scoped3A : memref<!tpu.dma_semaphore, #tpu.memory_space<semaphore_mem>>) src(%arg9 : memref<128x128xf32, #tpu.memory_space<vmem>>) dst(%dma_wait3A_101 : memref<10000x128xf32, #tpu.memory_space<vmem_shared>>)
      tpu.yield
    }) : () -> ()
    %add3A_11 = arith.constant 496 : i32
    %add3A_12 = arith.addi %mul3A_2, %add3A_11 : i32
    "tpu.region"() ({
      %run_scoped3A = tpu.sem_alloc : memref<!tpu.dma_semaphore, #tpu.memory_space<semaphore_mem>>
      %dma_start3A_96 = tpu.memref_slice %arg3[%add3A_12] : memref<10000xi32, #tpu.memory_space<hbm>> -> memref<128xi32, #tpu.memory_space<hbm>>
      %dma_start3A_97 = tpu.memref_slice %arg3[%add3A_12] : memref<10000xi32, #tpu.memory_space<hbm>> -> memref<128xi32, #tpu.memory_space<hbm>>
      tpu.enqueue_dma source(%dma_start3A_97 : memref<128xi32, #tpu.memory_space<hbm>>) target(%arg7 : memref<128xi32, #tpu.memory_space<vmem>>) target_semaphore(%run_scoped3A : memref<!tpu.dma_semaphore, #tpu.memory_space<semaphore_mem>>)
      %dma_wait3A_98 = tpu.memref_slice %arg3[%add3A_12] : memref<10000xi32, #tpu.memory_space<hbm>> -> memref<128xi32, #tpu.memory_space<hbm>>
      %dma_wait3A_99 = tpu.memref_slice %arg3[%add3A_12] : memref<10000xi32, #tpu.memory_space<hbm>> -> memref<128xi32, #tpu.memory_space<hbm>>
      tpu.wait_dma2 semaphore(%run_scoped3A : memref<!tpu.dma_semaphore, #tpu.memory_space<semaphore_mem>>) src(%dma_wait3A_99 : memref<128xi32, #tpu.memory_space<hbm>>) dst(%arg7 : memref<128xi32, #tpu.memory_space<vmem>>)
      tpu.yield
    }) : () -> ()
    "tpu.region"() ({
      %run_scoped3A = tpu.sem_alloc : memref<!tpu.dma_semaphore, #tpu.memory_space<semaphore_mem>>
      %dma_start3A_96 = arith.constant 0 : i32
      %dma_start3A_97 = arith.constant 0 : i32
      %dma_start3A_98 = tpu.memref_slice %arg11[%dma_start3A_96, %dma_start3A_97] : memref<10000x128xf32, #tpu.memory_space<vmem_shared>> -> memref<10000x128xf32, #tpu.memory_space<vmem_shared>>
      tpu.enqueue_indirect_dma source(%arg9 : memref<128x128xf32, #tpu.memory_space<vmem>>) target(%dma_start3A_98 : memref<10000x128xf32, #tpu.memory_space<vmem_shared>>) offsets(%arg7 : memref<128xi32, #tpu.memory_space<vmem>>) semaphore(%run_scoped3A : memref<!tpu.dma_semaphore, #tpu.memory_space<semaphore_mem>>)
      %dma_wait3A_99 = arith.constant 0 : i32
      %dma_wait3A_100 = arith.constant 0 : i32
      %dma_wait3A_101 = tpu.memref_slice %arg11[%dma_wait3A_99, %dma_wait3A_100] : memref<10000x128xf32, #tpu.memory_space<vmem_shared>> -> memref<10000x128xf32, #tpu.memory_space<vmem_shared>>
      tpu.wait_indirect_dma semaphore(%run_scoped3A : memref<!tpu.dma_semaphore, #tpu.memory_space<semaphore_mem>>) src(%arg9 : memref<128x128xf32, #tpu.memory_space<vmem>>) dst(%dma_wait3A_101 : memref<10000x128xf32, #tpu.memory_space<vmem_shared>>)
      tpu.yield
    }) : () -> ()
    %eq3A = arith.constant 15 : i32
    %eq3A_13 = arith.cmpi eq, %arg1, %eq3A : i32
    %convert_element_type3A = arith.extui %eq3A_13 : i1 to i32
    %cond3A = arith.constant 0 : i32
    %cond3A_14 = arith.cmpi ne, %convert_element_type3A, %cond3A : i32
    scf.if %cond3A_14 {
      "tpu.region"() ({
        %run_scoped3A = tpu.sem_alloc : memref<!tpu.dma_semaphore, #tpu.memory_space<semaphore_mem>>
        %dma_start3A_96 = arith.constant 9984 : i32
        %dma_start3A_97 = tpu.memref_slice %arg3[%dma_start3A_96] : memref<10000xi32, #tpu.memory_space<hbm>> -> memref<16xi32, #tpu.memory_space<hbm>>
        %dma_start3A_98 = arith.constant 9984 : i32
        %dma_start3A_99 = tpu.memref_slice %arg3[%dma_start3A_98] : memref<10000xi32, #tpu.memory_space<hbm>> -> memref<16xi32, #tpu.memory_space<hbm>>
        tpu.enqueue_dma source(%dma_start3A_99 : memref<16xi32, #tpu.memory_space<hbm>>) target(%arg10 : memref<16xi32, #tpu.memory_space<vmem>>) target_semaphore(%run_scoped3A : memref<!tpu.dma_semaphore, #tpu.memory_space<semaphore_mem>>)
        %dma_wait3A_100 = arith.constant 9984 : i32
        %dma_wait3A_101 = tpu.memref_slice %arg3[%dma_wait3A_100] : memref<10000xi32, #tpu.memory_space<hbm>> -> memref<16xi32, #tpu.memory_space<hbm>>
        %dma_wait3A_102 = arith.constant 9984 : i32
        %dma_wait3A_103 = tpu.memref_slice %arg3[%dma_wait3A_102] : memref<10000xi32, #tpu.memory_space<hbm>> -> memref<16xi32, #tpu.memory_space<hbm>>
        tpu.wait_dma2 semaphore(%run_scoped3A : memref<!tpu.dma_semaphore, #tpu.memory_space<semaphore_mem>>) src(%dma_wait3A_103 : memref<16xi32, #tpu.memory_space<hbm>>) dst(%arg10 : memref<16xi32, #tpu.memory_space<vmem>>)
        tpu.yield
      }) : () -> ()
      "tpu.region"() ({
        %run_scoped3A = tpu.sem_alloc : memref<!tpu.dma_semaphore, #tpu.memory_space<semaphore_mem>>
        %dma_start3A_96 = arith.constant 0 : i32
        %dma_start3A_97 = arith.constant 0 : i32
        %dma_start3A_98 = tpu.memref_slice %arg9[%dma_start3A_96, %dma_start3A_97] : memref<128x128xf32, #tpu.memory_space<vmem>> -> memref<16x128xf32, #tpu.memory_space<vmem>>
        %dma_start3A_99 = arith.constant 0 : i32
        %dma_start3A_100 = arith.constant 0 : i32
        %dma_start3A_101 = tpu.memref_slice %arg11[%dma_start3A_99, %dma_start3A_100] : memref<10000x128xf32, #tpu.memory_space<vmem_shared>> -> memref<10000x128xf32, #tpu.memory_space<vmem_shared>>
        tpu.enqueue_indirect_dma source(%dma_start3A_98 : memref<16x128xf32, #tpu.memory_space<vmem>>) target(%dma_start3A_101 : memref<10000x128xf32, #tpu.memory_space<vmem_shared>>) offsets(%arg10 : memref<16xi32, #tpu.memory_space<vmem>>) semaphore(%run_scoped3A : memref<!tpu.dma_semaphore, #tpu.memory_space<semaphore_mem>>)
        %dma_wait3A_102 = arith.constant 0 : i32
        %dma_wait3A_103 = arith.constant 0 : i32
        %dma_wait3A_104 = tpu.memref_slice %arg9[%dma_wait3A_102, %dma_wait3A_103] : memref<128x128xf32, #tpu.memory_space<vmem>> -> memref<16x128xf32, #tpu.memory_space<vmem>>
        %dma_wait3A_105 = arith.constant 0 : i32
        %dma_wait3A_106 = arith.constant 0 : i32
        %dma_wait3A_107 = tpu.memref_slice %arg11[%dma_wait3A_105, %dma_wait3A_106] : memref<10000x128xf32, #tpu.memory_space<vmem_shared>> -> memref<10000x128xf32, #tpu.memory_space<vmem_shared>>
        tpu.wait_indirect_dma semaphore(%run_scoped3A : memref<!tpu.dma_semaphore, #tpu.memory_space<semaphore_mem>>) src(%dma_wait3A_104 : memref<16x128xf32, #tpu.memory_space<vmem>>) dst(%dma_wait3A_107 : memref<10000x128xf32, #tpu.memory_space<vmem_shared>>)
        tpu.yield
      }) : () -> ()
    } else {
    }
    %barrier3A = arith.constant 0 : index
    tpu.barrier barrier_id(%barrier3A)
    %lt3A = arith.constant 4 : i32
    %lt3A_15 = arith.cmpi slt, %add3A, %lt3A : i32
    %jit3A = arith.constant 79 : i32
    %jit3A_16 = arith.constant 78 : i32
    %select_n3A = arith.select %lt3A_15, %jit3A, %jit3A_16 : i32
    %mul3A_17 = arith.constant 78 : i32
    %mul3A_18 = arith.muli %add3A, %mul3A_17 : i32
    %min3A = arith.constant 4 : i32
    %min3A_19 = arith.minsi %add3A, %min3A : i32
    %add3A_20 = arith.addi %mul3A_18, %min3A_19 : i32
    "tpu.region"() ({
      %run_scoped3A = tpu.sem_alloc : memref<!tpu.dma_semaphore, #tpu.memory_space<semaphore_mem>>
      %dma_start3A_96 = arith.constant 0 : i32
      %dma_start3A_97 = arith.constant 0 : i32
      %dma_start3A_98 = tpu.memref_slice %arg2[%add3A_20, %dma_start3A_96, %dma_start3A_97] : memref<2560x1x128xi32, #tpu.memory_space<hbm>> -> memref<80x1x128xi32, #tpu.memory_space<hbm>>
      %dma_start3A_99 = arith.constant 0 : i32
      %dma_start3A_100 = arith.constant 0 : i32
      %dma_start3A_101 = tpu.memref_slice %arg2[%add3A_20, %dma_start3A_99, %dma_start3A_100] : memref<2560x1x128xi32, #tpu.memory_space<hbm>> -> memref<80x1x128xi32, #tpu.memory_space<hbm>>
      tpu.enqueue_dma source(%dma_start3A_101 : memref<80x1x128xi32, #tpu.memory_space<hbm>>) target(%arg8 : memref<80x1x128xi32, #tpu.memory_space<vmem>>) target_semaphore(%run_scoped3A : memref<!tpu.dma_semaphore, #tpu.memory_space<semaphore_mem>>)
      %dma_wait3A_102 = arith.constant 0 : i32
      %dma_wait3A_103 = arith.constant 0 : i32
      %dma_wait3A_104 = tpu.memref_slice %arg2[%add3A_20, %dma_wait3A_102, %dma_wait3A_103] : memref<2560x1x128xi32, #tpu.memory_space<hbm>> -> memref<80x1x128xi32, #tpu.memory_space<hbm>>
      %dma_wait3A_105 = arith.constant 0 : i32
      %dma_wait3A_106 = arith.constant 0 : i32
      %dma_wait3A_107 = tpu.memref_slice %arg2[%add3A_20, %dma_wait3A_105, %dma_wait3A_106] : memref<2560x1x128xi32, #tpu.memory_space<hbm>> -> memref<80x1x128xi32, #tpu.memory_space<hbm>>
      tpu.wait_dma2 semaphore(%run_scoped3A : memref<!tpu.dma_semaphore, #tpu.memory_space<semaphore_mem>>) src(%dma_wait3A_107 : memref<80x1x128xi32, #tpu.memory_space<hbm>>) dst(%arg8 : memref<80x1x128xi32, #tpu.memory_space<vmem>>)
      tpu.yield
    }) : () -> ()
    "tpu.region"() ({
      %run_scoped3A = tpu.sem_alloc : memref<!tpu.dma_semaphore, #tpu.memory_space<semaphore_mem>>
      tpu.enqueue_dma source(%arg5 : memref<128x128xf32, #tpu.memory_space<hbm>>) target(%arg9 : memref<128x128xf32, #tpu.memory_space<vmem>>) target_semaphore(%run_scoped3A : memref<!tpu.dma_semaphore, #tpu.memory_space<semaphore_mem>>)
      tpu.wait_dma2 semaphore(%run_scoped3A : memref<!tpu.dma_semaphore, #tpu.memory_space<semaphore_mem>>) src(%arg5 : memref<128x128xf32, #tpu.memory_space<hbm>>) dst(%arg9 : memref<128x128xf32, #tpu.memory_space<vmem>>)
      tpu.yield
    }) : () -> ()
    %while3A = arith.constant 0 : i32
    %while3A_21 = arith.constant 0 : i32
    %while3A_22 = arith.subi %select_n3A, %while3A_21 : i32
    %while3A_23 = arith.addi %while3A_21, %while3A_22 : i32
    %while3A_24 = arith.constant 1 : i32
    %while3A_25 = arith.divsi %while3A_22, %while3A_24 : i32
    %while3A_26 = arith.muli %while3A_25, %while3A_24 : i32
    %while3A_27 = arith.addi %while3A_21, %while3A_26 : i32
    %while3A_28 = arith.constant 1 : i32
    scf.for %while3A_96 = %while3A_21 to %while3A_27 step %while3A_28  : i32 {
      %dma_start3A_97 = arith.constant 0 : i32
      %dma_start3A_98 = arith.constant 0 : i32
      %dma_start3A_99 = tpu.memref_slice %arg8[%while3A_96, %dma_start3A_97, %dma_start3A_98] : memref<80x1x128xi32, #tpu.memory_space<vmem>> -> memref<1x1x128xi32, #tpu.memory_space<vmem>>
      %dma_start3A_100 = tpu.memref_squeeze %dma_start3A_99 : memref<1x1x128xi32, #tpu.memory_space<vmem>> -> memref<128xi32, #tpu.memory_space<vmem>>
      %dma_start3A_101 = arith.constant 0 : i32
      %dma_start3A_102 = arith.constant 0 : i32
      %dma_start3A_103 = tpu.memref_slice %arg11[%dma_start3A_101, %dma_start3A_102] : memref<10000x128xf32, #tpu.memory_space<vmem_shared>> -> memref<10000x128xf32, #tpu.memory_space<vmem_shared>>
      tpu.enqueue_indirect_dma source(%arg9 : memref<128x128xf32, #tpu.memory_space<vmem>>) target(%dma_start3A_103 : memref<10000x128xf32, #tpu.memory_space<vmem_shared>>) offsets(%dma_start3A_100 : memref<128xi32, #tpu.memory_space<vmem>>) semaphore(%arg12 : memref<!tpu.dma_semaphore, #tpu.memory_space<semaphore_mem>>) {add = true}
    }
    %while3A_29 = arith.constant 1 : i32
    scf.for %while3A_96 = %while3A_27 to %while3A_23 step %while3A_29  : i32 {
      %dma_start3A_97 = arith.constant 0 : i32
      %dma_start3A_98 = arith.constant 0 : i32
      %dma_start3A_99 = tpu.memref_slice %arg8[%while3A_96, %dma_start3A_97, %dma_start3A_98] : memref<80x1x128xi32, #tpu.memory_space<vmem>> -> memref<1x1x128xi32, #tpu.memory_space<vmem>>
      %dma_start3A_100 = tpu.memref_squeeze %dma_start3A_99 : memref<1x1x128xi32, #tpu.memory_space<vmem>> -> memref<128xi32, #tpu.memory_space<vmem>>
      %dma_start3A_101 = arith.constant 0 : i32
      %dma_start3A_102 = arith.constant 0 : i32
      %dma_start3A_103 = tpu.memref_slice %arg11[%dma_start3A_101, %dma_start3A_102] : memref<10000x128xf32, #tpu.memory_space<vmem_shared>> -> memref<10000x128xf32, #tpu.memory_space<vmem_shared>>
      tpu.enqueue_indirect_dma source(%arg9 : memref<128x128xf32, #tpu.memory_space<vmem>>) target(%dma_start3A_103 : memref<10000x128xf32, #tpu.memory_space<vmem_shared>>) offsets(%dma_start3A_100 : memref<128xi32, #tpu.memory_space<vmem>>) semaphore(%arg12 : memref<!tpu.dma_semaphore, #tpu.memory_space<semaphore_mem>>) {add = true}
    }
    %while3A_30 = arith.constant 0 : i32
    %while3A_31 = arith.constant 0 : i32
    %while3A_32 = arith.subi %select_n3A, %while3A_31 : i32
    %while3A_33 = arith.addi %while3A_31, %while3A_32 : i32
    %while3A_34 = arith.constant 1 : i32
    %while3A_35 = arith.divsi %while3A_32, %while3A_34 : i32
    %while3A_36 = arith.muli %while3A_35, %while3A_34 : i32
    %while3A_37 = arith.addi %while3A_31, %while3A_36 : i32
    %while3A_38 = arith.constant 1 : i32
    scf.for %while3A_96 = %while3A_31 to %while3A_37 step %while3A_38  : i32 {
      %dma_wait3A_97 = arith.constant 0 : i32
      %dma_wait3A_98 = arith.constant 0 : i32
      %dma_wait3A_99 = tpu.memref_slice %arg8[%while3A_96, %dma_wait3A_97, %dma_wait3A_98] : memref<80x1x128xi32, #tpu.memory_space<vmem>> -> memref<1x1x128xi32, #tpu.memory_space<vmem>>
      %dma_wait3A_100 = tpu.memref_squeeze %dma_wait3A_99 : memref<1x1x128xi32, #tpu.memory_space<vmem>> -> memref<128xi32, #tpu.memory_space<vmem>>
      %dma_wait3A_101 = arith.constant 0 : i32
      %dma_wait3A_102 = arith.constant 0 : i32
      %dma_wait3A_103 = tpu.memref_slice %arg11[%dma_wait3A_101, %dma_wait3A_102] : memref<10000x128xf32, #tpu.memory_space<vmem_shared>> -> memref<10000x128xf32, #tpu.memory_space<vmem_shared>>
      tpu.wait_indirect_dma semaphore(%arg12 : memref<!tpu.dma_semaphore, #tpu.memory_space<semaphore_mem>>) src(%arg9 : memref<128x128xf32, #tpu.memory_space<vmem>>) dst(%dma_wait3A_103 : memref<10000x128xf32, #tpu.memory_space<vmem_shared>>)
    }
    %while3A_39 = arith.constant 1 : i32
    scf.for %while3A_96 = %while3A_37 to %while3A_33 step %while3A_39  : i32 {
      %dma_wait3A_97 = arith.constant 0 : i32
      %dma_wait3A_98 = arith.constant 0 : i32
      %dma_wait3A_99 = tpu.memref_slice %arg8[%while3A_96, %dma_wait3A_97, %dma_wait3A_98] : memref<80x1x128xi32, #tpu.memory_space<vmem>> -> memref<1x1x128xi32, #tpu.memory_space<vmem>>
      %dma_wait3A_100 = tpu.memref_squeeze %dma_wait3A_99 : memref<1x1x128xi32, #tpu.memory_space<vmem>> -> memref<128xi32, #tpu.memory_space<vmem>>
      %dma_wait3A_101 = arith.constant 0 : i32
      %dma_wait3A_102 = arith.constant 0 : i32
      %dma_wait3A_103 = tpu.memref_slice %arg11[%dma_wait3A_101, %dma_wait3A_102] : memref<10000x128xf32, #tpu.memory_space<vmem_shared>> -> memref<10000x128xf32, #tpu.memory_space<vmem_shared>>
      tpu.wait_indirect_dma semaphore(%arg12 : memref<!tpu.dma_semaphore, #tpu.memory_space<semaphore_mem>>) src(%arg9 : memref<128x128xf32, #tpu.memory_space<vmem>>) dst(%dma_wait3A_103 : memref<10000x128xf32, #tpu.memory_space<vmem_shared>>)
    }
    %barrier3A_40 = arith.constant 0 : index
    tpu.barrier barrier_id(%barrier3A_40)
    %mul3A_41 = arith.constant 624 : i32
    %mul3A_42 = arith.muli %arg1, %mul3A_41 : i32
    %add3A_43 = arith.constant 0 : i32
    %add3A_44 = arith.addi %mul3A_42, %add3A_43 : i32
    "tpu.region"() ({
      %run_scoped3A = tpu.sem_alloc : memref<!tpu.dma_semaphore, #tpu.memory_space<semaphore_mem>>
      %dma_start3A_96 = tpu.memref_slice %arg3[%add3A_44] : memref<10000xi32, #tpu.memory_space<hbm>> -> memref<128xi32, #tpu.memory_space<hbm>>
      %dma_start3A_97 = tpu.memref_slice %arg3[%add3A_44] : memref<10000xi32, #tpu.memory_space<hbm>> -> memref<128xi32, #tpu.memory_space<hbm>>
      tpu.enqueue_dma source(%dma_start3A_97 : memref<128xi32, #tpu.memory_space<hbm>>) target(%arg7 : memref<128xi32, #tpu.memory_space<vmem>>) target_semaphore(%run_scoped3A : memref<!tpu.dma_semaphore, #tpu.memory_space<semaphore_mem>>)
      %dma_wait3A_98 = tpu.memref_slice %arg3[%add3A_44] : memref<10000xi32, #tpu.memory_space<hbm>> -> memref<128xi32, #tpu.memory_space<hbm>>
      %dma_wait3A_99 = tpu.memref_slice %arg3[%add3A_44] : memref<10000xi32, #tpu.memory_space<hbm>> -> memref<128xi32, #tpu.memory_space<hbm>>
      tpu.wait_dma2 semaphore(%run_scoped3A : memref<!tpu.dma_semaphore, #tpu.memory_space<semaphore_mem>>) src(%dma_wait3A_99 : memref<128xi32, #tpu.memory_space<hbm>>) dst(%arg7 : memref<128xi32, #tpu.memory_space<vmem>>)
      tpu.yield
    }) : () -> ()
    %dma_start3A = arith.constant 0 : i32
    %dma_start3A_45 = arith.constant 0 : i32
    %dma_start3A_46 = tpu.memref_slice %arg11[%dma_start3A, %dma_start3A_45] : memref<10000x128xf32, #tpu.memory_space<vmem_shared>> -> memref<10000x128xf32, #tpu.memory_space<vmem_shared>>
    tpu.enqueue_indirect_dma source(%dma_start3A_46 : memref<10000x128xf32, #tpu.memory_space<vmem_shared>>) target(%arg9 : memref<128x128xf32, #tpu.memory_space<vmem>>) offsets(%arg7 : memref<128xi32, #tpu.memory_space<vmem>>) semaphore(%arg12 : memref<!tpu.dma_semaphore, #tpu.memory_space<semaphore_mem>>)
    %dma_wait3A = arith.constant 0 : i32
    %dma_wait3A_47 = arith.constant 0 : i32
    %dma_wait3A_48 = tpu.memref_slice %arg11[%dma_wait3A, %dma_wait3A_47] : memref<10000x128xf32, #tpu.memory_space<vmem_shared>> -> memref<10000x128xf32, #tpu.memory_space<vmem_shared>>
    tpu.wait_indirect_dma semaphore(%arg12 : memref<!tpu.dma_semaphore, #tpu.memory_space<semaphore_mem>>) src(%dma_wait3A_48 : memref<10000x128xf32, #tpu.memory_space<vmem_shared>>) dst(%arg9 : memref<128x128xf32, #tpu.memory_space<vmem>>)
    %add3A_49 = arith.constant 0 : i32
    %add3A_50 = arith.addi %mul3A_42, %add3A_49 : i32
    "tpu.region"() ({
      %run_scoped3A = tpu.sem_alloc : memref<!tpu.dma_semaphore, #tpu.memory_space<semaphore_mem>>
      %dma_start3A_96 = arith.constant 0 : i32
      %dma_start3A_97 = tpu.memref_slice %arg6[%arg0, %add3A_50, %dma_start3A_96] : memref<2x10000x128xf32, #tpu.memory_space<hbm>> -> memref<1x128x128xf32, #tpu.memory_space<hbm>>
      %dma_start3A_98 = tpu.memref_squeeze %dma_start3A_97 : memref<1x128x128xf32, #tpu.memory_space<hbm>> -> memref<128x128xf32, #tpu.memory_space<hbm>>
      %dma_start3A_99 = arith.constant 0 : i32
      %dma_start3A_100 = tpu.memref_slice %arg6[%arg0, %add3A_50, %dma_start3A_99] : memref<2x10000x128xf32, #tpu.memory_space<hbm>> -> memref<1x128x128xf32, #tpu.memory_space<hbm>>
      %dma_start3A_101 = tpu.memref_squeeze %dma_start3A_100 : memref<1x128x128xf32, #tpu.memory_space<hbm>> -> memref<128x128xf32, #tpu.memory_space<hbm>>
      tpu.enqueue_dma source(%arg9 : memref<128x128xf32, #tpu.memory_space<vmem>>) target(%dma_start3A_101 : memref<128x128xf32, #tpu.memory_space<hbm>>) target_semaphore(%run_scoped3A : memref<!tpu.dma_semaphore, #tpu.memory_space<semaphore_mem>>)
      %dma_wait3A_102 = arith.constant 0 : i32
      %dma_wait3A_103 = tpu.memref_slice %arg6[%arg0, %add3A_50, %dma_wait3A_102] : memref<2x10000x128xf32, #tpu.memory_space<hbm>> -> memref<1x128x128xf32, #tpu.memory_space<hbm>>
      %dma_wait3A_104 = tpu.memref_squeeze %dma_wait3A_103 : memref<1x128x128xf32, #tpu.memory_space<hbm>> -> memref<128x128xf32, #tpu.memory_space<hbm>>
      %dma_wait3A_105 = arith.constant 0 : i32
      %dma_wait3A_106 = tpu.memref_slice %arg6[%arg0, %add3A_50, %dma_wait3A_105] : memref<2x10000x128xf32, #tpu.memory_space<hbm>> -> memref<1x128x128xf32, #tpu.memory_space<hbm>>
      %dma_wait3A_107 = tpu.memref_squeeze %dma_wait3A_106 : memref<1x128x128xf32, #tpu.memory_space<hbm>> -> memref<128x128xf32, #tpu.memory_space<hbm>>
      tpu.wait_dma2 semaphore(%run_scoped3A : memref<!tpu.dma_semaphore, #tpu.memory_space<semaphore_mem>>) src(%arg9 : memref<128x128xf32, #tpu.memory_space<vmem>>) dst(%dma_wait3A_107 : memref<128x128xf32, #tpu.memory_space<hbm>>)
      tpu.yield
    }) : () -> ()
    %add3A_51 = arith.constant 128 : i32
    %add3A_52 = arith.addi %mul3A_42, %add3A_51 : i32
    "tpu.region"() ({
      %run_scoped3A = tpu.sem_alloc : memref<!tpu.dma_semaphore, #tpu.memory_space<semaphore_mem>>
      %dma_start3A_96 = tpu.memref_slice %arg3[%add3A_52] : memref<10000xi32, #tpu.memory_space<hbm>> -> memref<128xi32, #tpu.memory_space<hbm>>
      %dma_start3A_97 = tpu.memref_slice %arg3[%add3A_52] : memref<10000xi32, #tpu.memory_space<hbm>> -> memref<128xi32, #tpu.memory_space<hbm>>
      tpu.enqueue_dma source(%dma_start3A_97 : memref<128xi32, #tpu.memory_space<hbm>>) target(%arg7 : memref<128xi32, #tpu.memory_space<vmem>>) target_semaphore(%run_scoped3A : memref<!tpu.dma_semaphore, #tpu.memory_space<semaphore_mem>>)
      %dma_wait3A_98 = tpu.memref_slice %arg3[%add3A_52] : memref<10000xi32, #tpu.memory_space<hbm>> -> memref<128xi32, #tpu.memory_space<hbm>>
      %dma_wait3A_99 = tpu.memref_slice %arg3[%add3A_52] : memref<10000xi32, #tpu.memory_space<hbm>> -> memref<128xi32, #tpu.memory_space<hbm>>
      tpu.wait_dma2 semaphore(%run_scoped3A : memref<!tpu.dma_semaphore, #tpu.memory_space<semaphore_mem>>) src(%dma_wait3A_99 : memref<128xi32, #tpu.memory_space<hbm>>) dst(%arg7 : memref<128xi32, #tpu.memory_space<vmem>>)
      tpu.yield
    }) : () -> ()
    %dma_start3A_53 = arith.constant 0 : i32
    %dma_start3A_54 = arith.constant 0 : i32
    %dma_start3A_55 = tpu.memref_slice %arg11[%dma_start3A_53, %dma_start3A_54] : memref<10000x128xf32, #tpu.memory_space<vmem_shared>> -> memref<10000x128xf32, #tpu.memory_space<vmem_shared>>
    tpu.enqueue_indirect_dma source(%dma_start3A_55 : memref<10000x128xf32, #tpu.memory_space<vmem_shared>>) target(%arg9 : memref<128x128xf32, #tpu.memory_space<vmem>>) offsets(%arg7 : memref<128xi32, #tpu.memory_space<vmem>>) semaphore(%arg12 : memref<!tpu.dma_semaphore, #tpu.memory_space<semaphore_mem>>)
    %dma_wait3A_56 = arith.constant 0 : i32
    %dma_wait3A_57 = arith.constant 0 : i32
    %dma_wait3A_58 = tpu.memref_slice %arg11[%dma_wait3A_56, %dma_wait3A_57] : memref<10000x128xf32, #tpu.memory_space<vmem_shared>> -> memref<10000x128xf32, #tpu.memory_space<vmem_shared>>
    tpu.wait_indirect_dma semaphore(%arg12 : memref<!tpu.dma_semaphore, #tpu.memory_space<semaphore_mem>>) src(%dma_wait3A_58 : memref<10000x128xf32, #tpu.memory_space<vmem_shared>>) dst(%arg9 : memref<128x128xf32, #tpu.memory_space<vmem>>)
    %add3A_59 = arith.constant 128 : i32
    %add3A_60 = arith.addi %mul3A_42, %add3A_59 : i32
    "tpu.region"() ({
      %run_scoped3A = tpu.sem_alloc : memref<!tpu.dma_semaphore, #tpu.memory_space<semaphore_mem>>
      %dma_start3A_96 = arith.constant 0 : i32
      %dma_start3A_97 = tpu.memref_slice %arg6[%arg0, %add3A_60, %dma_start3A_96] : memref<2x10000x128xf32, #tpu.memory_space<hbm>> -> memref<1x128x128xf32, #tpu.memory_space<hbm>>
      %dma_start3A_98 = tpu.memref_squeeze %dma_start3A_97 : memref<1x128x128xf32, #tpu.memory_space<hbm>> -> memref<128x128xf32, #tpu.memory_space<hbm>>
      %dma_start3A_99 = arith.constant 0 : i32
      %dma_start3A_100 = tpu.memref_slice %arg6[%arg0, %add3A_60, %dma_start3A_99] : memref<2x10000x128xf32, #tpu.memory_space<hbm>> -> memref<1x128x128xf32, #tpu.memory_space<hbm>>
      %dma_start3A_101 = tpu.memref_squeeze %dma_start3A_100 : memref<1x128x128xf32, #tpu.memory_space<hbm>> -> memref<128x128xf32, #tpu.memory_space<hbm>>
      tpu.enqueue_dma source(%arg9 : memref<128x128xf32, #tpu.memory_space<vmem>>) target(%dma_start3A_101 : memref<128x128xf32, #tpu.memory_space<hbm>>) target_semaphore(%run_scoped3A : memref<!tpu.dma_semaphore, #tpu.memory_space<semaphore_mem>>)
      %dma_wait3A_102 = arith.constant 0 : i32
      %dma_wait3A_103 = tpu.memref_slice %arg6[%arg0, %add3A_60, %dma_wait3A_102] : memref<2x10000x128xf32, #tpu.memory_space<hbm>> -> memref<1x128x128xf32, #tpu.memory_space<hbm>>
      %dma_wait3A_104 = tpu.memref_squeeze %dma_wait3A_103 : memref<1x128x128xf32, #tpu.memory_space<hbm>> -> memref<128x128xf32, #tpu.memory_space<hbm>>
      %dma_wait3A_105 = arith.constant 0 : i32
      %dma_wait3A_106 = tpu.memref_slice %arg6[%arg0, %add3A_60, %dma_wait3A_105] : memref<2x10000x128xf32, #tpu.memory_space<hbm>> -> memref<1x128x128xf32, #tpu.memory_space<hbm>>
      %dma_wait3A_107 = tpu.memref_squeeze %dma_wait3A_106 : memref<1x128x128xf32, #tpu.memory_space<hbm>> -> memref<128x128xf32, #tpu.memory_space<hbm>>
      tpu.wait_dma2 semaphore(%run_scoped3A : memref<!tpu.dma_semaphore, #tpu.memory_space<semaphore_mem>>) src(%arg9 : memref<128x128xf32, #tpu.memory_space<vmem>>) dst(%dma_wait3A_107 : memref<128x128xf32, #tpu.memory_space<hbm>>)
      tpu.yield
    }) : () -> ()
    %add3A_61 = arith.constant 256 : i32
    %add3A_62 = arith.addi %mul3A_42, %add3A_61 : i32
    "tpu.region"() ({
      %run_scoped3A = tpu.sem_alloc : memref<!tpu.dma_semaphore, #tpu.memory_space<semaphore_mem>>
      %dma_start3A_96 = tpu.memref_slice %arg3[%add3A_62] : memref<10000xi32, #tpu.memory_space<hbm>> -> memref<128xi32, #tpu.memory_space<hbm>>
      %dma_start3A_97 = tpu.memref_slice %arg3[%add3A_62] : memref<10000xi32, #tpu.memory_space<hbm>> -> memref<128xi32, #tpu.memory_space<hbm>>
      tpu.enqueue_dma source(%dma_start3A_97 : memref<128xi32, #tpu.memory_space<hbm>>) target(%arg7 : memref<128xi32, #tpu.memory_space<vmem>>) target_semaphore(%run_scoped3A : memref<!tpu.dma_semaphore, #tpu.memory_space<semaphore_mem>>)
      %dma_wait3A_98 = tpu.memref_slice %arg3[%add3A_62] : memref<10000xi32, #tpu.memory_space<hbm>> -> memref<128xi32, #tpu.memory_space<hbm>>
      %dma_wait3A_99 = tpu.memref_slice %arg3[%add3A_62] : memref<10000xi32, #tpu.memory_space<hbm>> -> memref<128xi32, #tpu.memory_space<hbm>>
      tpu.wait_dma2 semaphore(%run_scoped3A : memref<!tpu.dma_semaphore, #tpu.memory_space<semaphore_mem>>) src(%dma_wait3A_99 : memref<128xi32, #tpu.memory_space<hbm>>) dst(%arg7 : memref<128xi32, #tpu.memory_space<vmem>>)
      tpu.yield
    }) : () -> ()
    %dma_start3A_63 = arith.constant 0 : i32
    %dma_start3A_64 = arith.constant 0 : i32
    %dma_start3A_65 = tpu.memref_slice %arg11[%dma_start3A_63, %dma_start3A_64] : memref<10000x128xf32, #tpu.memory_space<vmem_shared>> -> memref<10000x128xf32, #tpu.memory_space<vmem_shared>>
    tpu.enqueue_indirect_dma source(%dma_start3A_65 : memref<10000x128xf32, #tpu.memory_space<vmem_shared>>) target(%arg9 : memref<128x128xf32, #tpu.memory_space<vmem>>) offsets(%arg7 : memref<128xi32, #tpu.memory_space<vmem>>) semaphore(%arg12 : memref<!tpu.dma_semaphore, #tpu.memory_space<semaphore_mem>>)
    %dma_wait3A_66 = arith.constant 0 : i32
    %dma_wait3A_67 = arith.constant 0 : i32
    %dma_wait3A_68 = tpu.memref_slice %arg11[%dma_wait3A_66, %dma_wait3A_67] : memref<10000x128xf32, #tpu.memory_space<vmem_shared>> -> memref<10000x128xf32, #tpu.memory_space<vmem_shared>>
    tpu.wait_indirect_dma semaphore(%arg12 : memref<!tpu.dma_semaphore, #tpu.memory_space<semaphore_mem>>) src(%dma_wait3A_68 : memref<10000x128xf32, #tpu.memory_space<vmem_shared>>) dst(%arg9 : memref<128x128xf32, #tpu.memory_space<vmem>>)
    %add3A_69 = arith.constant 256 : i32
    %add3A_70 = arith.addi %mul3A_42, %add3A_69 : i32
    "tpu.region"() ({
      %run_scoped3A = tpu.sem_alloc : memref<!tpu.dma_semaphore, #tpu.memory_space<semaphore_mem>>
      %dma_start3A_96 = arith.constant 0 : i32
      %dma_start3A_97 = tpu.memref_slice %arg6[%arg0, %add3A_70, %dma_start3A_96] : memref<2x10000x128xf32, #tpu.memory_space<hbm>> -> memref<1x128x128xf32, #tpu.memory_space<hbm>>
      %dma_start3A_98 = tpu.memref_squeeze %dma_start3A_97 : memref<1x128x128xf32, #tpu.memory_space<hbm>> -> memref<128x128xf32, #tpu.memory_space<hbm>>
      %dma_start3A_99 = arith.constant 0 : i32
      %dma_start3A_100 = tpu.memref_slice %arg6[%arg0, %add3A_70, %dma_start3A_99] : memref<2x10000x128xf32, #tpu.memory_space<hbm>> -> memref<1x128x128xf32, #tpu.memory_space<hbm>>
      %dma_start3A_101 = tpu.memref_squeeze %dma_start3A_100 : memref<1x128x128xf32, #tpu.memory_space<hbm>> -> memref<128x128xf32, #tpu.memory_space<hbm>>
      tpu.enqueue_dma source(%arg9 : memref<128x128xf32, #tpu.memory_space<vmem>>) target(%dma_start3A_101 : memref<128x128xf32, #tpu.memory_space<hbm>>) target_semaphore(%run_scoped3A : memref<!tpu.dma_semaphore, #tpu.memory_space<semaphore_mem>>)
      %dma_wait3A_102 = arith.constant 0 : i32
      %dma_wait3A_103 = tpu.memref_slice %arg6[%arg0, %add3A_70, %dma_wait3A_102] : memref<2x10000x128xf32, #tpu.memory_space<hbm>> -> memref<1x128x128xf32, #tpu.memory_space<hbm>>
      %dma_wait3A_104 = tpu.memref_squeeze %dma_wait3A_103 : memref<1x128x128xf32, #tpu.memory_space<hbm>> -> memref<128x128xf32, #tpu.memory_space<hbm>>
      %dma_wait3A_105 = arith.constant 0 : i32
      %dma_wait3A_106 = tpu.memref_slice %arg6[%arg0, %add3A_70, %dma_wait3A_105] : memref<2x10000x128xf32, #tpu.memory_space<hbm>> -> memref<1x128x128xf32, #tpu.memory_space<hbm>>
      %dma_wait3A_107 = tpu.memref_squeeze %dma_wait3A_106 : memref<1x128x128xf32, #tpu.memory_space<hbm>> -> memref<128x128xf32, #tpu.memory_space<hbm>>
      tpu.wait_dma2 semaphore(%run_scoped3A : memref<!tpu.dma_semaphore, #tpu.memory_space<semaphore_mem>>) src(%arg9 : memref<128x128xf32, #tpu.memory_space<vmem>>) dst(%dma_wait3A_107 : memref<128x128xf32, #tpu.memory_space<hbm>>)
      tpu.yield
    }) : () -> ()
    %add3A_71 = arith.constant 384 : i32
    %add3A_72 = arith.addi %mul3A_42, %add3A_71 : i32
    "tpu.region"() ({
      %run_scoped3A = tpu.sem_alloc : memref<!tpu.dma_semaphore, #tpu.memory_space<semaphore_mem>>
      %dma_start3A_96 = tpu.memref_slice %arg3[%add3A_72] : memref<10000xi32, #tpu.memory_space<hbm>> -> memref<128xi32, #tpu.memory_space<hbm>>
      %dma_start3A_97 = tpu.memref_slice %arg3[%add3A_72] : memref<10000xi32, #tpu.memory_space<hbm>> -> memref<128xi32, #tpu.memory_space<hbm>>
      tpu.enqueue_dma source(%dma_start3A_97 : memref<128xi32, #tpu.memory_space<hbm>>) target(%arg7 : memref<128xi32, #tpu.memory_space<vmem>>) target_semaphore(%run_scoped3A : memref<!tpu.dma_semaphore, #tpu.memory_space<semaphore_mem>>)
      %dma_wait3A_98 = tpu.memref_slice %arg3[%add3A_72] : memref<10000xi32, #tpu.memory_space<hbm>> -> memref<128xi32, #tpu.memory_space<hbm>>
      %dma_wait3A_99 = tpu.memref_slice %arg3[%add3A_72] : memref<10000xi32, #tpu.memory_space<hbm>> -> memref<128xi32, #tpu.memory_space<hbm>>
      tpu.wait_dma2 semaphore(%run_scoped3A : memref<!tpu.dma_semaphore, #tpu.memory_space<semaphore_mem>>) src(%dma_wait3A_99 : memref<128xi32, #tpu.memory_space<hbm>>) dst(%arg7 : memref<128xi32, #tpu.memory_space<vmem>>)
      tpu.yield
    }) : () -> ()
    %dma_start3A_73 = arith.constant 0 : i32
    %dma_start3A_74 = arith.constant 0 : i32
    %dma_start3A_75 = tpu.memref_slice %arg11[%dma_start3A_73, %dma_start3A_74] : memref<10000x128xf32, #tpu.memory_space<vmem_shared>> -> memref<10000x128xf32, #tpu.memory_space<vmem_shared>>
    tpu.enqueue_indirect_dma source(%dma_start3A_75 : memref<10000x128xf32, #tpu.memory_space<vmem_shared>>) target(%arg9 : memref<128x128xf32, #tpu.memory_space<vmem>>) offsets(%arg7 : memref<128xi32, #tpu.memory_space<vmem>>) semaphore(%arg12 : memref<!tpu.dma_semaphore, #tpu.memory_space<semaphore_mem>>)
    %dma_wait3A_76 = arith.constant 0 : i32
    %dma_wait3A_77 = arith.constant 0 : i32
    %dma_wait3A_78 = tpu.memref_slice %arg11[%dma_wait3A_76, %dma_wait3A_77] : memref<10000x128xf32, #tpu.memory_space<vmem_shared>> -> memref<10000x128xf32, #tpu.memory_space<vmem_shared>>
    tpu.wait_indirect_dma semaphore(%arg12 : memref<!tpu.dma_semaphore, #tpu.memory_space<semaphore_mem>>) src(%dma_wait3A_78 : memref<10000x128xf32, #tpu.memory_space<vmem_shared>>) dst(%arg9 : memref<128x128xf32, #tpu.memory_space<vmem>>)
    %add3A_79 = arith.constant 384 : i32
    %add3A_80 = arith.addi %mul3A_42, %add3A_79 : i32
    "tpu.region"() ({
      %run_scoped3A = tpu.sem_alloc : memref<!tpu.dma_semaphore, #tpu.memory_space<semaphore_mem>>
      %dma_start3A_96 = arith.constant 0 : i32
      %dma_start3A_97 = tpu.memref_slice %arg6[%arg0, %add3A_80, %dma_start3A_96] : memref<2x10000x128xf32, #tpu.memory_space<hbm>> -> memref<1x128x128xf32, #tpu.memory_space<hbm>>
      %dma_start3A_98 = tpu.memref_squeeze %dma_start3A_97 : memref<1x128x128xf32, #tpu.memory_space<hbm>> -> memref<128x128xf32, #tpu.memory_space<hbm>>
      %dma_start3A_99 = arith.constant 0 : i32
      %dma_start3A_100 = tpu.memref_slice %arg6[%arg0, %add3A_80, %dma_start3A_99] : memref<2x10000x128xf32, #tpu.memory_space<hbm>> -> memref<1x128x128xf32, #tpu.memory_space<hbm>>
      %dma_start3A_101 = tpu.memref_squeeze %dma_start3A_100 : memref<1x128x128xf32, #tpu.memory_space<hbm>> -> memref<128x128xf32, #tpu.memory_space<hbm>>
      tpu.enqueue_dma source(%arg9 : memref<128x128xf32, #tpu.memory_space<vmem>>) target(%dma_start3A_101 : memref<128x128xf32, #tpu.memory_space<hbm>>) target_semaphore(%run_scoped3A : memref<!tpu.dma_semaphore, #tpu.memory_space<semaphore_mem>>)
      %dma_wait3A_102 = arith.constant 0 : i32
      %dma_wait3A_103 = tpu.memref_slice %arg6[%arg0, %add3A_80, %dma_wait3A_102] : memref<2x10000x128xf32, #tpu.memory_space<hbm>> -> memref<1x128x128xf32, #tpu.memory_space<hbm>>
      %dma_wait3A_104 = tpu.memref_squeeze %dma_wait3A_103 : memref<1x128x128xf32, #tpu.memory_space<hbm>> -> memref<128x128xf32, #tpu.memory_space<hbm>>
      %dma_wait3A_105 = arith.constant 0 : i32
      %dma_wait3A_106 = tpu.memref_slice %arg6[%arg0, %add3A_80, %dma_wait3A_105] : memref<2x10000x128xf32, #tpu.memory_space<hbm>> -> memref<1x128x128xf32, #tpu.memory_space<hbm>>
      %dma_wait3A_107 = tpu.memref_squeeze %dma_wait3A_106 : memref<1x128x128xf32, #tpu.memory_space<hbm>> -> memref<128x128xf32, #tpu.memory_space<hbm>>
      tpu.wait_dma2 semaphore(%run_scoped3A : memref<!tpu.dma_semaphore, #tpu.memory_space<semaphore_mem>>) src(%arg9 : memref<128x128xf32, #tpu.memory_space<vmem>>) dst(%dma_wait3A_107 : memref<128x128xf32, #tpu.memory_space<hbm>>)
      tpu.yield
    }) : () -> ()
    %add3A_81 = arith.constant 496 : i32
    %add3A_82 = arith.addi %mul3A_42, %add3A_81 : i32
    "tpu.region"() ({
      %run_scoped3A = tpu.sem_alloc : memref<!tpu.dma_semaphore, #tpu.memory_space<semaphore_mem>>
      %dma_start3A_96 = tpu.memref_slice %arg3[%add3A_82] : memref<10000xi32, #tpu.memory_space<hbm>> -> memref<128xi32, #tpu.memory_space<hbm>>
      %dma_start3A_97 = tpu.memref_slice %arg3[%add3A_82] : memref<10000xi32, #tpu.memory_space<hbm>> -> memref<128xi32, #tpu.memory_space<hbm>>
      tpu.enqueue_dma source(%dma_start3A_97 : memref<128xi32, #tpu.memory_space<hbm>>) target(%arg7 : memref<128xi32, #tpu.memory_space<vmem>>) target_semaphore(%run_scoped3A : memref<!tpu.dma_semaphore, #tpu.memory_space<semaphore_mem>>)
      %dma_wait3A_98 = tpu.memref_slice %arg3[%add3A_82] : memref<10000xi32, #tpu.memory_space<hbm>> -> memref<128xi32, #tpu.memory_space<hbm>>
      %dma_wait3A_99 = tpu.memref_slice %arg3[%add3A_82] : memref<10000xi32, #tpu.memory_space<hbm>> -> memref<128xi32, #tpu.memory_space<hbm>>
      tpu.wait_dma2 semaphore(%run_scoped3A : memref<!tpu.dma_semaphore, #tpu.memory_space<semaphore_mem>>) src(%dma_wait3A_99 : memref<128xi32, #tpu.memory_space<hbm>>) dst(%arg7 : memref<128xi32, #tpu.memory_space<vmem>>)
      tpu.yield
    }) : () -> ()
    %dma_start3A_83 = arith.constant 0 : i32
    %dma_start3A_84 = arith.constant 0 : i32
    %dma_start3A_85 = tpu.memref_slice %arg11[%dma_start3A_83, %dma_start3A_84] : memref<10000x128xf32, #tpu.memory_space<vmem_shared>> -> memref<10000x128xf32, #tpu.memory_space<vmem_shared>>
    tpu.enqueue_indirect_dma source(%dma_start3A_85 : memref<10000x128xf32, #tpu.memory_space<vmem_shared>>) target(%arg9 : memref<128x128xf32, #tpu.memory_space<vmem>>) offsets(%arg7 : memref<128xi32, #tpu.memory_space<vmem>>) semaphore(%arg12 : memref<!tpu.dma_semaphore, #tpu.memory_space<semaphore_mem>>)
    %dma_wait3A_86 = arith.constant 0 : i32
    %dma_wait3A_87 = arith.constant 0 : i32
    %dma_wait3A_88 = tpu.memref_slice %arg11[%dma_wait3A_86, %dma_wait3A_87] : memref<10000x128xf32, #tpu.memory_space<vmem_shared>> -> memref<10000x128xf32, #tpu.memory_space<vmem_shared>>
    tpu.wait_indirect_dma semaphore(%arg12 : memref<!tpu.dma_semaphore, #tpu.memory_space<semaphore_mem>>) src(%dma_wait3A_88 : memref<10000x128xf32, #tpu.memory_space<vmem_shared>>) dst(%arg9 : memref<128x128xf32, #tpu.memory_space<vmem>>)
    %add3A_89 = arith.constant 496 : i32
    %add3A_90 = arith.addi %mul3A_42, %add3A_89 : i32
    "tpu.region"() ({
      %run_scoped3A = tpu.sem_alloc : memref<!tpu.dma_semaphore, #tpu.memory_space<semaphore_mem>>
      %dma_start3A_96 = arith.constant 0 : i32
      %dma_start3A_97 = tpu.memref_slice %arg6[%arg0, %add3A_90, %dma_start3A_96] : memref<2x10000x128xf32, #tpu.memory_space<hbm>> -> memref<1x128x128xf32, #tpu.memory_space<hbm>>
      %dma_start3A_98 = tpu.memref_squeeze %dma_start3A_97 : memref<1x128x128xf32, #tpu.memory_space<hbm>> -> memref<128x128xf32, #tpu.memory_space<hbm>>
      %dma_start3A_99 = arith.constant 0 : i32
      %dma_start3A_100 = tpu.memref_slice %arg6[%arg0, %add3A_90, %dma_start3A_99] : memref<2x10000x128xf32, #tpu.memory_space<hbm>> -> memref<1x128x128xf32, #tpu.memory_space<hbm>>
      %dma_start3A_101 = tpu.memref_squeeze %dma_start3A_100 : memref<1x128x128xf32, #tpu.memory_space<hbm>> -> memref<128x128xf32, #tpu.memory_space<hbm>>
      tpu.enqueue_dma source(%arg9 : memref<128x128xf32, #tpu.memory_space<vmem>>) target(%dma_start3A_101 : memref<128x128xf32, #tpu.memory_space<hbm>>) target_semaphore(%run_scoped3A : memref<!tpu.dma_semaphore, #tpu.memory_space<semaphore_mem>>)
      %dma_wait3A_102 = arith.constant 0 : i32
      %dma_wait3A_103 = tpu.memref_slice %arg6[%arg0, %add3A_90, %dma_wait3A_102] : memref<2x10000x128xf32, #tpu.memory_space<hbm>> -> memref<1x128x128xf32, #tpu.memory_space<hbm>>
      %dma_wait3A_104 = tpu.memref_squeeze %dma_wait3A_103 : memref<1x128x128xf32, #tpu.memory_space<hbm>> -> memref<128x128xf32, #tpu.memory_space<hbm>>
      %dma_wait3A_105 = arith.constant 0 : i32
      %dma_wait3A_106 = tpu.memref_slice %arg6[%arg0, %add3A_90, %dma_wait3A_105] : memref<2x10000x128xf32, #tpu.memory_space<hbm>> -> memref<1x128x128xf32, #tpu.memory_space<hbm>>
      %dma_wait3A_107 = tpu.memref_squeeze %dma_wait3A_106 : memref<1x128x128xf32, #tpu.memory_space<hbm>> -> memref<128x128xf32, #tpu.memory_space<hbm>>
      tpu.wait_dma2 semaphore(%run_scoped3A : memref<!tpu.dma_semaphore, #tpu.memory_space<semaphore_mem>>) src(%arg9 : memref<128x128xf32, #tpu.memory_space<vmem>>) dst(%dma_wait3A_107 : memref<128x128xf32, #tpu.memory_space<hbm>>)
      tpu.yield
    }) : () -> ()
    %eq3A_91 = arith.constant 15 : i32
    %eq3A_92 = arith.cmpi eq, %arg1, %eq3A_91 : i32
    %convert_element_type3A_93 = arith.extui %eq3A_92 : i1 to i32
    %cond3A_94 = arith.constant 0 : i32
    %cond3A_95 = arith.cmpi ne, %convert_element_type3A_93, %cond3A_94 : i32
    scf.if %cond3A_95 {
      "tpu.region"() ({
        %run_scoped3A = tpu.sem_alloc : memref<!tpu.dma_semaphore, #tpu.memory_space<semaphore_mem>>
        %dma_start3A_108 = arith.constant 9984 : i32
        %dma_start3A_109 = tpu.memref_slice %arg3[%dma_start3A_108] : memref<10000xi32, #tpu.memory_space<hbm>> -> memref<16xi32, #tpu.memory_space<hbm>>
        %dma_start3A_110 = arith.constant 9984 : i32
        %dma_start3A_111 = tpu.memref_slice %arg3[%dma_start3A_110] : memref<10000xi32, #tpu.memory_space<hbm>> -> memref<16xi32, #tpu.memory_space<hbm>>
        tpu.enqueue_dma source(%dma_start3A_111 : memref<16xi32, #tpu.memory_space<hbm>>) target(%arg10 : memref<16xi32, #tpu.memory_space<vmem>>) target_semaphore(%run_scoped3A : memref<!tpu.dma_semaphore, #tpu.memory_space<semaphore_mem>>)
        %dma_wait3A_112 = arith.constant 9984 : i32
        %dma_wait3A_113 = tpu.memref_slice %arg3[%dma_wait3A_112] : memref<10000xi32, #tpu.memory_space<hbm>> -> memref<16xi32, #tpu.memory_space<hbm>>
        %dma_wait3A_114 = arith.constant 9984 : i32
        %dma_wait3A_115 = tpu.memref_slice %arg3[%dma_wait3A_114] : memref<10000xi32, #tpu.memory_space<hbm>> -> memref<16xi32, #tpu.memory_space<hbm>>
        tpu.wait_dma2 semaphore(%run_scoped3A : memref<!tpu.dma_semaphore, #tpu.memory_space<semaphore_mem>>) src(%dma_wait3A_115 : memref<16xi32, #tpu.memory_space<hbm>>) dst(%arg10 : memref<16xi32, #tpu.memory_space<vmem>>)
        tpu.yield
      }) : () -> ()
      %dma_start3A_96 = arith.constant 0 : i32
      %dma_start3A_97 = arith.constant 0 : i32
      %dma_start3A_98 = tpu.memref_slice %arg9[%dma_start3A_96, %dma_start3A_97] : memref<128x128xf32, #tpu.memory_space<vmem>> -> memref<16x128xf32, #tpu.memory_space<vmem>>
      %dma_start3A_99 = arith.constant 0 : i32
      %dma_start3A_100 = arith.constant 0 : i32
      %dma_start3A_101 = tpu.memref_slice %arg11[%dma_start3A_99, %dma_start3A_100] : memref<10000x128xf32, #tpu.memory_space<vmem_shared>> -> memref<10000x128xf32, #tpu.memory_space<vmem_shared>>
      tpu.enqueue_indirect_dma source(%dma_start3A_101 : memref<10000x128xf32, #tpu.memory_space<vmem_shared>>) target(%dma_start3A_98 : memref<16x128xf32, #tpu.memory_space<vmem>>) offsets(%arg10 : memref<16xi32, #tpu.memory_space<vmem>>) semaphore(%arg12 : memref<!tpu.dma_semaphore, #tpu.memory_space<semaphore_mem>>)
      %dma_wait3A_102 = arith.constant 0 : i32
      %dma_wait3A_103 = arith.constant 0 : i32
      %dma_wait3A_104 = tpu.memref_slice %arg9[%dma_wait3A_102, %dma_wait3A_103] : memref<128x128xf32, #tpu.memory_space<vmem>> -> memref<16x128xf32, #tpu.memory_space<vmem>>
      %dma_wait3A_105 = arith.constant 0 : i32
      %dma_wait3A_106 = arith.constant 0 : i32
      %dma_wait3A_107 = tpu.memref_slice %arg11[%dma_wait3A_105, %dma_wait3A_106] : memref<10000x128xf32, #tpu.memory_space<vmem_shared>> -> memref<10000x128xf32, #tpu.memory_space<vmem_shared>>
      tpu.wait_indirect_dma semaphore(%arg12 : memref<!tpu.dma_semaphore, #tpu.memory_space<semaphore_mem>>) src(%dma_wait3A_107 : memref<10000x128xf32, #tpu.memory_space<vmem_shared>>) dst(%dma_wait3A_104 : memref<16x128xf32, #tpu.memory_space<vmem>>)
      "tpu.region"() ({
        %run_scoped3A = tpu.sem_alloc : memref<!tpu.dma_semaphore, #tpu.memory_space<semaphore_mem>>
        %dma_start3A_108 = arith.constant 0 : i32
        %dma_start3A_109 = arith.constant 0 : i32
        %dma_start3A_110 = tpu.memref_slice %arg9[%dma_start3A_108, %dma_start3A_109] : memref<128x128xf32, #tpu.memory_space<vmem>> -> memref<16x128xf32, #tpu.memory_space<vmem>>
        %dma_start3A_111 = arith.constant 9984 : i32
        %dma_start3A_112 = arith.constant 0 : i32
        %dma_start3A_113 = tpu.memref_slice %arg6[%arg0, %dma_start3A_111, %dma_start3A_112] : memref<2x10000x128xf32, #tpu.memory_space<hbm>> -> memref<1x16x128xf32, #tpu.memory_space<hbm>>
        %dma_start3A_114 = tpu.memref_squeeze %dma_start3A_113 : memref<1x16x128xf32, #tpu.memory_space<hbm>> -> memref<16x128xf32, #tpu.memory_space<hbm>>
        %dma_start3A_115 = arith.constant 9984 : i32
        %dma_start3A_116 = arith.constant 0 : i32
        %dma_start3A_117 = tpu.memref_slice %arg6[%arg0, %dma_start3A_115, %dma_start3A_116] : memref<2x10000x128xf32, #tpu.memory_space<hbm>> -> memref<1x16x128xf32, #tpu.memory_space<hbm>>
        %dma_start3A_118 = tpu.memref_squeeze %dma_start3A_117 : memref<1x16x128xf32, #tpu.memory_space<hbm>> -> memref<16x128xf32, #tpu.memory_space<hbm>>
        %dma_start3A_119 = arith.constant 0 : i32
        %dma_start3A_120 = arith.constant 0 : i32
        %dma_start3A_121 = tpu.memref_slice %arg9[%dma_start3A_119, %dma_start3A_120] : memref<128x128xf32, #tpu.memory_space<vmem>> -> memref<16x128xf32, #tpu.memory_space<vmem>>
        tpu.enqueue_dma source(%dma_start3A_121 : memref<16x128xf32, #tpu.memory_space<vmem>>) target(%dma_start3A_118 : memref<16x128xf32, #tpu.memory_space<hbm>>) target_semaphore(%run_scoped3A : memref<!tpu.dma_semaphore, #tpu.memory_space<semaphore_mem>>)
        %dma_wait3A_122 = arith.constant 0 : i32
        %dma_wait3A_123 = arith.constant 0 : i32
        %dma_wait3A_124 = tpu.memref_slice %arg9[%dma_wait3A_122, %dma_wait3A_123] : memref<128x128xf32, #tpu.memory_space<vmem>> -> memref<16x128xf32, #tpu.memory_space<vmem>>
        %dma_wait3A_125 = arith.constant 9984 : i32
        %dma_wait3A_126 = arith.constant 0 : i32
        %dma_wait3A_127 = tpu.memref_slice %arg6[%arg0, %dma_wait3A_125, %dma_wait3A_126] : memref<2x10000x128xf32, #tpu.memory_space<hbm>> -> memref<1x16x128xf32, #tpu.memory_space<hbm>>
        %dma_wait3A_128 = tpu.memref_squeeze %dma_wait3A_127 : memref<1x16x128xf32, #tpu.memory_space<hbm>> -> memref<16x128xf32, #tpu.memory_space<hbm>>
        %dma_wait3A_129 = arith.constant 9984 : i32
        %dma_wait3A_130 = arith.constant 0 : i32
        %dma_wait3A_131 = tpu.memref_slice %arg6[%arg0, %dma_wait3A_129, %dma_wait3A_130] : memref<2x10000x128xf32, #tpu.memory_space<hbm>> -> memref<1x16x128xf32, #tpu.memory_space<hbm>>
        %dma_wait3A_132 = tpu.memref_squeeze %dma_wait3A_131 : memref<1x16x128xf32, #tpu.memory_space<hbm>> -> memref<16x128xf32, #tpu.memory_space<hbm>>
        %dma_wait3A_133 = arith.constant 0 : i32
        %dma_wait3A_134 = arith.constant 0 : i32
        %dma_wait3A_135 = tpu.memref_slice %arg9[%dma_wait3A_133, %dma_wait3A_134] : memref<128x128xf32, #tpu.memory_space<vmem>> -> memref<16x128xf32, #tpu.memory_space<vmem>>
        tpu.wait_dma2 semaphore(%run_scoped3A : memref<!tpu.dma_semaphore, #tpu.memory_space<semaphore_mem>>) src(%dma_wait3A_135 : memref<16x128xf32, #tpu.memory_space<vmem>>) dst(%dma_wait3A_132 : memref<16x128xf32, #tpu.memory_space<hbm>>)
        tpu.yield
      }) : () -> ()
    } else {
    }
    return
  }
}

#map = affine_map<(d0, d1) -> (0, 0)>
#map1 = affine_map<(d0, d1) -> (0, 0, 0)>
#map2 = affine_map<(d0, d1) -> (0)>
module attributes {stable_mosaic.version = 14 : i64} {
  func.func @_sc_agg(%arg0: i32, %arg1: i32, %arg2: memref<10000x128xf32, #tpu.memory_space<hbm>>, %arg3: memref<2560x1x128xi32, #tpu.memory_space<hbm>>, %arg4: memref<2560x1x128xi32, #tpu.memory_space<hbm>>, %arg5: memref<10000xi32, #tpu.memory_space<hbm>>, %arg6: memref<128x128xf32, #tpu.memory_space<hbm>>, %arg7: memref<2x10000x128xf32, #tpu.memory_space<hbm>>, %arg8: memref<128xi32, #tpu.memory_space<vmem>>, %arg9: memref<40x1x128xi32, #tpu.memory_space<vmem>>, %arg10: memref<40x1x128xi32, #tpu.memory_space<vmem>>, %arg11: memref<128x128xf32, #tpu.memory_space<vmem>>, %arg12: memref<128x128xf32, #tpu.memory_space<vmem>>, %arg13: memref<16xi32, #tpu.memory_space<vmem>>, %arg14: memref<10000x128xf32, #tpu.memory_space<vmem_shared>>, %arg15: memref<!tpu.dma_semaphore, #tpu.memory_space<semaphore_mem>>, %arg16: memref<!tpu.dma_semaphore, #tpu.memory_space<semaphore_mem>>, %arg17: memref<!tpu.dma_semaphore, #tpu.memory_space<semaphore_mem>>, %arg18: memref<!tpu.dma_semaphore, #tpu.memory_space<semaphore_mem>>) attributes {dimension_semantics = [#tpu.dimension_semantics<core_parallel>, #tpu.dimension_semantics<subcore_parallel>], iteration_bounds = array<i64: 2, 16>, scalar_prefetch = 0 : i64, scratch_operands = 11 : i64, tpu.core_type = #tpu.core_type<sc_vector_subcore>, window_params = [{transform_indices = #map}, {transform_indices = #map1}, {transform_indices = #map1}, {transform_indices = #map2}, {transform_indices = #map}, {transform_indices = #map1}]} {
    %mul3A = arith.constant 2 : i32
    %mul3A_0 = arith.muli %arg1, %mul3A : i32
    %add3A = arith.addi %mul3A_0, %arg0 : i32
    "tpu.region"() ({
      %run_scoped3A = tpu.sem_alloc : memref<!tpu.dma_semaphore, #tpu.memory_space<semaphore_mem>>
      tpu.enqueue_dma source(%arg6 : memref<128x128xf32, #tpu.memory_space<hbm>>) target(%arg11 : memref<128x128xf32, #tpu.memory_space<vmem>>) target_semaphore(%run_scoped3A : memref<!tpu.dma_semaphore, #tpu.memory_space<semaphore_mem>>)
      tpu.wait_dma2 semaphore(%run_scoped3A : memref<!tpu.dma_semaphore, #tpu.memory_space<semaphore_mem>>) src(%arg6 : memref<128x128xf32, #tpu.memory_space<hbm>>) dst(%arg11 : memref<128x128xf32, #tpu.memory_space<vmem>>)
      tpu.yield
    }) : () -> ()
    %mul3A_1 = arith.constant 624 : i32
    %mul3A_2 = arith.muli %arg1, %mul3A_1 : i32
    %add3A_3 = arith.constant 0 : i32
    %add3A_4 = arith.addi %mul3A_2, %add3A_3 : i32
    "tpu.region"() ({
      %run_scoped3A = tpu.sem_alloc : memref<!tpu.dma_semaphore, #tpu.memory_space<semaphore_mem>>
      %dma_start3A_158 = tpu.memref_slice %arg5[%add3A_4] : memref<10000xi32, #tpu.memory_space<hbm>> -> memref<128xi32, #tpu.memory_space<hbm>>
      %dma_start3A_159 = tpu.memref_slice %arg5[%add3A_4] : memref<10000xi32, #tpu.memory_space<hbm>> -> memref<128xi32, #tpu.memory_space<hbm>>
      tpu.enqueue_dma source(%dma_start3A_159 : memref<128xi32, #tpu.memory_space<hbm>>) target(%arg8 : memref<128xi32, #tpu.memory_space<vmem>>) target_semaphore(%run_scoped3A : memref<!tpu.dma_semaphore, #tpu.memory_space<semaphore_mem>>)
      %dma_wait3A_160 = tpu.memref_slice %arg5[%add3A_4] : memref<10000xi32, #tpu.memory_space<hbm>> -> memref<128xi32, #tpu.memory_space<hbm>>
      %dma_wait3A_161 = tpu.memref_slice %arg5[%add3A_4] : memref<10000xi32, #tpu.memory_space<hbm>> -> memref<128xi32, #tpu.memory_space<hbm>>
      tpu.wait_dma2 semaphore(%run_scoped3A : memref<!tpu.dma_semaphore, #tpu.memory_space<semaphore_mem>>) src(%dma_wait3A_161 : memref<128xi32, #tpu.memory_space<hbm>>) dst(%arg8 : memref<128xi32, #tpu.memory_space<vmem>>)
      tpu.yield
    }) : () -> ()
    "tpu.region"() ({
      %run_scoped3A = tpu.sem_alloc : memref<!tpu.dma_semaphore, #tpu.memory_space<semaphore_mem>>
      %dma_start3A_158 = arith.constant 0 : i32
      %dma_start3A_159 = arith.constant 0 : i32
      %dma_start3A_160 = tpu.memref_slice %arg14[%dma_start3A_158, %dma_start3A_159] : memref<10000x128xf32, #tpu.memory_space<vmem_shared>> -> memref<10000x128xf32, #tpu.memory_space<vmem_shared>>
      tpu.enqueue_indirect_dma source(%arg11 : memref<128x128xf32, #tpu.memory_space<vmem>>) target(%dma_start3A_160 : memref<10000x128xf32, #tpu.memory_space<vmem_shared>>) offsets(%arg8 : memref<128xi32, #tpu.memory_space<vmem>>) semaphore(%run_scoped3A : memref<!tpu.dma_semaphore, #tpu.memory_space<semaphore_mem>>)
      %dma_wait3A_161 = arith.constant 0 : i32
      %dma_wait3A_162 = arith.constant 0 : i32
      %dma_wait3A_163 = tpu.memref_slice %arg14[%dma_wait3A_161, %dma_wait3A_162] : memref<10000x128xf32, #tpu.memory_space<vmem_shared>> -> memref<10000x128xf32, #tpu.memory_space<vmem_shared>>
      tpu.wait_indirect_dma semaphore(%run_scoped3A : memref<!tpu.dma_semaphore, #tpu.memory_space<semaphore_mem>>) src(%arg11 : memref<128x128xf32, #tpu.memory_space<vmem>>) dst(%dma_wait3A_163 : memref<10000x128xf32, #tpu.memory_space<vmem_shared>>)
      tpu.yield
    }) : () -> ()
    %add3A_5 = arith.constant 128 : i32
    %add3A_6 = arith.addi %mul3A_2, %add3A_5 : i32
    "tpu.region"() ({
      %run_scoped3A = tpu.sem_alloc : memref<!tpu.dma_semaphore, #tpu.memory_space<semaphore_mem>>
      %dma_start3A_158 = tpu.memref_slice %arg5[%add3A_6] : memref<10000xi32, #tpu.memory_space<hbm>> -> memref<128xi32, #tpu.memory_space<hbm>>
      %dma_start3A_159 = tpu.memref_slice %arg5[%add3A_6] : memref<10000xi32, #tpu.memory_space<hbm>> -> memref<128xi32, #tpu.memory_space<hbm>>
      tpu.enqueue_dma source(%dma_start3A_159 : memref<128xi32, #tpu.memory_space<hbm>>) target(%arg8 : memref<128xi32, #tpu.memory_space<vmem>>) target_semaphore(%run_scoped3A : memref<!tpu.dma_semaphore, #tpu.memory_space<semaphore_mem>>)
      %dma_wait3A_160 = tpu.memref_slice %arg5[%add3A_6] : memref<10000xi32, #tpu.memory_space<hbm>> -> memref<128xi32, #tpu.memory_space<hbm>>
      %dma_wait3A_161 = tpu.memref_slice %arg5[%add3A_6] : memref<10000xi32, #tpu.memory_space<hbm>> -> memref<128xi32, #tpu.memory_space<hbm>>
      tpu.wait_dma2 semaphore(%run_scoped3A : memref<!tpu.dma_semaphore, #tpu.memory_space<semaphore_mem>>) src(%dma_wait3A_161 : memref<128xi32, #tpu.memory_space<hbm>>) dst(%arg8 : memref<128xi32, #tpu.memory_space<vmem>>)
      tpu.yield
    }) : () -> ()
    "tpu.region"() ({
      %run_scoped3A = tpu.sem_alloc : memref<!tpu.dma_semaphore, #tpu.memory_space<semaphore_mem>>
      %dma_start3A_158 = arith.constant 0 : i32
      %dma_start3A_159 = arith.constant 0 : i32
      %dma_start3A_160 = tpu.memref_slice %arg14[%dma_start3A_158, %dma_start3A_159] : memref<10000x128xf32, #tpu.memory_space<vmem_shared>> -> memref<10000x128xf32, #tpu.memory_space<vmem_shared>>
      tpu.enqueue_indirect_dma source(%arg11 : memref<128x128xf32, #tpu.memory_space<vmem>>) target(%dma_start3A_160 : memref<10000x128xf32, #tpu.memory_space<vmem_shared>>) offsets(%arg8 : memref<128xi32, #tpu.memory_space<vmem>>) semaphore(%run_scoped3A : memref<!tpu.dma_semaphore, #tpu.memory_space<semaphore_mem>>)
      %dma_wait3A_161 = arith.constant 0 : i32
      %dma_wait3A_162 = arith.constant 0 : i32
      %dma_wait3A_163 = tpu.memref_slice %arg14[%dma_wait3A_161, %dma_wait3A_162] : memref<10000x128xf32, #tpu.memory_space<vmem_shared>> -> memref<10000x128xf32, #tpu.memory_space<vmem_shared>>
      tpu.wait_indirect_dma semaphore(%run_scoped3A : memref<!tpu.dma_semaphore, #tpu.memory_space<semaphore_mem>>) src(%arg11 : memref<128x128xf32, #tpu.memory_space<vmem>>) dst(%dma_wait3A_163 : memref<10000x128xf32, #tpu.memory_space<vmem_shared>>)
      tpu.yield
    }) : () -> ()
    %add3A_7 = arith.constant 256 : i32
    %add3A_8 = arith.addi %mul3A_2, %add3A_7 : i32
    "tpu.region"() ({
      %run_scoped3A = tpu.sem_alloc : memref<!tpu.dma_semaphore, #tpu.memory_space<semaphore_mem>>
      %dma_start3A_158 = tpu.memref_slice %arg5[%add3A_8] : memref<10000xi32, #tpu.memory_space<hbm>> -> memref<128xi32, #tpu.memory_space<hbm>>
      %dma_start3A_159 = tpu.memref_slice %arg5[%add3A_8] : memref<10000xi32, #tpu.memory_space<hbm>> -> memref<128xi32, #tpu.memory_space<hbm>>
      tpu.enqueue_dma source(%dma_start3A_159 : memref<128xi32, #tpu.memory_space<hbm>>) target(%arg8 : memref<128xi32, #tpu.memory_space<vmem>>) target_semaphore(%run_scoped3A : memref<!tpu.dma_semaphore, #tpu.memory_space<semaphore_mem>>)
      %dma_wait3A_160 = tpu.memref_slice %arg5[%add3A_8] : memref<10000xi32, #tpu.memory_space<hbm>> -> memref<128xi32, #tpu.memory_space<hbm>>
      %dma_wait3A_161 = tpu.memref_slice %arg5[%add3A_8] : memref<10000xi32, #tpu.memory_space<hbm>> -> memref<128xi32, #tpu.memory_space<hbm>>
      tpu.wait_dma2 semaphore(%run_scoped3A : memref<!tpu.dma_semaphore, #tpu.memory_space<semaphore_mem>>) src(%dma_wait3A_161 : memref<128xi32, #tpu.memory_space<hbm>>) dst(%arg8 : memref<128xi32, #tpu.memory_space<vmem>>)
      tpu.yield
    }) : () -> ()
    "tpu.region"() ({
      %run_scoped3A = tpu.sem_alloc : memref<!tpu.dma_semaphore, #tpu.memory_space<semaphore_mem>>
      %dma_start3A_158 = arith.constant 0 : i32
      %dma_start3A_159 = arith.constant 0 : i32
      %dma_start3A_160 = tpu.memref_slice %arg14[%dma_start3A_158, %dma_start3A_159] : memref<10000x128xf32, #tpu.memory_space<vmem_shared>> -> memref<10000x128xf32, #tpu.memory_space<vmem_shared>>
      tpu.enqueue_indirect_dma source(%arg11 : memref<128x128xf32, #tpu.memory_space<vmem>>) target(%dma_start3A_160 : memref<10000x128xf32, #tpu.memory_space<vmem_shared>>) offsets(%arg8 : memref<128xi32, #tpu.memory_space<vmem>>) semaphore(%run_scoped3A : memref<!tpu.dma_semaphore, #tpu.memory_space<semaphore_mem>>)
      %dma_wait3A_161 = arith.constant 0 : i32
      %dma_wait3A_162 = arith.constant 0 : i32
      %dma_wait3A_163 = tpu.memref_slice %arg14[%dma_wait3A_161, %dma_wait3A_162] : memref<10000x128xf32, #tpu.memory_space<vmem_shared>> -> memref<10000x128xf32, #tpu.memory_space<vmem_shared>>
      tpu.wait_indirect_dma semaphore(%run_scoped3A : memref<!tpu.dma_semaphore, #tpu.memory_space<semaphore_mem>>) src(%arg11 : memref<128x128xf32, #tpu.memory_space<vmem>>) dst(%dma_wait3A_163 : memref<10000x128xf32, #tpu.memory_space<vmem_shared>>)
      tpu.yield
    }) : () -> ()
    %add3A_9 = arith.constant 384 : i32
    %add3A_10 = arith.addi %mul3A_2, %add3A_9 : i32
    "tpu.region"() ({
      %run_scoped3A = tpu.sem_alloc : memref<!tpu.dma_semaphore, #tpu.memory_space<semaphore_mem>>
      %dma_start3A_158 = tpu.memref_slice %arg5[%add3A_10] : memref<10000xi32, #tpu.memory_space<hbm>> -> memref<128xi32, #tpu.memory_space<hbm>>
      %dma_start3A_159 = tpu.memref_slice %arg5[%add3A_10] : memref<10000xi32, #tpu.memory_space<hbm>> -> memref<128xi32, #tpu.memory_space<hbm>>
      tpu.enqueue_dma source(%dma_start3A_159 : memref<128xi32, #tpu.memory_space<hbm>>) target(%arg8 : memref<128xi32, #tpu.memory_space<vmem>>) target_semaphore(%run_scoped3A : memref<!tpu.dma_semaphore, #tpu.memory_space<semaphore_mem>>)
      %dma_wait3A_160 = tpu.memref_slice %arg5[%add3A_10] : memref<10000xi32, #tpu.memory_space<hbm>> -> memref<128xi32, #tpu.memory_space<hbm>>
      %dma_wait3A_161 = tpu.memref_slice %arg5[%add3A_10] : memref<10000xi32, #tpu.memory_space<hbm>> -> memref<128xi32, #tpu.memory_space<hbm>>
      tpu.wait_dma2 semaphore(%run_scoped3A : memref<!tpu.dma_semaphore, #tpu.memory_space<semaphore_mem>>) src(%dma_wait3A_161 : memref<128xi32, #tpu.memory_space<hbm>>) dst(%arg8 : memref<128xi32, #tpu.memory_space<vmem>>)
      tpu.yield
    }) : () -> ()
    "tpu.region"() ({
      %run_scoped3A = tpu.sem_alloc : memref<!tpu.dma_semaphore, #tpu.memory_space<semaphore_mem>>
      %dma_start3A_158 = arith.constant 0 : i32
      %dma_start3A_159 = arith.constant 0 : i32
      %dma_start3A_160 = tpu.memref_slice %arg14[%dma_start3A_158, %dma_start3A_159] : memref<10000x128xf32, #tpu.memory_space<vmem_shared>> -> memref<10000x128xf32, #tpu.memory_space<vmem_shared>>
      tpu.enqueue_indirect_dma source(%arg11 : memref<128x128xf32, #tpu.memory_space<vmem>>) target(%dma_start3A_160 : memref<10000x128xf32, #tpu.memory_space<vmem_shared>>) offsets(%arg8 : memref<128xi32, #tpu.memory_space<vmem>>) semaphore(%run_scoped3A : memref<!tpu.dma_semaphore, #tpu.memory_space<semaphore_mem>>)
      %dma_wait3A_161 = arith.constant 0 : i32
      %dma_wait3A_162 = arith.constant 0 : i32
      %dma_wait3A_163 = tpu.memref_slice %arg14[%dma_wait3A_161, %dma_wait3A_162] : memref<10000x128xf32, #tpu.memory_space<vmem_shared>> -> memref<10000x128xf32, #tpu.memory_space<vmem_shared>>
      tpu.wait_indirect_dma semaphore(%run_scoped3A : memref<!tpu.dma_semaphore, #tpu.memory_space<semaphore_mem>>) src(%arg11 : memref<128x128xf32, #tpu.memory_space<vmem>>) dst(%dma_wait3A_163 : memref<10000x128xf32, #tpu.memory_space<vmem_shared>>)
      tpu.yield
    }) : () -> ()
    %add3A_11 = arith.constant 496 : i32
    %add3A_12 = arith.addi %mul3A_2, %add3A_11 : i32
    "tpu.region"() ({
      %run_scoped3A = tpu.sem_alloc : memref<!tpu.dma_semaphore, #tpu.memory_space<semaphore_mem>>
      %dma_start3A_158 = tpu.memref_slice %arg5[%add3A_12] : memref<10000xi32, #tpu.memory_space<hbm>> -> memref<128xi32, #tpu.memory_space<hbm>>
      %dma_start3A_159 = tpu.memref_slice %arg5[%add3A_12] : memref<10000xi32, #tpu.memory_space<hbm>> -> memref<128xi32, #tpu.memory_space<hbm>>
      tpu.enqueue_dma source(%dma_start3A_159 : memref<128xi32, #tpu.memory_space<hbm>>) target(%arg8 : memref<128xi32, #tpu.memory_space<vmem>>) target_semaphore(%run_scoped3A : memref<!tpu.dma_semaphore, #tpu.memory_space<semaphore_mem>>)
      %dma_wait3A_160 = tpu.memref_slice %arg5[%add3A_12] : memref<10000xi32, #tpu.memory_space<hbm>> -> memref<128xi32, #tpu.memory_space<hbm>>
      %dma_wait3A_161 = tpu.memref_slice %arg5[%add3A_12] : memref<10000xi32, #tpu.memory_space<hbm>> -> memref<128xi32, #tpu.memory_space<hbm>>
      tpu.wait_dma2 semaphore(%run_scoped3A : memref<!tpu.dma_semaphore, #tpu.memory_space<semaphore_mem>>) src(%dma_wait3A_161 : memref<128xi32, #tpu.memory_space<hbm>>) dst(%arg8 : memref<128xi32, #tpu.memory_space<vmem>>)
      tpu.yield
    }) : () -> ()
    "tpu.region"() ({
      %run_scoped3A = tpu.sem_alloc : memref<!tpu.dma_semaphore, #tpu.memory_space<semaphore_mem>>
      %dma_start3A_158 = arith.constant 0 : i32
      %dma_start3A_159 = arith.constant 0 : i32
      %dma_start3A_160 = tpu.memref_slice %arg14[%dma_start3A_158, %dma_start3A_159] : memref<10000x128xf32, #tpu.memory_space<vmem_shared>> -> memref<10000x128xf32, #tpu.memory_space<vmem_shared>>
      tpu.enqueue_indirect_dma source(%arg11 : memref<128x128xf32, #tpu.memory_space<vmem>>) target(%dma_start3A_160 : memref<10000x128xf32, #tpu.memory_space<vmem_shared>>) offsets(%arg8 : memref<128xi32, #tpu.memory_space<vmem>>) semaphore(%run_scoped3A : memref<!tpu.dma_semaphore, #tpu.memory_space<semaphore_mem>>)
      %dma_wait3A_161 = arith.constant 0 : i32
      %dma_wait3A_162 = arith.constant 0 : i32
      %dma_wait3A_163 = tpu.memref_slice %arg14[%dma_wait3A_161, %dma_wait3A_162] : memref<10000x128xf32, #tpu.memory_space<vmem_shared>> -> memref<10000x128xf32, #tpu.memory_space<vmem_shared>>
      tpu.wait_indirect_dma semaphore(%run_scoped3A : memref<!tpu.dma_semaphore, #tpu.memory_space<semaphore_mem>>) src(%arg11 : memref<128x128xf32, #tpu.memory_space<vmem>>) dst(%dma_wait3A_163 : memref<10000x128xf32, #tpu.memory_space<vmem_shared>>)
      tpu.yield
    }) : () -> ()
    %eq3A = arith.constant 15 : i32
    %eq3A_13 = arith.cmpi eq, %arg1, %eq3A : i32
    %convert_element_type3A = arith.extui %eq3A_13 : i1 to i32
    %cond3A = arith.constant 0 : i32
    %cond3A_14 = arith.cmpi ne, %convert_element_type3A, %cond3A : i32
    scf.if %cond3A_14 {
      "tpu.region"() ({
        %run_scoped3A = tpu.sem_alloc : memref<!tpu.dma_semaphore, #tpu.memory_space<semaphore_mem>>
        %dma_start3A_158 = arith.constant 9984 : i32
        %dma_start3A_159 = tpu.memref_slice %arg5[%dma_start3A_158] : memref<10000xi32, #tpu.memory_space<hbm>> -> memref<16xi32, #tpu.memory_space<hbm>>
        %dma_start3A_160 = arith.constant 9984 : i32
        %dma_start3A_161 = tpu.memref_slice %arg5[%dma_start3A_160] : memref<10000xi32, #tpu.memory_space<hbm>> -> memref<16xi32, #tpu.memory_space<hbm>>
        tpu.enqueue_dma source(%dma_start3A_161 : memref<16xi32, #tpu.memory_space<hbm>>) target(%arg13 : memref<16xi32, #tpu.memory_space<vmem>>) target_semaphore(%run_scoped3A : memref<!tpu.dma_semaphore, #tpu.memory_space<semaphore_mem>>)
        %dma_wait3A_162 = arith.constant 9984 : i32
        %dma_wait3A_163 = tpu.memref_slice %arg5[%dma_wait3A_162] : memref<10000xi32, #tpu.memory_space<hbm>> -> memref<16xi32, #tpu.memory_space<hbm>>
        %dma_wait3A_164 = arith.constant 9984 : i32
        %dma_wait3A_165 = tpu.memref_slice %arg5[%dma_wait3A_164] : memref<10000xi32, #tpu.memory_space<hbm>> -> memref<16xi32, #tpu.memory_space<hbm>>
        tpu.wait_dma2 semaphore(%run_scoped3A : memref<!tpu.dma_semaphore, #tpu.memory_space<semaphore_mem>>) src(%dma_wait3A_165 : memref<16xi32, #tpu.memory_space<hbm>>) dst(%arg13 : memref<16xi32, #tpu.memory_space<vmem>>)
        tpu.yield
      }) : () -> ()
      "tpu.region"() ({
        %run_scoped3A = tpu.sem_alloc : memref<!tpu.dma_semaphore, #tpu.memory_space<semaphore_mem>>
        %dma_start3A_158 = arith.constant 0 : i32
        %dma_start3A_159 = arith.constant 0 : i32
        %dma_start3A_160 = tpu.memref_slice %arg11[%dma_start3A_158, %dma_start3A_159] : memref<128x128xf32, #tpu.memory_space<vmem>> -> memref<16x128xf32, #tpu.memory_space<vmem>>
        %dma_start3A_161 = arith.constant 0 : i32
        %dma_start3A_162 = arith.constant 0 : i32
        %dma_start3A_163 = tpu.memref_slice %arg14[%dma_start3A_161, %dma_start3A_162] : memref<10000x128xf32, #tpu.memory_space<vmem_shared>> -> memref<10000x128xf32, #tpu.memory_space<vmem_shared>>
        tpu.enqueue_indirect_dma source(%dma_start3A_160 : memref<16x128xf32, #tpu.memory_space<vmem>>) target(%dma_start3A_163 : memref<10000x128xf32, #tpu.memory_space<vmem_shared>>) offsets(%arg13 : memref<16xi32, #tpu.memory_space<vmem>>) semaphore(%run_scoped3A : memref<!tpu.dma_semaphore, #tpu.memory_space<semaphore_mem>>)
        %dma_wait3A_164 = arith.constant 0 : i32
        %dma_wait3A_165 = arith.constant 0 : i32
        %dma_wait3A_166 = tpu.memref_slice %arg11[%dma_wait3A_164, %dma_wait3A_165] : memref<128x128xf32, #tpu.memory_space<vmem>> -> memref<16x128xf32, #tpu.memory_space<vmem>>
        %dma_wait3A_167 = arith.constant 0 : i32
        %dma_wait3A_168 = arith.constant 0 : i32
        %dma_wait3A_169 = tpu.memref_slice %arg14[%dma_wait3A_167, %dma_wait3A_168] : memref<10000x128xf32, #tpu.memory_space<vmem_shared>> -> memref<10000x128xf32, #tpu.memory_space<vmem_shared>>
        tpu.wait_indirect_dma semaphore(%run_scoped3A : memref<!tpu.dma_semaphore, #tpu.memory_space<semaphore_mem>>) src(%dma_wait3A_166 : memref<16x128xf32, #tpu.memory_space<vmem>>) dst(%dma_wait3A_169 : memref<10000x128xf32, #tpu.memory_space<vmem_shared>>)
        tpu.yield
      }) : () -> ()
    } else {
    }
    %mul3A_15 = arith.constant 78 : i32
    %mul3A_16 = arith.muli %add3A, %mul3A_15 : i32
    %min3A = arith.constant 4 : i32
    %min3A_17 = arith.minsi %add3A, %min3A : i32
    %add3A_18 = arith.addi %mul3A_16, %min3A_17 : i32
    "tpu.region"() ({
      %run_scoped3A = tpu.sem_alloc : memref<!tpu.dma_semaphore, #tpu.memory_space<semaphore_mem>>
      %dma_start3A_158 = arith.constant 0 : i32
      %dma_start3A_159 = arith.constant 0 : i32
      %dma_start3A_160 = tpu.memref_slice %arg3[%add3A_18, %dma_start3A_158, %dma_start3A_159] : memref<2560x1x128xi32, #tpu.memory_space<hbm>> -> memref<40x1x128xi32, #tpu.memory_space<hbm>>
      %dma_start3A_161 = arith.constant 0 : i32
      %dma_start3A_162 = arith.constant 0 : i32
      %dma_start3A_163 = tpu.memref_slice %arg3[%add3A_18, %dma_start3A_161, %dma_start3A_162] : memref<2560x1x128xi32, #tpu.memory_space<hbm>> -> memref<40x1x128xi32, #tpu.memory_space<hbm>>
      tpu.enqueue_dma source(%dma_start3A_163 : memref<40x1x128xi32, #tpu.memory_space<hbm>>) target(%arg9 : memref<40x1x128xi32, #tpu.memory_space<vmem>>) target_semaphore(%run_scoped3A : memref<!tpu.dma_semaphore, #tpu.memory_space<semaphore_mem>>)
      %dma_wait3A_164 = arith.constant 0 : i32
      %dma_wait3A_165 = arith.constant 0 : i32
      %dma_wait3A_166 = tpu.memref_slice %arg3[%add3A_18, %dma_wait3A_164, %dma_wait3A_165] : memref<2560x1x128xi32, #tpu.memory_space<hbm>> -> memref<40x1x128xi32, #tpu.memory_space<hbm>>
      %dma_wait3A_167 = arith.constant 0 : i32
      %dma_wait3A_168 = arith.constant 0 : i32
      %dma_wait3A_169 = tpu.memref_slice %arg3[%add3A_18, %dma_wait3A_167, %dma_wait3A_168] : memref<2560x1x128xi32, #tpu.memory_space<hbm>> -> memref<40x1x128xi32, #tpu.memory_space<hbm>>
      tpu.wait_dma2 semaphore(%run_scoped3A : memref<!tpu.dma_semaphore, #tpu.memory_space<semaphore_mem>>) src(%dma_wait3A_169 : memref<40x1x128xi32, #tpu.memory_space<hbm>>) dst(%arg9 : memref<40x1x128xi32, #tpu.memory_space<vmem>>)
      tpu.yield
    }) : () -> ()
    "tpu.region"() ({
      %run_scoped3A = tpu.sem_alloc : memref<!tpu.dma_semaphore, #tpu.memory_space<semaphore_mem>>
      %dma_start3A_158 = arith.constant 0 : i32
      %dma_start3A_159 = arith.constant 0 : i32
      %dma_start3A_160 = tpu.memref_slice %arg4[%add3A_18, %dma_start3A_158, %dma_start3A_159] : memref<2560x1x128xi32, #tpu.memory_space<hbm>> -> memref<40x1x128xi32, #tpu.memory_space<hbm>>
      %dma_start3A_161 = arith.constant 0 : i32
      %dma_start3A_162 = arith.constant 0 : i32
      %dma_start3A_163 = tpu.memref_slice %arg4[%add3A_18, %dma_start3A_161, %dma_start3A_162] : memref<2560x1x128xi32, #tpu.memory_space<hbm>> -> memref<40x1x128xi32, #tpu.memory_space<hbm>>
      tpu.enqueue_dma source(%dma_start3A_163 : memref<40x1x128xi32, #tpu.memory_space<hbm>>) target(%arg10 : memref<40x1x128xi32, #tpu.memory_space<vmem>>) target_semaphore(%run_scoped3A : memref<!tpu.dma_semaphore, #tpu.memory_space<semaphore_mem>>)
      %dma_wait3A_164 = arith.constant 0 : i32
      %dma_wait3A_165 = arith.constant 0 : i32
      %dma_wait3A_166 = tpu.memref_slice %arg4[%add3A_18, %dma_wait3A_164, %dma_wait3A_165] : memref<2560x1x128xi32, #tpu.memory_space<hbm>> -> memref<40x1x128xi32, #tpu.memory_space<hbm>>
      %dma_wait3A_167 = arith.constant 0 : i32
      %dma_wait3A_168 = arith.constant 0 : i32
      %dma_wait3A_169 = tpu.memref_slice %arg4[%add3A_18, %dma_wait3A_167, %dma_wait3A_168] : memref<2560x1x128xi32, #tpu.memory_space<hbm>> -> memref<40x1x128xi32, #tpu.memory_space<hbm>>
      tpu.wait_dma2 semaphore(%run_scoped3A : memref<!tpu.dma_semaphore, #tpu.memory_space<semaphore_mem>>) src(%dma_wait3A_169 : memref<40x1x128xi32, #tpu.memory_space<hbm>>) dst(%arg10 : memref<40x1x128xi32, #tpu.memory_space<vmem>>)
      tpu.yield
    }) : () -> ()
    %barrier3A = arith.constant 0 : index
    tpu.barrier barrier_id(%barrier3A)
    %dma_start3A = arith.constant 0 : i32
    %dma_start3A_19 = arith.constant 0 : i32
    %dma_start3A_20 = arith.constant 0 : i32
    %dma_start3A_21 = tpu.memref_slice %arg9[%dma_start3A, %dma_start3A_19, %dma_start3A_20] : memref<40x1x128xi32, #tpu.memory_space<vmem>> -> memref<1x1x128xi32, #tpu.memory_space<vmem>>
    %dma_start3A_22 = tpu.memref_squeeze %dma_start3A_21 : memref<1x1x128xi32, #tpu.memory_space<vmem>> -> memref<128xi32, #tpu.memory_space<vmem>>
    %dma_start3A_23 = arith.constant 0 : i32
    %dma_start3A_24 = arith.constant 0 : i32
    %dma_start3A_25 = tpu.memref_slice %arg2[%dma_start3A_23, %dma_start3A_24] : memref<10000x128xf32, #tpu.memory_space<hbm>> -> memref<10000x128xf32, #tpu.memory_space<hbm>>
    tpu.enqueue_indirect_dma source(%dma_start3A_25 : memref<10000x128xf32, #tpu.memory_space<hbm>>) target(%arg11 : memref<128x128xf32, #tpu.memory_space<vmem>>) offsets(%dma_start3A_22 : memref<128xi32, #tpu.memory_space<vmem>>) semaphore(%arg15 : memref<!tpu.dma_semaphore, #tpu.memory_space<semaphore_mem>>)
    %dma_start3A_26 = arith.constant 1 : i32
    %dma_start3A_27 = arith.constant 0 : i32
    %dma_start3A_28 = arith.constant 0 : i32
    %dma_start3A_29 = tpu.memref_slice %arg9[%dma_start3A_26, %dma_start3A_27, %dma_start3A_28] : memref<40x1x128xi32, #tpu.memory_space<vmem>> -> memref<1x1x128xi32, #tpu.memory_space<vmem>>
    %dma_start3A_30 = tpu.memref_squeeze %dma_start3A_29 : memref<1x1x128xi32, #tpu.memory_space<vmem>> -> memref<128xi32, #tpu.memory_space<vmem>>
    %dma_start3A_31 = arith.constant 0 : i32
    %dma_start3A_32 = arith.constant 0 : i32
    %dma_start3A_33 = tpu.memref_slice %arg2[%dma_start3A_31, %dma_start3A_32] : memref<10000x128xf32, #tpu.memory_space<hbm>> -> memref<10000x128xf32, #tpu.memory_space<hbm>>
    tpu.enqueue_indirect_dma source(%dma_start3A_33 : memref<10000x128xf32, #tpu.memory_space<hbm>>) target(%arg12 : memref<128x128xf32, #tpu.memory_space<vmem>>) offsets(%dma_start3A_30 : memref<128xi32, #tpu.memory_space<vmem>>) semaphore(%arg16 : memref<!tpu.dma_semaphore, #tpu.memory_space<semaphore_mem>>)
    %scan3A = arith.constant 0 : i32
    %scan3A_34 = arith.constant 0 : i32
    %scan3A_35 = arith.constant 20 : i32
    %scan3A_36 = arith.addi %scan3A_34, %scan3A_35 : i32
    %scan3A_37 = arith.constant 1 : i32
    scf.for %scan3A_158 = %scan3A_34 to %scan3A_36 step %scan3A_37  : i32 {
      %mul3A_159 = arith.constant 2 : i32
      %mul3A_160 = arith.muli %mul3A_159, %scan3A_158 : i32
      %dma_wait3A_161 = arith.constant 0 : i32
      %dma_wait3A_162 = arith.constant 0 : i32
      %dma_wait3A_163 = tpu.memref_slice %arg9[%mul3A_160, %dma_wait3A_161, %dma_wait3A_162] : memref<40x1x128xi32, #tpu.memory_space<vmem>> -> memref<1x1x128xi32, #tpu.memory_space<vmem>>
      %dma_wait3A_164 = tpu.memref_squeeze %dma_wait3A_163 : memref<1x1x128xi32, #tpu.memory_space<vmem>> -> memref<128xi32, #tpu.memory_space<vmem>>
      %dma_wait3A_165 = arith.constant 0 : i32
      %dma_wait3A_166 = arith.constant 0 : i32
      %dma_wait3A_167 = tpu.memref_slice %arg2[%dma_wait3A_165, %dma_wait3A_166] : memref<10000x128xf32, #tpu.memory_space<hbm>> -> memref<10000x128xf32, #tpu.memory_space<hbm>>
      tpu.wait_indirect_dma semaphore(%arg15 : memref<!tpu.dma_semaphore, #tpu.memory_space<semaphore_mem>>) src(%dma_wait3A_167 : memref<10000x128xf32, #tpu.memory_space<hbm>>) dst(%arg11 : memref<128x128xf32, #tpu.memory_space<vmem>>)
      %dma_start3A_168 = arith.constant 0 : i32
      %dma_start3A_169 = arith.constant 0 : i32
      %dma_start3A_170 = tpu.memref_slice %arg10[%mul3A_160, %dma_start3A_168, %dma_start3A_169] : memref<40x1x128xi32, #tpu.memory_space<vmem>> -> memref<1x1x128xi32, #tpu.memory_space<vmem>>
      %dma_start3A_171 = tpu.memref_squeeze %dma_start3A_170 : memref<1x1x128xi32, #tpu.memory_space<vmem>> -> memref<128xi32, #tpu.memory_space<vmem>>
      %dma_start3A_172 = arith.constant 0 : i32
      %dma_start3A_173 = arith.constant 0 : i32
      %dma_start3A_174 = tpu.memref_slice %arg14[%dma_start3A_172, %dma_start3A_173] : memref<10000x128xf32, #tpu.memory_space<vmem_shared>> -> memref<10000x128xf32, #tpu.memory_space<vmem_shared>>
      tpu.enqueue_indirect_dma source(%arg11 : memref<128x128xf32, #tpu.memory_space<vmem>>) target(%dma_start3A_174 : memref<10000x128xf32, #tpu.memory_space<vmem_shared>>) offsets(%dma_start3A_171 : memref<128xi32, #tpu.memory_space<vmem>>) semaphore(%arg17 : memref<!tpu.dma_semaphore, #tpu.memory_space<semaphore_mem>>) {add = true}
      %lt3A_175 = arith.constant 19 : i32
      %lt3A_176 = arith.cmpi slt, %scan3A_158, %lt3A_175 : i32
      %convert_element_type3A_177 = arith.extui %lt3A_176 : i1 to i32
      %cond3A_178 = arith.constant 0 : i32
      %cond3A_179 = arith.cmpi ne, %convert_element_type3A_177, %cond3A_178 : i32
      scf.if %cond3A_179 {
        %dma_wait3A_203 = arith.constant 0 : i32
        %dma_wait3A_204 = arith.constant 0 : i32
        %dma_wait3A_205 = tpu.memref_slice %arg10[%mul3A_160, %dma_wait3A_203, %dma_wait3A_204] : memref<40x1x128xi32, #tpu.memory_space<vmem>> -> memref<1x1x128xi32, #tpu.memory_space<vmem>>
        %dma_wait3A_206 = tpu.memref_squeeze %dma_wait3A_205 : memref<1x1x128xi32, #tpu.memory_space<vmem>> -> memref<128xi32, #tpu.memory_space<vmem>>
        %dma_wait3A_207 = arith.constant 0 : i32
        %dma_wait3A_208 = arith.constant 0 : i32
        %dma_wait3A_209 = tpu.memref_slice %arg14[%dma_wait3A_207, %dma_wait3A_208] : memref<10000x128xf32, #tpu.memory_space<vmem_shared>> -> memref<10000x128xf32, #tpu.memory_space<vmem_shared>>
        tpu.wait_indirect_dma semaphore(%arg17 : memref<!tpu.dma_semaphore, #tpu.memory_space<semaphore_mem>>) src(%arg11 : memref<128x128xf32, #tpu.memory_space<vmem>>) dst(%dma_wait3A_209 : memref<10000x128xf32, #tpu.memory_space<vmem_shared>>)
        %add3A_210 = arith.constant 2 : i32
        %add3A_211 = arith.addi %mul3A_160, %add3A_210 : i32
        %dma_start3A_212 = arith.constant 0 : i32
        %dma_start3A_213 = arith.constant 0 : i32
        %dma_start3A_214 = tpu.memref_slice %arg9[%add3A_211, %dma_start3A_212, %dma_start3A_213] : memref<40x1x128xi32, #tpu.memory_space<vmem>> -> memref<1x1x128xi32, #tpu.memory_space<vmem>>
        %dma_start3A_215 = tpu.memref_squeeze %dma_start3A_214 : memref<1x1x128xi32, #tpu.memory_space<vmem>> -> memref<128xi32, #tpu.memory_space<vmem>>
        %dma_start3A_216 = arith.constant 0 : i32
        %dma_start3A_217 = arith.constant 0 : i32
        %dma_start3A_218 = tpu.memref_slice %arg2[%dma_start3A_216, %dma_start3A_217] : memref<10000x128xf32, #tpu.memory_space<hbm>> -> memref<10000x128xf32, #tpu.memory_space<hbm>>
        tpu.enqueue_indirect_dma source(%dma_start3A_218 : memref<10000x128xf32, #tpu.memory_space<hbm>>) target(%arg11 : memref<128x128xf32, #tpu.memory_space<vmem>>) offsets(%dma_start3A_215 : memref<128xi32, #tpu.memory_space<vmem>>) semaphore(%arg15 : memref<!tpu.dma_semaphore, #tpu.memory_space<semaphore_mem>>)
      } else {
      }
      %add3A_180 = arith.constant 1 : i32
      %add3A_181 = arith.addi %mul3A_160, %add3A_180 : i32
      %dma_wait3A_182 = arith.constant 0 : i32
      %dma_wait3A_183 = arith.constant 0 : i32
      %dma_wait3A_184 = tpu.memref_slice %arg9[%add3A_181, %dma_wait3A_182, %dma_wait3A_183] : memref<40x1x128xi32, #tpu.memory_space<vmem>> -> memref<1x1x128xi32, #tpu.memory_space<vmem>>
      %dma_wait3A_185 = tpu.memref_squeeze %dma_wait3A_184 : memref<1x1x128xi32, #tpu.memory_space<vmem>> -> memref<128xi32, #tpu.memory_space<vmem>>
      %dma_wait3A_186 = arith.constant 0 : i32
      %dma_wait3A_187 = arith.constant 0 : i32
      %dma_wait3A_188 = tpu.memref_slice %arg2[%dma_wait3A_186, %dma_wait3A_187] : memref<10000x128xf32, #tpu.memory_space<hbm>> -> memref<10000x128xf32, #tpu.memory_space<hbm>>
      tpu.wait_indirect_dma semaphore(%arg16 : memref<!tpu.dma_semaphore, #tpu.memory_space<semaphore_mem>>) src(%dma_wait3A_188 : memref<10000x128xf32, #tpu.memory_space<hbm>>) dst(%arg12 : memref<128x128xf32, #tpu.memory_space<vmem>>)
      %add3A_189 = arith.constant 1 : i32
      %add3A_190 = arith.addi %mul3A_160, %add3A_189 : i32
      %dma_start3A_191 = arith.constant 0 : i32
      %dma_start3A_192 = arith.constant 0 : i32
      %dma_start3A_193 = tpu.memref_slice %arg10[%add3A_190, %dma_start3A_191, %dma_start3A_192] : memref<40x1x128xi32, #tpu.memory_space<vmem>> -> memref<1x1x128xi32, #tpu.memory_space<vmem>>
      %dma_start3A_194 = tpu.memref_squeeze %dma_start3A_193 : memref<1x1x128xi32, #tpu.memory_space<vmem>> -> memref<128xi32, #tpu.memory_space<vmem>>
      %dma_start3A_195 = arith.constant 0 : i32
      %dma_start3A_196 = arith.constant 0 : i32
      %dma_start3A_197 = tpu.memref_slice %arg14[%dma_start3A_195, %dma_start3A_196] : memref<10000x128xf32, #tpu.memory_space<vmem_shared>> -> memref<10000x128xf32, #tpu.memory_space<vmem_shared>>
      tpu.enqueue_indirect_dma source(%arg12 : memref<128x128xf32, #tpu.memory_space<vmem>>) target(%dma_start3A_197 : memref<10000x128xf32, #tpu.memory_space<vmem_shared>>) offsets(%dma_start3A_194 : memref<128xi32, #tpu.memory_space<vmem>>) semaphore(%arg18 : memref<!tpu.dma_semaphore, #tpu.memory_space<semaphore_mem>>) {add = true}
      %lt3A_198 = arith.constant 19 : i32
      %lt3A_199 = arith.cmpi slt, %scan3A_158, %lt3A_198 : i32
      %convert_element_type3A_200 = arith.extui %lt3A_199 : i1 to i32
      %cond3A_201 = arith.constant 0 : i32
      %cond3A_202 = arith.cmpi ne, %convert_element_type3A_200, %cond3A_201 : i32
      scf.if %cond3A_202 {
        %add3A_203 = arith.constant 1 : i32
        %add3A_204 = arith.addi %mul3A_160, %add3A_203 : i32
        %dma_wait3A_205 = arith.constant 0 : i32
        %dma_wait3A_206 = arith.constant 0 : i32
        %dma_wait3A_207 = tpu.memref_slice %arg10[%add3A_204, %dma_wait3A_205, %dma_wait3A_206] : memref<40x1x128xi32, #tpu.memory_space<vmem>> -> memref<1x1x128xi32, #tpu.memory_space<vmem>>
        %dma_wait3A_208 = tpu.memref_squeeze %dma_wait3A_207 : memref<1x1x128xi32, #tpu.memory_space<vmem>> -> memref<128xi32, #tpu.memory_space<vmem>>
        %dma_wait3A_209 = arith.constant 0 : i32
        %dma_wait3A_210 = arith.constant 0 : i32
        %dma_wait3A_211 = tpu.memref_slice %arg14[%dma_wait3A_209, %dma_wait3A_210] : memref<10000x128xf32, #tpu.memory_space<vmem_shared>> -> memref<10000x128xf32, #tpu.memory_space<vmem_shared>>
        tpu.wait_indirect_dma semaphore(%arg18 : memref<!tpu.dma_semaphore, #tpu.memory_space<semaphore_mem>>) src(%arg12 : memref<128x128xf32, #tpu.memory_space<vmem>>) dst(%dma_wait3A_211 : memref<10000x128xf32, #tpu.memory_space<vmem_shared>>)
        %add3A_212 = arith.constant 3 : i32
        %add3A_213 = arith.addi %mul3A_160, %add3A_212 : i32
        %dma_start3A_214 = arith.constant 0 : i32
        %dma_start3A_215 = arith.constant 0 : i32
        %dma_start3A_216 = tpu.memref_slice %arg9[%add3A_213, %dma_start3A_214, %dma_start3A_215] : memref<40x1x128xi32, #tpu.memory_space<vmem>> -> memref<1x1x128xi32, #tpu.memory_space<vmem>>
        %dma_start3A_217 = tpu.memref_squeeze %dma_start3A_216 : memref<1x1x128xi32, #tpu.memory_space<vmem>> -> memref<128xi32, #tpu.memory_space<vmem>>
        %dma_start3A_218 = arith.constant 0 : i32
        %dma_start3A_219 = arith.constant 0 : i32
        %dma_start3A_220 = tpu.memref_slice %arg2[%dma_start3A_218, %dma_start3A_219] : memref<10000x128xf32, #tpu.memory_space<hbm>> -> memref<10000x128xf32, #tpu.memory_space<hbm>>
        tpu.enqueue_indirect_dma source(%dma_start3A_220 : memref<10000x128xf32, #tpu.memory_space<hbm>>) target(%arg12 : memref<128x128xf32, #tpu.memory_space<vmem>>) offsets(%dma_start3A_217 : memref<128xi32, #tpu.memory_space<vmem>>) semaphore(%arg16 : memref<!tpu.dma_semaphore, #tpu.memory_space<semaphore_mem>>)
      } else {
      }
    }
    %scan3A_38 = arith.constant 20 : i32
    %dma_wait3A = arith.constant 38 : i32
    %dma_wait3A_39 = arith.constant 0 : i32
    %dma_wait3A_40 = arith.constant 0 : i32
    %dma_wait3A_41 = tpu.memref_slice %arg10[%dma_wait3A, %dma_wait3A_39, %dma_wait3A_40] : memref<40x1x128xi32, #tpu.memory_space<vmem>> -> memref<1x1x128xi32, #tpu.memory_space<vmem>>
    %dma_wait3A_42 = tpu.memref_squeeze %dma_wait3A_41 : memref<1x1x128xi32, #tpu.memory_space<vmem>> -> memref<128xi32, #tpu.memory_space<vmem>>
    %dma_wait3A_43 = arith.constant 0 : i32
    %dma_wait3A_44 = arith.constant 0 : i32
    %dma_wait3A_45 = tpu.memref_slice %arg14[%dma_wait3A_43, %dma_wait3A_44] : memref<10000x128xf32, #tpu.memory_space<vmem_shared>> -> memref<10000x128xf32, #tpu.memory_space<vmem_shared>>
    tpu.wait_indirect_dma semaphore(%arg17 : memref<!tpu.dma_semaphore, #tpu.memory_space<semaphore_mem>>) src(%arg11 : memref<128x128xf32, #tpu.memory_space<vmem>>) dst(%dma_wait3A_45 : memref<10000x128xf32, #tpu.memory_space<vmem_shared>>)
    %dma_wait3A_46 = arith.constant 39 : i32
    %dma_wait3A_47 = arith.constant 0 : i32
    %dma_wait3A_48 = arith.constant 0 : i32
    %dma_wait3A_49 = tpu.memref_slice %arg10[%dma_wait3A_46, %dma_wait3A_47, %dma_wait3A_48] : memref<40x1x128xi32, #tpu.memory_space<vmem>> -> memref<1x1x128xi32, #tpu.memory_space<vmem>>
    %dma_wait3A_50 = tpu.memref_squeeze %dma_wait3A_49 : memref<1x1x128xi32, #tpu.memory_space<vmem>> -> memref<128xi32, #tpu.memory_space<vmem>>
    %dma_wait3A_51 = arith.constant 0 : i32
    %dma_wait3A_52 = arith.constant 0 : i32
    %dma_wait3A_53 = tpu.memref_slice %arg14[%dma_wait3A_51, %dma_wait3A_52] : memref<10000x128xf32, #tpu.memory_space<vmem_shared>> -> memref<10000x128xf32, #tpu.memory_space<vmem_shared>>
    tpu.wait_indirect_dma semaphore(%arg18 : memref<!tpu.dma_semaphore, #tpu.memory_space<semaphore_mem>>) src(%arg12 : memref<128x128xf32, #tpu.memory_space<vmem>>) dst(%dma_wait3A_53 : memref<10000x128xf32, #tpu.memory_space<vmem_shared>>)
    %add3A_54 = arith.constant 40 : i32
    %add3A_55 = arith.addi %add3A_18, %add3A_54 : i32
    "tpu.region"() ({
      %run_scoped3A = tpu.sem_alloc : memref<!tpu.dma_semaphore, #tpu.memory_space<semaphore_mem>>
      %dma_start3A_158 = arith.constant 0 : i32
      %dma_start3A_159 = arith.constant 0 : i32
      %dma_start3A_160 = tpu.memref_slice %arg3[%add3A_55, %dma_start3A_158, %dma_start3A_159] : memref<2560x1x128xi32, #tpu.memory_space<hbm>> -> memref<40x1x128xi32, #tpu.memory_space<hbm>>
      %dma_start3A_161 = arith.constant 0 : i32
      %dma_start3A_162 = arith.constant 0 : i32
      %dma_start3A_163 = tpu.memref_slice %arg3[%add3A_55, %dma_start3A_161, %dma_start3A_162] : memref<2560x1x128xi32, #tpu.memory_space<hbm>> -> memref<40x1x128xi32, #tpu.memory_space<hbm>>
      tpu.enqueue_dma source(%dma_start3A_163 : memref<40x1x128xi32, #tpu.memory_space<hbm>>) target(%arg9 : memref<40x1x128xi32, #tpu.memory_space<vmem>>) target_semaphore(%run_scoped3A : memref<!tpu.dma_semaphore, #tpu.memory_space<semaphore_mem>>)
      %dma_wait3A_164 = arith.constant 0 : i32
      %dma_wait3A_165 = arith.constant 0 : i32
      %dma_wait3A_166 = tpu.memref_slice %arg3[%add3A_55, %dma_wait3A_164, %dma_wait3A_165] : memref<2560x1x128xi32, #tpu.memory_space<hbm>> -> memref<40x1x128xi32, #tpu.memory_space<hbm>>
      %dma_wait3A_167 = arith.constant 0 : i32
      %dma_wait3A_168 = arith.constant 0 : i32
      %dma_wait3A_169 = tpu.memref_slice %arg3[%add3A_55, %dma_wait3A_167, %dma_wait3A_168] : memref<2560x1x128xi32, #tpu.memory_space<hbm>> -> memref<40x1x128xi32, #tpu.memory_space<hbm>>
      tpu.wait_dma2 semaphore(%run_scoped3A : memref<!tpu.dma_semaphore, #tpu.memory_space<semaphore_mem>>) src(%dma_wait3A_169 : memref<40x1x128xi32, #tpu.memory_space<hbm>>) dst(%arg9 : memref<40x1x128xi32, #tpu.memory_space<vmem>>)
      tpu.yield
    }) : () -> ()
    %add3A_56 = arith.constant 40 : i32
    %add3A_57 = arith.addi %add3A_18, %add3A_56 : i32
    "tpu.region"() ({
      %run_scoped3A = tpu.sem_alloc : memref<!tpu.dma_semaphore, #tpu.memory_space<semaphore_mem>>
      %dma_start3A_158 = arith.constant 0 : i32
      %dma_start3A_159 = arith.constant 0 : i32
      %dma_start3A_160 = tpu.memref_slice %arg4[%add3A_57, %dma_start3A_158, %dma_start3A_159] : memref<2560x1x128xi32, #tpu.memory_space<hbm>> -> memref<40x1x128xi32, #tpu.memory_space<hbm>>
      %dma_start3A_161 = arith.constant 0 : i32
      %dma_start3A_162 = arith.constant 0 : i32
      %dma_start3A_163 = tpu.memref_slice %arg4[%add3A_57, %dma_start3A_161, %dma_start3A_162] : memref<2560x1x128xi32, #tpu.memory_space<hbm>> -> memref<40x1x128xi32, #tpu.memory_space<hbm>>
      tpu.enqueue_dma source(%dma_start3A_163 : memref<40x1x128xi32, #tpu.memory_space<hbm>>) target(%arg10 : memref<40x1x128xi32, #tpu.memory_space<vmem>>) target_semaphore(%run_scoped3A : memref<!tpu.dma_semaphore, #tpu.memory_space<semaphore_mem>>)
      %dma_wait3A_164 = arith.constant 0 : i32
      %dma_wait3A_165 = arith.constant 0 : i32
      %dma_wait3A_166 = tpu.memref_slice %arg4[%add3A_57, %dma_wait3A_164, %dma_wait3A_165] : memref<2560x1x128xi32, #tpu.memory_space<hbm>> -> memref<40x1x128xi32, #tpu.memory_space<hbm>>
      %dma_wait3A_167 = arith.constant 0 : i32
      %dma_wait3A_168 = arith.constant 0 : i32
      %dma_wait3A_169 = tpu.memref_slice %arg4[%add3A_57, %dma_wait3A_167, %dma_wait3A_168] : memref<2560x1x128xi32, #tpu.memory_space<hbm>> -> memref<40x1x128xi32, #tpu.memory_space<hbm>>
      tpu.wait_dma2 semaphore(%run_scoped3A : memref<!tpu.dma_semaphore, #tpu.memory_space<semaphore_mem>>) src(%dma_wait3A_169 : memref<40x1x128xi32, #tpu.memory_space<hbm>>) dst(%arg10 : memref<40x1x128xi32, #tpu.memory_space<vmem>>)
      tpu.yield
    }) : () -> ()
    %dma_start3A_58 = arith.constant 0 : i32
    %dma_start3A_59 = arith.constant 0 : i32
    %dma_start3A_60 = arith.constant 0 : i32
    %dma_start3A_61 = tpu.memref_slice %arg9[%dma_start3A_58, %dma_start3A_59, %dma_start3A_60] : memref<40x1x128xi32, #tpu.memory_space<vmem>> -> memref<1x1x128xi32, #tpu.memory_space<vmem>>
    %dma_start3A_62 = tpu.memref_squeeze %dma_start3A_61 : memref<1x1x128xi32, #tpu.memory_space<vmem>> -> memref<128xi32, #tpu.memory_space<vmem>>
    %dma_start3A_63 = arith.constant 0 : i32
    %dma_start3A_64 = arith.constant 0 : i32
    %dma_start3A_65 = tpu.memref_slice %arg2[%dma_start3A_63, %dma_start3A_64] : memref<10000x128xf32, #tpu.memory_space<hbm>> -> memref<10000x128xf32, #tpu.memory_space<hbm>>
    tpu.enqueue_indirect_dma source(%dma_start3A_65 : memref<10000x128xf32, #tpu.memory_space<hbm>>) target(%arg11 : memref<128x128xf32, #tpu.memory_space<vmem>>) offsets(%dma_start3A_62 : memref<128xi32, #tpu.memory_space<vmem>>) semaphore(%arg15 : memref<!tpu.dma_semaphore, #tpu.memory_space<semaphore_mem>>)
    %dma_start3A_66 = arith.constant 1 : i32
    %dma_start3A_67 = arith.constant 0 : i32
    %dma_start3A_68 = arith.constant 0 : i32
    %dma_start3A_69 = tpu.memref_slice %arg9[%dma_start3A_66, %dma_start3A_67, %dma_start3A_68] : memref<40x1x128xi32, #tpu.memory_space<vmem>> -> memref<1x1x128xi32, #tpu.memory_space<vmem>>
    %dma_start3A_70 = tpu.memref_squeeze %dma_start3A_69 : memref<1x1x128xi32, #tpu.memory_space<vmem>> -> memref<128xi32, #tpu.memory_space<vmem>>
    %dma_start3A_71 = arith.constant 0 : i32
    %dma_start3A_72 = arith.constant 0 : i32
    %dma_start3A_73 = tpu.memref_slice %arg2[%dma_start3A_71, %dma_start3A_72] : memref<10000x128xf32, #tpu.memory_space<hbm>> -> memref<10000x128xf32, #tpu.memory_space<hbm>>
    tpu.enqueue_indirect_dma source(%dma_start3A_73 : memref<10000x128xf32, #tpu.memory_space<hbm>>) target(%arg12 : memref<128x128xf32, #tpu.memory_space<vmem>>) offsets(%dma_start3A_70 : memref<128xi32, #tpu.memory_space<vmem>>) semaphore(%arg16 : memref<!tpu.dma_semaphore, #tpu.memory_space<semaphore_mem>>)
    %scan3A_74 = arith.constant 0 : i32
    %scan3A_75 = arith.constant 0 : i32
    %scan3A_76 = arith.constant 19 : i32
    %scan3A_77 = arith.addi %scan3A_75, %scan3A_76 : i32
    %scan3A_78 = arith.constant 1 : i32
    scf.for %scan3A_158 = %scan3A_75 to %scan3A_77 step %scan3A_78  : i32 {
      %mul3A_159 = arith.constant 2 : i32
      %mul3A_160 = arith.muli %mul3A_159, %scan3A_158 : i32
      %dma_wait3A_161 = arith.constant 0 : i32
      %dma_wait3A_162 = arith.constant 0 : i32
      %dma_wait3A_163 = tpu.memref_slice %arg9[%mul3A_160, %dma_wait3A_161, %dma_wait3A_162] : memref<40x1x128xi32, #tpu.memory_space<vmem>> -> memref<1x1x128xi32, #tpu.memory_space<vmem>>
      %dma_wait3A_164 = tpu.memref_squeeze %dma_wait3A_163 : memref<1x1x128xi32, #tpu.memory_space<vmem>> -> memref<128xi32, #tpu.memory_space<vmem>>
      %dma_wait3A_165 = arith.constant 0 : i32
      %dma_wait3A_166 = arith.constant 0 : i32
      %dma_wait3A_167 = tpu.memref_slice %arg2[%dma_wait3A_165, %dma_wait3A_166] : memref<10000x128xf32, #tpu.memory_space<hbm>> -> memref<10000x128xf32, #tpu.memory_space<hbm>>
      tpu.wait_indirect_dma semaphore(%arg15 : memref<!tpu.dma_semaphore, #tpu.memory_space<semaphore_mem>>) src(%dma_wait3A_167 : memref<10000x128xf32, #tpu.memory_space<hbm>>) dst(%arg11 : memref<128x128xf32, #tpu.memory_space<vmem>>)
      %dma_start3A_168 = arith.constant 0 : i32
      %dma_start3A_169 = arith.constant 0 : i32
      %dma_start3A_170 = tpu.memref_slice %arg10[%mul3A_160, %dma_start3A_168, %dma_start3A_169] : memref<40x1x128xi32, #tpu.memory_space<vmem>> -> memref<1x1x128xi32, #tpu.memory_space<vmem>>
      %dma_start3A_171 = tpu.memref_squeeze %dma_start3A_170 : memref<1x1x128xi32, #tpu.memory_space<vmem>> -> memref<128xi32, #tpu.memory_space<vmem>>
      %dma_start3A_172 = arith.constant 0 : i32
      %dma_start3A_173 = arith.constant 0 : i32
      %dma_start3A_174 = tpu.memref_slice %arg14[%dma_start3A_172, %dma_start3A_173] : memref<10000x128xf32, #tpu.memory_space<vmem_shared>> -> memref<10000x128xf32, #tpu.memory_space<vmem_shared>>
      tpu.enqueue_indirect_dma source(%arg11 : memref<128x128xf32, #tpu.memory_space<vmem>>) target(%dma_start3A_174 : memref<10000x128xf32, #tpu.memory_space<vmem_shared>>) offsets(%dma_start3A_171 : memref<128xi32, #tpu.memory_space<vmem>>) semaphore(%arg17 : memref<!tpu.dma_semaphore, #tpu.memory_space<semaphore_mem>>) {add = true}
      %lt3A_175 = arith.constant 18 : i32
      %lt3A_176 = arith.cmpi slt, %scan3A_158, %lt3A_175 : i32
      %convert_element_type3A_177 = arith.extui %lt3A_176 : i1 to i32
      %cond3A_178 = arith.constant 0 : i32
      %cond3A_179 = arith.cmpi ne, %convert_element_type3A_177, %cond3A_178 : i32
      scf.if %cond3A_179 {
        %dma_wait3A_203 = arith.constant 0 : i32
        %dma_wait3A_204 = arith.constant 0 : i32
        %dma_wait3A_205 = tpu.memref_slice %arg10[%mul3A_160, %dma_wait3A_203, %dma_wait3A_204] : memref<40x1x128xi32, #tpu.memory_space<vmem>> -> memref<1x1x128xi32, #tpu.memory_space<vmem>>
        %dma_wait3A_206 = tpu.memref_squeeze %dma_wait3A_205 : memref<1x1x128xi32, #tpu.memory_space<vmem>> -> memref<128xi32, #tpu.memory_space<vmem>>
        %dma_wait3A_207 = arith.constant 0 : i32
        %dma_wait3A_208 = arith.constant 0 : i32
        %dma_wait3A_209 = tpu.memref_slice %arg14[%dma_wait3A_207, %dma_wait3A_208] : memref<10000x128xf32, #tpu.memory_space<vmem_shared>> -> memref<10000x128xf32, #tpu.memory_space<vmem_shared>>
        tpu.wait_indirect_dma semaphore(%arg17 : memref<!tpu.dma_semaphore, #tpu.memory_space<semaphore_mem>>) src(%arg11 : memref<128x128xf32, #tpu.memory_space<vmem>>) dst(%dma_wait3A_209 : memref<10000x128xf32, #tpu.memory_space<vmem_shared>>)
        %add3A_210 = arith.constant 2 : i32
        %add3A_211 = arith.addi %mul3A_160, %add3A_210 : i32
        %dma_start3A_212 = arith.constant 0 : i32
        %dma_start3A_213 = arith.constant 0 : i32
        %dma_start3A_214 = tpu.memref_slice %arg9[%add3A_211, %dma_start3A_212, %dma_start3A_213] : memref<40x1x128xi32, #tpu.memory_space<vmem>> -> memref<1x1x128xi32, #tpu.memory_space<vmem>>
        %dma_start3A_215 = tpu.memref_squeeze %dma_start3A_214 : memref<1x1x128xi32, #tpu.memory_space<vmem>> -> memref<128xi32, #tpu.memory_space<vmem>>
        %dma_start3A_216 = arith.constant 0 : i32
        %dma_start3A_217 = arith.constant 0 : i32
        %dma_start3A_218 = tpu.memref_slice %arg2[%dma_start3A_216, %dma_start3A_217] : memref<10000x128xf32, #tpu.memory_space<hbm>> -> memref<10000x128xf32, #tpu.memory_space<hbm>>
        tpu.enqueue_indirect_dma source(%dma_start3A_218 : memref<10000x128xf32, #tpu.memory_space<hbm>>) target(%arg11 : memref<128x128xf32, #tpu.memory_space<vmem>>) offsets(%dma_start3A_215 : memref<128xi32, #tpu.memory_space<vmem>>) semaphore(%arg15 : memref<!tpu.dma_semaphore, #tpu.memory_space<semaphore_mem>>)
      } else {
      }
      %add3A_180 = arith.constant 1 : i32
      %add3A_181 = arith.addi %mul3A_160, %add3A_180 : i32
      %dma_wait3A_182 = arith.constant 0 : i32
      %dma_wait3A_183 = arith.constant 0 : i32
      %dma_wait3A_184 = tpu.memref_slice %arg9[%add3A_181, %dma_wait3A_182, %dma_wait3A_183] : memref<40x1x128xi32, #tpu.memory_space<vmem>> -> memref<1x1x128xi32, #tpu.memory_space<vmem>>
      %dma_wait3A_185 = tpu.memref_squeeze %dma_wait3A_184 : memref<1x1x128xi32, #tpu.memory_space<vmem>> -> memref<128xi32, #tpu.memory_space<vmem>>
      %dma_wait3A_186 = arith.constant 0 : i32
      %dma_wait3A_187 = arith.constant 0 : i32
      %dma_wait3A_188 = tpu.memref_slice %arg2[%dma_wait3A_186, %dma_wait3A_187] : memref<10000x128xf32, #tpu.memory_space<hbm>> -> memref<10000x128xf32, #tpu.memory_space<hbm>>
      tpu.wait_indirect_dma semaphore(%arg16 : memref<!tpu.dma_semaphore, #tpu.memory_space<semaphore_mem>>) src(%dma_wait3A_188 : memref<10000x128xf32, #tpu.memory_space<hbm>>) dst(%arg12 : memref<128x128xf32, #tpu.memory_space<vmem>>)
      %add3A_189 = arith.constant 1 : i32
      %add3A_190 = arith.addi %mul3A_160, %add3A_189 : i32
      %dma_start3A_191 = arith.constant 0 : i32
      %dma_start3A_192 = arith.constant 0 : i32
      %dma_start3A_193 = tpu.memref_slice %arg10[%add3A_190, %dma_start3A_191, %dma_start3A_192] : memref<40x1x128xi32, #tpu.memory_space<vmem>> -> memref<1x1x128xi32, #tpu.memory_space<vmem>>
      %dma_start3A_194 = tpu.memref_squeeze %dma_start3A_193 : memref<1x1x128xi32, #tpu.memory_space<vmem>> -> memref<128xi32, #tpu.memory_space<vmem>>
      %dma_start3A_195 = arith.constant 0 : i32
      %dma_start3A_196 = arith.constant 0 : i32
      %dma_start3A_197 = tpu.memref_slice %arg14[%dma_start3A_195, %dma_start3A_196] : memref<10000x128xf32, #tpu.memory_space<vmem_shared>> -> memref<10000x128xf32, #tpu.memory_space<vmem_shared>>
      tpu.enqueue_indirect_dma source(%arg12 : memref<128x128xf32, #tpu.memory_space<vmem>>) target(%dma_start3A_197 : memref<10000x128xf32, #tpu.memory_space<vmem_shared>>) offsets(%dma_start3A_194 : memref<128xi32, #tpu.memory_space<vmem>>) semaphore(%arg18 : memref<!tpu.dma_semaphore, #tpu.memory_space<semaphore_mem>>) {add = true}
      %lt3A_198 = arith.constant 18 : i32
      %lt3A_199 = arith.cmpi slt, %scan3A_158, %lt3A_198 : i32
      %convert_element_type3A_200 = arith.extui %lt3A_199 : i1 to i32
      %cond3A_201 = arith.constant 0 : i32
      %cond3A_202 = arith.cmpi ne, %convert_element_type3A_200, %cond3A_201 : i32
      scf.if %cond3A_202 {
        %add3A_203 = arith.constant 1 : i32
        %add3A_204 = arith.addi %mul3A_160, %add3A_203 : i32
        %dma_wait3A_205 = arith.constant 0 : i32
        %dma_wait3A_206 = arith.constant 0 : i32
        %dma_wait3A_207 = tpu.memref_slice %arg10[%add3A_204, %dma_wait3A_205, %dma_wait3A_206] : memref<40x1x128xi32, #tpu.memory_space<vmem>> -> memref<1x1x128xi32, #tpu.memory_space<vmem>>
        %dma_wait3A_208 = tpu.memref_squeeze %dma_wait3A_207 : memref<1x1x128xi32, #tpu.memory_space<vmem>> -> memref<128xi32, #tpu.memory_space<vmem>>
        %dma_wait3A_209 = arith.constant 0 : i32
        %dma_wait3A_210 = arith.constant 0 : i32
        %dma_wait3A_211 = tpu.memref_slice %arg14[%dma_wait3A_209, %dma_wait3A_210] : memref<10000x128xf32, #tpu.memory_space<vmem_shared>> -> memref<10000x128xf32, #tpu.memory_space<vmem_shared>>
        tpu.wait_indirect_dma semaphore(%arg18 : memref<!tpu.dma_semaphore, #tpu.memory_space<semaphore_mem>>) src(%arg12 : memref<128x128xf32, #tpu.memory_space<vmem>>) dst(%dma_wait3A_211 : memref<10000x128xf32, #tpu.memory_space<vmem_shared>>)
        %add3A_212 = arith.constant 3 : i32
        %add3A_213 = arith.addi %mul3A_160, %add3A_212 : i32
        %dma_start3A_214 = arith.constant 0 : i32
        %dma_start3A_215 = arith.constant 0 : i32
        %dma_start3A_216 = tpu.memref_slice %arg9[%add3A_213, %dma_start3A_214, %dma_start3A_215] : memref<40x1x128xi32, #tpu.memory_space<vmem>> -> memref<1x1x128xi32, #tpu.memory_space<vmem>>
        %dma_start3A_217 = tpu.memref_squeeze %dma_start3A_216 : memref<1x1x128xi32, #tpu.memory_space<vmem>> -> memref<128xi32, #tpu.memory_space<vmem>>
        %dma_start3A_218 = arith.constant 0 : i32
        %dma_start3A_219 = arith.constant 0 : i32
        %dma_start3A_220 = tpu.memref_slice %arg2[%dma_start3A_218, %dma_start3A_219] : memref<10000x128xf32, #tpu.memory_space<hbm>> -> memref<10000x128xf32, #tpu.memory_space<hbm>>
        tpu.enqueue_indirect_dma source(%dma_start3A_220 : memref<10000x128xf32, #tpu.memory_space<hbm>>) target(%arg12 : memref<128x128xf32, #tpu.memory_space<vmem>>) offsets(%dma_start3A_217 : memref<128xi32, #tpu.memory_space<vmem>>) semaphore(%arg16 : memref<!tpu.dma_semaphore, #tpu.memory_space<semaphore_mem>>)
      } else {
      }
    }
    %scan3A_79 = arith.constant 19 : i32
    %dma_wait3A_80 = arith.constant 36 : i32
    %dma_wait3A_81 = arith.constant 0 : i32
    %dma_wait3A_82 = arith.constant 0 : i32
    %dma_wait3A_83 = tpu.memref_slice %arg10[%dma_wait3A_80, %dma_wait3A_81, %dma_wait3A_82] : memref<40x1x128xi32, #tpu.memory_space<vmem>> -> memref<1x1x128xi32, #tpu.memory_space<vmem>>
    %dma_wait3A_84 = tpu.memref_squeeze %dma_wait3A_83 : memref<1x1x128xi32, #tpu.memory_space<vmem>> -> memref<128xi32, #tpu.memory_space<vmem>>
    %dma_wait3A_85 = arith.constant 0 : i32
    %dma_wait3A_86 = arith.constant 0 : i32
    %dma_wait3A_87 = tpu.memref_slice %arg14[%dma_wait3A_85, %dma_wait3A_86] : memref<10000x128xf32, #tpu.memory_space<vmem_shared>> -> memref<10000x128xf32, #tpu.memory_space<vmem_shared>>
    tpu.wait_indirect_dma semaphore(%arg17 : memref<!tpu.dma_semaphore, #tpu.memory_space<semaphore_mem>>) src(%arg11 : memref<128x128xf32, #tpu.memory_space<vmem>>) dst(%dma_wait3A_87 : memref<10000x128xf32, #tpu.memory_space<vmem_shared>>)
    %dma_wait3A_88 = arith.constant 37 : i32
    %dma_wait3A_89 = arith.constant 0 : i32
    %dma_wait3A_90 = arith.constant 0 : i32
    %dma_wait3A_91 = tpu.memref_slice %arg10[%dma_wait3A_88, %dma_wait3A_89, %dma_wait3A_90] : memref<40x1x128xi32, #tpu.memory_space<vmem>> -> memref<1x1x128xi32, #tpu.memory_space<vmem>>
    %dma_wait3A_92 = tpu.memref_squeeze %dma_wait3A_91 : memref<1x1x128xi32, #tpu.memory_space<vmem>> -> memref<128xi32, #tpu.memory_space<vmem>>
    %dma_wait3A_93 = arith.constant 0 : i32
    %dma_wait3A_94 = arith.constant 0 : i32
    %dma_wait3A_95 = tpu.memref_slice %arg14[%dma_wait3A_93, %dma_wait3A_94] : memref<10000x128xf32, #tpu.memory_space<vmem_shared>> -> memref<10000x128xf32, #tpu.memory_space<vmem_shared>>
    tpu.wait_indirect_dma semaphore(%arg18 : memref<!tpu.dma_semaphore, #tpu.memory_space<semaphore_mem>>) src(%arg12 : memref<128x128xf32, #tpu.memory_space<vmem>>) dst(%dma_wait3A_95 : memref<10000x128xf32, #tpu.memory_space<vmem_shared>>)
    %lt3A = arith.constant 4 : i32
    %lt3A_96 = arith.cmpi slt, %add3A, %lt3A : i32
    %convert_element_type3A_97 = arith.extui %lt3A_96 : i1 to i32
    %cond3A_98 = arith.constant 0 : i32
    %cond3A_99 = arith.cmpi ne, %convert_element_type3A_97, %cond3A_98 : i32
    scf.if %cond3A_99 {
      %add3A_158 = arith.constant 78 : i32
      %add3A_159 = arith.addi %add3A_18, %add3A_158 : i32
      "tpu.region"() ({
        %run_scoped3A_179 = tpu.sem_alloc : memref<!tpu.dma_semaphore, #tpu.memory_space<semaphore_mem>>
        %dma_start3A_180 = arith.constant 0 : i32
        %dma_start3A_181 = arith.constant 0 : i32
        %dma_start3A_182 = arith.constant 0 : i32
        %dma_start3A_183 = tpu.memref_slice %arg9[%dma_start3A_180, %dma_start3A_181, %dma_start3A_182] : memref<40x1x128xi32, #tpu.memory_space<vmem>> -> memref<1x1x128xi32, #tpu.memory_space<vmem>>
        %dma_start3A_184 = arith.constant 0 : i32
        %dma_start3A_185 = arith.constant 0 : i32
        %dma_start3A_186 = tpu.memref_slice %arg3[%add3A_159, %dma_start3A_184, %dma_start3A_185] : memref<2560x1x128xi32, #tpu.memory_space<hbm>> -> memref<1x1x128xi32, #tpu.memory_space<hbm>>
        %dma_start3A_187 = arith.constant 0 : i32
        %dma_start3A_188 = arith.constant 0 : i32
        %dma_start3A_189 = arith.constant 0 : i32
        %dma_start3A_190 = tpu.memref_slice %arg9[%dma_start3A_187, %dma_start3A_188, %dma_start3A_189] : memref<40x1x128xi32, #tpu.memory_space<vmem>> -> memref<1x1x128xi32, #tpu.memory_space<vmem>>
        %dma_start3A_191 = arith.constant 0 : i32
        %dma_start3A_192 = arith.constant 0 : i32
        %dma_start3A_193 = tpu.memref_slice %arg3[%add3A_159, %dma_start3A_191, %dma_start3A_192] : memref<2560x1x128xi32, #tpu.memory_space<hbm>> -> memref<1x1x128xi32, #tpu.memory_space<hbm>>
        tpu.enqueue_dma source(%dma_start3A_193 : memref<1x1x128xi32, #tpu.memory_space<hbm>>) target(%dma_start3A_190 : memref<1x1x128xi32, #tpu.memory_space<vmem>>) target_semaphore(%run_scoped3A_179 : memref<!tpu.dma_semaphore, #tpu.memory_space<semaphore_mem>>)
        %dma_wait3A_194 = arith.constant 0 : i32
        %dma_wait3A_195 = arith.constant 0 : i32
        %dma_wait3A_196 = arith.constant 0 : i32
        %dma_wait3A_197 = tpu.memref_slice %arg9[%dma_wait3A_194, %dma_wait3A_195, %dma_wait3A_196] : memref<40x1x128xi32, #tpu.memory_space<vmem>> -> memref<1x1x128xi32, #tpu.memory_space<vmem>>
        %dma_wait3A_198 = arith.constant 0 : i32
        %dma_wait3A_199 = arith.constant 0 : i32
        %dma_wait3A_200 = tpu.memref_slice %arg3[%add3A_159, %dma_wait3A_198, %dma_wait3A_199] : memref<2560x1x128xi32, #tpu.memory_space<hbm>> -> memref<1x1x128xi32, #tpu.memory_space<hbm>>
        %dma_wait3A_201 = arith.constant 0 : i32
        %dma_wait3A_202 = arith.constant 0 : i32
        %dma_wait3A_203 = arith.constant 0 : i32
        %dma_wait3A_204 = tpu.memref_slice %arg9[%dma_wait3A_201, %dma_wait3A_202, %dma_wait3A_203] : memref<40x1x128xi32, #tpu.memory_space<vmem>> -> memref<1x1x128xi32, #tpu.memory_space<vmem>>
        %dma_wait3A_205 = arith.constant 0 : i32
        %dma_wait3A_206 = arith.constant 0 : i32
        %dma_wait3A_207 = tpu.memref_slice %arg3[%add3A_159, %dma_wait3A_205, %dma_wait3A_206] : memref<2560x1x128xi32, #tpu.memory_space<hbm>> -> memref<1x1x128xi32, #tpu.memory_space<hbm>>
        tpu.wait_dma2 semaphore(%run_scoped3A_179 : memref<!tpu.dma_semaphore, #tpu.memory_space<semaphore_mem>>) src(%dma_wait3A_207 : memref<1x1x128xi32, #tpu.memory_space<hbm>>) dst(%dma_wait3A_204 : memref<1x1x128xi32, #tpu.memory_space<vmem>>)
        tpu.yield
      }) : () -> ()
      %add3A_160 = arith.constant 78 : i32
      %add3A_161 = arith.addi %add3A_18, %add3A_160 : i32
      "tpu.region"() ({
        %run_scoped3A_179 = tpu.sem_alloc : memref<!tpu.dma_semaphore, #tpu.memory_space<semaphore_mem>>
        %dma_start3A_180 = arith.constant 0 : i32
        %dma_start3A_181 = arith.constant 0 : i32
        %dma_start3A_182 = arith.constant 0 : i32
        %dma_start3A_183 = tpu.memref_slice %arg10[%dma_start3A_180, %dma_start3A_181, %dma_start3A_182] : memref<40x1x128xi32, #tpu.memory_space<vmem>> -> memref<1x1x128xi32, #tpu.memory_space<vmem>>
        %dma_start3A_184 = arith.constant 0 : i32
        %dma_start3A_185 = arith.constant 0 : i32
        %dma_start3A_186 = tpu.memref_slice %arg4[%add3A_161, %dma_start3A_184, %dma_start3A_185] : memref<2560x1x128xi32, #tpu.memory_space<hbm>> -> memref<1x1x128xi32, #tpu.memory_space<hbm>>
        %dma_start3A_187 = arith.constant 0 : i32
        %dma_start3A_188 = arith.constant 0 : i32
        %dma_start3A_189 = arith.constant 0 : i32
        %dma_start3A_190 = tpu.memref_slice %arg10[%dma_start3A_187, %dma_start3A_188, %dma_start3A_189] : memref<40x1x128xi32, #tpu.memory_space<vmem>> -> memref<1x1x128xi32, #tpu.memory_space<vmem>>
        %dma_start3A_191 = arith.constant 0 : i32
        %dma_start3A_192 = arith.constant 0 : i32
        %dma_start3A_193 = tpu.memref_slice %arg4[%add3A_161, %dma_start3A_191, %dma_start3A_192] : memref<2560x1x128xi32, #tpu.memory_space<hbm>> -> memref<1x1x128xi32, #tpu.memory_space<hbm>>
        tpu.enqueue_dma source(%dma_start3A_193 : memref<1x1x128xi32, #tpu.memory_space<hbm>>) target(%dma_start3A_190 : memref<1x1x128xi32, #tpu.memory_space<vmem>>) target_semaphore(%run_scoped3A_179 : memref<!tpu.dma_semaphore, #tpu.memory_space<semaphore_mem>>)
        %dma_wait3A_194 = arith.constant 0 : i32
        %dma_wait3A_195 = arith.constant 0 : i32
        %dma_wait3A_196 = arith.constant 0 : i32
        %dma_wait3A_197 = tpu.memref_slice %arg10[%dma_wait3A_194, %dma_wait3A_195, %dma_wait3A_196] : memref<40x1x128xi32, #tpu.memory_space<vmem>> -> memref<1x1x128xi32, #tpu.memory_space<vmem>>
        %dma_wait3A_198 = arith.constant 0 : i32
        %dma_wait3A_199 = arith.constant 0 : i32
        %dma_wait3A_200 = tpu.memref_slice %arg4[%add3A_161, %dma_wait3A_198, %dma_wait3A_199] : memref<2560x1x128xi32, #tpu.memory_space<hbm>> -> memref<1x1x128xi32, #tpu.memory_space<hbm>>
        %dma_wait3A_201 = arith.constant 0 : i32
        %dma_wait3A_202 = arith.constant 0 : i32
        %dma_wait3A_203 = arith.constant 0 : i32
        %dma_wait3A_204 = tpu.memref_slice %arg10[%dma_wait3A_201, %dma_wait3A_202, %dma_wait3A_203] : memref<40x1x128xi32, #tpu.memory_space<vmem>> -> memref<1x1x128xi32, #tpu.memory_space<vmem>>
        %dma_wait3A_205 = arith.constant 0 : i32
        %dma_wait3A_206 = arith.constant 0 : i32
        %dma_wait3A_207 = tpu.memref_slice %arg4[%add3A_161, %dma_wait3A_205, %dma_wait3A_206] : memref<2560x1x128xi32, #tpu.memory_space<hbm>> -> memref<1x1x128xi32, #tpu.memory_space<hbm>>
        tpu.wait_dma2 semaphore(%run_scoped3A_179 : memref<!tpu.dma_semaphore, #tpu.memory_space<semaphore_mem>>) src(%dma_wait3A_207 : memref<1x1x128xi32, #tpu.memory_space<hbm>>) dst(%dma_wait3A_204 : memref<1x1x128xi32, #tpu.memory_space<vmem>>)
        tpu.yield
      }) : () -> ()
      %dma_start3A_162 = arith.constant 0 : i32
      %dma_start3A_163 = arith.constant 0 : i32
      %dma_start3A_164 = arith.constant 0 : i32
      %dma_start3A_165 = tpu.memref_slice %arg9[%dma_start3A_162, %dma_start3A_163, %dma_start3A_164] : memref<40x1x128xi32, #tpu.memory_space<vmem>> -> memref<1x1x128xi32, #tpu.memory_space<vmem>>
      %dma_start3A_166 = tpu.memref_squeeze %dma_start3A_165 : memref<1x1x128xi32, #tpu.memory_space<vmem>> -> memref<128xi32, #tpu.memory_space<vmem>>
      %dma_start3A_167 = arith.constant 0 : i32
      %dma_start3A_168 = arith.constant 0 : i32
      %dma_start3A_169 = tpu.memref_slice %arg2[%dma_start3A_167, %dma_start3A_168] : memref<10000x128xf32, #tpu.memory_space<hbm>> -> memref<10000x128xf32, #tpu.memory_space<hbm>>
      tpu.enqueue_indirect_dma source(%dma_start3A_169 : memref<10000x128xf32, #tpu.memory_space<hbm>>) target(%arg11 : memref<128x128xf32, #tpu.memory_space<vmem>>) offsets(%dma_start3A_166 : memref<128xi32, #tpu.memory_space<vmem>>) semaphore(%arg15 : memref<!tpu.dma_semaphore, #tpu.memory_space<semaphore_mem>>)
      %dma_wait3A_170 = arith.constant 0 : i32
      %dma_wait3A_171 = arith.constant 0 : i32
      %dma_wait3A_172 = arith.constant 0 : i32
      %dma_wait3A_173 = tpu.memref_slice %arg9[%dma_wait3A_170, %dma_wait3A_171, %dma_wait3A_172] : memref<40x1x128xi32, #tpu.memory_space<vmem>> -> memref<1x1x128xi32, #tpu.memory_space<vmem>>
      %dma_wait3A_174 = tpu.memref_squeeze %dma_wait3A_173 : memref<1x1x128xi32, #tpu.memory_space<vmem>> -> memref<128xi32, #tpu.memory_space<vmem>>
      %dma_wait3A_175 = arith.constant 0 : i32
      %dma_wait3A_176 = arith.constant 0 : i32
      %dma_wait3A_177 = tpu.memref_slice %arg2[%dma_wait3A_175, %dma_wait3A_176] : memref<10000x128xf32, #tpu.memory_space<hbm>> -> memref<10000x128xf32, #tpu.memory_space<hbm>>
      tpu.wait_indirect_dma semaphore(%arg15 : memref<!tpu.dma_semaphore, #tpu.memory_space<semaphore_mem>>) src(%dma_wait3A_177 : memref<10000x128xf32, #tpu.memory_space<hbm>>) dst(%arg11 : memref<128x128xf32, #tpu.memory_space<vmem>>)
      %run_scoped3A = arith.constant 0 : i32
      %run_scoped3A_178 = arith.constant 0 : i32
      "tpu.region"() ({
        %run_scoped3A_179 = tpu.sem_alloc : memref<!tpu.dma_semaphore, #tpu.memory_space<semaphore_mem>>
        %dma_start3A_180 = arith.constant 0 : i32
        %dma_start3A_181 = tpu.memref_slice %arg10[%run_scoped3A, %run_scoped3A_178, %dma_start3A_180] : memref<40x1x128xi32, #tpu.memory_space<vmem>> -> memref<1x1x128xi32, #tpu.memory_space<vmem>>
        %dma_start3A_182 = tpu.memref_squeeze %dma_start3A_181 : memref<1x1x128xi32, #tpu.memory_space<vmem>> -> memref<128xi32, #tpu.memory_space<vmem>>
        %dma_start3A_183 = arith.constant 0 : i32
        %dma_start3A_184 = arith.constant 0 : i32
        %dma_start3A_185 = tpu.memref_slice %arg14[%dma_start3A_183, %dma_start3A_184] : memref<10000x128xf32, #tpu.memory_space<vmem_shared>> -> memref<10000x128xf32, #tpu.memory_space<vmem_shared>>
        tpu.enqueue_indirect_dma source(%arg11 : memref<128x128xf32, #tpu.memory_space<vmem>>) target(%dma_start3A_185 : memref<10000x128xf32, #tpu.memory_space<vmem_shared>>) offsets(%dma_start3A_182 : memref<128xi32, #tpu.memory_space<vmem>>) semaphore(%run_scoped3A_179 : memref<!tpu.dma_semaphore, #tpu.memory_space<semaphore_mem>>) {add = true}
        %dma_wait3A_186 = arith.constant 0 : i32
        %dma_wait3A_187 = tpu.memref_slice %arg10[%run_scoped3A, %run_scoped3A_178, %dma_wait3A_186] : memref<40x1x128xi32, #tpu.memory_space<vmem>> -> memref<1x1x128xi32, #tpu.memory_space<vmem>>
        %dma_wait3A_188 = tpu.memref_squeeze %dma_wait3A_187 : memref<1x1x128xi32, #tpu.memory_space<vmem>> -> memref<128xi32, #tpu.memory_space<vmem>>
        %dma_wait3A_189 = arith.constant 0 : i32
        %dma_wait3A_190 = arith.constant 0 : i32
        %dma_wait3A_191 = tpu.memref_slice %arg14[%dma_wait3A_189, %dma_wait3A_190] : memref<10000x128xf32, #tpu.memory_space<vmem_shared>> -> memref<10000x128xf32, #tpu.memory_space<vmem_shared>>
        tpu.wait_indirect_dma semaphore(%run_scoped3A_179 : memref<!tpu.dma_semaphore, #tpu.memory_space<semaphore_mem>>) src(%arg11 : memref<128x128xf32, #tpu.memory_space<vmem>>) dst(%dma_wait3A_191 : memref<10000x128xf32, #tpu.memory_space<vmem_shared>>)
        tpu.yield
      }) : () -> ()
    } else {
    }
    %barrier3A_100 = arith.constant 0 : index
    tpu.barrier barrier_id(%barrier3A_100)
    %mul3A_101 = arith.constant 624 : i32
    %mul3A_102 = arith.muli %arg1, %mul3A_101 : i32
    %add3A_103 = arith.constant 0 : i32
    %add3A_104 = arith.addi %mul3A_102, %add3A_103 : i32
    "tpu.region"() ({
      %run_scoped3A = tpu.sem_alloc : memref<!tpu.dma_semaphore, #tpu.memory_space<semaphore_mem>>
      %dma_start3A_158 = tpu.memref_slice %arg5[%add3A_104] : memref<10000xi32, #tpu.memory_space<hbm>> -> memref<128xi32, #tpu.memory_space<hbm>>
      %dma_start3A_159 = tpu.memref_slice %arg5[%add3A_104] : memref<10000xi32, #tpu.memory_space<hbm>> -> memref<128xi32, #tpu.memory_space<hbm>>
      tpu.enqueue_dma source(%dma_start3A_159 : memref<128xi32, #tpu.memory_space<hbm>>) target(%arg8 : memref<128xi32, #tpu.memory_space<vmem>>) target_semaphore(%run_scoped3A : memref<!tpu.dma_semaphore, #tpu.memory_space<semaphore_mem>>)
      %dma_wait3A_160 = tpu.memref_slice %arg5[%add3A_104] : memref<10000xi32, #tpu.memory_space<hbm>> -> memref<128xi32, #tpu.memory_space<hbm>>
      %dma_wait3A_161 = tpu.memref_slice %arg5[%add3A_104] : memref<10000xi32, #tpu.memory_space<hbm>> -> memref<128xi32, #tpu.memory_space<hbm>>
      tpu.wait_dma2 semaphore(%run_scoped3A : memref<!tpu.dma_semaphore, #tpu.memory_space<semaphore_mem>>) src(%dma_wait3A_161 : memref<128xi32, #tpu.memory_space<hbm>>) dst(%arg8 : memref<128xi32, #tpu.memory_space<vmem>>)
      tpu.yield
    }) : () -> ()
    %dma_start3A_105 = arith.constant 0 : i32
    %dma_start3A_106 = arith.constant 0 : i32
    %dma_start3A_107 = tpu.memref_slice %arg14[%dma_start3A_105, %dma_start3A_106] : memref<10000x128xf32, #tpu.memory_space<vmem_shared>> -> memref<10000x128xf32, #tpu.memory_space<vmem_shared>>
    tpu.enqueue_indirect_dma source(%dma_start3A_107 : memref<10000x128xf32, #tpu.memory_space<vmem_shared>>) target(%arg11 : memref<128x128xf32, #tpu.memory_space<vmem>>) offsets(%arg8 : memref<128xi32, #tpu.memory_space<vmem>>) semaphore(%arg15 : memref<!tpu.dma_semaphore, #tpu.memory_space<semaphore_mem>>)
    %dma_wait3A_108 = arith.constant 0 : i32
    %dma_wait3A_109 = arith.constant 0 : i32
    %dma_wait3A_110 = tpu.memref_slice %arg14[%dma_wait3A_108, %dma_wait3A_109] : memref<10000x128xf32, #tpu.memory_space<vmem_shared>> -> memref<10000x128xf32, #tpu.memory_space<vmem_shared>>
    tpu.wait_indirect_dma semaphore(%arg15 : memref<!tpu.dma_semaphore, #tpu.memory_space<semaphore_mem>>) src(%dma_wait3A_110 : memref<10000x128xf32, #tpu.memory_space<vmem_shared>>) dst(%arg11 : memref<128x128xf32, #tpu.memory_space<vmem>>)
    %add3A_111 = arith.constant 0 : i32
    %add3A_112 = arith.addi %mul3A_102, %add3A_111 : i32
    "tpu.region"() ({
      %run_scoped3A = tpu.sem_alloc : memref<!tpu.dma_semaphore, #tpu.memory_space<semaphore_mem>>
      %dma_start3A_158 = arith.constant 0 : i32
      %dma_start3A_159 = tpu.memref_slice %arg7[%arg0, %add3A_112, %dma_start3A_158] : memref<2x10000x128xf32, #tpu.memory_space<hbm>> -> memref<1x128x128xf32, #tpu.memory_space<hbm>>
      %dma_start3A_160 = tpu.memref_squeeze %dma_start3A_159 : memref<1x128x128xf32, #tpu.memory_space<hbm>> -> memref<128x128xf32, #tpu.memory_space<hbm>>
      %dma_start3A_161 = arith.constant 0 : i32
      %dma_start3A_162 = tpu.memref_slice %arg7[%arg0, %add3A_112, %dma_start3A_161] : memref<2x10000x128xf32, #tpu.memory_space<hbm>> -> memref<1x128x128xf32, #tpu.memory_space<hbm>>
      %dma_start3A_163 = tpu.memref_squeeze %dma_start3A_162 : memref<1x128x128xf32, #tpu.memory_space<hbm>> -> memref<128x128xf32, #tpu.memory_space<hbm>>
      tpu.enqueue_dma source(%arg11 : memref<128x128xf32, #tpu.memory_space<vmem>>) target(%dma_start3A_163 : memref<128x128xf32, #tpu.memory_space<hbm>>) target_semaphore(%run_scoped3A : memref<!tpu.dma_semaphore, #tpu.memory_space<semaphore_mem>>)
      %dma_wait3A_164 = arith.constant 0 : i32
      %dma_wait3A_165 = tpu.memref_slice %arg7[%arg0, %add3A_112, %dma_wait3A_164] : memref<2x10000x128xf32, #tpu.memory_space<hbm>> -> memref<1x128x128xf32, #tpu.memory_space<hbm>>
      %dma_wait3A_166 = tpu.memref_squeeze %dma_wait3A_165 : memref<1x128x128xf32, #tpu.memory_space<hbm>> -> memref<128x128xf32, #tpu.memory_space<hbm>>
      %dma_wait3A_167 = arith.constant 0 : i32
      %dma_wait3A_168 = tpu.memref_slice %arg7[%arg0, %add3A_112, %dma_wait3A_167] : memref<2x10000x128xf32, #tpu.memory_space<hbm>> -> memref<1x128x128xf32, #tpu.memory_space<hbm>>
      %dma_wait3A_169 = tpu.memref_squeeze %dma_wait3A_168 : memref<1x128x128xf32, #tpu.memory_space<hbm>> -> memref<128x128xf32, #tpu.memory_space<hbm>>
      tpu.wait_dma2 semaphore(%run_scoped3A : memref<!tpu.dma_semaphore, #tpu.memory_space<semaphore_mem>>) src(%arg11 : memref<128x128xf32, #tpu.memory_space<vmem>>) dst(%dma_wait3A_169 : memref<128x128xf32, #tpu.memory_space<hbm>>)
      tpu.yield
    }) : () -> ()
    %add3A_113 = arith.constant 128 : i32
    %add3A_114 = arith.addi %mul3A_102, %add3A_113 : i32
    "tpu.region"() ({
      %run_scoped3A = tpu.sem_alloc : memref<!tpu.dma_semaphore, #tpu.memory_space<semaphore_mem>>
      %dma_start3A_158 = tpu.memref_slice %arg5[%add3A_114] : memref<10000xi32, #tpu.memory_space<hbm>> -> memref<128xi32, #tpu.memory_space<hbm>>
      %dma_start3A_159 = tpu.memref_slice %arg5[%add3A_114] : memref<10000xi32, #tpu.memory_space<hbm>> -> memref<128xi32, #tpu.memory_space<hbm>>
      tpu.enqueue_dma source(%dma_start3A_159 : memref<128xi32, #tpu.memory_space<hbm>>) target(%arg8 : memref<128xi32, #tpu.memory_space<vmem>>) target_semaphore(%run_scoped3A : memref<!tpu.dma_semaphore, #tpu.memory_space<semaphore_mem>>)
      %dma_wait3A_160 = tpu.memref_slice %arg5[%add3A_114] : memref<10000xi32, #tpu.memory_space<hbm>> -> memref<128xi32, #tpu.memory_space<hbm>>
      %dma_wait3A_161 = tpu.memref_slice %arg5[%add3A_114] : memref<10000xi32, #tpu.memory_space<hbm>> -> memref<128xi32, #tpu.memory_space<hbm>>
      tpu.wait_dma2 semaphore(%run_scoped3A : memref<!tpu.dma_semaphore, #tpu.memory_space<semaphore_mem>>) src(%dma_wait3A_161 : memref<128xi32, #tpu.memory_space<hbm>>) dst(%arg8 : memref<128xi32, #tpu.memory_space<vmem>>)
      tpu.yield
    }) : () -> ()
    %dma_start3A_115 = arith.constant 0 : i32
    %dma_start3A_116 = arith.constant 0 : i32
    %dma_start3A_117 = tpu.memref_slice %arg14[%dma_start3A_115, %dma_start3A_116] : memref<10000x128xf32, #tpu.memory_space<vmem_shared>> -> memref<10000x128xf32, #tpu.memory_space<vmem_shared>>
    tpu.enqueue_indirect_dma source(%dma_start3A_117 : memref<10000x128xf32, #tpu.memory_space<vmem_shared>>) target(%arg11 : memref<128x128xf32, #tpu.memory_space<vmem>>) offsets(%arg8 : memref<128xi32, #tpu.memory_space<vmem>>) semaphore(%arg15 : memref<!tpu.dma_semaphore, #tpu.memory_space<semaphore_mem>>)
    %dma_wait3A_118 = arith.constant 0 : i32
    %dma_wait3A_119 = arith.constant 0 : i32
    %dma_wait3A_120 = tpu.memref_slice %arg14[%dma_wait3A_118, %dma_wait3A_119] : memref<10000x128xf32, #tpu.memory_space<vmem_shared>> -> memref<10000x128xf32, #tpu.memory_space<vmem_shared>>
    tpu.wait_indirect_dma semaphore(%arg15 : memref<!tpu.dma_semaphore, #tpu.memory_space<semaphore_mem>>) src(%dma_wait3A_120 : memref<10000x128xf32, #tpu.memory_space<vmem_shared>>) dst(%arg11 : memref<128x128xf32, #tpu.memory_space<vmem>>)
    %add3A_121 = arith.constant 128 : i32
    %add3A_122 = arith.addi %mul3A_102, %add3A_121 : i32
    "tpu.region"() ({
      %run_scoped3A = tpu.sem_alloc : memref<!tpu.dma_semaphore, #tpu.memory_space<semaphore_mem>>
      %dma_start3A_158 = arith.constant 0 : i32
      %dma_start3A_159 = tpu.memref_slice %arg7[%arg0, %add3A_122, %dma_start3A_158] : memref<2x10000x128xf32, #tpu.memory_space<hbm>> -> memref<1x128x128xf32, #tpu.memory_space<hbm>>
      %dma_start3A_160 = tpu.memref_squeeze %dma_start3A_159 : memref<1x128x128xf32, #tpu.memory_space<hbm>> -> memref<128x128xf32, #tpu.memory_space<hbm>>
      %dma_start3A_161 = arith.constant 0 : i32
      %dma_start3A_162 = tpu.memref_slice %arg7[%arg0, %add3A_122, %dma_start3A_161] : memref<2x10000x128xf32, #tpu.memory_space<hbm>> -> memref<1x128x128xf32, #tpu.memory_space<hbm>>
      %dma_start3A_163 = tpu.memref_squeeze %dma_start3A_162 : memref<1x128x128xf32, #tpu.memory_space<hbm>> -> memref<128x128xf32, #tpu.memory_space<hbm>>
      tpu.enqueue_dma source(%arg11 : memref<128x128xf32, #tpu.memory_space<vmem>>) target(%dma_start3A_163 : memref<128x128xf32, #tpu.memory_space<hbm>>) target_semaphore(%run_scoped3A : memref<!tpu.dma_semaphore, #tpu.memory_space<semaphore_mem>>)
      %dma_wait3A_164 = arith.constant 0 : i32
      %dma_wait3A_165 = tpu.memref_slice %arg7[%arg0, %add3A_122, %dma_wait3A_164] : memref<2x10000x128xf32, #tpu.memory_space<hbm>> -> memref<1x128x128xf32, #tpu.memory_space<hbm>>
      %dma_wait3A_166 = tpu.memref_squeeze %dma_wait3A_165 : memref<1x128x128xf32, #tpu.memory_space<hbm>> -> memref<128x128xf32, #tpu.memory_space<hbm>>
      %dma_wait3A_167 = arith.constant 0 : i32
      %dma_wait3A_168 = tpu.memref_slice %arg7[%arg0, %add3A_122, %dma_wait3A_167] : memref<2x10000x128xf32, #tpu.memory_space<hbm>> -> memref<1x128x128xf32, #tpu.memory_space<hbm>>
      %dma_wait3A_169 = tpu.memref_squeeze %dma_wait3A_168 : memref<1x128x128xf32, #tpu.memory_space<hbm>> -> memref<128x128xf32, #tpu.memory_space<hbm>>
      tpu.wait_dma2 semaphore(%run_scoped3A : memref<!tpu.dma_semaphore, #tpu.memory_space<semaphore_mem>>) src(%arg11 : memref<128x128xf32, #tpu.memory_space<vmem>>) dst(%dma_wait3A_169 : memref<128x128xf32, #tpu.memory_space<hbm>>)
      tpu.yield
    }) : () -> ()
    %add3A_123 = arith.constant 256 : i32
    %add3A_124 = arith.addi %mul3A_102, %add3A_123 : i32
    "tpu.region"() ({
      %run_scoped3A = tpu.sem_alloc : memref<!tpu.dma_semaphore, #tpu.memory_space<semaphore_mem>>
      %dma_start3A_158 = tpu.memref_slice %arg5[%add3A_124] : memref<10000xi32, #tpu.memory_space<hbm>> -> memref<128xi32, #tpu.memory_space<hbm>>
      %dma_start3A_159 = tpu.memref_slice %arg5[%add3A_124] : memref<10000xi32, #tpu.memory_space<hbm>> -> memref<128xi32, #tpu.memory_space<hbm>>
      tpu.enqueue_dma source(%dma_start3A_159 : memref<128xi32, #tpu.memory_space<hbm>>) target(%arg8 : memref<128xi32, #tpu.memory_space<vmem>>) target_semaphore(%run_scoped3A : memref<!tpu.dma_semaphore, #tpu.memory_space<semaphore_mem>>)
      %dma_wait3A_160 = tpu.memref_slice %arg5[%add3A_124] : memref<10000xi32, #tpu.memory_space<hbm>> -> memref<128xi32, #tpu.memory_space<hbm>>
      %dma_wait3A_161 = tpu.memref_slice %arg5[%add3A_124] : memref<10000xi32, #tpu.memory_space<hbm>> -> memref<128xi32, #tpu.memory_space<hbm>>
      tpu.wait_dma2 semaphore(%run_scoped3A : memref<!tpu.dma_semaphore, #tpu.memory_space<semaphore_mem>>) src(%dma_wait3A_161 : memref<128xi32, #tpu.memory_space<hbm>>) dst(%arg8 : memref<128xi32, #tpu.memory_space<vmem>>)
      tpu.yield
    }) : () -> ()
    %dma_start3A_125 = arith.constant 0 : i32
    %dma_start3A_126 = arith.constant 0 : i32
    %dma_start3A_127 = tpu.memref_slice %arg14[%dma_start3A_125, %dma_start3A_126] : memref<10000x128xf32, #tpu.memory_space<vmem_shared>> -> memref<10000x128xf32, #tpu.memory_space<vmem_shared>>
    tpu.enqueue_indirect_dma source(%dma_start3A_127 : memref<10000x128xf32, #tpu.memory_space<vmem_shared>>) target(%arg11 : memref<128x128xf32, #tpu.memory_space<vmem>>) offsets(%arg8 : memref<128xi32, #tpu.memory_space<vmem>>) semaphore(%arg15 : memref<!tpu.dma_semaphore, #tpu.memory_space<semaphore_mem>>)
    %dma_wait3A_128 = arith.constant 0 : i32
    %dma_wait3A_129 = arith.constant 0 : i32
    %dma_wait3A_130 = tpu.memref_slice %arg14[%dma_wait3A_128, %dma_wait3A_129] : memref<10000x128xf32, #tpu.memory_space<vmem_shared>> -> memref<10000x128xf32, #tpu.memory_space<vmem_shared>>
    tpu.wait_indirect_dma semaphore(%arg15 : memref<!tpu.dma_semaphore, #tpu.memory_space<semaphore_mem>>) src(%dma_wait3A_130 : memref<10000x128xf32, #tpu.memory_space<vmem_shared>>) dst(%arg11 : memref<128x128xf32, #tpu.memory_space<vmem>>)
    %add3A_131 = arith.constant 256 : i32
    %add3A_132 = arith.addi %mul3A_102, %add3A_131 : i32
    "tpu.region"() ({
      %run_scoped3A = tpu.sem_alloc : memref<!tpu.dma_semaphore, #tpu.memory_space<semaphore_mem>>
      %dma_start3A_158 = arith.constant 0 : i32
      %dma_start3A_159 = tpu.memref_slice %arg7[%arg0, %add3A_132, %dma_start3A_158] : memref<2x10000x128xf32, #tpu.memory_space<hbm>> -> memref<1x128x128xf32, #tpu.memory_space<hbm>>
      %dma_start3A_160 = tpu.memref_squeeze %dma_start3A_159 : memref<1x128x128xf32, #tpu.memory_space<hbm>> -> memref<128x128xf32, #tpu.memory_space<hbm>>
      %dma_start3A_161 = arith.constant 0 : i32
      %dma_start3A_162 = tpu.memref_slice %arg7[%arg0, %add3A_132, %dma_start3A_161] : memref<2x10000x128xf32, #tpu.memory_space<hbm>> -> memref<1x128x128xf32, #tpu.memory_space<hbm>>
      %dma_start3A_163 = tpu.memref_squeeze %dma_start3A_162 : memref<1x128x128xf32, #tpu.memory_space<hbm>> -> memref<128x128xf32, #tpu.memory_space<hbm>>
      tpu.enqueue_dma source(%arg11 : memref<128x128xf32, #tpu.memory_space<vmem>>) target(%dma_start3A_163 : memref<128x128xf32, #tpu.memory_space<hbm>>) target_semaphore(%run_scoped3A : memref<!tpu.dma_semaphore, #tpu.memory_space<semaphore_mem>>)
      %dma_wait3A_164 = arith.constant 0 : i32
      %dma_wait3A_165 = tpu.memref_slice %arg7[%arg0, %add3A_132, %dma_wait3A_164] : memref<2x10000x128xf32, #tpu.memory_space<hbm>> -> memref<1x128x128xf32, #tpu.memory_space<hbm>>
      %dma_wait3A_166 = tpu.memref_squeeze %dma_wait3A_165 : memref<1x128x128xf32, #tpu.memory_space<hbm>> -> memref<128x128xf32, #tpu.memory_space<hbm>>
      %dma_wait3A_167 = arith.constant 0 : i32
      %dma_wait3A_168 = tpu.memref_slice %arg7[%arg0, %add3A_132, %dma_wait3A_167] : memref<2x10000x128xf32, #tpu.memory_space<hbm>> -> memref<1x128x128xf32, #tpu.memory_space<hbm>>
      %dma_wait3A_169 = tpu.memref_squeeze %dma_wait3A_168 : memref<1x128x128xf32, #tpu.memory_space<hbm>> -> memref<128x128xf32, #tpu.memory_space<hbm>>
      tpu.wait_dma2 semaphore(%run_scoped3A : memref<!tpu.dma_semaphore, #tpu.memory_space<semaphore_mem>>) src(%arg11 : memref<128x128xf32, #tpu.memory_space<vmem>>) dst(%dma_wait3A_169 : memref<128x128xf32, #tpu.memory_space<hbm>>)
      tpu.yield
    }) : () -> ()
    %add3A_133 = arith.constant 384 : i32
    %add3A_134 = arith.addi %mul3A_102, %add3A_133 : i32
    "tpu.region"() ({
      %run_scoped3A = tpu.sem_alloc : memref<!tpu.dma_semaphore, #tpu.memory_space<semaphore_mem>>
      %dma_start3A_158 = tpu.memref_slice %arg5[%add3A_134] : memref<10000xi32, #tpu.memory_space<hbm>> -> memref<128xi32, #tpu.memory_space<hbm>>
      %dma_start3A_159 = tpu.memref_slice %arg5[%add3A_134] : memref<10000xi32, #tpu.memory_space<hbm>> -> memref<128xi32, #tpu.memory_space<hbm>>
      tpu.enqueue_dma source(%dma_start3A_159 : memref<128xi32, #tpu.memory_space<hbm>>) target(%arg8 : memref<128xi32, #tpu.memory_space<vmem>>) target_semaphore(%run_scoped3A : memref<!tpu.dma_semaphore, #tpu.memory_space<semaphore_mem>>)
      %dma_wait3A_160 = tpu.memref_slice %arg5[%add3A_134] : memref<10000xi32, #tpu.memory_space<hbm>> -> memref<128xi32, #tpu.memory_space<hbm>>
      %dma_wait3A_161 = tpu.memref_slice %arg5[%add3A_134] : memref<10000xi32, #tpu.memory_space<hbm>> -> memref<128xi32, #tpu.memory_space<hbm>>
      tpu.wait_dma2 semaphore(%run_scoped3A : memref<!tpu.dma_semaphore, #tpu.memory_space<semaphore_mem>>) src(%dma_wait3A_161 : memref<128xi32, #tpu.memory_space<hbm>>) dst(%arg8 : memref<128xi32, #tpu.memory_space<vmem>>)
      tpu.yield
    }) : () -> ()
    %dma_start3A_135 = arith.constant 0 : i32
    %dma_start3A_136 = arith.constant 0 : i32
    %dma_start3A_137 = tpu.memref_slice %arg14[%dma_start3A_135, %dma_start3A_136] : memref<10000x128xf32, #tpu.memory_space<vmem_shared>> -> memref<10000x128xf32, #tpu.memory_space<vmem_shared>>
    tpu.enqueue_indirect_dma source(%dma_start3A_137 : memref<10000x128xf32, #tpu.memory_space<vmem_shared>>) target(%arg11 : memref<128x128xf32, #tpu.memory_space<vmem>>) offsets(%arg8 : memref<128xi32, #tpu.memory_space<vmem>>) semaphore(%arg15 : memref<!tpu.dma_semaphore, #tpu.memory_space<semaphore_mem>>)
    %dma_wait3A_138 = arith.constant 0 : i32
    %dma_wait3A_139 = arith.constant 0 : i32
    %dma_wait3A_140 = tpu.memref_slice %arg14[%dma_wait3A_138, %dma_wait3A_139] : memref<10000x128xf32, #tpu.memory_space<vmem_shared>> -> memref<10000x128xf32, #tpu.memory_space<vmem_shared>>
    tpu.wait_indirect_dma semaphore(%arg15 : memref<!tpu.dma_semaphore, #tpu.memory_space<semaphore_mem>>) src(%dma_wait3A_140 : memref<10000x128xf32, #tpu.memory_space<vmem_shared>>) dst(%arg11 : memref<128x128xf32, #tpu.memory_space<vmem>>)
    %add3A_141 = arith.constant 384 : i32
    %add3A_142 = arith.addi %mul3A_102, %add3A_141 : i32
    "tpu.region"() ({
      %run_scoped3A = tpu.sem_alloc : memref<!tpu.dma_semaphore, #tpu.memory_space<semaphore_mem>>
      %dma_start3A_158 = arith.constant 0 : i32
      %dma_start3A_159 = tpu.memref_slice %arg7[%arg0, %add3A_142, %dma_start3A_158] : memref<2x10000x128xf32, #tpu.memory_space<hbm>> -> memref<1x128x128xf32, #tpu.memory_space<hbm>>
      %dma_start3A_160 = tpu.memref_squeeze %dma_start3A_159 : memref<1x128x128xf32, #tpu.memory_space<hbm>> -> memref<128x128xf32, #tpu.memory_space<hbm>>
      %dma_start3A_161 = arith.constant 0 : i32
      %dma_start3A_162 = tpu.memref_slice %arg7[%arg0, %add3A_142, %dma_start3A_161] : memref<2x10000x128xf32, #tpu.memory_space<hbm>> -> memref<1x128x128xf32, #tpu.memory_space<hbm>>
      %dma_start3A_163 = tpu.memref_squeeze %dma_start3A_162 : memref<1x128x128xf32, #tpu.memory_space<hbm>> -> memref<128x128xf32, #tpu.memory_space<hbm>>
      tpu.enqueue_dma source(%arg11 : memref<128x128xf32, #tpu.memory_space<vmem>>) target(%dma_start3A_163 : memref<128x128xf32, #tpu.memory_space<hbm>>) target_semaphore(%run_scoped3A : memref<!tpu.dma_semaphore, #tpu.memory_space<semaphore_mem>>)
      %dma_wait3A_164 = arith.constant 0 : i32
      %dma_wait3A_165 = tpu.memref_slice %arg7[%arg0, %add3A_142, %dma_wait3A_164] : memref<2x10000x128xf32, #tpu.memory_space<hbm>> -> memref<1x128x128xf32, #tpu.memory_space<hbm>>
      %dma_wait3A_166 = tpu.memref_squeeze %dma_wait3A_165 : memref<1x128x128xf32, #tpu.memory_space<hbm>> -> memref<128x128xf32, #tpu.memory_space<hbm>>
      %dma_wait3A_167 = arith.constant 0 : i32
      %dma_wait3A_168 = tpu.memref_slice %arg7[%arg0, %add3A_142, %dma_wait3A_167] : memref<2x10000x128xf32, #tpu.memory_space<hbm>> -> memref<1x128x128xf32, #tpu.memory_space<hbm>>
      %dma_wait3A_169 = tpu.memref_squeeze %dma_wait3A_168 : memref<1x128x128xf32, #tpu.memory_space<hbm>> -> memref<128x128xf32, #tpu.memory_space<hbm>>
      tpu.wait_dma2 semaphore(%run_scoped3A : memref<!tpu.dma_semaphore, #tpu.memory_space<semaphore_mem>>) src(%arg11 : memref<128x128xf32, #tpu.memory_space<vmem>>) dst(%dma_wait3A_169 : memref<128x128xf32, #tpu.memory_space<hbm>>)
      tpu.yield
    }) : () -> ()
    %add3A_143 = arith.constant 496 : i32
    %add3A_144 = arith.addi %mul3A_102, %add3A_143 : i32
    "tpu.region"() ({
      %run_scoped3A = tpu.sem_alloc : memref<!tpu.dma_semaphore, #tpu.memory_space<semaphore_mem>>
      %dma_start3A_158 = tpu.memref_slice %arg5[%add3A_144] : memref<10000xi32, #tpu.memory_space<hbm>> -> memref<128xi32, #tpu.memory_space<hbm>>
      %dma_start3A_159 = tpu.memref_slice %arg5[%add3A_144] : memref<10000xi32, #tpu.memory_space<hbm>> -> memref<128xi32, #tpu.memory_space<hbm>>
      tpu.enqueue_dma source(%dma_start3A_159 : memref<128xi32, #tpu.memory_space<hbm>>) target(%arg8 : memref<128xi32, #tpu.memory_space<vmem>>) target_semaphore(%run_scoped3A : memref<!tpu.dma_semaphore, #tpu.memory_space<semaphore_mem>>)
      %dma_wait3A_160 = tpu.memref_slice %arg5[%add3A_144] : memref<10000xi32, #tpu.memory_space<hbm>> -> memref<128xi32, #tpu.memory_space<hbm>>
      %dma_wait3A_161 = tpu.memref_slice %arg5[%add3A_144] : memref<10000xi32, #tpu.memory_space<hbm>> -> memref<128xi32, #tpu.memory_space<hbm>>
      tpu.wait_dma2 semaphore(%run_scoped3A : memref<!tpu.dma_semaphore, #tpu.memory_space<semaphore_mem>>) src(%dma_wait3A_161 : memref<128xi32, #tpu.memory_space<hbm>>) dst(%arg8 : memref<128xi32, #tpu.memory_space<vmem>>)
      tpu.yield
    }) : () -> ()
    %dma_start3A_145 = arith.constant 0 : i32
    %dma_start3A_146 = arith.constant 0 : i32
    %dma_start3A_147 = tpu.memref_slice %arg14[%dma_start3A_145, %dma_start3A_146] : memref<10000x128xf32, #tpu.memory_space<vmem_shared>> -> memref<10000x128xf32, #tpu.memory_space<vmem_shared>>
    tpu.enqueue_indirect_dma source(%dma_start3A_147 : memref<10000x128xf32, #tpu.memory_space<vmem_shared>>) target(%arg11 : memref<128x128xf32, #tpu.memory_space<vmem>>) offsets(%arg8 : memref<128xi32, #tpu.memory_space<vmem>>) semaphore(%arg15 : memref<!tpu.dma_semaphore, #tpu.memory_space<semaphore_mem>>)
    %dma_wait3A_148 = arith.constant 0 : i32
    %dma_wait3A_149 = arith.constant 0 : i32
    %dma_wait3A_150 = tpu.memref_slice %arg14[%dma_wait3A_148, %dma_wait3A_149] : memref<10000x128xf32, #tpu.memory_space<vmem_shared>> -> memref<10000x128xf32, #tpu.memory_space<vmem_shared>>
    tpu.wait_indirect_dma semaphore(%arg15 : memref<!tpu.dma_semaphore, #tpu.memory_space<semaphore_mem>>) src(%dma_wait3A_150 : memref<10000x128xf32, #tpu.memory_space<vmem_shared>>) dst(%arg11 : memref<128x128xf32, #tpu.memory_space<vmem>>)
    %add3A_151 = arith.constant 496 : i32
    %add3A_152 = arith.addi %mul3A_102, %add3A_151 : i32
    "tpu.region"() ({
      %run_scoped3A = tpu.sem_alloc : memref<!tpu.dma_semaphore, #tpu.memory_space<semaphore_mem>>
      %dma_start3A_158 = arith.constant 0 : i32
      %dma_start3A_159 = tpu.memref_slice %arg7[%arg0, %add3A_152, %dma_start3A_158] : memref<2x10000x128xf32, #tpu.memory_space<hbm>> -> memref<1x128x128xf32, #tpu.memory_space<hbm>>
      %dma_start3A_160 = tpu.memref_squeeze %dma_start3A_159 : memref<1x128x128xf32, #tpu.memory_space<hbm>> -> memref<128x128xf32, #tpu.memory_space<hbm>>
      %dma_start3A_161 = arith.constant 0 : i32
      %dma_start3A_162 = tpu.memref_slice %arg7[%arg0, %add3A_152, %dma_start3A_161] : memref<2x10000x128xf32, #tpu.memory_space<hbm>> -> memref<1x128x128xf32, #tpu.memory_space<hbm>>
      %dma_start3A_163 = tpu.memref_squeeze %dma_start3A_162 : memref<1x128x128xf32, #tpu.memory_space<hbm>> -> memref<128x128xf32, #tpu.memory_space<hbm>>
      tpu.enqueue_dma source(%arg11 : memref<128x128xf32, #tpu.memory_space<vmem>>) target(%dma_start3A_163 : memref<128x128xf32, #tpu.memory_space<hbm>>) target_semaphore(%run_scoped3A : memref<!tpu.dma_semaphore, #tpu.memory_space<semaphore_mem>>)
      %dma_wait3A_164 = arith.constant 0 : i32
      %dma_wait3A_165 = tpu.memref_slice %arg7[%arg0, %add3A_152, %dma_wait3A_164] : memref<2x10000x128xf32, #tpu.memory_space<hbm>> -> memref<1x128x128xf32, #tpu.memory_space<hbm>>
      %dma_wait3A_166 = tpu.memref_squeeze %dma_wait3A_165 : memref<1x128x128xf32, #tpu.memory_space<hbm>> -> memref<128x128xf32, #tpu.memory_space<hbm>>
      %dma_wait3A_167 = arith.constant 0 : i32
      %dma_wait3A_168 = tpu.memref_slice %arg7[%arg0, %add3A_152, %dma_wait3A_167] : memref<2x10000x128xf32, #tpu.memory_space<hbm>> -> memref<1x128x128xf32, #tpu.memory_space<hbm>>
      %dma_wait3A_169 = tpu.memref_squeeze %dma_wait3A_168 : memref<1x128x128xf32, #tpu.memory_space<hbm>> -> memref<128x128xf32, #tpu.memory_space<hbm>>
      tpu.wait_dma2 semaphore(%run_scoped3A : memref<!tpu.dma_semaphore, #tpu.memory_space<semaphore_mem>>) src(%arg11 : memref<128x128xf32, #tpu.memory_space<vmem>>) dst(%dma_wait3A_169 : memref<128x128xf32, #tpu.memory_space<hbm>>)
      tpu.yield
    }) : () -> ()
    %eq3A_153 = arith.constant 15 : i32
    %eq3A_154 = arith.cmpi eq, %arg1, %eq3A_153 : i32
    %convert_element_type3A_155 = arith.extui %eq3A_154 : i1 to i32
    %cond3A_156 = arith.constant 0 : i32
    %cond3A_157 = arith.cmpi ne, %convert_element_type3A_155, %cond3A_156 : i32
    scf.if %cond3A_157 {
      "tpu.region"() ({
        %run_scoped3A = tpu.sem_alloc : memref<!tpu.dma_semaphore, #tpu.memory_space<semaphore_mem>>
        %dma_start3A_170 = arith.constant 9984 : i32
        %dma_start3A_171 = tpu.memref_slice %arg5[%dma_start3A_170] : memref<10000xi32, #tpu.memory_space<hbm>> -> memref<16xi32, #tpu.memory_space<hbm>>
        %dma_start3A_172 = arith.constant 9984 : i32
        %dma_start3A_173 = tpu.memref_slice %arg5[%dma_start3A_172] : memref<10000xi32, #tpu.memory_space<hbm>> -> memref<16xi32, #tpu.memory_space<hbm>>
        tpu.enqueue_dma source(%dma_start3A_173 : memref<16xi32, #tpu.memory_space<hbm>>) target(%arg13 : memref<16xi32, #tpu.memory_space<vmem>>) target_semaphore(%run_scoped3A : memref<!tpu.dma_semaphore, #tpu.memory_space<semaphore_mem>>)
        %dma_wait3A_174 = arith.constant 9984 : i32
        %dma_wait3A_175 = tpu.memref_slice %arg5[%dma_wait3A_174] : memref<10000xi32, #tpu.memory_space<hbm>> -> memref<16xi32, #tpu.memory_space<hbm>>
        %dma_wait3A_176 = arith.constant 9984 : i32
        %dma_wait3A_177 = tpu.memref_slice %arg5[%dma_wait3A_176] : memref<10000xi32, #tpu.memory_space<hbm>> -> memref<16xi32, #tpu.memory_space<hbm>>
        tpu.wait_dma2 semaphore(%run_scoped3A : memref<!tpu.dma_semaphore, #tpu.memory_space<semaphore_mem>>) src(%dma_wait3A_177 : memref<16xi32, #tpu.memory_space<hbm>>) dst(%arg13 : memref<16xi32, #tpu.memory_space<vmem>>)
        tpu.yield
      }) : () -> ()
      %dma_start3A_158 = arith.constant 0 : i32
      %dma_start3A_159 = arith.constant 0 : i32
      %dma_start3A_160 = tpu.memref_slice %arg11[%dma_start3A_158, %dma_start3A_159] : memref<128x128xf32, #tpu.memory_space<vmem>> -> memref<16x128xf32, #tpu.memory_space<vmem>>
      %dma_start3A_161 = arith.constant 0 : i32
      %dma_start3A_162 = arith.constant 0 : i32
      %dma_start3A_163 = tpu.memref_slice %arg14[%dma_start3A_161, %dma_start3A_162] : memref<10000x128xf32, #tpu.memory_space<vmem_shared>> -> memref<10000x128xf32, #tpu.memory_space<vmem_shared>>
      tpu.enqueue_indirect_dma source(%dma_start3A_163 : memref<10000x128xf32, #tpu.memory_space<vmem_shared>>) target(%dma_start3A_160 : memref<16x128xf32, #tpu.memory_space<vmem>>) offsets(%arg13 : memref<16xi32, #tpu.memory_space<vmem>>) semaphore(%arg15 : memref<!tpu.dma_semaphore, #tpu.memory_space<semaphore_mem>>)
      %dma_wait3A_164 = arith.constant 0 : i32
      %dma_wait3A_165 = arith.constant 0 : i32
      %dma_wait3A_166 = tpu.memref_slice %arg11[%dma_wait3A_164, %dma_wait3A_165] : memref<128x128xf32, #tpu.memory_space<vmem>> -> memref<16x128xf32, #tpu.memory_space<vmem>>
      %dma_wait3A_167 = arith.constant 0 : i32
      %dma_wait3A_168 = arith.constant 0 : i32
      %dma_wait3A_169 = tpu.memref_slice %arg14[%dma_wait3A_167, %dma_wait3A_168] : memref<10000x128xf32, #tpu.memory_space<vmem_shared>> -> memref<10000x128xf32, #tpu.memory_space<vmem_shared>>
      tpu.wait_indirect_dma semaphore(%arg15 : memref<!tpu.dma_semaphore, #tpu.memory_space<semaphore_mem>>) src(%dma_wait3A_169 : memref<10000x128xf32, #tpu.memory_space<vmem_shared>>) dst(%dma_wait3A_166 : memref<16x128xf32, #tpu.memory_space<vmem>>)
      "tpu.region"() ({
        %run_scoped3A = tpu.sem_alloc : memref<!tpu.dma_semaphore, #tpu.memory_space<semaphore_mem>>
        %dma_start3A_170 = arith.constant 0 : i32
        %dma_start3A_171 = arith.constant 0 : i32
        %dma_start3A_172 = tpu.memref_slice %arg11[%dma_start3A_170, %dma_start3A_171] : memref<128x128xf32, #tpu.memory_space<vmem>> -> memref<16x128xf32, #tpu.memory_space<vmem>>
        %dma_start3A_173 = arith.constant 9984 : i32
        %dma_start3A_174 = arith.constant 0 : i32
        %dma_start3A_175 = tpu.memref_slice %arg7[%arg0, %dma_start3A_173, %dma_start3A_174] : memref<2x10000x128xf32, #tpu.memory_space<hbm>> -> memref<1x16x128xf32, #tpu.memory_space<hbm>>
        %dma_start3A_176 = tpu.memref_squeeze %dma_start3A_175 : memref<1x16x128xf32, #tpu.memory_space<hbm>> -> memref<16x128xf32, #tpu.memory_space<hbm>>
        %dma_start3A_177 = arith.constant 9984 : i32
        %dma_start3A_178 = arith.constant 0 : i32
        %dma_start3A_179 = tpu.memref_slice %arg7[%arg0, %dma_start3A_177, %dma_start3A_178] : memref<2x10000x128xf32, #tpu.memory_space<hbm>> -> memref<1x16x128xf32, #tpu.memory_space<hbm>>
        %dma_start3A_180 = tpu.memref_squeeze %dma_start3A_179 : memref<1x16x128xf32, #tpu.memory_space<hbm>> -> memref<16x128xf32, #tpu.memory_space<hbm>>
        %dma_start3A_181 = arith.constant 0 : i32
        %dma_start3A_182 = arith.constant 0 : i32
        %dma_start3A_183 = tpu.memref_slice %arg11[%dma_start3A_181, %dma_start3A_182] : memref<128x128xf32, #tpu.memory_space<vmem>> -> memref<16x128xf32, #tpu.memory_space<vmem>>
        tpu.enqueue_dma source(%dma_start3A_183 : memref<16x128xf32, #tpu.memory_space<vmem>>) target(%dma_start3A_180 : memref<16x128xf32, #tpu.memory_space<hbm>>) target_semaphore(%run_scoped3A : memref<!tpu.dma_semaphore, #tpu.memory_space<semaphore_mem>>)
        %dma_wait3A_184 = arith.constant 0 : i32
        %dma_wait3A_185 = arith.constant 0 : i32
        %dma_wait3A_186 = tpu.memref_slice %arg11[%dma_wait3A_184, %dma_wait3A_185] : memref<128x128xf32, #tpu.memory_space<vmem>> -> memref<16x128xf32, #tpu.memory_space<vmem>>
        %dma_wait3A_187 = arith.constant 9984 : i32
        %dma_wait3A_188 = arith.constant 0 : i32
        %dma_wait3A_189 = tpu.memref_slice %arg7[%arg0, %dma_wait3A_187, %dma_wait3A_188] : memref<2x10000x128xf32, #tpu.memory_space<hbm>> -> memref<1x16x128xf32, #tpu.memory_space<hbm>>
        %dma_wait3A_190 = tpu.memref_squeeze %dma_wait3A_189 : memref<1x16x128xf32, #tpu.memory_space<hbm>> -> memref<16x128xf32, #tpu.memory_space<hbm>>
        %dma_wait3A_191 = arith.constant 9984 : i32
        %dma_wait3A_192 = arith.constant 0 : i32
        %dma_wait3A_193 = tpu.memref_slice %arg7[%arg0, %dma_wait3A_191, %dma_wait3A_192] : memref<2x10000x128xf32, #tpu.memory_space<hbm>> -> memref<1x16x128xf32, #tpu.memory_space<hbm>>
        %dma_wait3A_194 = tpu.memref_squeeze %dma_wait3A_193 : memref<1x16x128xf32, #tpu.memory_space<hbm>> -> memref<16x128xf32, #tpu.memory_space<hbm>>
        %dma_wait3A_195 = arith.constant 0 : i32
        %dma_wait3A_196 = arith.constant 0 : i32
        %dma_wait3A_197 = tpu.memref_slice %arg11[%dma_wait3A_195, %dma_wait3A_196] : memref<128x128xf32, #tpu.memory_space<vmem>> -> memref<16x128xf32, #tpu.memory_space<vmem>>
        tpu.wait_dma2 semaphore(%run_scoped3A : memref<!tpu.dma_semaphore, #tpu.memory_space<semaphore_mem>>) src(%dma_wait3A_197 : memref<16x128xf32, #tpu.memory_space<vmem>>) dst(%dma_wait3A_194 : memref<16x128xf32, #tpu.memory_space<hbm>>)
        tpu.yield
      }) : () -> ()
    } else {
    }
    return
  }
}

#map = affine_map<(d0, d1) -> (0, 0)>
#map1 = affine_map<(d0, d1) -> (0)>
module attributes {stable_mosaic.version = 14 : i64} {
  func.func @_sc_prep(%arg0: i32, %arg1: i32, %arg2: memref<100000x128xf32, #tpu.memory_space<hbm>>, %arg3: memref<10000xi32, #tpu.memory_space<hbm>>, %arg4: memref<10000x128xf32, #tpu.memory_space<hbm>>, %arg5: memref<128xi32, #tpu.memory_space<vmem>>, %arg6: memref<128x128xf32, #tpu.memory_space<vmem>>, %arg7: memref<!tpu.dma_semaphore, #tpu.memory_space<semaphore_mem>>) attributes {dimension_semantics = [#tpu.dimension_semantics<core_parallel>, #tpu.dimension_semantics<subcore_parallel>], iteration_bounds = array<i64: 2, 16>, scalar_prefetch = 0 : i64, scratch_operands = 3 : i64, tpu.core_type = #tpu.core_type<sc_vector_subcore>, window_params = [{transform_indices = #map}, {transform_indices = #map1}, {transform_indices = #map}]} {
    %mul3A = arith.constant 2 : i32
    %mul3A_0 = arith.muli %arg1, %mul3A : i32
    %add3A = arith.addi %mul3A_0, %arg0 : i32
    %lt3A = arith.constant 14 : i32
    %lt3A_1 = arith.cmpi slt, %add3A, %lt3A : i32
    %jit3A = arith.constant 3 : i32
    %jit3A_2 = arith.constant 2 : i32
    %select_n3A = arith.select %lt3A_1, %jit3A, %jit3A_2 : i32
    %lt3A_3 = arith.constant 14 : i32
    %lt3A_4 = arith.cmpi slt, %add3A, %lt3A_3 : i32
    %mul3A_5 = arith.constant 3 : i32
    %mul3A_6 = arith.muli %mul3A_5, %add3A : i32
    %mul3A_7 = arith.constant 2 : i32
    %mul3A_8 = arith.muli %mul3A_7, %add3A : i32
    %add3A_9 = arith.constant 14 : i32
    %add3A_10 = arith.addi %mul3A_8, %add3A_9 : i32
    %select_n3A_11 = arith.select %lt3A_4, %mul3A_6, %add3A_10 : i32
    %while3A = arith.constant 0 : i32
    %while3A_12 = arith.constant 0 : i32
    %while3A_13 = arith.subi %select_n3A, %while3A_12 : i32
    %while3A_14 = arith.addi %while3A_12, %while3A_13 : i32
    %while3A_15 = arith.constant 1 : i32
    %while3A_16 = arith.divsi %while3A_13, %while3A_15 : i32
    %while3A_17 = arith.muli %while3A_16, %while3A_15 : i32
    %while3A_18 = arith.addi %while3A_12, %while3A_17 : i32
    %while3A_19 = arith.constant 1 : i32
    scf.for %while3A_23 = %while3A_12 to %while3A_18 step %while3A_19  : i32 {
      %add3A_24 = arith.addi %select_n3A_11, %while3A_23 : i32
      %mul3A_25 = arith.constant 128 : i32
      %mul3A_26 = arith.muli %add3A_24, %mul3A_25 : i32
      "tpu.region"() ({
        %run_scoped3A = tpu.sem_alloc : memref<!tpu.dma_semaphore, #tpu.memory_space<semaphore_mem>>
        %dma_start3A_31 = tpu.memref_slice %arg3[%mul3A_26] : memref<10000xi32, #tpu.memory_space<hbm>> -> memref<128xi32, #tpu.memory_space<hbm>>
        %dma_start3A_32 = tpu.memref_slice %arg3[%mul3A_26] : memref<10000xi32, #tpu.memory_space<hbm>> -> memref<128xi32, #tpu.memory_space<hbm>>
        tpu.enqueue_dma source(%dma_start3A_32 : memref<128xi32, #tpu.memory_space<hbm>>) target(%arg5 : memref<128xi32, #tpu.memory_space<vmem>>) target_semaphore(%run_scoped3A : memref<!tpu.dma_semaphore, #tpu.memory_space<semaphore_mem>>)
        %dma_wait3A_33 = tpu.memref_slice %arg3[%mul3A_26] : memref<10000xi32, #tpu.memory_space<hbm>> -> memref<128xi32, #tpu.memory_space<hbm>>
        %dma_wait3A_34 = tpu.memref_slice %arg3[%mul3A_26] : memref<10000xi32, #tpu.memory_space<hbm>> -> memref<128xi32, #tpu.memory_space<hbm>>
        tpu.wait_dma2 semaphore(%run_scoped3A : memref<!tpu.dma_semaphore, #tpu.memory_space<semaphore_mem>>) src(%dma_wait3A_34 : memref<128xi32, #tpu.memory_space<hbm>>) dst(%arg5 : memref<128xi32, #tpu.memory_space<vmem>>)
        tpu.yield
      }) : () -> ()
      %dma_start3A = arith.constant 0 : i32
      %dma_start3A_27 = arith.constant 0 : i32
      %dma_start3A_28 = tpu.memref_slice %arg2[%dma_start3A, %dma_start3A_27] : memref<100000x128xf32, #tpu.memory_space<hbm>> -> memref<100000x128xf32, #tpu.memory_space<hbm>>
      tpu.enqueue_indirect_dma source(%dma_start3A_28 : memref<100000x128xf32, #tpu.memory_space<hbm>>) target(%arg6 : memref<128x128xf32, #tpu.memory_space<vmem>>) offsets(%arg5 : memref<128xi32, #tpu.memory_space<vmem>>) semaphore(%arg7 : memref<!tpu.dma_semaphore, #tpu.memory_space<semaphore_mem>>)
      %dma_wait3A = arith.constant 0 : i32
      %dma_wait3A_29 = arith.constant 0 : i32
      %dma_wait3A_30 = tpu.memref_slice %arg2[%dma_wait3A, %dma_wait3A_29] : memref<100000x128xf32, #tpu.memory_space<hbm>> -> memref<100000x128xf32, #tpu.memory_space<hbm>>
      tpu.wait_indirect_dma semaphore(%arg7 : memref<!tpu.dma_semaphore, #tpu.memory_space<semaphore_mem>>) src(%dma_wait3A_30 : memref<100000x128xf32, #tpu.memory_space<hbm>>) dst(%arg6 : memref<128x128xf32, #tpu.memory_space<vmem>>)
      "tpu.region"() ({
        %run_scoped3A = tpu.sem_alloc : memref<!tpu.dma_semaphore, #tpu.memory_space<semaphore_mem>>
        %dma_start3A_31 = arith.constant 0 : i32
        %dma_start3A_32 = tpu.memref_slice %arg4[%mul3A_26, %dma_start3A_31] : memref<10000x128xf32, #tpu.memory_space<hbm>> -> memref<128x128xf32, #tpu.memory_space<hbm>>
        %dma_start3A_33 = arith.constant 0 : i32
        %dma_start3A_34 = tpu.memref_slice %arg4[%mul3A_26, %dma_start3A_33] : memref<10000x128xf32, #tpu.memory_space<hbm>> -> memref<128x128xf32, #tpu.memory_space<hbm>>
        tpu.enqueue_dma source(%arg6 : memref<128x128xf32, #tpu.memory_space<vmem>>) target(%dma_start3A_34 : memref<128x128xf32, #tpu.memory_space<hbm>>) target_semaphore(%run_scoped3A : memref<!tpu.dma_semaphore, #tpu.memory_space<semaphore_mem>>)
        %dma_wait3A_35 = arith.constant 0 : i32
        %dma_wait3A_36 = tpu.memref_slice %arg4[%mul3A_26, %dma_wait3A_35] : memref<10000x128xf32, #tpu.memory_space<hbm>> -> memref<128x128xf32, #tpu.memory_space<hbm>>
        %dma_wait3A_37 = arith.constant 0 : i32
        %dma_wait3A_38 = tpu.memref_slice %arg4[%mul3A_26, %dma_wait3A_37] : memref<10000x128xf32, #tpu.memory_space<hbm>> -> memref<128x128xf32, #tpu.memory_space<hbm>>
        tpu.wait_dma2 semaphore(%run_scoped3A : memref<!tpu.dma_semaphore, #tpu.memory_space<semaphore_mem>>) src(%arg6 : memref<128x128xf32, #tpu.memory_space<vmem>>) dst(%dma_wait3A_38 : memref<128x128xf32, #tpu.memory_space<hbm>>)
        tpu.yield
      }) : () -> ()
    }
    %while3A_20 = arith.constant 1 : i32
    scf.for %while3A_23 = %while3A_18 to %while3A_14 step %while3A_20  : i32 {
      %add3A_24 = arith.addi %select_n3A_11, %while3A_23 : i32
      %mul3A_25 = arith.constant 128 : i32
      %mul3A_26 = arith.muli %add3A_24, %mul3A_25 : i32
      "tpu.region"() ({
        %run_scoped3A = tpu.sem_alloc : memref<!tpu.dma_semaphore, #tpu.memory_space<semaphore_mem>>
        %dma_start3A_31 = tpu.memref_slice %arg3[%mul3A_26] : memref<10000xi32, #tpu.memory_space<hbm>> -> memref<128xi32, #tpu.memory_space<hbm>>
        %dma_start3A_32 = tpu.memref_slice %arg3[%mul3A_26] : memref<10000xi32, #tpu.memory_space<hbm>> -> memref<128xi32, #tpu.memory_space<hbm>>
        tpu.enqueue_dma source(%dma_start3A_32 : memref<128xi32, #tpu.memory_space<hbm>>) target(%arg5 : memref<128xi32, #tpu.memory_space<vmem>>) target_semaphore(%run_scoped3A : memref<!tpu.dma_semaphore, #tpu.memory_space<semaphore_mem>>)
        %dma_wait3A_33 = tpu.memref_slice %arg3[%mul3A_26] : memref<10000xi32, #tpu.memory_space<hbm>> -> memref<128xi32, #tpu.memory_space<hbm>>
        %dma_wait3A_34 = tpu.memref_slice %arg3[%mul3A_26] : memref<10000xi32, #tpu.memory_space<hbm>> -> memref<128xi32, #tpu.memory_space<hbm>>
        tpu.wait_dma2 semaphore(%run_scoped3A : memref<!tpu.dma_semaphore, #tpu.memory_space<semaphore_mem>>) src(%dma_wait3A_34 : memref<128xi32, #tpu.memory_space<hbm>>) dst(%arg5 : memref<128xi32, #tpu.memory_space<vmem>>)
        tpu.yield
      }) : () -> ()
      %dma_start3A = arith.constant 0 : i32
      %dma_start3A_27 = arith.constant 0 : i32
      %dma_start3A_28 = tpu.memref_slice %arg2[%dma_start3A, %dma_start3A_27] : memref<100000x128xf32, #tpu.memory_space<hbm>> -> memref<100000x128xf32, #tpu.memory_space<hbm>>
      tpu.enqueue_indirect_dma source(%dma_start3A_28 : memref<100000x128xf32, #tpu.memory_space<hbm>>) target(%arg6 : memref<128x128xf32, #tpu.memory_space<vmem>>) offsets(%arg5 : memref<128xi32, #tpu.memory_space<vmem>>) semaphore(%arg7 : memref<!tpu.dma_semaphore, #tpu.memory_space<semaphore_mem>>)
      %dma_wait3A = arith.constant 0 : i32
      %dma_wait3A_29 = arith.constant 0 : i32
      %dma_wait3A_30 = tpu.memref_slice %arg2[%dma_wait3A, %dma_wait3A_29] : memref<100000x128xf32, #tpu.memory_space<hbm>> -> memref<100000x128xf32, #tpu.memory_space<hbm>>
      tpu.wait_indirect_dma semaphore(%arg7 : memref<!tpu.dma_semaphore, #tpu.memory_space<semaphore_mem>>) src(%dma_wait3A_30 : memref<100000x128xf32, #tpu.memory_space<hbm>>) dst(%arg6 : memref<128x128xf32, #tpu.memory_space<vmem>>)
      "tpu.region"() ({
        %run_scoped3A = tpu.sem_alloc : memref<!tpu.dma_semaphore, #tpu.memory_space<semaphore_mem>>
        %dma_start3A_31 = arith.constant 0 : i32
        %dma_start3A_32 = tpu.memref_slice %arg4[%mul3A_26, %dma_start3A_31] : memref<10000x128xf32, #tpu.memory_space<hbm>> -> memref<128x128xf32, #tpu.memory_space<hbm>>
        %dma_start3A_33 = arith.constant 0 : i32
        %dma_start3A_34 = tpu.memref_slice %arg4[%mul3A_26, %dma_start3A_33] : memref<10000x128xf32, #tpu.memory_space<hbm>> -> memref<128x128xf32, #tpu.memory_space<hbm>>
        tpu.enqueue_dma source(%arg6 : memref<128x128xf32, #tpu.memory_space<vmem>>) target(%dma_start3A_34 : memref<128x128xf32, #tpu.memory_space<hbm>>) target_semaphore(%run_scoped3A : memref<!tpu.dma_semaphore, #tpu.memory_space<semaphore_mem>>)
        %dma_wait3A_35 = arith.constant 0 : i32
        %dma_wait3A_36 = tpu.memref_slice %arg4[%mul3A_26, %dma_wait3A_35] : memref<10000x128xf32, #tpu.memory_space<hbm>> -> memref<128x128xf32, #tpu.memory_space<hbm>>
        %dma_wait3A_37 = arith.constant 0 : i32
        %dma_wait3A_38 = tpu.memref_slice %arg4[%mul3A_26, %dma_wait3A_37] : memref<10000x128xf32, #tpu.memory_space<hbm>> -> memref<128x128xf32, #tpu.memory_space<hbm>>
        tpu.wait_dma2 semaphore(%run_scoped3A : memref<!tpu.dma_semaphore, #tpu.memory_space<semaphore_mem>>) src(%arg6 : memref<128x128xf32, #tpu.memory_space<vmem>>) dst(%dma_wait3A_38 : memref<128x128xf32, #tpu.memory_space<hbm>>)
        tpu.yield
      }) : () -> ()
    }
    %eq3A = arith.constant 31 : i32
    %eq3A_21 = arith.cmpi eq, %add3A, %eq3A : i32
    %convert_element_type3A = arith.extui %eq3A_21 : i1 to i32
    %cond3A = arith.constant 0 : i32
    %cond3A_22 = arith.cmpi ne, %convert_element_type3A, %cond3A : i32
    scf.if %cond3A_22 {
      "tpu.region"() ({
        %run_scoped3A = tpu.sem_alloc : memref<!tpu.dma_semaphore, #tpu.memory_space<semaphore_mem>>
        %dma_start3A_37 = arith.constant 0 : i32
        %dma_start3A_38 = tpu.memref_slice %arg5[%dma_start3A_37] : memref<128xi32, #tpu.memory_space<vmem>> -> memref<16xi32, #tpu.memory_space<vmem>>
        %dma_start3A_39 = arith.constant 9984 : i32
        %dma_start3A_40 = tpu.memref_slice %arg3[%dma_start3A_39] : memref<10000xi32, #tpu.memory_space<hbm>> -> memref<16xi32, #tpu.memory_space<hbm>>
        %dma_start3A_41 = arith.constant 0 : i32
        %dma_start3A_42 = tpu.memref_slice %arg5[%dma_start3A_41] : memref<128xi32, #tpu.memory_space<vmem>> -> memref<16xi32, #tpu.memory_space<vmem>>
        %dma_start3A_43 = arith.constant 9984 : i32
        %dma_start3A_44 = tpu.memref_slice %arg3[%dma_start3A_43] : memref<10000xi32, #tpu.memory_space<hbm>> -> memref<16xi32, #tpu.memory_space<hbm>>
        tpu.enqueue_dma source(%dma_start3A_44 : memref<16xi32, #tpu.memory_space<hbm>>) target(%dma_start3A_42 : memref<16xi32, #tpu.memory_space<vmem>>) target_semaphore(%run_scoped3A : memref<!tpu.dma_semaphore, #tpu.memory_space<semaphore_mem>>)
        %dma_wait3A_45 = arith.constant 0 : i32
        %dma_wait3A_46 = tpu.memref_slice %arg5[%dma_wait3A_45] : memref<128xi32, #tpu.memory_space<vmem>> -> memref<16xi32, #tpu.memory_space<vmem>>
        %dma_wait3A_47 = arith.constant 9984 : i32
        %dma_wait3A_48 = tpu.memref_slice %arg3[%dma_wait3A_47] : memref<10000xi32, #tpu.memory_space<hbm>> -> memref<16xi32, #tpu.memory_space<hbm>>
        %dma_wait3A_49 = arith.constant 0 : i32
        %dma_wait3A_50 = tpu.memref_slice %arg5[%dma_wait3A_49] : memref<128xi32, #tpu.memory_space<vmem>> -> memref<16xi32, #tpu.memory_space<vmem>>
        %dma_wait3A_51 = arith.constant 9984 : i32
        %dma_wait3A_52 = tpu.memref_slice %arg3[%dma_wait3A_51] : memref<10000xi32, #tpu.memory_space<hbm>> -> memref<16xi32, #tpu.memory_space<hbm>>
        tpu.wait_dma2 semaphore(%run_scoped3A : memref<!tpu.dma_semaphore, #tpu.memory_space<semaphore_mem>>) src(%dma_wait3A_52 : memref<16xi32, #tpu.memory_space<hbm>>) dst(%dma_wait3A_50 : memref<16xi32, #tpu.memory_space<vmem>>)
        tpu.yield
      }) : () -> ()
      %dma_start3A = arith.constant 0 : i32
      %dma_start3A_23 = arith.constant 0 : i32
      %dma_start3A_24 = tpu.memref_slice %arg6[%dma_start3A, %dma_start3A_23] : memref<128x128xf32, #tpu.memory_space<vmem>> -> memref<16x128xf32, #tpu.memory_space<vmem>>
      %dma_start3A_25 = arith.constant 0 : i32
      %dma_start3A_26 = tpu.memref_slice %arg5[%dma_start3A_25] : memref<128xi32, #tpu.memory_space<vmem>> -> memref<16xi32, #tpu.memory_space<vmem>>
      %dma_start3A_27 = arith.constant 0 : i32
      %dma_start3A_28 = arith.constant 0 : i32
      %dma_start3A_29 = tpu.memref_slice %arg2[%dma_start3A_27, %dma_start3A_28] : memref<100000x128xf32, #tpu.memory_space<hbm>> -> memref<100000x128xf32, #tpu.memory_space<hbm>>
      tpu.enqueue_indirect_dma source(%dma_start3A_29 : memref<100000x128xf32, #tpu.memory_space<hbm>>) target(%dma_start3A_24 : memref<16x128xf32, #tpu.memory_space<vmem>>) offsets(%dma_start3A_26 : memref<16xi32, #tpu.memory_space<vmem>>) semaphore(%arg7 : memref<!tpu.dma_semaphore, #tpu.memory_space<semaphore_mem>>)
      %dma_wait3A = arith.constant 0 : i32
      %dma_wait3A_30 = arith.constant 0 : i32
      %dma_wait3A_31 = tpu.memref_slice %arg6[%dma_wait3A, %dma_wait3A_30] : memref<128x128xf32, #tpu.memory_space<vmem>> -> memref<16x128xf32, #tpu.memory_space<vmem>>
      %dma_wait3A_32 = arith.constant 0 : i32
      %dma_wait3A_33 = tpu.memref_slice %arg5[%dma_wait3A_32] : memref<128xi32, #tpu.memory_space<vmem>> -> memref<16xi32, #tpu.memory_space<vmem>>
      %dma_wait3A_34 = arith.constant 0 : i32
      %dma_wait3A_35 = arith.constant 0 : i32
      %dma_wait3A_36 = tpu.memref_slice %arg2[%dma_wait3A_34, %dma_wait3A_35] : memref<100000x128xf32, #tpu.memory_space<hbm>> -> memref<100000x128xf32, #tpu.memory_space<hbm>>
      tpu.wait_indirect_dma semaphore(%arg7 : memref<!tpu.dma_semaphore, #tpu.memory_space<semaphore_mem>>) src(%dma_wait3A_36 : memref<100000x128xf32, #tpu.memory_space<hbm>>) dst(%dma_wait3A_31 : memref<16x128xf32, #tpu.memory_space<vmem>>)
      "tpu.region"() ({
        %run_scoped3A = tpu.sem_alloc : memref<!tpu.dma_semaphore, #tpu.memory_space<semaphore_mem>>
        %dma_start3A_37 = arith.constant 0 : i32
        %dma_start3A_38 = arith.constant 0 : i32
        %dma_start3A_39 = tpu.memref_slice %arg6[%dma_start3A_37, %dma_start3A_38] : memref<128x128xf32, #tpu.memory_space<vmem>> -> memref<16x128xf32, #tpu.memory_space<vmem>>
        %dma_start3A_40 = arith.constant 9984 : i32
        %dma_start3A_41 = arith.constant 0 : i32
        %dma_start3A_42 = tpu.memref_slice %arg4[%dma_start3A_40, %dma_start3A_41] : memref<10000x128xf32, #tpu.memory_space<hbm>> -> memref<16x128xf32, #tpu.memory_space<hbm>>
        %dma_start3A_43 = arith.constant 9984 : i32
        %dma_start3A_44 = arith.constant 0 : i32
        %dma_start3A_45 = tpu.memref_slice %arg4[%dma_start3A_43, %dma_start3A_44] : memref<10000x128xf32, #tpu.memory_space<hbm>> -> memref<16x128xf32, #tpu.memory_space<hbm>>
        %dma_start3A_46 = arith.constant 0 : i32
        %dma_start3A_47 = arith.constant 0 : i32
        %dma_start3A_48 = tpu.memref_slice %arg6[%dma_start3A_46, %dma_start3A_47] : memref<128x128xf32, #tpu.memory_space<vmem>> -> memref<16x128xf32, #tpu.memory_space<vmem>>
        tpu.enqueue_dma source(%dma_start3A_48 : memref<16x128xf32, #tpu.memory_space<vmem>>) target(%dma_start3A_45 : memref<16x128xf32, #tpu.memory_space<hbm>>) target_semaphore(%run_scoped3A : memref<!tpu.dma_semaphore, #tpu.memory_space<semaphore_mem>>)
        %dma_wait3A_49 = arith.constant 0 : i32
        %dma_wait3A_50 = arith.constant 0 : i32
        %dma_wait3A_51 = tpu.memref_slice %arg6[%dma_wait3A_49, %dma_wait3A_50] : memref<128x128xf32, #tpu.memory_space<vmem>> -> memref<16x128xf32, #tpu.memory_space<vmem>>
        %dma_wait3A_52 = arith.constant 9984 : i32
        %dma_wait3A_53 = arith.constant 0 : i32
        %dma_wait3A_54 = tpu.memref_slice %arg4[%dma_wait3A_52, %dma_wait3A_53] : memref<10000x128xf32, #tpu.memory_space<hbm>> -> memref<16x128xf32, #tpu.memory_space<hbm>>
        %dma_wait3A_55 = arith.constant 9984 : i32
        %dma_wait3A_56 = arith.constant 0 : i32
        %dma_wait3A_57 = tpu.memref_slice %arg4[%dma_wait3A_55, %dma_wait3A_56] : memref<10000x128xf32, #tpu.memory_space<hbm>> -> memref<16x128xf32, #tpu.memory_space<hbm>>
        %dma_wait3A_58 = arith.constant 0 : i32
        %dma_wait3A_59 = arith.constant 0 : i32
        %dma_wait3A_60 = tpu.memref_slice %arg6[%dma_wait3A_58, %dma_wait3A_59] : memref<128x128xf32, #tpu.memory_space<vmem>> -> memref<16x128xf32, #tpu.memory_space<vmem>>
        tpu.wait_dma2 semaphore(%run_scoped3A : memref<!tpu.dma_semaphore, #tpu.memory_space<semaphore_mem>>) src(%dma_wait3A_60 : memref<16x128xf32, #tpu.memory_space<vmem>>) dst(%dma_wait3A_57 : memref<16x128xf32, #tpu.memory_space<hbm>>)
        tpu.yield
      }) : () -> ()
    } else {
    }
    return
  }
}

#map = affine_map<(d0, d1) -> (0, 0)>
#map1 = affine_map<(d0, d1) -> (0, 0, 0)>
#map2 = affine_map<(d0, d1) -> (0)>
module attributes {stable_mosaic.version = 14 : i64} {
  func.func @_sc_agg(%arg0: i32, %arg1: i32, %arg2: memref<10000x128xf32, #tpu.memory_space<hbm>>, %arg3: memref<2560x1x128xi32, #tpu.memory_space<hbm>>, %arg4: memref<2560x1x128xi32, #tpu.memory_space<hbm>>, %arg5: memref<10000xi32, #tpu.memory_space<hbm>>, %arg6: memref<128x128xf32, #tpu.memory_space<hbm>>, %arg7: memref<2x10000x128xf32, #tpu.memory_space<hbm>>, %arg8: memref<128xi32, #tpu.memory_space<vmem>>, %arg9: memref<40x1x128xi32, #tpu.memory_space<vmem>>, %arg10: memref<40x1x128xi32, #tpu.memory_space<vmem>>, %arg11: memref<128x128xf32, #tpu.memory_space<vmem>>, %arg12: memref<128x128xf32, #tpu.memory_space<vmem>>, %arg13: memref<16xi32, #tpu.memory_space<vmem>>, %arg14: memref<10000x128xf32, #tpu.memory_space<vmem_shared>>, %arg15: memref<!tpu.dma_semaphore, #tpu.memory_space<semaphore_mem>>, %arg16: memref<!tpu.dma_semaphore, #tpu.memory_space<semaphore_mem>>, %arg17: memref<!tpu.dma_semaphore, #tpu.memory_space<semaphore_mem>>, %arg18: memref<!tpu.dma_semaphore, #tpu.memory_space<semaphore_mem>>) attributes {dimension_semantics = [#tpu.dimension_semantics<core_parallel>, #tpu.dimension_semantics<subcore_parallel>], iteration_bounds = array<i64: 2, 16>, scalar_prefetch = 0 : i64, scratch_operands = 11 : i64, tpu.core_type = #tpu.core_type<sc_vector_subcore>, window_params = [{transform_indices = #map}, {transform_indices = #map1}, {transform_indices = #map1}, {transform_indices = #map2}, {transform_indices = #map}, {transform_indices = #map1}]} {
    %mul3A = arith.constant 2 : i32
    %mul3A_0 = arith.muli %arg1, %mul3A : i32
    %add3A = arith.addi %mul3A_0, %arg0 : i32
    "tpu.region"() ({
      %run_scoped3A = tpu.sem_alloc : memref<!tpu.dma_semaphore, #tpu.memory_space<semaphore_mem>>
      tpu.enqueue_dma source(%arg6 : memref<128x128xf32, #tpu.memory_space<hbm>>) target(%arg11 : memref<128x128xf32, #tpu.memory_space<vmem>>) target_semaphore(%run_scoped3A : memref<!tpu.dma_semaphore, #tpu.memory_space<semaphore_mem>>)
      tpu.wait_dma2 semaphore(%run_scoped3A : memref<!tpu.dma_semaphore, #tpu.memory_space<semaphore_mem>>) src(%arg6 : memref<128x128xf32, #tpu.memory_space<hbm>>) dst(%arg11 : memref<128x128xf32, #tpu.memory_space<vmem>>)
      tpu.yield
    }) : () -> ()
    %mul3A_1 = arith.constant 624 : i32
    %mul3A_2 = arith.muli %arg1, %mul3A_1 : i32
    %add3A_3 = arith.constant 0 : i32
    %add3A_4 = arith.addi %mul3A_2, %add3A_3 : i32
    "tpu.region"() ({
      %run_scoped3A = tpu.sem_alloc : memref<!tpu.dma_semaphore, #tpu.memory_space<semaphore_mem>>
      %dma_start3A_158 = tpu.memref_slice %arg5[%add3A_4] : memref<10000xi32, #tpu.memory_space<hbm>> -> memref<128xi32, #tpu.memory_space<hbm>>
      %dma_start3A_159 = tpu.memref_slice %arg5[%add3A_4] : memref<10000xi32, #tpu.memory_space<hbm>> -> memref<128xi32, #tpu.memory_space<hbm>>
      tpu.enqueue_dma source(%dma_start3A_159 : memref<128xi32, #tpu.memory_space<hbm>>) target(%arg8 : memref<128xi32, #tpu.memory_space<vmem>>) target_semaphore(%run_scoped3A : memref<!tpu.dma_semaphore, #tpu.memory_space<semaphore_mem>>)
      %dma_wait3A_160 = tpu.memref_slice %arg5[%add3A_4] : memref<10000xi32, #tpu.memory_space<hbm>> -> memref<128xi32, #tpu.memory_space<hbm>>
      %dma_wait3A_161 = tpu.memref_slice %arg5[%add3A_4] : memref<10000xi32, #tpu.memory_space<hbm>> -> memref<128xi32, #tpu.memory_space<hbm>>
      tpu.wait_dma2 semaphore(%run_scoped3A : memref<!tpu.dma_semaphore, #tpu.memory_space<semaphore_mem>>) src(%dma_wait3A_161 : memref<128xi32, #tpu.memory_space<hbm>>) dst(%arg8 : memref<128xi32, #tpu.memory_space<vmem>>)
      tpu.yield
    }) : () -> ()
    "tpu.region"() ({
      %run_scoped3A = tpu.sem_alloc : memref<!tpu.dma_semaphore, #tpu.memory_space<semaphore_mem>>
      %dma_start3A_158 = arith.constant 0 : i32
      %dma_start3A_159 = arith.constant 0 : i32
      %dma_start3A_160 = tpu.memref_slice %arg14[%dma_start3A_158, %dma_start3A_159] : memref<10000x128xf32, #tpu.memory_space<vmem_shared>> -> memref<10000x128xf32, #tpu.memory_space<vmem_shared>>
      tpu.enqueue_indirect_dma source(%arg11 : memref<128x128xf32, #tpu.memory_space<vmem>>) target(%dma_start3A_160 : memref<10000x128xf32, #tpu.memory_space<vmem_shared>>) offsets(%arg8 : memref<128xi32, #tpu.memory_space<vmem>>) semaphore(%run_scoped3A : memref<!tpu.dma_semaphore, #tpu.memory_space<semaphore_mem>>)
      %dma_wait3A_161 = arith.constant 0 : i32
      %dma_wait3A_162 = arith.constant 0 : i32
      %dma_wait3A_163 = tpu.memref_slice %arg14[%dma_wait3A_161, %dma_wait3A_162] : memref<10000x128xf32, #tpu.memory_space<vmem_shared>> -> memref<10000x128xf32, #tpu.memory_space<vmem_shared>>
      tpu.wait_indirect_dma semaphore(%run_scoped3A : memref<!tpu.dma_semaphore, #tpu.memory_space<semaphore_mem>>) src(%arg11 : memref<128x128xf32, #tpu.memory_space<vmem>>) dst(%dma_wait3A_163 : memref<10000x128xf32, #tpu.memory_space<vmem_shared>>)
      tpu.yield
    }) : () -> ()
    %add3A_5 = arith.constant 128 : i32
    %add3A_6 = arith.addi %mul3A_2, %add3A_5 : i32
    "tpu.region"() ({
      %run_scoped3A = tpu.sem_alloc : memref<!tpu.dma_semaphore, #tpu.memory_space<semaphore_mem>>
      %dma_start3A_158 = tpu.memref_slice %arg5[%add3A_6] : memref<10000xi32, #tpu.memory_space<hbm>> -> memref<128xi32, #tpu.memory_space<hbm>>
      %dma_start3A_159 = tpu.memref_slice %arg5[%add3A_6] : memref<10000xi32, #tpu.memory_space<hbm>> -> memref<128xi32, #tpu.memory_space<hbm>>
      tpu.enqueue_dma source(%dma_start3A_159 : memref<128xi32, #tpu.memory_space<hbm>>) target(%arg8 : memref<128xi32, #tpu.memory_space<vmem>>) target_semaphore(%run_scoped3A : memref<!tpu.dma_semaphore, #tpu.memory_space<semaphore_mem>>)
      %dma_wait3A_160 = tpu.memref_slice %arg5[%add3A_6] : memref<10000xi32, #tpu.memory_space<hbm>> -> memref<128xi32, #tpu.memory_space<hbm>>
      %dma_wait3A_161 = tpu.memref_slice %arg5[%add3A_6] : memref<10000xi32, #tpu.memory_space<hbm>> -> memref<128xi32, #tpu.memory_space<hbm>>
      tpu.wait_dma2 semaphore(%run_scoped3A : memref<!tpu.dma_semaphore, #tpu.memory_space<semaphore_mem>>) src(%dma_wait3A_161 : memref<128xi32, #tpu.memory_space<hbm>>) dst(%arg8 : memref<128xi32, #tpu.memory_space<vmem>>)
      tpu.yield
    }) : () -> ()
    "tpu.region"() ({
      %run_scoped3A = tpu.sem_alloc : memref<!tpu.dma_semaphore, #tpu.memory_space<semaphore_mem>>
      %dma_start3A_158 = arith.constant 0 : i32
      %dma_start3A_159 = arith.constant 0 : i32
      %dma_start3A_160 = tpu.memref_slice %arg14[%dma_start3A_158, %dma_start3A_159] : memref<10000x128xf32, #tpu.memory_space<vmem_shared>> -> memref<10000x128xf32, #tpu.memory_space<vmem_shared>>
      tpu.enqueue_indirect_dma source(%arg11 : memref<128x128xf32, #tpu.memory_space<vmem>>) target(%dma_start3A_160 : memref<10000x128xf32, #tpu.memory_space<vmem_shared>>) offsets(%arg8 : memref<128xi32, #tpu.memory_space<vmem>>) semaphore(%run_scoped3A : memref<!tpu.dma_semaphore, #tpu.memory_space<semaphore_mem>>)
      %dma_wait3A_161 = arith.constant 0 : i32
      %dma_wait3A_162 = arith.constant 0 : i32
      %dma_wait3A_163 = tpu.memref_slice %arg14[%dma_wait3A_161, %dma_wait3A_162] : memref<10000x128xf32, #tpu.memory_space<vmem_shared>> -> memref<10000x128xf32, #tpu.memory_space<vmem_shared>>
      tpu.wait_indirect_dma semaphore(%run_scoped3A : memref<!tpu.dma_semaphore, #tpu.memory_space<semaphore_mem>>) src(%arg11 : memref<128x128xf32, #tpu.memory_space<vmem>>) dst(%dma_wait3A_163 : memref<10000x128xf32, #tpu.memory_space<vmem_shared>>)
      tpu.yield
    }) : () -> ()
    %add3A_7 = arith.constant 256 : i32
    %add3A_8 = arith.addi %mul3A_2, %add3A_7 : i32
    "tpu.region"() ({
      %run_scoped3A = tpu.sem_alloc : memref<!tpu.dma_semaphore, #tpu.memory_space<semaphore_mem>>
      %dma_start3A_158 = tpu.memref_slice %arg5[%add3A_8] : memref<10000xi32, #tpu.memory_space<hbm>> -> memref<128xi32, #tpu.memory_space<hbm>>
      %dma_start3A_159 = tpu.memref_slice %arg5[%add3A_8] : memref<10000xi32, #tpu.memory_space<hbm>> -> memref<128xi32, #tpu.memory_space<hbm>>
      tpu.enqueue_dma source(%dma_start3A_159 : memref<128xi32, #tpu.memory_space<hbm>>) target(%arg8 : memref<128xi32, #tpu.memory_space<vmem>>) target_semaphore(%run_scoped3A : memref<!tpu.dma_semaphore, #tpu.memory_space<semaphore_mem>>)
      %dma_wait3A_160 = tpu.memref_slice %arg5[%add3A_8] : memref<10000xi32, #tpu.memory_space<hbm>> -> memref<128xi32, #tpu.memory_space<hbm>>
      %dma_wait3A_161 = tpu.memref_slice %arg5[%add3A_8] : memref<10000xi32, #tpu.memory_space<hbm>> -> memref<128xi32, #tpu.memory_space<hbm>>
      tpu.wait_dma2 semaphore(%run_scoped3A : memref<!tpu.dma_semaphore, #tpu.memory_space<semaphore_mem>>) src(%dma_wait3A_161 : memref<128xi32, #tpu.memory_space<hbm>>) dst(%arg8 : memref<128xi32, #tpu.memory_space<vmem>>)
      tpu.yield
    }) : () -> ()
    "tpu.region"() ({
      %run_scoped3A = tpu.sem_alloc : memref<!tpu.dma_semaphore, #tpu.memory_space<semaphore_mem>>
      %dma_start3A_158 = arith.constant 0 : i32
      %dma_start3A_159 = arith.constant 0 : i32
      %dma_start3A_160 = tpu.memref_slice %arg14[%dma_start3A_158, %dma_start3A_159] : memref<10000x128xf32, #tpu.memory_space<vmem_shared>> -> memref<10000x128xf32, #tpu.memory_space<vmem_shared>>
      tpu.enqueue_indirect_dma source(%arg11 : memref<128x128xf32, #tpu.memory_space<vmem>>) target(%dma_start3A_160 : memref<10000x128xf32, #tpu.memory_space<vmem_shared>>) offsets(%arg8 : memref<128xi32, #tpu.memory_space<vmem>>) semaphore(%run_scoped3A : memref<!tpu.dma_semaphore, #tpu.memory_space<semaphore_mem>>)
      %dma_wait3A_161 = arith.constant 0 : i32
      %dma_wait3A_162 = arith.constant 0 : i32
      %dma_wait3A_163 = tpu.memref_slice %arg14[%dma_wait3A_161, %dma_wait3A_162] : memref<10000x128xf32, #tpu.memory_space<vmem_shared>> -> memref<10000x128xf32, #tpu.memory_space<vmem_shared>>
      tpu.wait_indirect_dma semaphore(%run_scoped3A : memref<!tpu.dma_semaphore, #tpu.memory_space<semaphore_mem>>) src(%arg11 : memref<128x128xf32, #tpu.memory_space<vmem>>) dst(%dma_wait3A_163 : memref<10000x128xf32, #tpu.memory_space<vmem_shared>>)
      tpu.yield
    }) : () -> ()
    %add3A_9 = arith.constant 384 : i32
    %add3A_10 = arith.addi %mul3A_2, %add3A_9 : i32
    "tpu.region"() ({
      %run_scoped3A = tpu.sem_alloc : memref<!tpu.dma_semaphore, #tpu.memory_space<semaphore_mem>>
      %dma_start3A_158 = tpu.memref_slice %arg5[%add3A_10] : memref<10000xi32, #tpu.memory_space<hbm>> -> memref<128xi32, #tpu.memory_space<hbm>>
      %dma_start3A_159 = tpu.memref_slice %arg5[%add3A_10] : memref<10000xi32, #tpu.memory_space<hbm>> -> memref<128xi32, #tpu.memory_space<hbm>>
      tpu.enqueue_dma source(%dma_start3A_159 : memref<128xi32, #tpu.memory_space<hbm>>) target(%arg8 : memref<128xi32, #tpu.memory_space<vmem>>) target_semaphore(%run_scoped3A : memref<!tpu.dma_semaphore, #tpu.memory_space<semaphore_mem>>)
      %dma_wait3A_160 = tpu.memref_slice %arg5[%add3A_10] : memref<10000xi32, #tpu.memory_space<hbm>> -> memref<128xi32, #tpu.memory_space<hbm>>
      %dma_wait3A_161 = tpu.memref_slice %arg5[%add3A_10] : memref<10000xi32, #tpu.memory_space<hbm>> -> memref<128xi32, #tpu.memory_space<hbm>>
      tpu.wait_dma2 semaphore(%run_scoped3A : memref<!tpu.dma_semaphore, #tpu.memory_space<semaphore_mem>>) src(%dma_wait3A_161 : memref<128xi32, #tpu.memory_space<hbm>>) dst(%arg8 : memref<128xi32, #tpu.memory_space<vmem>>)
      tpu.yield
    }) : () -> ()
    "tpu.region"() ({
      %run_scoped3A = tpu.sem_alloc : memref<!tpu.dma_semaphore, #tpu.memory_space<semaphore_mem>>
      %dma_start3A_158 = arith.constant 0 : i32
      %dma_start3A_159 = arith.constant 0 : i32
      %dma_start3A_160 = tpu.memref_slice %arg14[%dma_start3A_158, %dma_start3A_159] : memref<10000x128xf32, #tpu.memory_space<vmem_shared>> -> memref<10000x128xf32, #tpu.memory_space<vmem_shared>>
      tpu.enqueue_indirect_dma source(%arg11 : memref<128x128xf32, #tpu.memory_space<vmem>>) target(%dma_start3A_160 : memref<10000x128xf32, #tpu.memory_space<vmem_shared>>) offsets(%arg8 : memref<128xi32, #tpu.memory_space<vmem>>) semaphore(%run_scoped3A : memref<!tpu.dma_semaphore, #tpu.memory_space<semaphore_mem>>)
      %dma_wait3A_161 = arith.constant 0 : i32
      %dma_wait3A_162 = arith.constant 0 : i32
      %dma_wait3A_163 = tpu.memref_slice %arg14[%dma_wait3A_161, %dma_wait3A_162] : memref<10000x128xf32, #tpu.memory_space<vmem_shared>> -> memref<10000x128xf32, #tpu.memory_space<vmem_shared>>
      tpu.wait_indirect_dma semaphore(%run_scoped3A : memref<!tpu.dma_semaphore, #tpu.memory_space<semaphore_mem>>) src(%arg11 : memref<128x128xf32, #tpu.memory_space<vmem>>) dst(%dma_wait3A_163 : memref<10000x128xf32, #tpu.memory_space<vmem_shared>>)
      tpu.yield
    }) : () -> ()
    %add3A_11 = arith.constant 496 : i32
    %add3A_12 = arith.addi %mul3A_2, %add3A_11 : i32
    "tpu.region"() ({
      %run_scoped3A = tpu.sem_alloc : memref<!tpu.dma_semaphore, #tpu.memory_space<semaphore_mem>>
      %dma_start3A_158 = tpu.memref_slice %arg5[%add3A_12] : memref<10000xi32, #tpu.memory_space<hbm>> -> memref<128xi32, #tpu.memory_space<hbm>>
      %dma_start3A_159 = tpu.memref_slice %arg5[%add3A_12] : memref<10000xi32, #tpu.memory_space<hbm>> -> memref<128xi32, #tpu.memory_space<hbm>>
      tpu.enqueue_dma source(%dma_start3A_159 : memref<128xi32, #tpu.memory_space<hbm>>) target(%arg8 : memref<128xi32, #tpu.memory_space<vmem>>) target_semaphore(%run_scoped3A : memref<!tpu.dma_semaphore, #tpu.memory_space<semaphore_mem>>)
      %dma_wait3A_160 = tpu.memref_slice %arg5[%add3A_12] : memref<10000xi32, #tpu.memory_space<hbm>> -> memref<128xi32, #tpu.memory_space<hbm>>
      %dma_wait3A_161 = tpu.memref_slice %arg5[%add3A_12] : memref<10000xi32, #tpu.memory_space<hbm>> -> memref<128xi32, #tpu.memory_space<hbm>>
      tpu.wait_dma2 semaphore(%run_scoped3A : memref<!tpu.dma_semaphore, #tpu.memory_space<semaphore_mem>>) src(%dma_wait3A_161 : memref<128xi32, #tpu.memory_space<hbm>>) dst(%arg8 : memref<128xi32, #tpu.memory_space<vmem>>)
      tpu.yield
    }) : () -> ()
    "tpu.region"() ({
      %run_scoped3A = tpu.sem_alloc : memref<!tpu.dma_semaphore, #tpu.memory_space<semaphore_mem>>
      %dma_start3A_158 = arith.constant 0 : i32
      %dma_start3A_159 = arith.constant 0 : i32
      %dma_start3A_160 = tpu.memref_slice %arg14[%dma_start3A_158, %dma_start3A_159] : memref<10000x128xf32, #tpu.memory_space<vmem_shared>> -> memref<10000x128xf32, #tpu.memory_space<vmem_shared>>
      tpu.enqueue_indirect_dma source(%arg11 : memref<128x128xf32, #tpu.memory_space<vmem>>) target(%dma_start3A_160 : memref<10000x128xf32, #tpu.memory_space<vmem_shared>>) offsets(%arg8 : memref<128xi32, #tpu.memory_space<vmem>>) semaphore(%run_scoped3A : memref<!tpu.dma_semaphore, #tpu.memory_space<semaphore_mem>>)
      %dma_wait3A_161 = arith.constant 0 : i32
      %dma_wait3A_162 = arith.constant 0 : i32
      %dma_wait3A_163 = tpu.memref_slice %arg14[%dma_wait3A_161, %dma_wait3A_162] : memref<10000x128xf32, #tpu.memory_space<vmem_shared>> -> memref<10000x128xf32, #tpu.memory_space<vmem_shared>>
      tpu.wait_indirect_dma semaphore(%run_scoped3A : memref<!tpu.dma_semaphore, #tpu.memory_space<semaphore_mem>>) src(%arg11 : memref<128x128xf32, #tpu.memory_space<vmem>>) dst(%dma_wait3A_163 : memref<10000x128xf32, #tpu.memory_space<vmem_shared>>)
      tpu.yield
    }) : () -> ()
    %eq3A = arith.constant 15 : i32
    %eq3A_13 = arith.cmpi eq, %arg1, %eq3A : i32
    %convert_element_type3A = arith.extui %eq3A_13 : i1 to i32
    %cond3A = arith.constant 0 : i32
    %cond3A_14 = arith.cmpi ne, %convert_element_type3A, %cond3A : i32
    scf.if %cond3A_14 {
      "tpu.region"() ({
        %run_scoped3A = tpu.sem_alloc : memref<!tpu.dma_semaphore, #tpu.memory_space<semaphore_mem>>
        %dma_start3A_158 = arith.constant 9984 : i32
        %dma_start3A_159 = tpu.memref_slice %arg5[%dma_start3A_158] : memref<10000xi32, #tpu.memory_space<hbm>> -> memref<16xi32, #tpu.memory_space<hbm>>
        %dma_start3A_160 = arith.constant 9984 : i32
        %dma_start3A_161 = tpu.memref_slice %arg5[%dma_start3A_160] : memref<10000xi32, #tpu.memory_space<hbm>> -> memref<16xi32, #tpu.memory_space<hbm>>
        tpu.enqueue_dma source(%dma_start3A_161 : memref<16xi32, #tpu.memory_space<hbm>>) target(%arg13 : memref<16xi32, #tpu.memory_space<vmem>>) target_semaphore(%run_scoped3A : memref<!tpu.dma_semaphore, #tpu.memory_space<semaphore_mem>>)
        %dma_wait3A_162 = arith.constant 9984 : i32
        %dma_wait3A_163 = tpu.memref_slice %arg5[%dma_wait3A_162] : memref<10000xi32, #tpu.memory_space<hbm>> -> memref<16xi32, #tpu.memory_space<hbm>>
        %dma_wait3A_164 = arith.constant 9984 : i32
        %dma_wait3A_165 = tpu.memref_slice %arg5[%dma_wait3A_164] : memref<10000xi32, #tpu.memory_space<hbm>> -> memref<16xi32, #tpu.memory_space<hbm>>
        tpu.wait_dma2 semaphore(%run_scoped3A : memref<!tpu.dma_semaphore, #tpu.memory_space<semaphore_mem>>) src(%dma_wait3A_165 : memref<16xi32, #tpu.memory_space<hbm>>) dst(%arg13 : memref<16xi32, #tpu.memory_space<vmem>>)
        tpu.yield
      }) : () -> ()
      "tpu.region"() ({
        %run_scoped3A = tpu.sem_alloc : memref<!tpu.dma_semaphore, #tpu.memory_space<semaphore_mem>>
        %dma_start3A_158 = arith.constant 0 : i32
        %dma_start3A_159 = arith.constant 0 : i32
        %dma_start3A_160 = tpu.memref_slice %arg11[%dma_start3A_158, %dma_start3A_159] : memref<128x128xf32, #tpu.memory_space<vmem>> -> memref<16x128xf32, #tpu.memory_space<vmem>>
        %dma_start3A_161 = arith.constant 0 : i32
        %dma_start3A_162 = arith.constant 0 : i32
        %dma_start3A_163 = tpu.memref_slice %arg14[%dma_start3A_161, %dma_start3A_162] : memref<10000x128xf32, #tpu.memory_space<vmem_shared>> -> memref<10000x128xf32, #tpu.memory_space<vmem_shared>>
        tpu.enqueue_indirect_dma source(%dma_start3A_160 : memref<16x128xf32, #tpu.memory_space<vmem>>) target(%dma_start3A_163 : memref<10000x128xf32, #tpu.memory_space<vmem_shared>>) offsets(%arg13 : memref<16xi32, #tpu.memory_space<vmem>>) semaphore(%run_scoped3A : memref<!tpu.dma_semaphore, #tpu.memory_space<semaphore_mem>>)
        %dma_wait3A_164 = arith.constant 0 : i32
        %dma_wait3A_165 = arith.constant 0 : i32
        %dma_wait3A_166 = tpu.memref_slice %arg11[%dma_wait3A_164, %dma_wait3A_165] : memref<128x128xf32, #tpu.memory_space<vmem>> -> memref<16x128xf32, #tpu.memory_space<vmem>>
        %dma_wait3A_167 = arith.constant 0 : i32
        %dma_wait3A_168 = arith.constant 0 : i32
        %dma_wait3A_169 = tpu.memref_slice %arg14[%dma_wait3A_167, %dma_wait3A_168] : memref<10000x128xf32, #tpu.memory_space<vmem_shared>> -> memref<10000x128xf32, #tpu.memory_space<vmem_shared>>
        tpu.wait_indirect_dma semaphore(%run_scoped3A : memref<!tpu.dma_semaphore, #tpu.memory_space<semaphore_mem>>) src(%dma_wait3A_166 : memref<16x128xf32, #tpu.memory_space<vmem>>) dst(%dma_wait3A_169 : memref<10000x128xf32, #tpu.memory_space<vmem_shared>>)
        tpu.yield
      }) : () -> ()
    } else {
    }
    %mul3A_15 = arith.constant 78 : i32
    %mul3A_16 = arith.muli %add3A, %mul3A_15 : i32
    %min3A = arith.constant 4 : i32
    %min3A_17 = arith.minsi %add3A, %min3A : i32
    %add3A_18 = arith.addi %mul3A_16, %min3A_17 : i32
    "tpu.region"() ({
      %run_scoped3A = tpu.sem_alloc : memref<!tpu.dma_semaphore, #tpu.memory_space<semaphore_mem>>
      %dma_start3A_158 = arith.constant 0 : i32
      %dma_start3A_159 = arith.constant 0 : i32
      %dma_start3A_160 = tpu.memref_slice %arg3[%add3A_18, %dma_start3A_158, %dma_start3A_159] : memref<2560x1x128xi32, #tpu.memory_space<hbm>> -> memref<40x1x128xi32, #tpu.memory_space<hbm>>
      %dma_start3A_161 = arith.constant 0 : i32
      %dma_start3A_162 = arith.constant 0 : i32
      %dma_start3A_163 = tpu.memref_slice %arg3[%add3A_18, %dma_start3A_161, %dma_start3A_162] : memref<2560x1x128xi32, #tpu.memory_space<hbm>> -> memref<40x1x128xi32, #tpu.memory_space<hbm>>
      tpu.enqueue_dma source(%dma_start3A_163 : memref<40x1x128xi32, #tpu.memory_space<hbm>>) target(%arg9 : memref<40x1x128xi32, #tpu.memory_space<vmem>>) target_semaphore(%run_scoped3A : memref<!tpu.dma_semaphore, #tpu.memory_space<semaphore_mem>>)
      %dma_wait3A_164 = arith.constant 0 : i32
      %dma_wait3A_165 = arith.constant 0 : i32
      %dma_wait3A_166 = tpu.memref_slice %arg3[%add3A_18, %dma_wait3A_164, %dma_wait3A_165] : memref<2560x1x128xi32, #tpu.memory_space<hbm>> -> memref<40x1x128xi32, #tpu.memory_space<hbm>>
      %dma_wait3A_167 = arith.constant 0 : i32
      %dma_wait3A_168 = arith.constant 0 : i32
      %dma_wait3A_169 = tpu.memref_slice %arg3[%add3A_18, %dma_wait3A_167, %dma_wait3A_168] : memref<2560x1x128xi32, #tpu.memory_space<hbm>> -> memref<40x1x128xi32, #tpu.memory_space<hbm>>
      tpu.wait_dma2 semaphore(%run_scoped3A : memref<!tpu.dma_semaphore, #tpu.memory_space<semaphore_mem>>) src(%dma_wait3A_169 : memref<40x1x128xi32, #tpu.memory_space<hbm>>) dst(%arg9 : memref<40x1x128xi32, #tpu.memory_space<vmem>>)
      tpu.yield
    }) : () -> ()
    "tpu.region"() ({
      %run_scoped3A = tpu.sem_alloc : memref<!tpu.dma_semaphore, #tpu.memory_space<semaphore_mem>>
      %dma_start3A_158 = arith.constant 0 : i32
      %dma_start3A_159 = arith.constant 0 : i32
      %dma_start3A_160 = tpu.memref_slice %arg4[%add3A_18, %dma_start3A_158, %dma_start3A_159] : memref<2560x1x128xi32, #tpu.memory_space<hbm>> -> memref<40x1x128xi32, #tpu.memory_space<hbm>>
      %dma_start3A_161 = arith.constant 0 : i32
      %dma_start3A_162 = arith.constant 0 : i32
      %dma_start3A_163 = tpu.memref_slice %arg4[%add3A_18, %dma_start3A_161, %dma_start3A_162] : memref<2560x1x128xi32, #tpu.memory_space<hbm>> -> memref<40x1x128xi32, #tpu.memory_space<hbm>>
      tpu.enqueue_dma source(%dma_start3A_163 : memref<40x1x128xi32, #tpu.memory_space<hbm>>) target(%arg10 : memref<40x1x128xi32, #tpu.memory_space<vmem>>) target_semaphore(%run_scoped3A : memref<!tpu.dma_semaphore, #tpu.memory_space<semaphore_mem>>)
      %dma_wait3A_164 = arith.constant 0 : i32
      %dma_wait3A_165 = arith.constant 0 : i32
      %dma_wait3A_166 = tpu.memref_slice %arg4[%add3A_18, %dma_wait3A_164, %dma_wait3A_165] : memref<2560x1x128xi32, #tpu.memory_space<hbm>> -> memref<40x1x128xi32, #tpu.memory_space<hbm>>
      %dma_wait3A_167 = arith.constant 0 : i32
      %dma_wait3A_168 = arith.constant 0 : i32
      %dma_wait3A_169 = tpu.memref_slice %arg4[%add3A_18, %dma_wait3A_167, %dma_wait3A_168] : memref<2560x1x128xi32, #tpu.memory_space<hbm>> -> memref<40x1x128xi32, #tpu.memory_space<hbm>>
      tpu.wait_dma2 semaphore(%run_scoped3A : memref<!tpu.dma_semaphore, #tpu.memory_space<semaphore_mem>>) src(%dma_wait3A_169 : memref<40x1x128xi32, #tpu.memory_space<hbm>>) dst(%arg10 : memref<40x1x128xi32, #tpu.memory_space<vmem>>)
      tpu.yield
    }) : () -> ()
    %barrier3A = arith.constant 0 : index
    tpu.barrier barrier_id(%barrier3A)
    %dma_start3A = arith.constant 0 : i32
    %dma_start3A_19 = arith.constant 0 : i32
    %dma_start3A_20 = arith.constant 0 : i32
    %dma_start3A_21 = tpu.memref_slice %arg9[%dma_start3A, %dma_start3A_19, %dma_start3A_20] : memref<40x1x128xi32, #tpu.memory_space<vmem>> -> memref<1x1x128xi32, #tpu.memory_space<vmem>>
    %dma_start3A_22 = tpu.memref_squeeze %dma_start3A_21 : memref<1x1x128xi32, #tpu.memory_space<vmem>> -> memref<128xi32, #tpu.memory_space<vmem>>
    %dma_start3A_23 = arith.constant 0 : i32
    %dma_start3A_24 = arith.constant 0 : i32
    %dma_start3A_25 = tpu.memref_slice %arg2[%dma_start3A_23, %dma_start3A_24] : memref<10000x128xf32, #tpu.memory_space<hbm>> -> memref<10000x128xf32, #tpu.memory_space<hbm>>
    tpu.enqueue_indirect_dma source(%dma_start3A_25 : memref<10000x128xf32, #tpu.memory_space<hbm>>) target(%arg11 : memref<128x128xf32, #tpu.memory_space<vmem>>) offsets(%dma_start3A_22 : memref<128xi32, #tpu.memory_space<vmem>>) semaphore(%arg15 : memref<!tpu.dma_semaphore, #tpu.memory_space<semaphore_mem>>)
    %dma_start3A_26 = arith.constant 1 : i32
    %dma_start3A_27 = arith.constant 0 : i32
    %dma_start3A_28 = arith.constant 0 : i32
    %dma_start3A_29 = tpu.memref_slice %arg9[%dma_start3A_26, %dma_start3A_27, %dma_start3A_28] : memref<40x1x128xi32, #tpu.memory_space<vmem>> -> memref<1x1x128xi32, #tpu.memory_space<vmem>>
    %dma_start3A_30 = tpu.memref_squeeze %dma_start3A_29 : memref<1x1x128xi32, #tpu.memory_space<vmem>> -> memref<128xi32, #tpu.memory_space<vmem>>
    %dma_start3A_31 = arith.constant 0 : i32
    %dma_start3A_32 = arith.constant 0 : i32
    %dma_start3A_33 = tpu.memref_slice %arg2[%dma_start3A_31, %dma_start3A_32] : memref<10000x128xf32, #tpu.memory_space<hbm>> -> memref<10000x128xf32, #tpu.memory_space<hbm>>
    tpu.enqueue_indirect_dma source(%dma_start3A_33 : memref<10000x128xf32, #tpu.memory_space<hbm>>) target(%arg12 : memref<128x128xf32, #tpu.memory_space<vmem>>) offsets(%dma_start3A_30 : memref<128xi32, #tpu.memory_space<vmem>>) semaphore(%arg16 : memref<!tpu.dma_semaphore, #tpu.memory_space<semaphore_mem>>)
    %scan3A = arith.constant 0 : i32
    %scan3A_34 = arith.constant 0 : i32
    %scan3A_35 = arith.constant 20 : i32
    %scan3A_36 = arith.addi %scan3A_34, %scan3A_35 : i32
    %scan3A_37 = arith.constant 1 : i32
    scf.for %scan3A_158 = %scan3A_34 to %scan3A_36 step %scan3A_37  : i32 {
      %mul3A_159 = arith.constant 2 : i32
      %mul3A_160 = arith.muli %mul3A_159, %scan3A_158 : i32
      %dma_wait3A_161 = arith.constant 0 : i32
      %dma_wait3A_162 = arith.constant 0 : i32
      %dma_wait3A_163 = tpu.memref_slice %arg9[%mul3A_160, %dma_wait3A_161, %dma_wait3A_162] : memref<40x1x128xi32, #tpu.memory_space<vmem>> -> memref<1x1x128xi32, #tpu.memory_space<vmem>>
      %dma_wait3A_164 = tpu.memref_squeeze %dma_wait3A_163 : memref<1x1x128xi32, #tpu.memory_space<vmem>> -> memref<128xi32, #tpu.memory_space<vmem>>
      %dma_wait3A_165 = arith.constant 0 : i32
      %dma_wait3A_166 = arith.constant 0 : i32
      %dma_wait3A_167 = tpu.memref_slice %arg2[%dma_wait3A_165, %dma_wait3A_166] : memref<10000x128xf32, #tpu.memory_space<hbm>> -> memref<10000x128xf32, #tpu.memory_space<hbm>>
      tpu.wait_indirect_dma semaphore(%arg15 : memref<!tpu.dma_semaphore, #tpu.memory_space<semaphore_mem>>) src(%dma_wait3A_167 : memref<10000x128xf32, #tpu.memory_space<hbm>>) dst(%arg11 : memref<128x128xf32, #tpu.memory_space<vmem>>)
      %dma_start3A_168 = arith.constant 0 : i32
      %dma_start3A_169 = arith.constant 0 : i32
      %dma_start3A_170 = tpu.memref_slice %arg10[%mul3A_160, %dma_start3A_168, %dma_start3A_169] : memref<40x1x128xi32, #tpu.memory_space<vmem>> -> memref<1x1x128xi32, #tpu.memory_space<vmem>>
      %dma_start3A_171 = tpu.memref_squeeze %dma_start3A_170 : memref<1x1x128xi32, #tpu.memory_space<vmem>> -> memref<128xi32, #tpu.memory_space<vmem>>
      %dma_start3A_172 = arith.constant 0 : i32
      %dma_start3A_173 = arith.constant 0 : i32
      %dma_start3A_174 = tpu.memref_slice %arg14[%dma_start3A_172, %dma_start3A_173] : memref<10000x128xf32, #tpu.memory_space<vmem_shared>> -> memref<10000x128xf32, #tpu.memory_space<vmem_shared>>
      tpu.enqueue_indirect_dma source(%arg11 : memref<128x128xf32, #tpu.memory_space<vmem>>) target(%dma_start3A_174 : memref<10000x128xf32, #tpu.memory_space<vmem_shared>>) offsets(%dma_start3A_171 : memref<128xi32, #tpu.memory_space<vmem>>) semaphore(%arg17 : memref<!tpu.dma_semaphore, #tpu.memory_space<semaphore_mem>>) {add = true}
      %lt3A_175 = arith.constant 19 : i32
      %lt3A_176 = arith.cmpi slt, %scan3A_158, %lt3A_175 : i32
      %convert_element_type3A_177 = arith.extui %lt3A_176 : i1 to i32
      %cond3A_178 = arith.constant 0 : i32
      %cond3A_179 = arith.cmpi ne, %convert_element_type3A_177, %cond3A_178 : i32
      scf.if %cond3A_179 {
        %dma_wait3A_203 = arith.constant 0 : i32
        %dma_wait3A_204 = arith.constant 0 : i32
        %dma_wait3A_205 = tpu.memref_slice %arg10[%mul3A_160, %dma_wait3A_203, %dma_wait3A_204] : memref<40x1x128xi32, #tpu.memory_space<vmem>> -> memref<1x1x128xi32, #tpu.memory_space<vmem>>
        %dma_wait3A_206 = tpu.memref_squeeze %dma_wait3A_205 : memref<1x1x128xi32, #tpu.memory_space<vmem>> -> memref<128xi32, #tpu.memory_space<vmem>>
        %dma_wait3A_207 = arith.constant 0 : i32
        %dma_wait3A_208 = arith.constant 0 : i32
        %dma_wait3A_209 = tpu.memref_slice %arg14[%dma_wait3A_207, %dma_wait3A_208] : memref<10000x128xf32, #tpu.memory_space<vmem_shared>> -> memref<10000x128xf32, #tpu.memory_space<vmem_shared>>
        tpu.wait_indirect_dma semaphore(%arg17 : memref<!tpu.dma_semaphore, #tpu.memory_space<semaphore_mem>>) src(%arg11 : memref<128x128xf32, #tpu.memory_space<vmem>>) dst(%dma_wait3A_209 : memref<10000x128xf32, #tpu.memory_space<vmem_shared>>)
        %add3A_210 = arith.constant 2 : i32
        %add3A_211 = arith.addi %mul3A_160, %add3A_210 : i32
        %dma_start3A_212 = arith.constant 0 : i32
        %dma_start3A_213 = arith.constant 0 : i32
        %dma_start3A_214 = tpu.memref_slice %arg9[%add3A_211, %dma_start3A_212, %dma_start3A_213] : memref<40x1x128xi32, #tpu.memory_space<vmem>> -> memref<1x1x128xi32, #tpu.memory_space<vmem>>
        %dma_start3A_215 = tpu.memref_squeeze %dma_start3A_214 : memref<1x1x128xi32, #tpu.memory_space<vmem>> -> memref<128xi32, #tpu.memory_space<vmem>>
        %dma_start3A_216 = arith.constant 0 : i32
        %dma_start3A_217 = arith.constant 0 : i32
        %dma_start3A_218 = tpu.memref_slice %arg2[%dma_start3A_216, %dma_start3A_217] : memref<10000x128xf32, #tpu.memory_space<hbm>> -> memref<10000x128xf32, #tpu.memory_space<hbm>>
        tpu.enqueue_indirect_dma source(%dma_start3A_218 : memref<10000x128xf32, #tpu.memory_space<hbm>>) target(%arg11 : memref<128x128xf32, #tpu.memory_space<vmem>>) offsets(%dma_start3A_215 : memref<128xi32, #tpu.memory_space<vmem>>) semaphore(%arg15 : memref<!tpu.dma_semaphore, #tpu.memory_space<semaphore_mem>>)
      } else {
      }
      %add3A_180 = arith.constant 1 : i32
      %add3A_181 = arith.addi %mul3A_160, %add3A_180 : i32
      %dma_wait3A_182 = arith.constant 0 : i32
      %dma_wait3A_183 = arith.constant 0 : i32
      %dma_wait3A_184 = tpu.memref_slice %arg9[%add3A_181, %dma_wait3A_182, %dma_wait3A_183] : memref<40x1x128xi32, #tpu.memory_space<vmem>> -> memref<1x1x128xi32, #tpu.memory_space<vmem>>
      %dma_wait3A_185 = tpu.memref_squeeze %dma_wait3A_184 : memref<1x1x128xi32, #tpu.memory_space<vmem>> -> memref<128xi32, #tpu.memory_space<vmem>>
      %dma_wait3A_186 = arith.constant 0 : i32
      %dma_wait3A_187 = arith.constant 0 : i32
      %dma_wait3A_188 = tpu.memref_slice %arg2[%dma_wait3A_186, %dma_wait3A_187] : memref<10000x128xf32, #tpu.memory_space<hbm>> -> memref<10000x128xf32, #tpu.memory_space<hbm>>
      tpu.wait_indirect_dma semaphore(%arg16 : memref<!tpu.dma_semaphore, #tpu.memory_space<semaphore_mem>>) src(%dma_wait3A_188 : memref<10000x128xf32, #tpu.memory_space<hbm>>) dst(%arg12 : memref<128x128xf32, #tpu.memory_space<vmem>>)
      %add3A_189 = arith.constant 1 : i32
      %add3A_190 = arith.addi %mul3A_160, %add3A_189 : i32
      %dma_start3A_191 = arith.constant 0 : i32
      %dma_start3A_192 = arith.constant 0 : i32
      %dma_start3A_193 = tpu.memref_slice %arg10[%add3A_190, %dma_start3A_191, %dma_start3A_192] : memref<40x1x128xi32, #tpu.memory_space<vmem>> -> memref<1x1x128xi32, #tpu.memory_space<vmem>>
      %dma_start3A_194 = tpu.memref_squeeze %dma_start3A_193 : memref<1x1x128xi32, #tpu.memory_space<vmem>> -> memref<128xi32, #tpu.memory_space<vmem>>
      %dma_start3A_195 = arith.constant 0 : i32
      %dma_start3A_196 = arith.constant 0 : i32
      %dma_start3A_197 = tpu.memref_slice %arg14[%dma_start3A_195, %dma_start3A_196] : memref<10000x128xf32, #tpu.memory_space<vmem_shared>> -> memref<10000x128xf32, #tpu.memory_space<vmem_shared>>
      tpu.enqueue_indirect_dma source(%arg12 : memref<128x128xf32, #tpu.memory_space<vmem>>) target(%dma_start3A_197 : memref<10000x128xf32, #tpu.memory_space<vmem_shared>>) offsets(%dma_start3A_194 : memref<128xi32, #tpu.memory_space<vmem>>) semaphore(%arg18 : memref<!tpu.dma_semaphore, #tpu.memory_space<semaphore_mem>>) {add = true}
      %lt3A_198 = arith.constant 19 : i32
      %lt3A_199 = arith.cmpi slt, %scan3A_158, %lt3A_198 : i32
      %convert_element_type3A_200 = arith.extui %lt3A_199 : i1 to i32
      %cond3A_201 = arith.constant 0 : i32
      %cond3A_202 = arith.cmpi ne, %convert_element_type3A_200, %cond3A_201 : i32
      scf.if %cond3A_202 {
        %add3A_203 = arith.constant 1 : i32
        %add3A_204 = arith.addi %mul3A_160, %add3A_203 : i32
        %dma_wait3A_205 = arith.constant 0 : i32
        %dma_wait3A_206 = arith.constant 0 : i32
        %dma_wait3A_207 = tpu.memref_slice %arg10[%add3A_204, %dma_wait3A_205, %dma_wait3A_206] : memref<40x1x128xi32, #tpu.memory_space<vmem>> -> memref<1x1x128xi32, #tpu.memory_space<vmem>>
        %dma_wait3A_208 = tpu.memref_squeeze %dma_wait3A_207 : memref<1x1x128xi32, #tpu.memory_space<vmem>> -> memref<128xi32, #tpu.memory_space<vmem>>
        %dma_wait3A_209 = arith.constant 0 : i32
        %dma_wait3A_210 = arith.constant 0 : i32
        %dma_wait3A_211 = tpu.memref_slice %arg14[%dma_wait3A_209, %dma_wait3A_210] : memref<10000x128xf32, #tpu.memory_space<vmem_shared>> -> memref<10000x128xf32, #tpu.memory_space<vmem_shared>>
        tpu.wait_indirect_dma semaphore(%arg18 : memref<!tpu.dma_semaphore, #tpu.memory_space<semaphore_mem>>) src(%arg12 : memref<128x128xf32, #tpu.memory_space<vmem>>) dst(%dma_wait3A_211 : memref<10000x128xf32, #tpu.memory_space<vmem_shared>>)
        %add3A_212 = arith.constant 3 : i32
        %add3A_213 = arith.addi %mul3A_160, %add3A_212 : i32
        %dma_start3A_214 = arith.constant 0 : i32
        %dma_start3A_215 = arith.constant 0 : i32
        %dma_start3A_216 = tpu.memref_slice %arg9[%add3A_213, %dma_start3A_214, %dma_start3A_215] : memref<40x1x128xi32, #tpu.memory_space<vmem>> -> memref<1x1x128xi32, #tpu.memory_space<vmem>>
        %dma_start3A_217 = tpu.memref_squeeze %dma_start3A_216 : memref<1x1x128xi32, #tpu.memory_space<vmem>> -> memref<128xi32, #tpu.memory_space<vmem>>
        %dma_start3A_218 = arith.constant 0 : i32
        %dma_start3A_219 = arith.constant 0 : i32
        %dma_start3A_220 = tpu.memref_slice %arg2[%dma_start3A_218, %dma_start3A_219] : memref<10000x128xf32, #tpu.memory_space<hbm>> -> memref<10000x128xf32, #tpu.memory_space<hbm>>
        tpu.enqueue_indirect_dma source(%dma_start3A_220 : memref<10000x128xf32, #tpu.memory_space<hbm>>) target(%arg12 : memref<128x128xf32, #tpu.memory_space<vmem>>) offsets(%dma_start3A_217 : memref<128xi32, #tpu.memory_space<vmem>>) semaphore(%arg16 : memref<!tpu.dma_semaphore, #tpu.memory_space<semaphore_mem>>)
      } else {
      }
    }
    %scan3A_38 = arith.constant 20 : i32
    %dma_wait3A = arith.constant 38 : i32
    %dma_wait3A_39 = arith.constant 0 : i32
    %dma_wait3A_40 = arith.constant 0 : i32
    %dma_wait3A_41 = tpu.memref_slice %arg10[%dma_wait3A, %dma_wait3A_39, %dma_wait3A_40] : memref<40x1x128xi32, #tpu.memory_space<vmem>> -> memref<1x1x128xi32, #tpu.memory_space<vmem>>
    %dma_wait3A_42 = tpu.memref_squeeze %dma_wait3A_41 : memref<1x1x128xi32, #tpu.memory_space<vmem>> -> memref<128xi32, #tpu.memory_space<vmem>>
    %dma_wait3A_43 = arith.constant 0 : i32
    %dma_wait3A_44 = arith.constant 0 : i32
    %dma_wait3A_45 = tpu.memref_slice %arg14[%dma_wait3A_43, %dma_wait3A_44] : memref<10000x128xf32, #tpu.memory_space<vmem_shared>> -> memref<10000x128xf32, #tpu.memory_space<vmem_shared>>
    tpu.wait_indirect_dma semaphore(%arg17 : memref<!tpu.dma_semaphore, #tpu.memory_space<semaphore_mem>>) src(%arg11 : memref<128x128xf32, #tpu.memory_space<vmem>>) dst(%dma_wait3A_45 : memref<10000x128xf32, #tpu.memory_space<vmem_shared>>)
    %dma_wait3A_46 = arith.constant 39 : i32
    %dma_wait3A_47 = arith.constant 0 : i32
    %dma_wait3A_48 = arith.constant 0 : i32
    %dma_wait3A_49 = tpu.memref_slice %arg10[%dma_wait3A_46, %dma_wait3A_47, %dma_wait3A_48] : memref<40x1x128xi32, #tpu.memory_space<vmem>> -> memref<1x1x128xi32, #tpu.memory_space<vmem>>
    %dma_wait3A_50 = tpu.memref_squeeze %dma_wait3A_49 : memref<1x1x128xi32, #tpu.memory_space<vmem>> -> memref<128xi32, #tpu.memory_space<vmem>>
    %dma_wait3A_51 = arith.constant 0 : i32
    %dma_wait3A_52 = arith.constant 0 : i32
    %dma_wait3A_53 = tpu.memref_slice %arg14[%dma_wait3A_51, %dma_wait3A_52] : memref<10000x128xf32, #tpu.memory_space<vmem_shared>> -> memref<10000x128xf32, #tpu.memory_space<vmem_shared>>
    tpu.wait_indirect_dma semaphore(%arg18 : memref<!tpu.dma_semaphore, #tpu.memory_space<semaphore_mem>>) src(%arg12 : memref<128x128xf32, #tpu.memory_space<vmem>>) dst(%dma_wait3A_53 : memref<10000x128xf32, #tpu.memory_space<vmem_shared>>)
    %add3A_54 = arith.constant 40 : i32
    %add3A_55 = arith.addi %add3A_18, %add3A_54 : i32
    "tpu.region"() ({
      %run_scoped3A = tpu.sem_alloc : memref<!tpu.dma_semaphore, #tpu.memory_space<semaphore_mem>>
      %dma_start3A_158 = arith.constant 0 : i32
      %dma_start3A_159 = arith.constant 0 : i32
      %dma_start3A_160 = tpu.memref_slice %arg3[%add3A_55, %dma_start3A_158, %dma_start3A_159] : memref<2560x1x128xi32, #tpu.memory_space<hbm>> -> memref<40x1x128xi32, #tpu.memory_space<hbm>>
      %dma_start3A_161 = arith.constant 0 : i32
      %dma_start3A_162 = arith.constant 0 : i32
      %dma_start3A_163 = tpu.memref_slice %arg3[%add3A_55, %dma_start3A_161, %dma_start3A_162] : memref<2560x1x128xi32, #tpu.memory_space<hbm>> -> memref<40x1x128xi32, #tpu.memory_space<hbm>>
      tpu.enqueue_dma source(%dma_start3A_163 : memref<40x1x128xi32, #tpu.memory_space<hbm>>) target(%arg9 : memref<40x1x128xi32, #tpu.memory_space<vmem>>) target_semaphore(%run_scoped3A : memref<!tpu.dma_semaphore, #tpu.memory_space<semaphore_mem>>)
      %dma_wait3A_164 = arith.constant 0 : i32
      %dma_wait3A_165 = arith.constant 0 : i32
      %dma_wait3A_166 = tpu.memref_slice %arg3[%add3A_55, %dma_wait3A_164, %dma_wait3A_165] : memref<2560x1x128xi32, #tpu.memory_space<hbm>> -> memref<40x1x128xi32, #tpu.memory_space<hbm>>
      %dma_wait3A_167 = arith.constant 0 : i32
      %dma_wait3A_168 = arith.constant 0 : i32
      %dma_wait3A_169 = tpu.memref_slice %arg3[%add3A_55, %dma_wait3A_167, %dma_wait3A_168] : memref<2560x1x128xi32, #tpu.memory_space<hbm>> -> memref<40x1x128xi32, #tpu.memory_space<hbm>>
      tpu.wait_dma2 semaphore(%run_scoped3A : memref<!tpu.dma_semaphore, #tpu.memory_space<semaphore_mem>>) src(%dma_wait3A_169 : memref<40x1x128xi32, #tpu.memory_space<hbm>>) dst(%arg9 : memref<40x1x128xi32, #tpu.memory_space<vmem>>)
      tpu.yield
    }) : () -> ()
    %add3A_56 = arith.constant 40 : i32
    %add3A_57 = arith.addi %add3A_18, %add3A_56 : i32
    "tpu.region"() ({
      %run_scoped3A = tpu.sem_alloc : memref<!tpu.dma_semaphore, #tpu.memory_space<semaphore_mem>>
      %dma_start3A_158 = arith.constant 0 : i32
      %dma_start3A_159 = arith.constant 0 : i32
      %dma_start3A_160 = tpu.memref_slice %arg4[%add3A_57, %dma_start3A_158, %dma_start3A_159] : memref<2560x1x128xi32, #tpu.memory_space<hbm>> -> memref<40x1x128xi32, #tpu.memory_space<hbm>>
      %dma_start3A_161 = arith.constant 0 : i32
      %dma_start3A_162 = arith.constant 0 : i32
      %dma_start3A_163 = tpu.memref_slice %arg4[%add3A_57, %dma_start3A_161, %dma_start3A_162] : memref<2560x1x128xi32, #tpu.memory_space<hbm>> -> memref<40x1x128xi32, #tpu.memory_space<hbm>>
      tpu.enqueue_dma source(%dma_start3A_163 : memref<40x1x128xi32, #tpu.memory_space<hbm>>) target(%arg10 : memref<40x1x128xi32, #tpu.memory_space<vmem>>) target_semaphore(%run_scoped3A : memref<!tpu.dma_semaphore, #tpu.memory_space<semaphore_mem>>)
      %dma_wait3A_164 = arith.constant 0 : i32
      %dma_wait3A_165 = arith.constant 0 : i32
      %dma_wait3A_166 = tpu.memref_slice %arg4[%add3A_57, %dma_wait3A_164, %dma_wait3A_165] : memref<2560x1x128xi32, #tpu.memory_space<hbm>> -> memref<40x1x128xi32, #tpu.memory_space<hbm>>
      %dma_wait3A_167 = arith.constant 0 : i32
      %dma_wait3A_168 = arith.constant 0 : i32
      %dma_wait3A_169 = tpu.memref_slice %arg4[%add3A_57, %dma_wait3A_167, %dma_wait3A_168] : memref<2560x1x128xi32, #tpu.memory_space<hbm>> -> memref<40x1x128xi32, #tpu.memory_space<hbm>>
      tpu.wait_dma2 semaphore(%run_scoped3A : memref<!tpu.dma_semaphore, #tpu.memory_space<semaphore_mem>>) src(%dma_wait3A_169 : memref<40x1x128xi32, #tpu.memory_space<hbm>>) dst(%arg10 : memref<40x1x128xi32, #tpu.memory_space<vmem>>)
      tpu.yield
    }) : () -> ()
    %dma_start3A_58 = arith.constant 0 : i32
    %dma_start3A_59 = arith.constant 0 : i32
    %dma_start3A_60 = arith.constant 0 : i32
    %dma_start3A_61 = tpu.memref_slice %arg9[%dma_start3A_58, %dma_start3A_59, %dma_start3A_60] : memref<40x1x128xi32, #tpu.memory_space<vmem>> -> memref<1x1x128xi32, #tpu.memory_space<vmem>>
    %dma_start3A_62 = tpu.memref_squeeze %dma_start3A_61 : memref<1x1x128xi32, #tpu.memory_space<vmem>> -> memref<128xi32, #tpu.memory_space<vmem>>
    %dma_start3A_63 = arith.constant 0 : i32
    %dma_start3A_64 = arith.constant 0 : i32
    %dma_start3A_65 = tpu.memref_slice %arg2[%dma_start3A_63, %dma_start3A_64] : memref<10000x128xf32, #tpu.memory_space<hbm>> -> memref<10000x128xf32, #tpu.memory_space<hbm>>
    tpu.enqueue_indirect_dma source(%dma_start3A_65 : memref<10000x128xf32, #tpu.memory_space<hbm>>) target(%arg11 : memref<128x128xf32, #tpu.memory_space<vmem>>) offsets(%dma_start3A_62 : memref<128xi32, #tpu.memory_space<vmem>>) semaphore(%arg15 : memref<!tpu.dma_semaphore, #tpu.memory_space<semaphore_mem>>)
    %dma_start3A_66 = arith.constant 1 : i32
    %dma_start3A_67 = arith.constant 0 : i32
    %dma_start3A_68 = arith.constant 0 : i32
    %dma_start3A_69 = tpu.memref_slice %arg9[%dma_start3A_66, %dma_start3A_67, %dma_start3A_68] : memref<40x1x128xi32, #tpu.memory_space<vmem>> -> memref<1x1x128xi32, #tpu.memory_space<vmem>>
    %dma_start3A_70 = tpu.memref_squeeze %dma_start3A_69 : memref<1x1x128xi32, #tpu.memory_space<vmem>> -> memref<128xi32, #tpu.memory_space<vmem>>
    %dma_start3A_71 = arith.constant 0 : i32
    %dma_start3A_72 = arith.constant 0 : i32
    %dma_start3A_73 = tpu.memref_slice %arg2[%dma_start3A_71, %dma_start3A_72] : memref<10000x128xf32, #tpu.memory_space<hbm>> -> memref<10000x128xf32, #tpu.memory_space<hbm>>
    tpu.enqueue_indirect_dma source(%dma_start3A_73 : memref<10000x128xf32, #tpu.memory_space<hbm>>) target(%arg12 : memref<128x128xf32, #tpu.memory_space<vmem>>) offsets(%dma_start3A_70 : memref<128xi32, #tpu.memory_space<vmem>>) semaphore(%arg16 : memref<!tpu.dma_semaphore, #tpu.memory_space<semaphore_mem>>)
    %scan3A_74 = arith.constant 0 : i32
    %scan3A_75 = arith.constant 0 : i32
    %scan3A_76 = arith.constant 19 : i32
    %scan3A_77 = arith.addi %scan3A_75, %scan3A_76 : i32
    %scan3A_78 = arith.constant 1 : i32
    scf.for %scan3A_158 = %scan3A_75 to %scan3A_77 step %scan3A_78  : i32 {
      %mul3A_159 = arith.constant 2 : i32
      %mul3A_160 = arith.muli %mul3A_159, %scan3A_158 : i32
      %dma_wait3A_161 = arith.constant 0 : i32
      %dma_wait3A_162 = arith.constant 0 : i32
      %dma_wait3A_163 = tpu.memref_slice %arg9[%mul3A_160, %dma_wait3A_161, %dma_wait3A_162] : memref<40x1x128xi32, #tpu.memory_space<vmem>> -> memref<1x1x128xi32, #tpu.memory_space<vmem>>
      %dma_wait3A_164 = tpu.memref_squeeze %dma_wait3A_163 : memref<1x1x128xi32, #tpu.memory_space<vmem>> -> memref<128xi32, #tpu.memory_space<vmem>>
      %dma_wait3A_165 = arith.constant 0 : i32
      %dma_wait3A_166 = arith.constant 0 : i32
      %dma_wait3A_167 = tpu.memref_slice %arg2[%dma_wait3A_165, %dma_wait3A_166] : memref<10000x128xf32, #tpu.memory_space<hbm>> -> memref<10000x128xf32, #tpu.memory_space<hbm>>
      tpu.wait_indirect_dma semaphore(%arg15 : memref<!tpu.dma_semaphore, #tpu.memory_space<semaphore_mem>>) src(%dma_wait3A_167 : memref<10000x128xf32, #tpu.memory_space<hbm>>) dst(%arg11 : memref<128x128xf32, #tpu.memory_space<vmem>>)
      %dma_start3A_168 = arith.constant 0 : i32
      %dma_start3A_169 = arith.constant 0 : i32
      %dma_start3A_170 = tpu.memref_slice %arg10[%mul3A_160, %dma_start3A_168, %dma_start3A_169] : memref<40x1x128xi32, #tpu.memory_space<vmem>> -> memref<1x1x128xi32, #tpu.memory_space<vmem>>
      %dma_start3A_171 = tpu.memref_squeeze %dma_start3A_170 : memref<1x1x128xi32, #tpu.memory_space<vmem>> -> memref<128xi32, #tpu.memory_space<vmem>>
      %dma_start3A_172 = arith.constant 0 : i32
      %dma_start3A_173 = arith.constant 0 : i32
      %dma_start3A_174 = tpu.memref_slice %arg14[%dma_start3A_172, %dma_start3A_173] : memref<10000x128xf32, #tpu.memory_space<vmem_shared>> -> memref<10000x128xf32, #tpu.memory_space<vmem_shared>>
      tpu.enqueue_indirect_dma source(%arg11 : memref<128x128xf32, #tpu.memory_space<vmem>>) target(%dma_start3A_174 : memref<10000x128xf32, #tpu.memory_space<vmem_shared>>) offsets(%dma_start3A_171 : memref<128xi32, #tpu.memory_space<vmem>>) semaphore(%arg17 : memref<!tpu.dma_semaphore, #tpu.memory_space<semaphore_mem>>) {add = true}
      %lt3A_175 = arith.constant 18 : i32
      %lt3A_176 = arith.cmpi slt, %scan3A_158, %lt3A_175 : i32
      %convert_element_type3A_177 = arith.extui %lt3A_176 : i1 to i32
      %cond3A_178 = arith.constant 0 : i32
      %cond3A_179 = arith.cmpi ne, %convert_element_type3A_177, %cond3A_178 : i32
      scf.if %cond3A_179 {
        %dma_wait3A_203 = arith.constant 0 : i32
        %dma_wait3A_204 = arith.constant 0 : i32
        %dma_wait3A_205 = tpu.memref_slice %arg10[%mul3A_160, %dma_wait3A_203, %dma_wait3A_204] : memref<40x1x128xi32, #tpu.memory_space<vmem>> -> memref<1x1x128xi32, #tpu.memory_space<vmem>>
        %dma_wait3A_206 = tpu.memref_squeeze %dma_wait3A_205 : memref<1x1x128xi32, #tpu.memory_space<vmem>> -> memref<128xi32, #tpu.memory_space<vmem>>
        %dma_wait3A_207 = arith.constant 0 : i32
        %dma_wait3A_208 = arith.constant 0 : i32
        %dma_wait3A_209 = tpu.memref_slice %arg14[%dma_wait3A_207, %dma_wait3A_208] : memref<10000x128xf32, #tpu.memory_space<vmem_shared>> -> memref<10000x128xf32, #tpu.memory_space<vmem_shared>>
        tpu.wait_indirect_dma semaphore(%arg17 : memref<!tpu.dma_semaphore, #tpu.memory_space<semaphore_mem>>) src(%arg11 : memref<128x128xf32, #tpu.memory_space<vmem>>) dst(%dma_wait3A_209 : memref<10000x128xf32, #tpu.memory_space<vmem_shared>>)
        %add3A_210 = arith.constant 2 : i32
        %add3A_211 = arith.addi %mul3A_160, %add3A_210 : i32
        %dma_start3A_212 = arith.constant 0 : i32
        %dma_start3A_213 = arith.constant 0 : i32
        %dma_start3A_214 = tpu.memref_slice %arg9[%add3A_211, %dma_start3A_212, %dma_start3A_213] : memref<40x1x128xi32, #tpu.memory_space<vmem>> -> memref<1x1x128xi32, #tpu.memory_space<vmem>>
        %dma_start3A_215 = tpu.memref_squeeze %dma_start3A_214 : memref<1x1x128xi32, #tpu.memory_space<vmem>> -> memref<128xi32, #tpu.memory_space<vmem>>
        %dma_start3A_216 = arith.constant 0 : i32
        %dma_start3A_217 = arith.constant 0 : i32
        %dma_start3A_218 = tpu.memref_slice %arg2[%dma_start3A_216, %dma_start3A_217] : memref<10000x128xf32, #tpu.memory_space<hbm>> -> memref<10000x128xf32, #tpu.memory_space<hbm>>
        tpu.enqueue_indirect_dma source(%dma_start3A_218 : memref<10000x128xf32, #tpu.memory_space<hbm>>) target(%arg11 : memref<128x128xf32, #tpu.memory_space<vmem>>) offsets(%dma_start3A_215 : memref<128xi32, #tpu.memory_space<vmem>>) semaphore(%arg15 : memref<!tpu.dma_semaphore, #tpu.memory_space<semaphore_mem>>)
      } else {
      }
      %add3A_180 = arith.constant 1 : i32
      %add3A_181 = arith.addi %mul3A_160, %add3A_180 : i32
      %dma_wait3A_182 = arith.constant 0 : i32
      %dma_wait3A_183 = arith.constant 0 : i32
      %dma_wait3A_184 = tpu.memref_slice %arg9[%add3A_181, %dma_wait3A_182, %dma_wait3A_183] : memref<40x1x128xi32, #tpu.memory_space<vmem>> -> memref<1x1x128xi32, #tpu.memory_space<vmem>>
      %dma_wait3A_185 = tpu.memref_squeeze %dma_wait3A_184 : memref<1x1x128xi32, #tpu.memory_space<vmem>> -> memref<128xi32, #tpu.memory_space<vmem>>
      %dma_wait3A_186 = arith.constant 0 : i32
      %dma_wait3A_187 = arith.constant 0 : i32
      %dma_wait3A_188 = tpu.memref_slice %arg2[%dma_wait3A_186, %dma_wait3A_187] : memref<10000x128xf32, #tpu.memory_space<hbm>> -> memref<10000x128xf32, #tpu.memory_space<hbm>>
      tpu.wait_indirect_dma semaphore(%arg16 : memref<!tpu.dma_semaphore, #tpu.memory_space<semaphore_mem>>) src(%dma_wait3A_188 : memref<10000x128xf32, #tpu.memory_space<hbm>>) dst(%arg12 : memref<128x128xf32, #tpu.memory_space<vmem>>)
      %add3A_189 = arith.constant 1 : i32
      %add3A_190 = arith.addi %mul3A_160, %add3A_189 : i32
      %dma_start3A_191 = arith.constant 0 : i32
      %dma_start3A_192 = arith.constant 0 : i32
      %dma_start3A_193 = tpu.memref_slice %arg10[%add3A_190, %dma_start3A_191, %dma_start3A_192] : memref<40x1x128xi32, #tpu.memory_space<vmem>> -> memref<1x1x128xi32, #tpu.memory_space<vmem>>
      %dma_start3A_194 = tpu.memref_squeeze %dma_start3A_193 : memref<1x1x128xi32, #tpu.memory_space<vmem>> -> memref<128xi32, #tpu.memory_space<vmem>>
      %dma_start3A_195 = arith.constant 0 : i32
      %dma_start3A_196 = arith.constant 0 : i32
      %dma_start3A_197 = tpu.memref_slice %arg14[%dma_start3A_195, %dma_start3A_196] : memref<10000x128xf32, #tpu.memory_space<vmem_shared>> -> memref<10000x128xf32, #tpu.memory_space<vmem_shared>>
      tpu.enqueue_indirect_dma source(%arg12 : memref<128x128xf32, #tpu.memory_space<vmem>>) target(%dma_start3A_197 : memref<10000x128xf32, #tpu.memory_space<vmem_shared>>) offsets(%dma_start3A_194 : memref<128xi32, #tpu.memory_space<vmem>>) semaphore(%arg18 : memref<!tpu.dma_semaphore, #tpu.memory_space<semaphore_mem>>) {add = true}
      %lt3A_198 = arith.constant 18 : i32
      %lt3A_199 = arith.cmpi slt, %scan3A_158, %lt3A_198 : i32
      %convert_element_type3A_200 = arith.extui %lt3A_199 : i1 to i32
      %cond3A_201 = arith.constant 0 : i32
      %cond3A_202 = arith.cmpi ne, %convert_element_type3A_200, %cond3A_201 : i32
      scf.if %cond3A_202 {
        %add3A_203 = arith.constant 1 : i32
        %add3A_204 = arith.addi %mul3A_160, %add3A_203 : i32
        %dma_wait3A_205 = arith.constant 0 : i32
        %dma_wait3A_206 = arith.constant 0 : i32
        %dma_wait3A_207 = tpu.memref_slice %arg10[%add3A_204, %dma_wait3A_205, %dma_wait3A_206] : memref<40x1x128xi32, #tpu.memory_space<vmem>> -> memref<1x1x128xi32, #tpu.memory_space<vmem>>
        %dma_wait3A_208 = tpu.memref_squeeze %dma_wait3A_207 : memref<1x1x128xi32, #tpu.memory_space<vmem>> -> memref<128xi32, #tpu.memory_space<vmem>>
        %dma_wait3A_209 = arith.constant 0 : i32
        %dma_wait3A_210 = arith.constant 0 : i32
        %dma_wait3A_211 = tpu.memref_slice %arg14[%dma_wait3A_209, %dma_wait3A_210] : memref<10000x128xf32, #tpu.memory_space<vmem_shared>> -> memref<10000x128xf32, #tpu.memory_space<vmem_shared>>
        tpu.wait_indirect_dma semaphore(%arg18 : memref<!tpu.dma_semaphore, #tpu.memory_space<semaphore_mem>>) src(%arg12 : memref<128x128xf32, #tpu.memory_space<vmem>>) dst(%dma_wait3A_211 : memref<10000x128xf32, #tpu.memory_space<vmem_shared>>)
        %add3A_212 = arith.constant 3 : i32
        %add3A_213 = arith.addi %mul3A_160, %add3A_212 : i32
        %dma_start3A_214 = arith.constant 0 : i32
        %dma_start3A_215 = arith.constant 0 : i32
        %dma_start3A_216 = tpu.memref_slice %arg9[%add3A_213, %dma_start3A_214, %dma_start3A_215] : memref<40x1x128xi32, #tpu.memory_space<vmem>> -> memref<1x1x128xi32, #tpu.memory_space<vmem>>
        %dma_start3A_217 = tpu.memref_squeeze %dma_start3A_216 : memref<1x1x128xi32, #tpu.memory_space<vmem>> -> memref<128xi32, #tpu.memory_space<vmem>>
        %dma_start3A_218 = arith.constant 0 : i32
        %dma_start3A_219 = arith.constant 0 : i32
        %dma_start3A_220 = tpu.memref_slice %arg2[%dma_start3A_218, %dma_start3A_219] : memref<10000x128xf32, #tpu.memory_space<hbm>> -> memref<10000x128xf32, #tpu.memory_space<hbm>>
        tpu.enqueue_indirect_dma source(%dma_start3A_220 : memref<10000x128xf32, #tpu.memory_space<hbm>>) target(%arg12 : memref<128x128xf32, #tpu.memory_space<vmem>>) offsets(%dma_start3A_217 : memref<128xi32, #tpu.memory_space<vmem>>) semaphore(%arg16 : memref<!tpu.dma_semaphore, #tpu.memory_space<semaphore_mem>>)
      } else {
      }
    }
    %scan3A_79 = arith.constant 19 : i32
    %dma_wait3A_80 = arith.constant 36 : i32
    %dma_wait3A_81 = arith.constant 0 : i32
    %dma_wait3A_82 = arith.constant 0 : i32
    %dma_wait3A_83 = tpu.memref_slice %arg10[%dma_wait3A_80, %dma_wait3A_81, %dma_wait3A_82] : memref<40x1x128xi32, #tpu.memory_space<vmem>> -> memref<1x1x128xi32, #tpu.memory_space<vmem>>
    %dma_wait3A_84 = tpu.memref_squeeze %dma_wait3A_83 : memref<1x1x128xi32, #tpu.memory_space<vmem>> -> memref<128xi32, #tpu.memory_space<vmem>>
    %dma_wait3A_85 = arith.constant 0 : i32
    %dma_wait3A_86 = arith.constant 0 : i32
    %dma_wait3A_87 = tpu.memref_slice %arg14[%dma_wait3A_85, %dma_wait3A_86] : memref<10000x128xf32, #tpu.memory_space<vmem_shared>> -> memref<10000x128xf32, #tpu.memory_space<vmem_shared>>
    tpu.wait_indirect_dma semaphore(%arg17 : memref<!tpu.dma_semaphore, #tpu.memory_space<semaphore_mem>>) src(%arg11 : memref<128x128xf32, #tpu.memory_space<vmem>>) dst(%dma_wait3A_87 : memref<10000x128xf32, #tpu.memory_space<vmem_shared>>)
    %dma_wait3A_88 = arith.constant 37 : i32
    %dma_wait3A_89 = arith.constant 0 : i32
    %dma_wait3A_90 = arith.constant 0 : i32
    %dma_wait3A_91 = tpu.memref_slice %arg10[%dma_wait3A_88, %dma_wait3A_89, %dma_wait3A_90] : memref<40x1x128xi32, #tpu.memory_space<vmem>> -> memref<1x1x128xi32, #tpu.memory_space<vmem>>
    %dma_wait3A_92 = tpu.memref_squeeze %dma_wait3A_91 : memref<1x1x128xi32, #tpu.memory_space<vmem>> -> memref<128xi32, #tpu.memory_space<vmem>>
    %dma_wait3A_93 = arith.constant 0 : i32
    %dma_wait3A_94 = arith.constant 0 : i32
    %dma_wait3A_95 = tpu.memref_slice %arg14[%dma_wait3A_93, %dma_wait3A_94] : memref<10000x128xf32, #tpu.memory_space<vmem_shared>> -> memref<10000x128xf32, #tpu.memory_space<vmem_shared>>
    tpu.wait_indirect_dma semaphore(%arg18 : memref<!tpu.dma_semaphore, #tpu.memory_space<semaphore_mem>>) src(%arg12 : memref<128x128xf32, #tpu.memory_space<vmem>>) dst(%dma_wait3A_95 : memref<10000x128xf32, #tpu.memory_space<vmem_shared>>)
    %lt3A = arith.constant 4 : i32
    %lt3A_96 = arith.cmpi slt, %add3A, %lt3A : i32
    %convert_element_type3A_97 = arith.extui %lt3A_96 : i1 to i32
    %cond3A_98 = arith.constant 0 : i32
    %cond3A_99 = arith.cmpi ne, %convert_element_type3A_97, %cond3A_98 : i32
    scf.if %cond3A_99 {
      %add3A_158 = arith.constant 78 : i32
      %add3A_159 = arith.addi %add3A_18, %add3A_158 : i32
      "tpu.region"() ({
        %run_scoped3A_179 = tpu.sem_alloc : memref<!tpu.dma_semaphore, #tpu.memory_space<semaphore_mem>>
        %dma_start3A_180 = arith.constant 0 : i32
        %dma_start3A_181 = arith.constant 0 : i32
        %dma_start3A_182 = arith.constant 0 : i32
        %dma_start3A_183 = tpu.memref_slice %arg9[%dma_start3A_180, %dma_start3A_181, %dma_start3A_182] : memref<40x1x128xi32, #tpu.memory_space<vmem>> -> memref<1x1x128xi32, #tpu.memory_space<vmem>>
        %dma_start3A_184 = arith.constant 0 : i32
        %dma_start3A_185 = arith.constant 0 : i32
        %dma_start3A_186 = tpu.memref_slice %arg3[%add3A_159, %dma_start3A_184, %dma_start3A_185] : memref<2560x1x128xi32, #tpu.memory_space<hbm>> -> memref<1x1x128xi32, #tpu.memory_space<hbm>>
        %dma_start3A_187 = arith.constant 0 : i32
        %dma_start3A_188 = arith.constant 0 : i32
        %dma_start3A_189 = arith.constant 0 : i32
        %dma_start3A_190 = tpu.memref_slice %arg9[%dma_start3A_187, %dma_start3A_188, %dma_start3A_189] : memref<40x1x128xi32, #tpu.memory_space<vmem>> -> memref<1x1x128xi32, #tpu.memory_space<vmem>>
        %dma_start3A_191 = arith.constant 0 : i32
        %dma_start3A_192 = arith.constant 0 : i32
        %dma_start3A_193 = tpu.memref_slice %arg3[%add3A_159, %dma_start3A_191, %dma_start3A_192] : memref<2560x1x128xi32, #tpu.memory_space<hbm>> -> memref<1x1x128xi32, #tpu.memory_space<hbm>>
        tpu.enqueue_dma source(%dma_start3A_193 : memref<1x1x128xi32, #tpu.memory_space<hbm>>) target(%dma_start3A_190 : memref<1x1x128xi32, #tpu.memory_space<vmem>>) target_semaphore(%run_scoped3A_179 : memref<!tpu.dma_semaphore, #tpu.memory_space<semaphore_mem>>)
        %dma_wait3A_194 = arith.constant 0 : i32
        %dma_wait3A_195 = arith.constant 0 : i32
        %dma_wait3A_196 = arith.constant 0 : i32
        %dma_wait3A_197 = tpu.memref_slice %arg9[%dma_wait3A_194, %dma_wait3A_195, %dma_wait3A_196] : memref<40x1x128xi32, #tpu.memory_space<vmem>> -> memref<1x1x128xi32, #tpu.memory_space<vmem>>
        %dma_wait3A_198 = arith.constant 0 : i32
        %dma_wait3A_199 = arith.constant 0 : i32
        %dma_wait3A_200 = tpu.memref_slice %arg3[%add3A_159, %dma_wait3A_198, %dma_wait3A_199] : memref<2560x1x128xi32, #tpu.memory_space<hbm>> -> memref<1x1x128xi32, #tpu.memory_space<hbm>>
        %dma_wait3A_201 = arith.constant 0 : i32
        %dma_wait3A_202 = arith.constant 0 : i32
        %dma_wait3A_203 = arith.constant 0 : i32
        %dma_wait3A_204 = tpu.memref_slice %arg9[%dma_wait3A_201, %dma_wait3A_202, %dma_wait3A_203] : memref<40x1x128xi32, #tpu.memory_space<vmem>> -> memref<1x1x128xi32, #tpu.memory_space<vmem>>
        %dma_wait3A_205 = arith.constant 0 : i32
        %dma_wait3A_206 = arith.constant 0 : i32
        %dma_wait3A_207 = tpu.memref_slice %arg3[%add3A_159, %dma_wait3A_205, %dma_wait3A_206] : memref<2560x1x128xi32, #tpu.memory_space<hbm>> -> memref<1x1x128xi32, #tpu.memory_space<hbm>>
        tpu.wait_dma2 semaphore(%run_scoped3A_179 : memref<!tpu.dma_semaphore, #tpu.memory_space<semaphore_mem>>) src(%dma_wait3A_207 : memref<1x1x128xi32, #tpu.memory_space<hbm>>) dst(%dma_wait3A_204 : memref<1x1x128xi32, #tpu.memory_space<vmem>>)
        tpu.yield
      }) : () -> ()
      %add3A_160 = arith.constant 78 : i32
      %add3A_161 = arith.addi %add3A_18, %add3A_160 : i32
      "tpu.region"() ({
        %run_scoped3A_179 = tpu.sem_alloc : memref<!tpu.dma_semaphore, #tpu.memory_space<semaphore_mem>>
        %dma_start3A_180 = arith.constant 0 : i32
        %dma_start3A_181 = arith.constant 0 : i32
        %dma_start3A_182 = arith.constant 0 : i32
        %dma_start3A_183 = tpu.memref_slice %arg10[%dma_start3A_180, %dma_start3A_181, %dma_start3A_182] : memref<40x1x128xi32, #tpu.memory_space<vmem>> -> memref<1x1x128xi32, #tpu.memory_space<vmem>>
        %dma_start3A_184 = arith.constant 0 : i32
        %dma_start3A_185 = arith.constant 0 : i32
        %dma_start3A_186 = tpu.memref_slice %arg4[%add3A_161, %dma_start3A_184, %dma_start3A_185] : memref<2560x1x128xi32, #tpu.memory_space<hbm>> -> memref<1x1x128xi32, #tpu.memory_space<hbm>>
        %dma_start3A_187 = arith.constant 0 : i32
        %dma_start3A_188 = arith.constant 0 : i32
        %dma_start3A_189 = arith.constant 0 : i32
        %dma_start3A_190 = tpu.memref_slice %arg10[%dma_start3A_187, %dma_start3A_188, %dma_start3A_189] : memref<40x1x128xi32, #tpu.memory_space<vmem>> -> memref<1x1x128xi32, #tpu.memory_space<vmem>>
        %dma_start3A_191 = arith.constant 0 : i32
        %dma_start3A_192 = arith.constant 0 : i32
        %dma_start3A_193 = tpu.memref_slice %arg4[%add3A_161, %dma_start3A_191, %dma_start3A_192] : memref<2560x1x128xi32, #tpu.memory_space<hbm>> -> memref<1x1x128xi32, #tpu.memory_space<hbm>>
        tpu.enqueue_dma source(%dma_start3A_193 : memref<1x1x128xi32, #tpu.memory_space<hbm>>) target(%dma_start3A_190 : memref<1x1x128xi32, #tpu.memory_space<vmem>>) target_semaphore(%run_scoped3A_179 : memref<!tpu.dma_semaphore, #tpu.memory_space<semaphore_mem>>)
        %dma_wait3A_194 = arith.constant 0 : i32
        %dma_wait3A_195 = arith.constant 0 : i32
        %dma_wait3A_196 = arith.constant 0 : i32
        %dma_wait3A_197 = tpu.memref_slice %arg10[%dma_wait3A_194, %dma_wait3A_195, %dma_wait3A_196] : memref<40x1x128xi32, #tpu.memory_space<vmem>> -> memref<1x1x128xi32, #tpu.memory_space<vmem>>
        %dma_wait3A_198 = arith.constant 0 : i32
        %dma_wait3A_199 = arith.constant 0 : i32
        %dma_wait3A_200 = tpu.memref_slice %arg4[%add3A_161, %dma_wait3A_198, %dma_wait3A_199] : memref<2560x1x128xi32, #tpu.memory_space<hbm>> -> memref<1x1x128xi32, #tpu.memory_space<hbm>>
        %dma_wait3A_201 = arith.constant 0 : i32
        %dma_wait3A_202 = arith.constant 0 : i32
        %dma_wait3A_203 = arith.constant 0 : i32
        %dma_wait3A_204 = tpu.memref_slice %arg10[%dma_wait3A_201, %dma_wait3A_202, %dma_wait3A_203] : memref<40x1x128xi32, #tpu.memory_space<vmem>> -> memref<1x1x128xi32, #tpu.memory_space<vmem>>
        %dma_wait3A_205 = arith.constant 0 : i32
        %dma_wait3A_206 = arith.constant 0 : i32
        %dma_wait3A_207 = tpu.memref_slice %arg4[%add3A_161, %dma_wait3A_205, %dma_wait3A_206] : memref<2560x1x128xi32, #tpu.memory_space<hbm>> -> memref<1x1x128xi32, #tpu.memory_space<hbm>>
        tpu.wait_dma2 semaphore(%run_scoped3A_179 : memref<!tpu.dma_semaphore, #tpu.memory_space<semaphore_mem>>) src(%dma_wait3A_207 : memref<1x1x128xi32, #tpu.memory_space<hbm>>) dst(%dma_wait3A_204 : memref<1x1x128xi32, #tpu.memory_space<vmem>>)
        tpu.yield
      }) : () -> ()
      %dma_start3A_162 = arith.constant 0 : i32
      %dma_start3A_163 = arith.constant 0 : i32
      %dma_start3A_164 = arith.constant 0 : i32
      %dma_start3A_165 = tpu.memref_slice %arg9[%dma_start3A_162, %dma_start3A_163, %dma_start3A_164] : memref<40x1x128xi32, #tpu.memory_space<vmem>> -> memref<1x1x128xi32, #tpu.memory_space<vmem>>
      %dma_start3A_166 = tpu.memref_squeeze %dma_start3A_165 : memref<1x1x128xi32, #tpu.memory_space<vmem>> -> memref<128xi32, #tpu.memory_space<vmem>>
      %dma_start3A_167 = arith.constant 0 : i32
      %dma_start3A_168 = arith.constant 0 : i32
      %dma_start3A_169 = tpu.memref_slice %arg2[%dma_start3A_167, %dma_start3A_168] : memref<10000x128xf32, #tpu.memory_space<hbm>> -> memref<10000x128xf32, #tpu.memory_space<hbm>>
      tpu.enqueue_indirect_dma source(%dma_start3A_169 : memref<10000x128xf32, #tpu.memory_space<hbm>>) target(%arg11 : memref<128x128xf32, #tpu.memory_space<vmem>>) offsets(%dma_start3A_166 : memref<128xi32, #tpu.memory_space<vmem>>) semaphore(%arg15 : memref<!tpu.dma_semaphore, #tpu.memory_space<semaphore_mem>>)
      %dma_wait3A_170 = arith.constant 0 : i32
      %dma_wait3A_171 = arith.constant 0 : i32
      %dma_wait3A_172 = arith.constant 0 : i32
      %dma_wait3A_173 = tpu.memref_slice %arg9[%dma_wait3A_170, %dma_wait3A_171, %dma_wait3A_172] : memref<40x1x128xi32, #tpu.memory_space<vmem>> -> memref<1x1x128xi32, #tpu.memory_space<vmem>>
      %dma_wait3A_174 = tpu.memref_squeeze %dma_wait3A_173 : memref<1x1x128xi32, #tpu.memory_space<vmem>> -> memref<128xi32, #tpu.memory_space<vmem>>
      %dma_wait3A_175 = arith.constant 0 : i32
      %dma_wait3A_176 = arith.constant 0 : i32
      %dma_wait3A_177 = tpu.memref_slice %arg2[%dma_wait3A_175, %dma_wait3A_176] : memref<10000x128xf32, #tpu.memory_space<hbm>> -> memref<10000x128xf32, #tpu.memory_space<hbm>>
      tpu.wait_indirect_dma semaphore(%arg15 : memref<!tpu.dma_semaphore, #tpu.memory_space<semaphore_mem>>) src(%dma_wait3A_177 : memref<10000x128xf32, #tpu.memory_space<hbm>>) dst(%arg11 : memref<128x128xf32, #tpu.memory_space<vmem>>)
      %run_scoped3A = arith.constant 0 : i32
      %run_scoped3A_178 = arith.constant 0 : i32
      "tpu.region"() ({
        %run_scoped3A_179 = tpu.sem_alloc : memref<!tpu.dma_semaphore, #tpu.memory_space<semaphore_mem>>
        %dma_start3A_180 = arith.constant 0 : i32
        %dma_start3A_181 = tpu.memref_slice %arg10[%run_scoped3A, %run_scoped3A_178, %dma_start3A_180] : memref<40x1x128xi32, #tpu.memory_space<vmem>> -> memref<1x1x128xi32, #tpu.memory_space<vmem>>
        %dma_start3A_182 = tpu.memref_squeeze %dma_start3A_181 : memref<1x1x128xi32, #tpu.memory_space<vmem>> -> memref<128xi32, #tpu.memory_space<vmem>>
        %dma_start3A_183 = arith.constant 0 : i32
        %dma_start3A_184 = arith.constant 0 : i32
        %dma_start3A_185 = tpu.memref_slice %arg14[%dma_start3A_183, %dma_start3A_184] : memref<10000x128xf32, #tpu.memory_space<vmem_shared>> -> memref<10000x128xf32, #tpu.memory_space<vmem_shared>>
        tpu.enqueue_indirect_dma source(%arg11 : memref<128x128xf32, #tpu.memory_space<vmem>>) target(%dma_start3A_185 : memref<10000x128xf32, #tpu.memory_space<vmem_shared>>) offsets(%dma_start3A_182 : memref<128xi32, #tpu.memory_space<vmem>>) semaphore(%run_scoped3A_179 : memref<!tpu.dma_semaphore, #tpu.memory_space<semaphore_mem>>) {add = true}
        %dma_wait3A_186 = arith.constant 0 : i32
        %dma_wait3A_187 = tpu.memref_slice %arg10[%run_scoped3A, %run_scoped3A_178, %dma_wait3A_186] : memref<40x1x128xi32, #tpu.memory_space<vmem>> -> memref<1x1x128xi32, #tpu.memory_space<vmem>>
        %dma_wait3A_188 = tpu.memref_squeeze %dma_wait3A_187 : memref<1x1x128xi32, #tpu.memory_space<vmem>> -> memref<128xi32, #tpu.memory_space<vmem>>
        %dma_wait3A_189 = arith.constant 0 : i32
        %dma_wait3A_190 = arith.constant 0 : i32
        %dma_wait3A_191 = tpu.memref_slice %arg14[%dma_wait3A_189, %dma_wait3A_190] : memref<10000x128xf32, #tpu.memory_space<vmem_shared>> -> memref<10000x128xf32, #tpu.memory_space<vmem_shared>>
        tpu.wait_indirect_dma semaphore(%run_scoped3A_179 : memref<!tpu.dma_semaphore, #tpu.memory_space<semaphore_mem>>) src(%arg11 : memref<128x128xf32, #tpu.memory_space<vmem>>) dst(%dma_wait3A_191 : memref<10000x128xf32, #tpu.memory_space<vmem_shared>>)
        tpu.yield
      }) : () -> ()
    } else {
    }
    %barrier3A_100 = arith.constant 0 : index
    tpu.barrier barrier_id(%barrier3A_100)
    %mul3A_101 = arith.constant 624 : i32
    %mul3A_102 = arith.muli %arg1, %mul3A_101 : i32
    %add3A_103 = arith.constant 0 : i32
    %add3A_104 = arith.addi %mul3A_102, %add3A_103 : i32
    "tpu.region"() ({
      %run_scoped3A = tpu.sem_alloc : memref<!tpu.dma_semaphore, #tpu.memory_space<semaphore_mem>>
      %dma_start3A_158 = tpu.memref_slice %arg5[%add3A_104] : memref<10000xi32, #tpu.memory_space<hbm>> -> memref<128xi32, #tpu.memory_space<hbm>>
      %dma_start3A_159 = tpu.memref_slice %arg5[%add3A_104] : memref<10000xi32, #tpu.memory_space<hbm>> -> memref<128xi32, #tpu.memory_space<hbm>>
      tpu.enqueue_dma source(%dma_start3A_159 : memref<128xi32, #tpu.memory_space<hbm>>) target(%arg8 : memref<128xi32, #tpu.memory_space<vmem>>) target_semaphore(%run_scoped3A : memref<!tpu.dma_semaphore, #tpu.memory_space<semaphore_mem>>)
      %dma_wait3A_160 = tpu.memref_slice %arg5[%add3A_104] : memref<10000xi32, #tpu.memory_space<hbm>> -> memref<128xi32, #tpu.memory_space<hbm>>
      %dma_wait3A_161 = tpu.memref_slice %arg5[%add3A_104] : memref<10000xi32, #tpu.memory_space<hbm>> -> memref<128xi32, #tpu.memory_space<hbm>>
      tpu.wait_dma2 semaphore(%run_scoped3A : memref<!tpu.dma_semaphore, #tpu.memory_space<semaphore_mem>>) src(%dma_wait3A_161 : memref<128xi32, #tpu.memory_space<hbm>>) dst(%arg8 : memref<128xi32, #tpu.memory_space<vmem>>)
      tpu.yield
    }) : () -> ()
    %dma_start3A_105 = arith.constant 0 : i32
    %dma_start3A_106 = arith.constant 0 : i32
    %dma_start3A_107 = tpu.memref_slice %arg14[%dma_start3A_105, %dma_start3A_106] : memref<10000x128xf32, #tpu.memory_space<vmem_shared>> -> memref<10000x128xf32, #tpu.memory_space<vmem_shared>>
    tpu.enqueue_indirect_dma source(%dma_start3A_107 : memref<10000x128xf32, #tpu.memory_space<vmem_shared>>) target(%arg11 : memref<128x128xf32, #tpu.memory_space<vmem>>) offsets(%arg8 : memref<128xi32, #tpu.memory_space<vmem>>) semaphore(%arg15 : memref<!tpu.dma_semaphore, #tpu.memory_space<semaphore_mem>>)
    %dma_wait3A_108 = arith.constant 0 : i32
    %dma_wait3A_109 = arith.constant 0 : i32
    %dma_wait3A_110 = tpu.memref_slice %arg14[%dma_wait3A_108, %dma_wait3A_109] : memref<10000x128xf32, #tpu.memory_space<vmem_shared>> -> memref<10000x128xf32, #tpu.memory_space<vmem_shared>>
    tpu.wait_indirect_dma semaphore(%arg15 : memref<!tpu.dma_semaphore, #tpu.memory_space<semaphore_mem>>) src(%dma_wait3A_110 : memref<10000x128xf32, #tpu.memory_space<vmem_shared>>) dst(%arg11 : memref<128x128xf32, #tpu.memory_space<vmem>>)
    %add3A_111 = arith.constant 0 : i32
    %add3A_112 = arith.addi %mul3A_102, %add3A_111 : i32
    "tpu.region"() ({
      %run_scoped3A = tpu.sem_alloc : memref<!tpu.dma_semaphore, #tpu.memory_space<semaphore_mem>>
      %dma_start3A_158 = arith.constant 0 : i32
      %dma_start3A_159 = tpu.memref_slice %arg7[%arg0, %add3A_112, %dma_start3A_158] : memref<2x10000x128xf32, #tpu.memory_space<hbm>> -> memref<1x128x128xf32, #tpu.memory_space<hbm>>
      %dma_start3A_160 = tpu.memref_squeeze %dma_start3A_159 : memref<1x128x128xf32, #tpu.memory_space<hbm>> -> memref<128x128xf32, #tpu.memory_space<hbm>>
      %dma_start3A_161 = arith.constant 0 : i32
      %dma_start3A_162 = tpu.memref_slice %arg7[%arg0, %add3A_112, %dma_start3A_161] : memref<2x10000x128xf32, #tpu.memory_space<hbm>> -> memref<1x128x128xf32, #tpu.memory_space<hbm>>
      %dma_start3A_163 = tpu.memref_squeeze %dma_start3A_162 : memref<1x128x128xf32, #tpu.memory_space<hbm>> -> memref<128x128xf32, #tpu.memory_space<hbm>>
      tpu.enqueue_dma source(%arg11 : memref<128x128xf32, #tpu.memory_space<vmem>>) target(%dma_start3A_163 : memref<128x128xf32, #tpu.memory_space<hbm>>) target_semaphore(%run_scoped3A : memref<!tpu.dma_semaphore, #tpu.memory_space<semaphore_mem>>)
      %dma_wait3A_164 = arith.constant 0 : i32
      %dma_wait3A_165 = tpu.memref_slice %arg7[%arg0, %add3A_112, %dma_wait3A_164] : memref<2x10000x128xf32, #tpu.memory_space<hbm>> -> memref<1x128x128xf32, #tpu.memory_space<hbm>>
      %dma_wait3A_166 = tpu.memref_squeeze %dma_wait3A_165 : memref<1x128x128xf32, #tpu.memory_space<hbm>> -> memref<128x128xf32, #tpu.memory_space<hbm>>
      %dma_wait3A_167 = arith.constant 0 : i32
      %dma_wait3A_168 = tpu.memref_slice %arg7[%arg0, %add3A_112, %dma_wait3A_167] : memref<2x10000x128xf32, #tpu.memory_space<hbm>> -> memref<1x128x128xf32, #tpu.memory_space<hbm>>
      %dma_wait3A_169 = tpu.memref_squeeze %dma_wait3A_168 : memref<1x128x128xf32, #tpu.memory_space<hbm>> -> memref<128x128xf32, #tpu.memory_space<hbm>>
      tpu.wait_dma2 semaphore(%run_scoped3A : memref<!tpu.dma_semaphore, #tpu.memory_space<semaphore_mem>>) src(%arg11 : memref<128x128xf32, #tpu.memory_space<vmem>>) dst(%dma_wait3A_169 : memref<128x128xf32, #tpu.memory_space<hbm>>)
      tpu.yield
    }) : () -> ()
    %add3A_113 = arith.constant 128 : i32
    %add3A_114 = arith.addi %mul3A_102, %add3A_113 : i32
    "tpu.region"() ({
      %run_scoped3A = tpu.sem_alloc : memref<!tpu.dma_semaphore, #tpu.memory_space<semaphore_mem>>
      %dma_start3A_158 = tpu.memref_slice %arg5[%add3A_114] : memref<10000xi32, #tpu.memory_space<hbm>> -> memref<128xi32, #tpu.memory_space<hbm>>
      %dma_start3A_159 = tpu.memref_slice %arg5[%add3A_114] : memref<10000xi32, #tpu.memory_space<hbm>> -> memref<128xi32, #tpu.memory_space<hbm>>
      tpu.enqueue_dma source(%dma_start3A_159 : memref<128xi32, #tpu.memory_space<hbm>>) target(%arg8 : memref<128xi32, #tpu.memory_space<vmem>>) target_semaphore(%run_scoped3A : memref<!tpu.dma_semaphore, #tpu.memory_space<semaphore_mem>>)
      %dma_wait3A_160 = tpu.memref_slice %arg5[%add3A_114] : memref<10000xi32, #tpu.memory_space<hbm>> -> memref<128xi32, #tpu.memory_space<hbm>>
      %dma_wait3A_161 = tpu.memref_slice %arg5[%add3A_114] : memref<10000xi32, #tpu.memory_space<hbm>> -> memref<128xi32, #tpu.memory_space<hbm>>
      tpu.wait_dma2 semaphore(%run_scoped3A : memref<!tpu.dma_semaphore, #tpu.memory_space<semaphore_mem>>) src(%dma_wait3A_161 : memref<128xi32, #tpu.memory_space<hbm>>) dst(%arg8 : memref<128xi32, #tpu.memory_space<vmem>>)
      tpu.yield
    }) : () -> ()
    %dma_start3A_115 = arith.constant 0 : i32
    %dma_start3A_116 = arith.constant 0 : i32
    %dma_start3A_117 = tpu.memref_slice %arg14[%dma_start3A_115, %dma_start3A_116] : memref<10000x128xf32, #tpu.memory_space<vmem_shared>> -> memref<10000x128xf32, #tpu.memory_space<vmem_shared>>
    tpu.enqueue_indirect_dma source(%dma_start3A_117 : memref<10000x128xf32, #tpu.memory_space<vmem_shared>>) target(%arg11 : memref<128x128xf32, #tpu.memory_space<vmem>>) offsets(%arg8 : memref<128xi32, #tpu.memory_space<vmem>>) semaphore(%arg15 : memref<!tpu.dma_semaphore, #tpu.memory_space<semaphore_mem>>)
    %dma_wait3A_118 = arith.constant 0 : i32
    %dma_wait3A_119 = arith.constant 0 : i32
    %dma_wait3A_120 = tpu.memref_slice %arg14[%dma_wait3A_118, %dma_wait3A_119] : memref<10000x128xf32, #tpu.memory_space<vmem_shared>> -> memref<10000x128xf32, #tpu.memory_space<vmem_shared>>
    tpu.wait_indirect_dma semaphore(%arg15 : memref<!tpu.dma_semaphore, #tpu.memory_space<semaphore_mem>>) src(%dma_wait3A_120 : memref<10000x128xf32, #tpu.memory_space<vmem_shared>>) dst(%arg11 : memref<128x128xf32, #tpu.memory_space<vmem>>)
    %add3A_121 = arith.constant 128 : i32
    %add3A_122 = arith.addi %mul3A_102, %add3A_121 : i32
    "tpu.region"() ({
      %run_scoped3A = tpu.sem_alloc : memref<!tpu.dma_semaphore, #tpu.memory_space<semaphore_mem>>
      %dma_start3A_158 = arith.constant 0 : i32
      %dma_start3A_159 = tpu.memref_slice %arg7[%arg0, %add3A_122, %dma_start3A_158] : memref<2x10000x128xf32, #tpu.memory_space<hbm>> -> memref<1x128x128xf32, #tpu.memory_space<hbm>>
      %dma_start3A_160 = tpu.memref_squeeze %dma_start3A_159 : memref<1x128x128xf32, #tpu.memory_space<hbm>> -> memref<128x128xf32, #tpu.memory_space<hbm>>
      %dma_start3A_161 = arith.constant 0 : i32
      %dma_start3A_162 = tpu.memref_slice %arg7[%arg0, %add3A_122, %dma_start3A_161] : memref<2x10000x128xf32, #tpu.memory_space<hbm>> -> memref<1x128x128xf32, #tpu.memory_space<hbm>>
      %dma_start3A_163 = tpu.memref_squeeze %dma_start3A_162 : memref<1x128x128xf32, #tpu.memory_space<hbm>> -> memref<128x128xf32, #tpu.memory_space<hbm>>
      tpu.enqueue_dma source(%arg11 : memref<128x128xf32, #tpu.memory_space<vmem>>) target(%dma_start3A_163 : memref<128x128xf32, #tpu.memory_space<hbm>>) target_semaphore(%run_scoped3A : memref<!tpu.dma_semaphore, #tpu.memory_space<semaphore_mem>>)
      %dma_wait3A_164 = arith.constant 0 : i32
      %dma_wait3A_165 = tpu.memref_slice %arg7[%arg0, %add3A_122, %dma_wait3A_164] : memref<2x10000x128xf32, #tpu.memory_space<hbm>> -> memref<1x128x128xf32, #tpu.memory_space<hbm>>
      %dma_wait3A_166 = tpu.memref_squeeze %dma_wait3A_165 : memref<1x128x128xf32, #tpu.memory_space<hbm>> -> memref<128x128xf32, #tpu.memory_space<hbm>>
      %dma_wait3A_167 = arith.constant 0 : i32
      %dma_wait3A_168 = tpu.memref_slice %arg7[%arg0, %add3A_122, %dma_wait3A_167] : memref<2x10000x128xf32, #tpu.memory_space<hbm>> -> memref<1x128x128xf32, #tpu.memory_space<hbm>>
      %dma_wait3A_169 = tpu.memref_squeeze %dma_wait3A_168 : memref<1x128x128xf32, #tpu.memory_space<hbm>> -> memref<128x128xf32, #tpu.memory_space<hbm>>
      tpu.wait_dma2 semaphore(%run_scoped3A : memref<!tpu.dma_semaphore, #tpu.memory_space<semaphore_mem>>) src(%arg11 : memref<128x128xf32, #tpu.memory_space<vmem>>) dst(%dma_wait3A_169 : memref<128x128xf32, #tpu.memory_space<hbm>>)
      tpu.yield
    }) : () -> ()
    %add3A_123 = arith.constant 256 : i32
    %add3A_124 = arith.addi %mul3A_102, %add3A_123 : i32
    "tpu.region"() ({
      %run_scoped3A = tpu.sem_alloc : memref<!tpu.dma_semaphore, #tpu.memory_space<semaphore_mem>>
      %dma_start3A_158 = tpu.memref_slice %arg5[%add3A_124] : memref<10000xi32, #tpu.memory_space<hbm>> -> memref<128xi32, #tpu.memory_space<hbm>>
      %dma_start3A_159 = tpu.memref_slice %arg5[%add3A_124] : memref<10000xi32, #tpu.memory_space<hbm>> -> memref<128xi32, #tpu.memory_space<hbm>>
      tpu.enqueue_dma source(%dma_start3A_159 : memref<128xi32, #tpu.memory_space<hbm>>) target(%arg8 : memref<128xi32, #tpu.memory_space<vmem>>) target_semaphore(%run_scoped3A : memref<!tpu.dma_semaphore, #tpu.memory_space<semaphore_mem>>)
      %dma_wait3A_160 = tpu.memref_slice %arg5[%add3A_124] : memref<10000xi32, #tpu.memory_space<hbm>> -> memref<128xi32, #tpu.memory_space<hbm>>
      %dma_wait3A_161 = tpu.memref_slice %arg5[%add3A_124] : memref<10000xi32, #tpu.memory_space<hbm>> -> memref<128xi32, #tpu.memory_space<hbm>>
      tpu.wait_dma2 semaphore(%run_scoped3A : memref<!tpu.dma_semaphore, #tpu.memory_space<semaphore_mem>>) src(%dma_wait3A_161 : memref<128xi32, #tpu.memory_space<hbm>>) dst(%arg8 : memref<128xi32, #tpu.memory_space<vmem>>)
      tpu.yield
    }) : () -> ()
    %dma_start3A_125 = arith.constant 0 : i32
    %dma_start3A_126 = arith.constant 0 : i32
    %dma_start3A_127 = tpu.memref_slice %arg14[%dma_start3A_125, %dma_start3A_126] : memref<10000x128xf32, #tpu.memory_space<vmem_shared>> -> memref<10000x128xf32, #tpu.memory_space<vmem_shared>>
    tpu.enqueue_indirect_dma source(%dma_start3A_127 : memref<10000x128xf32, #tpu.memory_space<vmem_shared>>) target(%arg11 : memref<128x128xf32, #tpu.memory_space<vmem>>) offsets(%arg8 : memref<128xi32, #tpu.memory_space<vmem>>) semaphore(%arg15 : memref<!tpu.dma_semaphore, #tpu.memory_space<semaphore_mem>>)
    %dma_wait3A_128 = arith.constant 0 : i32
    %dma_wait3A_129 = arith.constant 0 : i32
    %dma_wait3A_130 = tpu.memref_slice %arg14[%dma_wait3A_128, %dma_wait3A_129] : memref<10000x128xf32, #tpu.memory_space<vmem_shared>> -> memref<10000x128xf32, #tpu.memory_space<vmem_shared>>
    tpu.wait_indirect_dma semaphore(%arg15 : memref<!tpu.dma_semaphore, #tpu.memory_space<semaphore_mem>>) src(%dma_wait3A_130 : memref<10000x128xf32, #tpu.memory_space<vmem_shared>>) dst(%arg11 : memref<128x128xf32, #tpu.memory_space<vmem>>)
    %add3A_131 = arith.constant 256 : i32
    %add3A_132 = arith.addi %mul3A_102, %add3A_131 : i32
    "tpu.region"() ({
      %run_scoped3A = tpu.sem_alloc : memref<!tpu.dma_semaphore, #tpu.memory_space<semaphore_mem>>
      %dma_start3A_158 = arith.constant 0 : i32
      %dma_start3A_159 = tpu.memref_slice %arg7[%arg0, %add3A_132, %dma_start3A_158] : memref<2x10000x128xf32, #tpu.memory_space<hbm>> -> memref<1x128x128xf32, #tpu.memory_space<hbm>>
      %dma_start3A_160 = tpu.memref_squeeze %dma_start3A_159 : memref<1x128x128xf32, #tpu.memory_space<hbm>> -> memref<128x128xf32, #tpu.memory_space<hbm>>
      %dma_start3A_161 = arith.constant 0 : i32
      %dma_start3A_162 = tpu.memref_slice %arg7[%arg0, %add3A_132, %dma_start3A_161] : memref<2x10000x128xf32, #tpu.memory_space<hbm>> -> memref<1x128x128xf32, #tpu.memory_space<hbm>>
      %dma_start3A_163 = tpu.memref_squeeze %dma_start3A_162 : memref<1x128x128xf32, #tpu.memory_space<hbm>> -> memref<128x128xf32, #tpu.memory_space<hbm>>
      tpu.enqueue_dma source(%arg11 : memref<128x128xf32, #tpu.memory_space<vmem>>) target(%dma_start3A_163 : memref<128x128xf32, #tpu.memory_space<hbm>>) target_semaphore(%run_scoped3A : memref<!tpu.dma_semaphore, #tpu.memory_space<semaphore_mem>>)
      %dma_wait3A_164 = arith.constant 0 : i32
      %dma_wait3A_165 = tpu.memref_slice %arg7[%arg0, %add3A_132, %dma_wait3A_164] : memref<2x10000x128xf32, #tpu.memory_space<hbm>> -> memref<1x128x128xf32, #tpu.memory_space<hbm>>
      %dma_wait3A_166 = tpu.memref_squeeze %dma_wait3A_165 : memref<1x128x128xf32, #tpu.memory_space<hbm>> -> memref<128x128xf32, #tpu.memory_space<hbm>>
      %dma_wait3A_167 = arith.constant 0 : i32
      %dma_wait3A_168 = tpu.memref_slice %arg7[%arg0, %add3A_132, %dma_wait3A_167] : memref<2x10000x128xf32, #tpu.memory_space<hbm>> -> memref<1x128x128xf32, #tpu.memory_space<hbm>>
      %dma_wait3A_169 = tpu.memref_squeeze %dma_wait3A_168 : memref<1x128x128xf32, #tpu.memory_space<hbm>> -> memref<128x128xf32, #tpu.memory_space<hbm>>
      tpu.wait_dma2 semaphore(%run_scoped3A : memref<!tpu.dma_semaphore, #tpu.memory_space<semaphore_mem>>) src(%arg11 : memref<128x128xf32, #tpu.memory_space<vmem>>) dst(%dma_wait3A_169 : memref<128x128xf32, #tpu.memory_space<hbm>>)
      tpu.yield
    }) : () -> ()
    %add3A_133 = arith.constant 384 : i32
    %add3A_134 = arith.addi %mul3A_102, %add3A_133 : i32
    "tpu.region"() ({
      %run_scoped3A = tpu.sem_alloc : memref<!tpu.dma_semaphore, #tpu.memory_space<semaphore_mem>>
      %dma_start3A_158 = tpu.memref_slice %arg5[%add3A_134] : memref<10000xi32, #tpu.memory_space<hbm>> -> memref<128xi32, #tpu.memory_space<hbm>>
      %dma_start3A_159 = tpu.memref_slice %arg5[%add3A_134] : memref<10000xi32, #tpu.memory_space<hbm>> -> memref<128xi32, #tpu.memory_space<hbm>>
      tpu.enqueue_dma source(%dma_start3A_159 : memref<128xi32, #tpu.memory_space<hbm>>) target(%arg8 : memref<128xi32, #tpu.memory_space<vmem>>) target_semaphore(%run_scoped3A : memref<!tpu.dma_semaphore, #tpu.memory_space<semaphore_mem>>)
      %dma_wait3A_160 = tpu.memref_slice %arg5[%add3A_134] : memref<10000xi32, #tpu.memory_space<hbm>> -> memref<128xi32, #tpu.memory_space<hbm>>
      %dma_wait3A_161 = tpu.memref_slice %arg5[%add3A_134] : memref<10000xi32, #tpu.memory_space<hbm>> -> memref<128xi32, #tpu.memory_space<hbm>>
      tpu.wait_dma2 semaphore(%run_scoped3A : memref<!tpu.dma_semaphore, #tpu.memory_space<semaphore_mem>>) src(%dma_wait3A_161 : memref<128xi32, #tpu.memory_space<hbm>>) dst(%arg8 : memref<128xi32, #tpu.memory_space<vmem>>)
      tpu.yield
    }) : () -> ()
    %dma_start3A_135 = arith.constant 0 : i32
    %dma_start3A_136 = arith.constant 0 : i32
    %dma_start3A_137 = tpu.memref_slice %arg14[%dma_start3A_135, %dma_start3A_136] : memref<10000x128xf32, #tpu.memory_space<vmem_shared>> -> memref<10000x128xf32, #tpu.memory_space<vmem_shared>>
    tpu.enqueue_indirect_dma source(%dma_start3A_137 : memref<10000x128xf32, #tpu.memory_space<vmem_shared>>) target(%arg11 : memref<128x128xf32, #tpu.memory_space<vmem>>) offsets(%arg8 : memref<128xi32, #tpu.memory_space<vmem>>) semaphore(%arg15 : memref<!tpu.dma_semaphore, #tpu.memory_space<semaphore_mem>>)
    %dma_wait3A_138 = arith.constant 0 : i32
    %dma_wait3A_139 = arith.constant 0 : i32
    %dma_wait3A_140 = tpu.memref_slice %arg14[%dma_wait3A_138, %dma_wait3A_139] : memref<10000x128xf32, #tpu.memory_space<vmem_shared>> -> memref<10000x128xf32, #tpu.memory_space<vmem_shared>>
    tpu.wait_indirect_dma semaphore(%arg15 : memref<!tpu.dma_semaphore, #tpu.memory_space<semaphore_mem>>) src(%dma_wait3A_140 : memref<10000x128xf32, #tpu.memory_space<vmem_shared>>) dst(%arg11 : memref<128x128xf32, #tpu.memory_space<vmem>>)
    %add3A_141 = arith.constant 384 : i32
    %add3A_142 = arith.addi %mul3A_102, %add3A_141 : i32
    "tpu.region"() ({
      %run_scoped3A = tpu.sem_alloc : memref<!tpu.dma_semaphore, #tpu.memory_space<semaphore_mem>>
      %dma_start3A_158 = arith.constant 0 : i32
      %dma_start3A_159 = tpu.memref_slice %arg7[%arg0, %add3A_142, %dma_start3A_158] : memref<2x10000x128xf32, #tpu.memory_space<hbm>> -> memref<1x128x128xf32, #tpu.memory_space<hbm>>
      %dma_start3A_160 = tpu.memref_squeeze %dma_start3A_159 : memref<1x128x128xf32, #tpu.memory_space<hbm>> -> memref<128x128xf32, #tpu.memory_space<hbm>>
      %dma_start3A_161 = arith.constant 0 : i32
      %dma_start3A_162 = tpu.memref_slice %arg7[%arg0, %add3A_142, %dma_start3A_161] : memref<2x10000x128xf32, #tpu.memory_space<hbm>> -> memref<1x128x128xf32, #tpu.memory_space<hbm>>
      %dma_start3A_163 = tpu.memref_squeeze %dma_start3A_162 : memref<1x128x128xf32, #tpu.memory_space<hbm>> -> memref<128x128xf32, #tpu.memory_space<hbm>>
      tpu.enqueue_dma source(%arg11 : memref<128x128xf32, #tpu.memory_space<vmem>>) target(%dma_start3A_163 : memref<128x128xf32, #tpu.memory_space<hbm>>) target_semaphore(%run_scoped3A : memref<!tpu.dma_semaphore, #tpu.memory_space<semaphore_mem>>)
      %dma_wait3A_164 = arith.constant 0 : i32
      %dma_wait3A_165 = tpu.memref_slice %arg7[%arg0, %add3A_142, %dma_wait3A_164] : memref<2x10000x128xf32, #tpu.memory_space<hbm>> -> memref<1x128x128xf32, #tpu.memory_space<hbm>>
      %dma_wait3A_166 = tpu.memref_squeeze %dma_wait3A_165 : memref<1x128x128xf32, #tpu.memory_space<hbm>> -> memref<128x128xf32, #tpu.memory_space<hbm>>
      %dma_wait3A_167 = arith.constant 0 : i32
      %dma_wait3A_168 = tpu.memref_slice %arg7[%arg0, %add3A_142, %dma_wait3A_167] : memref<2x10000x128xf32, #tpu.memory_space<hbm>> -> memref<1x128x128xf32, #tpu.memory_space<hbm>>
      %dma_wait3A_169 = tpu.memref_squeeze %dma_wait3A_168 : memref<1x128x128xf32, #tpu.memory_space<hbm>> -> memref<128x128xf32, #tpu.memory_space<hbm>>
      tpu.wait_dma2 semaphore(%run_scoped3A : memref<!tpu.dma_semaphore, #tpu.memory_space<semaphore_mem>>) src(%arg11 : memref<128x128xf32, #tpu.memory_space<vmem>>) dst(%dma_wait3A_169 : memref<128x128xf32, #tpu.memory_space<hbm>>)
      tpu.yield
    }) : () -> ()
    %add3A_143 = arith.constant 496 : i32
    %add3A_144 = arith.addi %mul3A_102, %add3A_143 : i32
    "tpu.region"() ({
      %run_scoped3A = tpu.sem_alloc : memref<!tpu.dma_semaphore, #tpu.memory_space<semaphore_mem>>
      %dma_start3A_158 = tpu.memref_slice %arg5[%add3A_144] : memref<10000xi32, #tpu.memory_space<hbm>> -> memref<128xi32, #tpu.memory_space<hbm>>
      %dma_start3A_159 = tpu.memref_slice %arg5[%add3A_144] : memref<10000xi32, #tpu.memory_space<hbm>> -> memref<128xi32, #tpu.memory_space<hbm>>
      tpu.enqueue_dma source(%dma_start3A_159 : memref<128xi32, #tpu.memory_space<hbm>>) target(%arg8 : memref<128xi32, #tpu.memory_space<vmem>>) target_semaphore(%run_scoped3A : memref<!tpu.dma_semaphore, #tpu.memory_space<semaphore_mem>>)
      %dma_wait3A_160 = tpu.memref_slice %arg5[%add3A_144] : memref<10000xi32, #tpu.memory_space<hbm>> -> memref<128xi32, #tpu.memory_space<hbm>>
      %dma_wait3A_161 = tpu.memref_slice %arg5[%add3A_144] : memref<10000xi32, #tpu.memory_space<hbm>> -> memref<128xi32, #tpu.memory_space<hbm>>
      tpu.wait_dma2 semaphore(%run_scoped3A : memref<!tpu.dma_semaphore, #tpu.memory_space<semaphore_mem>>) src(%dma_wait3A_161 : memref<128xi32, #tpu.memory_space<hbm>>) dst(%arg8 : memref<128xi32, #tpu.memory_space<vmem>>)
      tpu.yield
    }) : () -> ()
    %dma_start3A_145 = arith.constant 0 : i32
    %dma_start3A_146 = arith.constant 0 : i32
    %dma_start3A_147 = tpu.memref_slice %arg14[%dma_start3A_145, %dma_start3A_146] : memref<10000x128xf32, #tpu.memory_space<vmem_shared>> -> memref<10000x128xf32, #tpu.memory_space<vmem_shared>>
    tpu.enqueue_indirect_dma source(%dma_start3A_147 : memref<10000x128xf32, #tpu.memory_space<vmem_shared>>) target(%arg11 : memref<128x128xf32, #tpu.memory_space<vmem>>) offsets(%arg8 : memref<128xi32, #tpu.memory_space<vmem>>) semaphore(%arg15 : memref<!tpu.dma_semaphore, #tpu.memory_space<semaphore_mem>>)
    %dma_wait3A_148 = arith.constant 0 : i32
    %dma_wait3A_149 = arith.constant 0 : i32
    %dma_wait3A_150 = tpu.memref_slice %arg14[%dma_wait3A_148, %dma_wait3A_149] : memref<10000x128xf32, #tpu.memory_space<vmem_shared>> -> memref<10000x128xf32, #tpu.memory_space<vmem_shared>>
    tpu.wait_indirect_dma semaphore(%arg15 : memref<!tpu.dma_semaphore, #tpu.memory_space<semaphore_mem>>) src(%dma_wait3A_150 : memref<10000x128xf32, #tpu.memory_space<vmem_shared>>) dst(%arg11 : memref<128x128xf32, #tpu.memory_space<vmem>>)
    %add3A_151 = arith.constant 496 : i32
    %add3A_152 = arith.addi %mul3A_102, %add3A_151 : i32
    "tpu.region"() ({
      %run_scoped3A = tpu.sem_alloc : memref<!tpu.dma_semaphore, #tpu.memory_space<semaphore_mem>>
      %dma_start3A_158 = arith.constant 0 : i32
      %dma_start3A_159 = tpu.memref_slice %arg7[%arg0, %add3A_152, %dma_start3A_158] : memref<2x10000x128xf32, #tpu.memory_space<hbm>> -> memref<1x128x128xf32, #tpu.memory_space<hbm>>
      %dma_start3A_160 = tpu.memref_squeeze %dma_start3A_159 : memref<1x128x128xf32, #tpu.memory_space<hbm>> -> memref<128x128xf32, #tpu.memory_space<hbm>>
      %dma_start3A_161 = arith.constant 0 : i32
      %dma_start3A_162 = tpu.memref_slice %arg7[%arg0, %add3A_152, %dma_start3A_161] : memref<2x10000x128xf32, #tpu.memory_space<hbm>> -> memref<1x128x128xf32, #tpu.memory_space<hbm>>
      %dma_start3A_163 = tpu.memref_squeeze %dma_start3A_162 : memref<1x128x128xf32, #tpu.memory_space<hbm>> -> memref<128x128xf32, #tpu.memory_space<hbm>>
      tpu.enqueue_dma source(%arg11 : memref<128x128xf32, #tpu.memory_space<vmem>>) target(%dma_start3A_163 : memref<128x128xf32, #tpu.memory_space<hbm>>) target_semaphore(%run_scoped3A : memref<!tpu.dma_semaphore, #tpu.memory_space<semaphore_mem>>)
      %dma_wait3A_164 = arith.constant 0 : i32
      %dma_wait3A_165 = tpu.memref_slice %arg7[%arg0, %add3A_152, %dma_wait3A_164] : memref<2x10000x128xf32, #tpu.memory_space<hbm>> -> memref<1x128x128xf32, #tpu.memory_space<hbm>>
      %dma_wait3A_166 = tpu.memref_squeeze %dma_wait3A_165 : memref<1x128x128xf32, #tpu.memory_space<hbm>> -> memref<128x128xf32, #tpu.memory_space<hbm>>
      %dma_wait3A_167 = arith.constant 0 : i32
      %dma_wait3A_168 = tpu.memref_slice %arg7[%arg0, %add3A_152, %dma_wait3A_167] : memref<2x10000x128xf32, #tpu.memory_space<hbm>> -> memref<1x128x128xf32, #tpu.memory_space<hbm>>
      %dma_wait3A_169 = tpu.memref_squeeze %dma_wait3A_168 : memref<1x128x128xf32, #tpu.memory_space<hbm>> -> memref<128x128xf32, #tpu.memory_space<hbm>>
      tpu.wait_dma2 semaphore(%run_scoped3A : memref<!tpu.dma_semaphore, #tpu.memory_space<semaphore_mem>>) src(%arg11 : memref<128x128xf32, #tpu.memory_space<vmem>>) dst(%dma_wait3A_169 : memref<128x128xf32, #tpu.memory_space<hbm>>)
      tpu.yield
    }) : () -> ()
    %eq3A_153 = arith.constant 15 : i32
    %eq3A_154 = arith.cmpi eq, %arg1, %eq3A_153 : i32
    %convert_element_type3A_155 = arith.extui %eq3A_154 : i1 to i32
    %cond3A_156 = arith.constant 0 : i32
    %cond3A_157 = arith.cmpi ne, %convert_element_type3A_155, %cond3A_156 : i32
    scf.if %cond3A_157 {
      "tpu.region"() ({
        %run_scoped3A = tpu.sem_alloc : memref<!tpu.dma_semaphore, #tpu.memory_space<semaphore_mem>>
        %dma_start3A_170 = arith.constant 9984 : i32
        %dma_start3A_171 = tpu.memref_slice %arg5[%dma_start3A_170] : memref<10000xi32, #tpu.memory_space<hbm>> -> memref<16xi32, #tpu.memory_space<hbm>>
        %dma_start3A_172 = arith.constant 9984 : i32
        %dma_start3A_173 = tpu.memref_slice %arg5[%dma_start3A_172] : memref<10000xi32, #tpu.memory_space<hbm>> -> memref<16xi32, #tpu.memory_space<hbm>>
        tpu.enqueue_dma source(%dma_start3A_173 : memref<16xi32, #tpu.memory_space<hbm>>) target(%arg13 : memref<16xi32, #tpu.memory_space<vmem>>) target_semaphore(%run_scoped3A : memref<!tpu.dma_semaphore, #tpu.memory_space<semaphore_mem>>)
        %dma_wait3A_174 = arith.constant 9984 : i32
        %dma_wait3A_175 = tpu.memref_slice %arg5[%dma_wait3A_174] : memref<10000xi32, #tpu.memory_space<hbm>> -> memref<16xi32, #tpu.memory_space<hbm>>
        %dma_wait3A_176 = arith.constant 9984 : i32
        %dma_wait3A_177 = tpu.memref_slice %arg5[%dma_wait3A_176] : memref<10000xi32, #tpu.memory_space<hbm>> -> memref<16xi32, #tpu.memory_space<hbm>>
        tpu.wait_dma2 semaphore(%run_scoped3A : memref<!tpu.dma_semaphore, #tpu.memory_space<semaphore_mem>>) src(%dma_wait3A_177 : memref<16xi32, #tpu.memory_space<hbm>>) dst(%arg13 : memref<16xi32, #tpu.memory_space<vmem>>)
        tpu.yield
      }) : () -> ()
      %dma_start3A_158 = arith.constant 0 : i32
      %dma_start3A_159 = arith.constant 0 : i32
      %dma_start3A_160 = tpu.memref_slice %arg11[%dma_start3A_158, %dma_start3A_159] : memref<128x128xf32, #tpu.memory_space<vmem>> -> memref<16x128xf32, #tpu.memory_space<vmem>>
      %dma_start3A_161 = arith.constant 0 : i32
      %dma_start3A_162 = arith.constant 0 : i32
      %dma_start3A_163 = tpu.memref_slice %arg14[%dma_start3A_161, %dma_start3A_162] : memref<10000x128xf32, #tpu.memory_space<vmem_shared>> -> memref<10000x128xf32, #tpu.memory_space<vmem_shared>>
      tpu.enqueue_indirect_dma source(%dma_start3A_163 : memref<10000x128xf32, #tpu.memory_space<vmem_shared>>) target(%dma_start3A_160 : memref<16x128xf32, #tpu.memory_space<vmem>>) offsets(%arg13 : memref<16xi32, #tpu.memory_space<vmem>>) semaphore(%arg15 : memref<!tpu.dma_semaphore, #tpu.memory_space<semaphore_mem>>)
      %dma_wait3A_164 = arith.constant 0 : i32
      %dma_wait3A_165 = arith.constant 0 : i32
      %dma_wait3A_166 = tpu.memref_slice %arg11[%dma_wait3A_164, %dma_wait3A_165] : memref<128x128xf32, #tpu.memory_space<vmem>> -> memref<16x128xf32, #tpu.memory_space<vmem>>
      %dma_wait3A_167 = arith.constant 0 : i32
      %dma_wait3A_168 = arith.constant 0 : i32
      %dma_wait3A_169 = tpu.memref_slice %arg14[%dma_wait3A_167, %dma_wait3A_168] : memref<10000x128xf32, #tpu.memory_space<vmem_shared>> -> memref<10000x128xf32, #tpu.memory_space<vmem_shared>>
      tpu.wait_indirect_dma semaphore(%arg15 : memref<!tpu.dma_semaphore, #tpu.memory_space<semaphore_mem>>) src(%dma_wait3A_169 : memref<10000x128xf32, #tpu.memory_space<vmem_shared>>) dst(%dma_wait3A_166 : memref<16x128xf32, #tpu.memory_space<vmem>>)
      "tpu.region"() ({
        %run_scoped3A = tpu.sem_alloc : memref<!tpu.dma_semaphore, #tpu.memory_space<semaphore_mem>>
        %dma_start3A_170 = arith.constant 0 : i32
        %dma_start3A_171 = arith.constant 0 : i32
        %dma_start3A_172 = tpu.memref_slice %arg11[%dma_start3A_170, %dma_start3A_171] : memref<128x128xf32, #tpu.memory_space<vmem>> -> memref<16x128xf32, #tpu.memory_space<vmem>>
        %dma_start3A_173 = arith.constant 9984 : i32
        %dma_start3A_174 = arith.constant 0 : i32
        %dma_start3A_175 = tpu.memref_slice %arg7[%arg0, %dma_start3A_173, %dma_start3A_174] : memref<2x10000x128xf32, #tpu.memory_space<hbm>> -> memref<1x16x128xf32, #tpu.memory_space<hbm>>
        %dma_start3A_176 = tpu.memref_squeeze %dma_start3A_175 : memref<1x16x128xf32, #tpu.memory_space<hbm>> -> memref<16x128xf32, #tpu.memory_space<hbm>>
        %dma_start3A_177 = arith.constant 9984 : i32
        %dma_start3A_178 = arith.constant 0 : i32
        %dma_start3A_179 = tpu.memref_slice %arg7[%arg0, %dma_start3A_177, %dma_start3A_178] : memref<2x10000x128xf32, #tpu.memory_space<hbm>> -> memref<1x16x128xf32, #tpu.memory_space<hbm>>
        %dma_start3A_180 = tpu.memref_squeeze %dma_start3A_179 : memref<1x16x128xf32, #tpu.memory_space<hbm>> -> memref<16x128xf32, #tpu.memory_space<hbm>>
        %dma_start3A_181 = arith.constant 0 : i32
        %dma_start3A_182 = arith.constant 0 : i32
        %dma_start3A_183 = tpu.memref_slice %arg11[%dma_start3A_181, %dma_start3A_182] : memref<128x128xf32, #tpu.memory_space<vmem>> -> memref<16x128xf32, #tpu.memory_space<vmem>>
        tpu.enqueue_dma source(%dma_start3A_183 : memref<16x128xf32, #tpu.memory_space<vmem>>) target(%dma_start3A_180 : memref<16x128xf32, #tpu.memory_space<hbm>>) target_semaphore(%run_scoped3A : memref<!tpu.dma_semaphore, #tpu.memory_space<semaphore_mem>>)
        %dma_wait3A_184 = arith.constant 0 : i32
        %dma_wait3A_185 = arith.constant 0 : i32
        %dma_wait3A_186 = tpu.memref_slice %arg11[%dma_wait3A_184, %dma_wait3A_185] : memref<128x128xf32, #tpu.memory_space<vmem>> -> memref<16x128xf32, #tpu.memory_space<vmem>>
        %dma_wait3A_187 = arith.constant 9984 : i32
        %dma_wait3A_188 = arith.constant 0 : i32
        %dma_wait3A_189 = tpu.memref_slice %arg7[%arg0, %dma_wait3A_187, %dma_wait3A_188] : memref<2x10000x128xf32, #tpu.memory_space<hbm>> -> memref<1x16x128xf32, #tpu.memory_space<hbm>>
        %dma_wait3A_190 = tpu.memref_squeeze %dma_wait3A_189 : memref<1x16x128xf32, #tpu.memory_space<hbm>> -> memref<16x128xf32, #tpu.memory_space<hbm>>
        %dma_wait3A_191 = arith.constant 9984 : i32
        %dma_wait3A_192 = arith.constant 0 : i32
        %dma_wait3A_193 = tpu.memref_slice %arg7[%arg0, %dma_wait3A_191, %dma_wait3A_192] : memref<2x10000x128xf32, #tpu.memory_space<hbm>> -> memref<1x16x128xf32, #tpu.memory_space<hbm>>
        %dma_wait3A_194 = tpu.memref_squeeze %dma_wait3A_193 : memref<1x16x128xf32, #tpu.memory_space<hbm>> -> memref<16x128xf32, #tpu.memory_space<hbm>>
        %dma_wait3A_195 = arith.constant 0 : i32
        %dma_wait3A_196 = arith.constant 0 : i32
        %dma_wait3A_197 = tpu.memref_slice %arg11[%dma_wait3A_195, %dma_wait3A_196] : memref<128x128xf32, #tpu.memory_space<vmem>> -> memref<16x128xf32, #tpu.memory_space<vmem>>
        tpu.wait_dma2 semaphore(%run_scoped3A : memref<!tpu.dma_semaphore, #tpu.memory_space<semaphore_mem>>) src(%dma_wait3A_197 : memref<16x128xf32, #tpu.memory_space<vmem>>) dst(%dma_wait3A_194 : memref<16x128xf32, #tpu.memory_space<hbm>>)
        tpu.yield
      }) : () -> ()
    } else {
    }
    return
  }
}

module attributes {stable_mosaic.version = 14 : i64} {
  func.func @_enc_body(%arg0: i32, %arg1: memref<1000x64xf32, #tpu.memory_space<vmem>>, %arg2: memref<1000x1xi32, #tpu.memory_space<vmem>>, %arg3: memref<1000x1xi32, #tpu.memory_space<vmem>>, %arg4: memref<1024x1xf32, #tpu.memory_space<vmem>>, %arg5: memref<1000x128xf32, #tpu.memory_space<vmem>>, %arg6: memref<64x128xf32, #tpu.memory_space<vmem>>, %arg7: memref<128x128xf32, #tpu.memory_space<vmem>>, %arg8: memref<1x128xf32, #tpu.memory_space<vmem>>, %arg9: memref<1x128xf32, #tpu.memory_space<vmem>>, %arg10: memref<1000x128xf32, #tpu.memory_space<vmem>>) attributes {dimension_semantics = [#tpu.dimension_semantics<arbitrary>], iteration_bounds = array<i64: 10>, scalar_prefetch = 0 : i64, scratch_operands = 0 : i64, tpu.core_type = #tpu.core_type<tc>, window_params = [{transform_indices = @transform_0, window_bounds = array<i64: 1000, 64>}, {transform_indices = @transform_1, window_bounds = array<i64: 1000, 1>}, {transform_indices = @transform_2, window_bounds = array<i64: 1000, 1>}, {pipeline_mode = #tpu.pipeline_mode<synchronous>, transform_indices = @transform_3, window_bounds = array<i64: 1024, 1>}, {transform_indices = @transform_4, window_bounds = array<i64: 1000, 128>}, {pipeline_mode = #tpu.pipeline_mode<synchronous>, transform_indices = @transform_5, window_bounds = array<i64: 64, 128>}, {pipeline_mode = #tpu.pipeline_mode<synchronous>, transform_indices = @transform_6, window_bounds = array<i64: 128, 128>}, {pipeline_mode = #tpu.pipeline_mode<synchronous>, transform_indices = @transform_7, window_bounds = array<i64: 1, 128>}, {pipeline_mode = #tpu.pipeline_mode<synchronous>, transform_indices = @transform_8, window_bounds = array<i64: 1, 128>}, {transform_indices = @transform_9, window_bounds = array<i64: 1000, 128>}]} {
    %iota3A = tpu.iota {dimensions = array<i32: 1>} : vector<1x1024xi32>
    %get3A = arith.constant 0 : index
    %get3A_0 = arith.constant 0 : index
    %get3A_1 = vector.load %arg2[%get3A, %get3A_0] : memref<1000x1xi32, #tpu.memory_space<vmem>>, vector<1000x1xi32>
    %eq3A = vector.broadcast %get3A_1 : vector<1000x1xi32> to vector<1000x1024xi32>
    %eq3A_2 = vector.broadcast %iota3A : vector<1x1024xi32> to vector<1000x1024xi32>
    %eq3A_3 = arith.cmpi eq, %eq3A, %eq3A_2 : vector<1000x1024xi32>
    %jit3A = arith.constant 1.000000e+00 : f32
    %jit3A_4 = arith.constant 0.000000e+00 : f32
    %broadcast_in_dim3A = vector.broadcast %jit3A : f32 to vector<1000x1024xf32>
    %broadcast_in_dim3A_5 = vector.broadcast %jit3A_4 : f32 to vector<1000x1024xf32>
    %select_n3A = arith.select %eq3A_3, %broadcast_in_dim3A, %broadcast_in_dim3A_5 : vector<1000x1024xi1>, vector<1000x1024xf32>
    %get3A_6 = arith.constant 0 : index
    %get3A_7 = arith.constant 0 : index
    %get3A_8 = vector.load %arg4[%get3A_6, %get3A_7] : memref<1024x1xf32, #tpu.memory_space<vmem>>, vector<1024x1xf32>
    %dot_general3A = arith.constant dense<0.000000e+00> : vector<1000x1xf32>
    %dot_general3A_9 = tpu.matmul %select_n3A, %get3A_8, %dot_general3A {dimension_numbers = #tpu.dot_dimension_numbers<[1], [0], [0], [1], [0, 0, 1, 1], [], []>, transpose_lhs_hint = false} : vector<1000x1024xf32>, vector<1024x1xf32>, vector<1000x1xf32> -> vector<1000x1xf32>
    %get3A_10 = arith.constant 0 : index
    %get3A_11 = arith.constant 0 : index
    %get3A_12 = vector.load %arg3[%get3A_10, %get3A_11] : memref<1000x1xi32, #tpu.memory_space<vmem>>, vector<1000x1xi32>
    %convert_element_type3A = arith.sitofp %get3A_12 : vector<1000x1xi32> to vector<1000x1xf32>
    %sub3A = arith.subf %dot_general3A_9, %convert_element_type3A : vector<1000x1xf32>
    %div3A = arith.constant 8.640000e+04 : f32
    %div3A_13 = vector.broadcast %div3A : f32 to vector<1000x1xf32>
    %div3A_14 = arith.divf %sub3A, %div3A_13 : vector<1000x1xf32>
    %iota3A_15 = tpu.iota {dimensions = array<i32: 1>} : vector<1x64xi32>
    %convert_element_type3A_16 = arith.sitofp %iota3A_15 : vector<1x64xi32> to vector<1x64xf32>
    %log3A = arith.constant 1.000000e+04 : f32
    %log3A_17 = math.log %log3A : f32
    %mul3A = arith.constant -2.000000e+00 : f32
    %mul3A_18 = arith.mulf %mul3A, %log3A_17 : f32
    %div3A_19 = arith.constant 1.280000e+02 : f32
    %div3A_20 = arith.divf %mul3A_18, %div3A_19 : f32
    %mul3A_21 = vector.broadcast %div3A_20 : f32 to vector<1x64xf32>
    %mul3A_22 = arith.mulf %convert_element_type3A_16, %mul3A_21 : vector<1x64xf32>
    %exp3A = math.exp %mul3A_22 : vector<1x64xf32>
    %mul3A_23 = vector.broadcast %div3A_14 : vector<1000x1xf32> to vector<1000x64xf32>
    %mul3A_24 = vector.broadcast %exp3A : vector<1x64xf32> to vector<1000x64xf32>
    %mul3A_25 = arith.mulf %mul3A_23, %mul3A_24 : vector<1000x64xf32>
    %sin3A = math.sin %mul3A_25 : vector<1000x64xf32>
    %cos3A = math.cos %mul3A_25 : vector<1000x64xf32>
    %concatenate3A = tpu.concatenate %sin3A, %cos3A in 1 : vector<1000x64xf32>, vector<1000x64xf32> -> vector<1000x128xf32>
    %get3A_26 = arith.constant 0 : index
    %get3A_27 = arith.constant 0 : index
    %get3A_28 = vector.load %arg1[%get3A_26, %get3A_27] : memref<1000x64xf32, #tpu.memory_space<vmem>>, vector<1000x64xf32>
    %get3A_29 = arith.constant 0 : index
    %get3A_30 = arith.constant 0 : index
    %get3A_31 = vector.load %arg6[%get3A_29, %get3A_30] : memref<64x128xf32, #tpu.memory_space<vmem>>, vector<64x128xf32>
    %dot_general3A_32 = arith.constant dense<0.000000e+00> : vector<1000x128xf32>
    %dot_general3A_33 = tpu.matmul %get3A_28, %get3A_31, %dot_general3A_32 {dimension_numbers = #tpu.dot_dimension_numbers<[1], [0], [0], [1], [0, 0, 1, 1], [], []>, transpose_lhs_hint = false} : vector<1000x64xf32>, vector<64x128xf32>, vector<1000x128xf32> -> vector<1000x128xf32>
    %get3A_34 = arith.constant 0 : index
    %get3A_35 = arith.constant 0 : index
    %get3A_36 = vector.load %arg7[%get3A_34, %get3A_35] : memref<128x128xf32, #tpu.memory_space<vmem>>, vector<128x128xf32>
    %dot_general3A_37 = arith.constant dense<0.000000e+00> : vector<1000x128xf32>
    %dot_general3A_38 = tpu.matmul %concatenate3A, %get3A_36, %dot_general3A_37 {dimension_numbers = #tpu.dot_dimension_numbers<[1], [0], [0], [1], [0, 0, 1, 1], [], []>, transpose_lhs_hint = false} : vector<1000x128xf32>, vector<128x128xf32>, vector<1000x128xf32> -> vector<1000x128xf32>
    %add3A = arith.addf %dot_general3A_33, %dot_general3A_38 : vector<1000x128xf32>
    %get3A_39 = arith.constant 0 : index
    %get3A_40 = arith.constant 0 : index
    %get3A_41 = vector.load %arg8[%get3A_39, %get3A_40] : memref<1x128xf32, #tpu.memory_space<vmem>>, vector<1x128xf32>
    %add3A_42 = vector.broadcast %get3A_41 : vector<1x128xf32> to vector<1000x128xf32>
    %add3A_43 = arith.addf %add3A, %add3A_42 : vector<1000x128xf32>
    %get3A_44 = arith.constant 0 : index
    %get3A_45 = arith.constant 0 : index
    %get3A_46 = vector.load %arg9[%get3A_44, %get3A_45] : memref<1x128xf32, #tpu.memory_space<vmem>>, vector<1x128xf32>
    %add3A_47 = vector.broadcast %get3A_46 : vector<1x128xf32> to vector<1000x128xf32>
    %add3A_48 = arith.addf %add3A_43, %add3A_47 : vector<1000x128xf32>
    %get3A_49 = arith.constant 0 : index
    %get3A_50 = arith.constant 0 : index
    %get3A_51 = vector.load %arg5[%get3A_49, %get3A_50] : memref<1000x128xf32, #tpu.memory_space<vmem>>, vector<1000x128xf32>
    %add3A_52 = arith.addf %add3A_48, %get3A_51 : vector<1000x128xf32>
    %swap3A = arith.constant 0 : index
    %swap3A_53 = arith.constant 0 : index
    %swap3A_54 = vector.load %arg10[%swap3A, %swap3A_53] : memref<1000x128xf32, #tpu.memory_space<vmem>>, vector<1000x128xf32>
    tpu.vector_store %arg10[%swap3A, %swap3A_53], %add3A_52 {strides = array<i32>} : memref<1000x128xf32, #tpu.memory_space<vmem>>, vector<1000x128xf32>,
    return
  }
  func.func @transform_0(%arg0: i32) -> (i32, i32) {
    %c0_i32 = arith.constant 0 : i32
    %c0_i32_0 = arith.constant 0 : i32
    return %arg0, %c0_i32 : i32, i32
  }
  func.func @transform_1(%arg0: i32) -> (i32, i32) {
    %c0_i32 = arith.constant 0 : i32
    %c0_i32_0 = arith.constant 0 : i32
    return %arg0, %c0_i32 : i32, i32
  }
  func.func @transform_2(%arg0: i32) -> (i32, i32) {
    %c0_i32 = arith.constant 0 : i32
    %c0_i32_0 = arith.constant 0 : i32
    return %arg0, %c0_i32 : i32, i32
  }
  func.func @transform_3(%arg0: i32) -> (i32, i32) {
    %c0_i32 = arith.constant 0 : i32
    %c0_i32_0 = arith.constant 0 : i32
    %c0_i32_1 = arith.constant 0 : i32
    return %c0_i32, %c0_i32_0 : i32, i32
  }
  func.func @transform_4(%arg0: i32) -> (i32, i32) {
    %c0_i32 = arith.constant 0 : i32
    %c0_i32_0 = arith.constant 0 : i32
    return %arg0, %c0_i32 : i32, i32
  }
  func.func @transform_5(%arg0: i32) -> (i32, i32) {
    %c0_i32 = arith.constant 0 : i32
    %c0_i32_0 = arith.constant 0 : i32
    %c0_i32_1 = arith.constant 0 : i32
    return %c0_i32, %c0_i32_0 : i32, i32
  }
  func.func @transform_6(%arg0: i32) -> (i32, i32) {
    %c0_i32 = arith.constant 0 : i32
    %c0_i32_0 = arith.constant 0 : i32
    %c0_i32_1 = arith.constant 0 : i32
    return %c0_i32, %c0_i32_0 : i32, i32
  }
  func.func @transform_7(%arg0: i32) -> (i32, i32) {
    %c0_i32 = arith.constant 0 : i32
    %c0_i32_0 = arith.constant 0 : i32
    %c0_i32_1 = arith.constant 0 : i32
    return %c0_i32, %c0_i32_0 : i32, i32
  }
  func.func @transform_8(%arg0: i32) -> (i32, i32) {
    %c0_i32 = arith.constant 0 : i32
    %c0_i32_0 = arith.constant 0 : i32
    %c0_i32_1 = arith.constant 0 : i32
    return %c0_i32, %c0_i32_0 : i32, i32
  }
  func.func @transform_9(%arg0: i32) -> (i32, i32) {
    %c0_i32 = arith.constant 0 : i32
    %c0_i32_0 = arith.constant 0 : i32
    return %arg0, %c0_i32 : i32, i32
  }
}

module attributes {stable_mosaic.version = 14 : i64} {
  func.func @_comb_body(%arg0: i32, %arg1: memref<1000x128xf32, #tpu.memory_space<vmem>>, %arg2: memref<1000x128xf32, #tpu.memory_space<vmem>>, %arg3: memref<1000x128xf32, #tpu.memory_space<vmem>>, %arg4: memref<1000x128xf32, #tpu.memory_space<vmem>>, %arg5: memref<1000x128xf32, #tpu.memory_space<vmem>>, %arg6: memref<128x128xf32, #tpu.memory_space<vmem>>, %arg7: memref<128x128xf32, #tpu.memory_space<vmem>>, %arg8: memref<1x128xf32, #tpu.memory_space<vmem>>, %arg9: memref<1000x128xf32, #tpu.memory_space<vmem>>) attributes {dimension_semantics = [#tpu.dimension_semantics<arbitrary>], iteration_bounds = array<i64: 10>, scalar_prefetch = 0 : i64, scratch_operands = 0 : i64, tpu.core_type = #tpu.core_type<tc>, window_params = [{transform_indices = @transform_0, window_bounds = array<i64: 1000, 128>}, {transform_indices = @transform_1, window_bounds = array<i64: 1000, 128>}, {transform_indices = @transform_2, window_bounds = array<i64: 1000, 128>}, {transform_indices = @transform_3, window_bounds = array<i64: 1000, 128>}, {transform_indices = @transform_4, window_bounds = array<i64: 1000, 128>}, {pipeline_mode = #tpu.pipeline_mode<synchronous>, transform_indices = @transform_5, window_bounds = array<i64: 128, 128>}, {pipeline_mode = #tpu.pipeline_mode<synchronous>, transform_indices = @transform_6, window_bounds = array<i64: 128, 128>}, {pipeline_mode = #tpu.pipeline_mode<synchronous>, transform_indices = @transform_7, window_bounds = array<i64: 1, 128>}, {transform_indices = @transform_8, window_bounds = array<i64: 1000, 128>}]} {
    %get3A = arith.constant 0 : index
    %get3A_0 = arith.constant 0 : index
    %get3A_1 = vector.load %arg4[%get3A, %get3A_0] : memref<1000x128xf32, #tpu.memory_space<vmem>>, vector<1000x128xf32>
    %slice3A = vector.extract_strided_slice %get3A_1 {offsets = [0, 0], sizes = [1000, 1], strides = [1, 1]} : vector<1000x128xf32> to vector<1000x1xf32>
    %get3A_2 = arith.constant 0 : index
    %get3A_3 = arith.constant 0 : index
    %get3A_4 = vector.load %arg5[%get3A_2, %get3A_3] : memref<1000x128xf32, #tpu.memory_space<vmem>>, vector<1000x128xf32>
    %slice3A_5 = vector.extract_strided_slice %get3A_4 {offsets = [0, 0], sizes = [1000, 1], strides = [1, 1]} : vector<1000x128xf32> to vector<1000x1xf32>
    %add3A = arith.addf %slice3A, %slice3A_5 : vector<1000x1xf32>
    %get3A_6 = arith.constant 0 : index
    %get3A_7 = arith.constant 0 : index
    %get3A_8 = vector.load %arg2[%get3A_6, %get3A_7] : memref<1000x128xf32, #tpu.memory_space<vmem>>, vector<1000x128xf32>
    %get3A_9 = arith.constant 0 : index
    %get3A_10 = arith.constant 0 : index
    %get3A_11 = vector.load %arg3[%get3A_9, %get3A_10] : memref<1000x128xf32, #tpu.memory_space<vmem>>, vector<1000x128xf32>
    %add3A_12 = arith.addf %get3A_8, %get3A_11 : vector<1000x128xf32>
    %max3A = arith.constant 1.000000e+00 : f32
    %max3A_13 = vector.broadcast %max3A : f32 to vector<1000x1xf32>
    %max3A_14 = arith.maximumf %add3A, %max3A_13 : vector<1000x1xf32>
    %div3A = vector.broadcast %max3A_14 : vector<1000x1xf32> to vector<1000x128xf32>
    %div3A_15 = arith.divf %add3A_12, %div3A : vector<1000x128xf32>
    %get3A_16 = arith.constant 0 : index
    %get3A_17 = arith.constant 0 : index
    %get3A_18 = vector.load %arg1[%get3A_16, %get3A_17] : memref<1000x128xf32, #tpu.memory_space<vmem>>, vector<1000x128xf32>
    %get3A_19 = arith.constant 0 : index
    %get3A_20 = arith.constant 0 : index
    %get3A_21 = vector.load %arg6[%get3A_19, %get3A_20] : memref<128x128xf32, #tpu.memory_space<vmem>>, vector<128x128xf32>
    %dot_general3A = arith.constant dense<0.000000e+00> : vector<1000x128xf32>
    %dot_general3A_22 = tpu.matmul %get3A_18, %get3A_21, %dot_general3A {dimension_numbers = #tpu.dot_dimension_numbers<[1], [0], [0], [1], [0, 0, 1, 1], [], []>, transpose_lhs_hint = false} : vector<1000x128xf32>, vector<128x128xf32>, vector<1000x128xf32> -> vector<1000x128xf32>
    %get3A_23 = arith.constant 0 : index
    %get3A_24 = arith.constant 0 : index
    %get3A_25 = vector.load %arg7[%get3A_23, %get3A_24] : memref<128x128xf32, #tpu.memory_space<vmem>>, vector<128x128xf32>
    %dot_general3A_26 = arith.constant dense<0.000000e+00> : vector<1000x128xf32>
    %dot_general3A_27 = tpu.matmul %div3A_15, %get3A_25, %dot_general3A_26 {dimension_numbers = #tpu.dot_dimension_numbers<[1], [0], [0], [1], [0, 0, 1, 1], [], []>, transpose_lhs_hint = false} : vector<1000x128xf32>, vector<128x128xf32>, vector<1000x128xf32> -> vector<1000x128xf32>
    %add3A_28 = arith.addf %dot_general3A_22, %dot_general3A_27 : vector<1000x128xf32>
    %get3A_29 = arith.constant 0 : index
    %get3A_30 = arith.constant 0 : index
    %get3A_31 = vector.load %arg8[%get3A_29, %get3A_30] : memref<1x128xf32, #tpu.memory_space<vmem>>, vector<1x128xf32>
    %add3A_32 = vector.broadcast %get3A_31 : vector<1x128xf32> to vector<1000x128xf32>
    %add3A_33 = arith.addf %add3A_28, %add3A_32 : vector<1000x128xf32>
    %max3A_34 = arith.constant 0.000000e+00 : f32
    %max3A_35 = vector.broadcast %max3A_34 : f32 to vector<1000x128xf32>
    %max3A_36 = arith.maximumf %add3A_33, %max3A_35 : vector<1000x128xf32>
    %swap3A = arith.constant 0 : index
    %swap3A_37 = arith.constant 0 : index
    %swap3A_38 = vector.load %arg9[%swap3A, %swap3A_37] : memref<1000x128xf32, #tpu.memory_space<vmem>>, vector<1000x128xf32>
    tpu.vector_store %arg9[%swap3A, %swap3A_37], %max3A_36 {strides = array<i32>} : memref<1000x128xf32, #tpu.memory_space<vmem>>, vector<1000x128xf32>,
    return
  }
  func.func @transform_0(%arg0: i32) -> (i32, i32) {
    %c0_i32 = arith.constant 0 : i32
    %c0_i32_0 = arith.constant 0 : i32
    return %arg0, %c0_i32 : i32, i32
  }
  func.func @transform_1(%arg0: i32) -> (i32, i32) {
    %c0_i32 = arith.constant 0 : i32
    %c0_i32_0 = arith.constant 0 : i32
    return %arg0, %c0_i32 : i32, i32
  }
  func.func @transform_2(%arg0: i32) -> (i32, i32) {
    %c0_i32 = arith.constant 0 : i32
    %c0_i32_0 = arith.constant 0 : i32
    return %arg0, %c0_i32 : i32, i32
  }
  func.func @transform_3(%arg0: i32) -> (i32, i32) {
    %c0_i32 = arith.constant 0 : i32
    %c0_i32_0 = arith.constant 0 : i32
    return %arg0, %c0_i32 : i32, i32
  }
  func.func @transform_4(%arg0: i32) -> (i32, i32) {
    %c0_i32 = arith.constant 0 : i32
    %c0_i32_0 = arith.constant 0 : i32
    return %arg0, %c0_i32 : i32, i32
  }
  func.func @transform_5(%arg0: i32) -> (i32, i32) {
    %c0_i32 = arith.constant 0 : i32
    %c0_i32_0 = arith.constant 0 : i32
    %c0_i32_1 = arith.constant 0 : i32
    return %c0_i32, %c0_i32_0 : i32, i32
  }
  func.func @transform_6(%arg0: i32) -> (i32, i32) {
    %c0_i32 = arith.constant 0 : i32
    %c0_i32_0 = arith.constant 0 : i32
    %c0_i32_1 = arith.constant 0 : i32
    return %c0_i32, %c0_i32_0 : i32, i32
  }
  func.func @transform_7(%arg0: i32) -> (i32, i32) {
    %c0_i32 = arith.constant 0 : i32
    %c0_i32_0 = arith.constant 0 : i32
    %c0_i32_1 = arith.constant 0 : i32
    return %c0_i32, %c0_i32_0 : i32, i32
  }
  func.func @transform_8(%arg0: i32) -> (i32, i32) {
    %c0_i32 = arith.constant 0 : i32
    %c0_i32_0 = arith.constant 0 : i32
    return %arg0, %c0_i32 : i32, i32
  }
}

module attributes {stable_mosaic.version = 14 : i64} {
  func.func @_final_body(%arg0: i32, %arg1: memref<1024x128xf32, #tpu.memory_space<vmem>>, %arg2: memref<1024x128xf32, #tpu.memory_space<vmem>>, %arg3: memref<1024x128xf32, #tpu.memory_space<vmem>>, %arg4: memref<1024x128xf32, #tpu.memory_space<vmem>>, %arg5: memref<1024x128xf32, #tpu.memory_space<vmem>>, %arg6: memref<128x128xf32, #tpu.memory_space<vmem>>, %arg7: memref<128x128xf32, #tpu.memory_space<vmem>>, %arg8: memref<1x128xf32, #tpu.memory_space<vmem>>, %arg9: memref<128x1xf32, #tpu.memory_space<vmem>>, %arg10: memref<1x1xf32, #tpu.memory_space<vmem>>, %arg11: memref<1024x1xf32, #tpu.memory_space<vmem>>) attributes {dimension_semantics = [#tpu.dimension_semantics<arbitrary>], iteration_bounds = array<i64: 1>, scalar_prefetch = 0 : i64, scratch_operands = 0 : i64, tpu.core_type = #tpu.core_type<tc>, window_params = [{transform_indices = @transform_0, window_bounds = array<i64: 1024, 128>}, {transform_indices = @transform_1, window_bounds = array<i64: 1024, 128>}, {transform_indices = @transform_2, window_bounds = array<i64: 1024, 128>}, {transform_indices = @transform_3, window_bounds = array<i64: 1024, 128>}, {transform_indices = @transform_4, window_bounds = array<i64: 1024, 128>}, {pipeline_mode = #tpu.pipeline_mode<synchronous>, transform_indices = @transform_5, window_bounds = array<i64: 128, 128>}, {pipeline_mode = #tpu.pipeline_mode<synchronous>, transform_indices = @transform_6, window_bounds = array<i64: 128, 128>}, {pipeline_mode = #tpu.pipeline_mode<synchronous>, transform_indices = @transform_7, window_bounds = array<i64: 1, 128>}, {pipeline_mode = #tpu.pipeline_mode<synchronous>, transform_indices = @transform_8, window_bounds = array<i64: 128, 1>}, {pipeline_mode = #tpu.pipeline_mode<synchronous>, transform_indices = @transform_9, window_bounds = array<i64: 1, 1>}, {pipeline_mode = #tpu.pipeline_mode<synchronous>, transform_indices = @transform_10, window_bounds = array<i64: 1024, 1>}]} {
    %get3A = arith.constant 0 : index
    %get3A_0 = arith.constant 0 : index
    %get3A_1 = vector.load %arg4[%get3A, %get3A_0] : memref<1024x128xf32, #tpu.memory_space<vmem>>, vector<1024x128xf32>
    %slice3A = vector.extract_strided_slice %get3A_1 {offsets = [0, 0], sizes = [1024, 1], strides = [1, 1]} : vector<1024x128xf32> to vector<1024x1xf32>
    %get3A_2 = arith.constant 0 : index
    %get3A_3 = arith.constant 0 : index
    %get3A_4 = vector.load %arg5[%get3A_2, %get3A_3] : memref<1024x128xf32, #tpu.memory_space<vmem>>, vector<1024x128xf32>
    %slice3A_5 = vector.extract_strided_slice %get3A_4 {offsets = [0, 0], sizes = [1024, 1], strides = [1, 1]} : vector<1024x128xf32> to vector<1024x1xf32>
    %add3A = arith.addf %slice3A, %slice3A_5 : vector<1024x1xf32>
    %get3A_6 = arith.constant 0 : index
    %get3A_7 = arith.constant 0 : index
    %get3A_8 = vector.load %arg2[%get3A_6, %get3A_7] : memref<1024x128xf32, #tpu.memory_space<vmem>>, vector<1024x128xf32>
    %get3A_9 = arith.constant 0 : index
    %get3A_10 = arith.constant 0 : index
    %get3A_11 = vector.load %arg3[%get3A_9, %get3A_10] : memref<1024x128xf32, #tpu.memory_space<vmem>>, vector<1024x128xf32>
    %add3A_12 = arith.addf %get3A_8, %get3A_11 : vector<1024x128xf32>
    %max3A = arith.constant 1.000000e+00 : f32
    %max3A_13 = vector.broadcast %max3A : f32 to vector<1024x1xf32>
    %max3A_14 = arith.maximumf %add3A, %max3A_13 : vector<1024x1xf32>
    %div3A = vector.broadcast %max3A_14 : vector<1024x1xf32> to vector<1024x128xf32>
    %div3A_15 = arith.divf %add3A_12, %div3A : vector<1024x128xf32>
    %get3A_16 = arith.constant 0 : index
    %get3A_17 = arith.constant 0 : index
    %get3A_18 = vector.load %arg1[%get3A_16, %get3A_17] : memref<1024x128xf32, #tpu.memory_space<vmem>>, vector<1024x128xf32>
    %get3A_19 = arith.constant 0 : index
    %get3A_20 = arith.constant 0 : index
    %get3A_21 = vector.load %arg6[%get3A_19, %get3A_20] : memref<128x128xf32, #tpu.memory_space<vmem>>, vector<128x128xf32>
    %dot_general3A = arith.constant dense<0.000000e+00> : vector<1024x128xf32>
    %dot_general3A_22 = tpu.matmul %get3A_18, %get3A_21, %dot_general3A {dimension_numbers = #tpu.dot_dimension_numbers<[1], [0], [0], [1], [0, 0, 1, 1], [], []>, transpose_lhs_hint = false} : vector<1024x128xf32>, vector<128x128xf32>, vector<1024x128xf32> -> vector<1024x128xf32>
    %get3A_23 = arith.constant 0 : index
    %get3A_24 = arith.constant 0 : index
    %get3A_25 = vector.load %arg7[%get3A_23, %get3A_24] : memref<128x128xf32, #tpu.memory_space<vmem>>, vector<128x128xf32>
    %dot_general3A_26 = arith.constant dense<0.000000e+00> : vector<1024x128xf32>
    %dot_general3A_27 = tpu.matmul %div3A_15, %get3A_25, %dot_general3A_26 {dimension_numbers = #tpu.dot_dimension_numbers<[1], [0], [0], [1], [0, 0, 1, 1], [], []>, transpose_lhs_hint = false} : vector<1024x128xf32>, vector<128x128xf32>, vector<1024x128xf32> -> vector<1024x128xf32>
    %add3A_28 = arith.addf %dot_general3A_22, %dot_general3A_27 : vector<1024x128xf32>
    %get3A_29 = arith.constant 0 : index
    %get3A_30 = arith.constant 0 : index
    %get3A_31 = vector.load %arg8[%get3A_29, %get3A_30] : memref<1x128xf32, #tpu.memory_space<vmem>>, vector<1x128xf32>
    %add3A_32 = vector.broadcast %get3A_31 : vector<1x128xf32> to vector<1024x128xf32>
    %add3A_33 = arith.addf %add3A_28, %add3A_32 : vector<1024x128xf32>
    %max3A_34 = arith.constant 0.000000e+00 : f32
    %max3A_35 = vector.broadcast %max3A_34 : f32 to vector<1024x128xf32>
    %max3A_36 = arith.maximumf %add3A_33, %max3A_35 : vector<1024x128xf32>
    %get3A_37 = arith.constant 0 : index
    %get3A_38 = arith.constant 0 : index
    %get3A_39 = vector.load %arg9[%get3A_37, %get3A_38] : memref<128x1xf32, #tpu.memory_space<vmem>>, vector<128x1xf32>
    %dot_general3A_40 = arith.constant dense<0.000000e+00> : vector<1024x1xf32>
    %dot_general3A_41 = tpu.matmul %max3A_36, %get3A_39, %dot_general3A_40 {dimension_numbers = #tpu.dot_dimension_numbers<[1], [0], [0], [1], [0, 0, 1, 1], [], []>, transpose_lhs_hint = false} : vector<1024x128xf32>, vector<128x1xf32>, vector<1024x1xf32> -> vector<1024x1xf32>
    %get3A_42 = arith.constant 0 : index
    %get3A_43 = arith.constant 0 : index
    %get3A_44 = vector.load %arg10[%get3A_42, %get3A_43] : memref<1x1xf32, #tpu.memory_space<vmem>>, vector<1x1xf32>
    %add3A_45 = vector.broadcast %get3A_44 : vector<1x1xf32> to vector<1024x1xf32>
    %add3A_46 = arith.addf %dot_general3A_41, %add3A_45 : vector<1024x1xf32>
    %swap3A = arith.constant 0 : index
    %swap3A_47 = arith.constant 0 : index
    %swap3A_48 = vector.load %arg11[%swap3A, %swap3A_47] : memref<1024x1xf32, #tpu.memory_space<vmem>>, vector<1024x1xf32>
    tpu.vector_store %arg11[%swap3A, %swap3A_47], %add3A_46 {strides = array<i32>} : memref<1024x1xf32, #tpu.memory_space<vmem>>, vector<1024x1xf32>,
    return
  }
  func.func @transform_0(%arg0: i32) -> (i32, i32) {
    %c0_i32 = arith.constant 0 : i32
    %c0_i32_0 = arith.constant 0 : i32
    %c0_i32_1 = arith.constant 0 : i32
    return %c0_i32, %c0_i32_0 : i32, i32
  }
  func.func @transform_1(%arg0: i32) -> (i32, i32) {
    %c0_i32 = arith.constant 0 : i32
    %c0_i32_0 = arith.constant 0 : i32
    %c0_i32_1 = arith.constant 0 : i32
    return %c0_i32, %c0_i32_0 : i32, i32
  }
  func.func @transform_2(%arg0: i32) -> (i32, i32) {
    %c0_i32 = arith.constant 0 : i32
    %c0_i32_0 = arith.constant 0 : i32
    %c0_i32_1 = arith.constant 0 : i32
    return %c0_i32, %c0_i32_0 : i32, i32
  }
  func.func @transform_3(%arg0: i32) -> (i32, i32) {
    %c0_i32 = arith.constant 0 : i32
    %c0_i32_0 = arith.constant 0 : i32
    %c0_i32_1 = arith.constant 0 : i32
    return %c0_i32, %c0_i32_0 : i32, i32
  }
  func.func @transform_4(%arg0: i32) -> (i32, i32) {
    %c0_i32 = arith.constant 0 : i32
    %c0_i32_0 = arith.constant 0 : i32
    %c0_i32_1 = arith.constant 0 : i32
    return %c0_i32, %c0_i32_0 : i32, i32
  }
  func.func @transform_5(%arg0: i32) -> (i32, i32) {
    %c0_i32 = arith.constant 0 : i32
    %c0_i32_0 = arith.constant 0 : i32
    %c0_i32_1 = arith.constant 0 : i32
    return %c0_i32, %c0_i32_0 : i32, i32
  }
  func.func @transform_6(%arg0: i32) -> (i32, i32) {
    %c0_i32 = arith.constant 0 : i32
    %c0_i32_0 = arith.constant 0 : i32
    %c0_i32_1 = arith.constant 0 : i32
    return %c0_i32, %c0_i32_0 : i32, i32
  }
  func.func @transform_7(%arg0: i32) -> (i32, i32) {
    %c0_i32 = arith.constant 0 : i32
    %c0_i32_0 = arith.constant 0 : i32
    %c0_i32_1 = arith.constant 0 : i32
    return %c0_i32, %c0_i32_0 : i32, i32
  }
  func.func @transform_8(%arg0: i32) -> (i32, i32) {
    %c0_i32 = arith.constant 0 : i32
    %c0_i32_0 = arith.constant 0 : i32
    %c0_i32_1 = arith.constant 0 : i32
    return %c0_i32, %c0_i32_0 : i32, i32
  }
  func.func @transform_9(%arg0: i32) -> (i32, i32) {
    %c0_i32 = arith.constant 0 : i32
    %c0_i32_0 = arith.constant 0 : i32
    %c0_i32_1 = arith.constant 0 : i32
    return %c0_i32, %c0_i32_0 : i32, i32
  }
  func.func @transform_10(%arg0: i32) -> (i32, i32) {
    %c0_i32 = arith.constant 0 : i32
    %c0_i32_0 = arith.constant 0 : i32
    %c0_i32_1 = arith.constant 0 : i32
    return %c0_i32, %c0_i32_0 : i32, i32
  }
}

</mosaic_0001>

<sc_bundles>
// kernel: kernel.12.cloned.1.call-start
scs
__scs_entry_jumppad:
0x0: {  	(pc) =	sbr.rel $0x88, $3  }
0x1: {  	(tag) =	ssettag $0x0;
	lr =	simm.s32 $0x1  }
0x2: {  	[smem:$0x3F8E] =	sst lr;
	_ =	strace $0xD0000000  }
0x3: {  	_ = 	snop  }
0x4: {  	_ = 	snop  }
0x5: {  	_ = 	snop  }
0x6: {  	_ = 	snop  }
0x7: {  	_ = 	snop  }
__scs_overlays_trampoline_lowered:
0x8: {  	[smem:$0x3F9D] =	sst s0  }
0x9: {  	[smem:$0x3F9E] =	sst s1  }
0xa: {  	[smem:$0x3F9F] =	sst s2  }
0xb: {  	[smem:$0x3FA0] =	sst s3  }
0xc: {  	[smem:$0x3FA1] =	sst s4  }
0xd: {  	[smem:$0x3FA2] =	sst s5  }
0xe: {  	[smem:$0x3FA3] =	sst s6  }
0xf: {  	[smem:$0x3FA4] =	sst s7  }
0x10: {  	[smem:$0x3FA5] =	sst s8  }
0x11: {  	[smem:$0x3FA6] =	sst s9;
	s0 =	simm.s32 @!p0 $0x0  }
0x12: {  	s1 =	sld [smem:$0x3F8C];
	s0 =	simm.s32 @p0 $0x1  }
0x13: {  	[smem:$0x3FA7] =	sst s0;
	s0 =	simm.s32 @!p1 $0x0  }
0x14: {  	s2 =	sld [smem:$0x3F8B];
	s0 =	simm.s32 @p1 $0x1  }
0x15: {  	[smem:$0x3FA8] =	sst s0;
	s0 =	simm.s32 @!p2 $0x0  }
0x16: {  	s3 =	sld [smem:$0x3FDB];
	s0 =	simm.s32 @p2 $0x1  }
0x17: {  	s4 =	simm.s32 $0x1BF5;
	[smem:$0x3FAA] =	sst s0  }
0x18: {  	s0 =	sld [smem:$0x3F8D];
	_ =	swait.ge [sflag:s4], $0x0  }
0x19: {  	s7 =	sld [smem:$0x3F8E]  }
0x1a: {  	s8 =	sadd.s32 $0xFFFFE003, lr  }
0x1b: {  	s9 =	sadd.s32 $0xFFFFFEF7, lr;
	s5 =	simm.s32 $0xFFFFFFFF;
	p2 =	slt.u32 s8, $0xFFFFF086  }
0x1c: {  	p1 =	slt.u32 s9, $0xF7A;
	s5 =	simm.s32 @!p2 $0x0  }
0x1d: {  	s5 =	simm.s32 @p1 $0x1;
	p0 =	seq.s32 s7, s2  }
0x1e: {  	s7 =	smul.u32 @!p0 $0xF7A, s2;
	p2 =	seq.s32 @!p0 s5, $0x0  }
0x1f: {  	s9 =	smul.u32 $0xF7A, s1;
	s8 =	simm.s32 @!p0 $0x1BF5;
	p2 =	por !p2, p0  }
0x20: {  	[sflag:s8] =	ssyncset.s32 @!p0 $0xFFFFF086;
	s6 =	sadd.s32 @!p0 s3, s7;
	s7 =	simm.s32 @!p0 $0x108  }
0x21: {  	s3 =	sadd.s32 s3, s9;
	s6 =	sadd.s32 @!p0 $0x88, s6;
	s7 =	simm.s32 @p2 $0x1082  }
0x22: {  	[simem:s7], [sflag:s8] =	dma.local @!p0 [hbm:s6], $0xF7A  }
0x23: {  	s9 =	sor.u32 $0xD0000000, s2;
	s6 =	simm.s32 $0x108;
	_ =	swait.ge @!p0 [sflag:s8], $0x0  }
0x24: {  	s3 =	sadd.s32 $0x88, s3;
	s6 =	simm.s32 @!p1 $0x1082;
	[sflag:s4] =	ssyncset.s32 $0xFFFFF086  }
0x25: {  	[simem:s6], [sflag:s4] =	dma.local [hbm:s3], $0xF7A  }
0x26: {  	[smem:$0x3F8E] =	sst s1;
	(tag) =	ssettag s2;
	_ =	strace s9  }
0x27: {  	s1 =	sld [smem:$0x3F9E]  }
0x28: {  	s2 =	sld [smem:$0x3F9F]  }
0x29: {  	s4 =	sld [smem:$0x3FA1]  }
0x2a: {  	p0 =	seq.s32 s5, $0x0;
	s5 =	sld [smem:$0x3FA2]  }
0x2b: {  	s6 =	sld [smem:$0x3FA3]  }
0x2c: {  	s7 =	sld [smem:$0x3FA4]  }
0x2d: {  	s3 =	simm.s32 $0x108;
	s8 =	sld [smem:$0x3FA5]  }
0x2e: {  	s3 =	simm.s32 @!p0 $0x1082;
	s9 =	sld [smem:$0x3FA6]  }
0x2f: {  	lr =	sadd.s32 s0, s3;
	s0 =	sld [smem:$0x3F9D]  }
0x30: {  	s3 =	sld [smem:$0x3FA0]  }
0x31: {  	[smem:$0x3FA9] =	sst s10  }
0x32: {  	s10 =	sld [smem:$0x3FA7];
	_ =	sdelay $0x3  }
0x33: {  	p0 =	seq.s32 s10, $0x1;
	s10 =	sld [smem:$0x3FA9];
	_ =	sdelay $0x3  }
0x34: {  	[smem:$0x3FA9] =	sst s10  }
0x35: {  	s10 =	sld [smem:$0x3FA8];
	_ =	sdelay $0x3  }
0x36: {  	p1 =	seq.s32 s10, $0x1;
	s10 =	sld [smem:$0x3FA9];
	_ =	sdelay $0x3  }
0x37: {  	[smem:$0x3FA9] =	sst s10  }
0x38: {  	s10 =	sld [smem:$0x3FAA]  }
0x39: {  	_ = 	snop;
	(pc) =	sbr.ind lr, $3  }
0x3a: {  	_ = 	snop  }
0x3b: {  	_ = 	snop  }
0x3c: {  	p2 =	seq.s32 s10, $0x1;
	s10 =	sld [smem:$0x3FA9]  }
0x3d: {  	_ =	shalt  }
0x3e: {  	_ =	shalt  }
0x3f: {  	_ =	shalt  }
0x40: {  	_ =	shalt  }
0x41: {  	_ =	shalt  }
0x42: {  	_ =	shalt  }
0x43: {  	_ =	shalt  }
0x44: {  	_ =	shalt  }
0x45: {  	_ =	shalt  }
0x46: {  	_ =	shalt  }
0x47: {  	_ =	shalt  }
0x48: {  	_ =	shalt  }
0x49: {  	_ =	shalt  }
0x4a: {  	_ =	shalt  }
0x4b: {  	_ =	shalt  }
0x4c: {  	_ =	shalt  }
0x4d: {  	_ =	shalt  }
0x4e: {  	_ =	shalt  }
0x4f: {  	_ =	shalt  }
0x50: {  	_ =	shalt  }
0x51: {  	_ =	shalt  }
0x52: {  	_ =	shalt  }
0x53: {  	_ =	shalt  }
0x54: {  	_ =	shalt  }
0x55: {  	_ =	shalt  }
0x56: {  	_ =	shalt  }
0x57: {  	_ =	shalt  }
0x58: {  	_ =	shalt  }
0x59: {  	_ =	shalt  }
0x5a: {  	_ =	shalt  }
0x5b: {  	_ =	shalt  }
0x5c: {  	_ =	shalt  }
0x5d: {  	_ =	shalt  }
0x5e: {  	_ =	shalt  }
0x5f: {  	_ =	shalt  }
0x60: {  	_ =	shalt  }
0x61: {  	_ =	shalt  }
0x62: {  	_ =	shalt  }
0x63: {  	_ =	shalt  }
0x64: {  	_ =	shalt  }
0x65: {  	_ =	shalt  }
0x66: {  	_ =	shalt  }
0x67: {  	_ =	shalt  }
0x68: {  	_ =	shalt  }
0x69: {  	_ =	shalt  }
0x6a: {  	_ =	shalt  }
0x6b: {  	_ =	shalt  }
0x6c: {  	_ =	shalt  }
0x6d: {  	_ =	shalt  }
0x6e: {  	_ =	shalt  }
0x6f: {  	_ =	shalt  }
0x70: {  	_ =	shalt  }
0x71: {  	_ =	shalt  }
0x72: {  	_ =	shalt  }
0x73: {  	_ =	shalt  }
0x74: {  	_ =	shalt  }
0x75: {  	_ =	shalt  }
0x76: {  	_ =	shalt  }
0x77: {  	_ =	shalt  }
0x78: {  	_ =	shalt  }
0x79: {  	_ =	shalt  }
0x7a: {  	_ =	shalt  }
0x7b: {  	_ =	shalt  }
0x7c: {  	_ =	shalt  }
0x7d: {  	_ =	shalt  }
0x7e: {  	_ =	shalt  }
0x7f: {  	_ =	shalt  }
0x80: {  	_ =	shalt  }
0x81: {  	_ =	shalt  }
0x82: {  	_ =	shalt  }
0x83: {  	_ =	shalt  }
0x84: {  	_ =	shalt  }
0x85: {  	_ =	shalt  }
0x86: {  	_ =	shalt  }
0x87: {  	_ =	shalt  }
.Lfunc_end0:
.L_simem_size_0:
called_computation.1_lowered:
.L_overlay_start_0:
0x88: {  	s2 =	sld [smem:$0x3FD9]  }
0x89: {  	s3 =	sld [smem:$0x3FFE];
	_ =	sdelay $0x1  }
0x8a: {  	s1 =	srdreg.scid  }
0x8b: {  	s0 =	sand.u32 $0x1, s1  }
0x8c: {  	s17 =	sshll.u32 s0, $0xA;
	s2 =	sadd.s32 s3, s2  }
0x8d: {  	s2 =	sadd.s32 s2, s17  }
0x8e: {  	[smem:$0x3FB5] =	sst s2  }
0x8f: {  	_ = 	snop  }
0x90: {  	(tm) =	ssettm $0x1  }
0x91: {  	s18 =	sld [smem:$0x3FFB];
	_ =	sdelay $0x3  }
0x92: {  	_ =	strace s18  }
0x93: {  	s2 =	sld [smem:$0x3FFC];
	_ =	sdelay $0x3  }
0x94: {  	_ =	strace s2  }
0x95: {  	s2 =	sld [smem:$0x3FFD];
	_ =	sdelay $0x3  }
0x96: {  	_ =	strace s2  }
0x97: {  	_ =	strace $0x8FFFFFFF  }
0x98: {  	s19 =	sld [smem:$0x3FDB];
	_ =	sdelay $0x1  }
0x99: {  	s20 =	simm.s32 $_scs_section_size  }
0x9a: {  	s4 =	simm.s32 $_size__tile_overlayer_lowered;
	s5 =	simm.s32 $_tile_overlayer_lowered  }
0x9b: {  	s6 =	simm.s32 $0x1BFF;
	s21 =	sshll.u32 s5, $0x1;
	s3 =	sadd.s32 s20, s19  }
0x9c: {  	s22 =	simm.s32 $0x0;
	s4 =	sshll.u32 s4, $0x1;
	s5 =	sadd.s32 s21, s3  }
0x9d: {  	[timem:s22], [sflag:s6] =	dma.local [hbm:s5], s4  }
0x9e: {  	_ =	swait.ge [sflag:s6], s4  }
0x9f: {  	s4 =	ssub.s32 $0x0, s4;
	[sflag:s6] =	ssyncset.done $0x0  }
0xa0: {  	[sflag:s6] =	ssyncadd.s32 s4;
	_ =	sdelay $0x1  }
0xa1: {  	s23 =	simm.s32 $0x1B8B  }
0xa2: {  	_ =	swait.ge [sflag:s23], $0x1  }
0xa3: {  	[sflag:s23] =	ssyncset.done $0x0  }
0xa4: {  	[sflag:s23] =	ssyncadd.s32 $0xFFFFFFFF  }
0xa5: {  	s4 =	sld [smem:$0x0]  }
0xa6: {  	s5 =	sand.u32 $0xFFFFFFFE, s1  }
0xa7: {  	p0 =	sne.s32 s1, s5  }
0xa8: {  	s5 =	sshll.u32 @p0 s5, $0xE  }
0xa9: {  	s5 =	sadd.s32 @p0 $0x11B8D, s5;
	s6 =	sshll.u32 @p0 s4, $0x11  }
0xaa: {  	s5 =	sor.u32 @p0 s6, s5  }
0xab: {  	[sflag:s5] =	ssyncadd.remote.s32 @p0 $0x1;
	_ =	sdelay $0x1  }
0xac: {  	s5 =	simm.s32 @p0 $0x1B8D  }
0xad: {  	_ =	swait.eq @p0 [sflag:s5], $0x1  }
0xae: {  	[sflag:s5] =	ssyncadd.s32 @p0 $0xFFFFFFFF  }
0xaf: {  	s6 =	sshll.u32 @!p0 s1, $0xE  }
0xb0: {  	s6 =	sor.u32 @!p0 $0x4000, s6;
	s5 =	simm.s32 @!p0 $0x1B8D  }
0xb1: {  	s4 =	sshll.u32 @!p0 s4, $0x11;
	s6 =	sadd.s32 @!p0 $0x11B8D, s6;
	_ =	swait.eq @!p0 [sflag:s5], $0x1  }
0xb2: {  	s4 =	sor.u32 @!p0 s4, s6;
	[sflag:s5] =	ssyncadd.s32 @!p0 $0xFFFFFFFF  }
0xb3: {  	s25 =	simm.s32 $0x1B8E;
	s24 =	sld [smem:$0x3FFE];
	[sflag:s4] =	ssyncadd.remote.s32 @!p0 $0x1  }
0xb4: {  	s26 =	simm.s32 $execute0_lowered;
	[smem:$0x3FD2] =	sst s25  }
0xb5: {  	s5 =	sshll.u32 s26, $0x1;
	_ =	strace $0x80000049;
	[dreg:$0x1] =	wrdreg $0xFFFFFFFF  }
0xb6: {  	s28 =	simm.s32 $_size_execute0_lowered;
	s3 =	sadd.s32 s3, s5;
	[dreg:$0x0] =	wrdreg $0x0  }
0xb7: {  	s5 =	sshll.u32 s28, $0x1;
	[dreg:$0x2] =	wrdreg s3  }
0xb8: {  	[dreg:$0x3] =	wrdreg s5  }
0xb9: {  	[dreg:$0x4] =	wrdreg $0xC0  }
0xba: {  	_ =	task [dreg:s22], $0x5FFFF  }
0xbb: {  	[dreg:$0x1] =	wrdreg $0xFFFFFFFF  }
0xbc: {  	[dreg:$0x0] =	wrdreg $0x60  }
0xbd: {  	[dreg:$0x2] =	wrdreg s24  }
0xbe: {  	[dreg:$0x3] =	wrdreg $0x69000  }
0xbf: {  	[dreg:$0x4] =	wrdreg $0x9  }
0xc0: {  	_ =	task.clear_ibuf [dreg:s22], $0x5FFFF;
	_ =	strace $0x90000049  }
0xc1: {  	s29 =	simm.s32 $0x9;
	_ =	strace $0x8000004B  }
0xc2: {  	_ =	swait.ge [sflag:s29], $0x1  }
0xc3: {  	[sflag:s29] =	ssyncadd.s32 $0xFFFFFFFF  }
0xc4: {  	_ =	strace $0x9000004B  }
0xc5: {  	_ =	sfence  }
0xc6: {  	s30 =	sld [smem:$0x0];
	_ =	sdelay $0x2  }
0xc7: {  	s31 =	sshll.u32 s1, $0xD;
	s1 =	sshrl.u32 s1, $0x2  }
0xc8: {  	s4 =	sand.u32 $0x4000, s31;
	s1 =	sadd.s32 s1, s30  }
0xc9: {  	s0 =	sor.u32 s4, s0;
	s1 =	sshll.u32 s1, $0x11  }
0xca: {  	s0 =	sor.u32 s1, s0  }
0xcb: {  	s0 =	sadd.s32 $0x8F2B, s0  }
0xcc: {  	[sflag:s0] =	ssyncadd.remote.s32 $0x1  }
0xcd: {  	_ =	sfence.sel $0xFFFF  }
0xce: {  	[dreg:$0x0] =	wrdreg $0xFFFFFFFF;
	(pc) =	sbr.abs _section_cstart, $3  }
0xcf: {  	[dreg:$0x1] =	wrdreg $0xFFFFFFFF  }
0xd0: {  	_ =	task.clear_ibuf [dreg:s22], $0x2FFFF;
	_ =	strace $0x9FFFFFFF  }
0xd1: {  	(tm) =	ssettm $0x7FFFFFFF  }
tec
execute0_lowered:
.L_overlay_start_1:
0x0: {  	(tag) =	ssettag $0x1  }
0x1: {  	s1 =	srdreg.scid;
	s12 =	rddreg [dreg:$0x0]  }
0x2: {  	s0 =	stileid.u32;
	s2 =	rddreg [dreg:$0x1];
	s3 =	simm.s32 $0x0  }
0x3: {  	s10 =	sand.u32 $0x1, s1;
	s20 =	sshll.u32 s0, $0x1;
	[smem:$0x7FF] =	sst s3  }
0x4: {  	s11 =	sadd.s32 $0x35A00, s12;
	s9 =	smul.u32 $0x270, s0;
	s18 =	sadd.s32 $0x37000, s12  }
0x5: {  	p0 =	slt.u32 s0, $0x2;
	s1 =	sor.u32 s10, s20;
	s6 =	ssub.s32 $0x2, s10  }
0x6: {  	s4 =	smul.u32 $0x4E, s1;
	s5 =	smin.u32 s1, $0x4;
	s1 =	rddreg [dreg:$0x2]  }
0x7: {  	_ =	strace $0x8000004A;
	s7 =	sshrl.u32 s6, $0x1;
	s21 =	sshrl.u32 s9, $0x3  }
0x8: {  	s14 =	sadd.s32 $0x80, s9;
	s15 =	sadd.s32 $0x100, s9;
	s16 =	sadd.s32 $0x180, s9  }
0x9: {  	s19 =	sadd.s32 $0x1F0, s9;
	s20 =	ssub.s32 s6, s7;
	s6 =	sadd.s32 s11, s21  }
0xa: {  	s22 =	sshrl.u32 s14, $0x3;
	s8 =	sshrl.u32 s15, $0x3;
	s17 =	sshrl.u32 s16, $0x3  }
0xb: {  	s23 =	sshrl.u32 s19, $0x3;
	s21 =	smul.u32 $0x138800, s10;
	s10 =	simm.s32 $0x4F  }
0xc: {  	s14 =	sshll.u32 s14, $0x7;
	s15 =	sshll.u32 s15, $0x7;
	s30 =	sshll.u32 s16, $0x7  }
0xd: {  	s19 =	sshll.u32 s19, $0x7;
	s4 =	sadd.s32 s5, s4;
	s5 =	sadd.s32 $0x36800, s12  }
0xe: {  	s7 =	sadd.s32 s11, s22;
	s8 =	sadd.s32 s11, s8;
	s9 =	sadd.s32 s11, s17  }
0xf: {  	s22 =	smul.u32 $0x13800, s0;
	s11 =	sadd.s32 s11, s23;
	s10 =	simm.s32 @!p0 $0x4E  }
0x10: {  	s20 =	smax.u32 s20, $0x1;
	p0 =	sne.s32 s0, $0xF;
	s23 =	simm.s32 $0x80  }
0x11: {  	s4 =	sshll.u32 s4, $0x4;
	s25 =	sadd.s32 s21, s14;
	s28 =	sadd.s32 s21, s15  }
0x12: {  	s31 =	sadd.s32 s21, s30;
	s19 =	sadd.s32 s21, s19;
	s13 =	sadd.s32 s4, s12  }
0x13: {  	s4 =	sadd.s32 $0x36000, s12;
	s12 =	sadd.s32 $0x35EE0, s12;
	s24 =	sadd.s32 s22, s21  }
0x14: {  	s26 =	sshrl.u32 s25, $0x3;
	s29 =	sshrl.u32 s28, $0x3;
	s21 =	sshrl.u32 s21, $0x3  }
0x15: {  	s19 =	sshrl.u32 s19, $0x3;
	s22 =	simm.s32 $0x2;
	s25 =	simm.s32 $0x0  }
0x16: {  	s13 =	sadd.s32 $0x2BA00, s13;
	s17 =	sshrl.u32 s24, $0x3;
	s15 =	sadd.s32 s18, s26  }
0x17: {  	s16 =	sadd.s32 s18, s29;
	s14 =	sadd.s32 s18, s17;
	s17 =	sshrl.u32 s31, $0x3  }
0x18: {  	s21 =	sadd.s32 s18, s21;
	s24 =	simm.s32 $0x1;
	s17 =	sadd.s32 s18, s17  }
0x19: {  	s18 =	sadd.s32 s18, s19;
	s19 =	sadd.s32 $0x27000, s21;
	s21 =	simm.s32 $0x2880  }
.LBB2_1:
0x1a: {  	[tilespmem:s21], [sflag:$0x2] =	stream.linear.gather [hbm4b:s4+s3], $0x4000, $0x38;
	[tilespmem:$0x1A180] =	vst v63  }
0x1b: {  	_ =	swait.ge [sflag:s22], $0x4000  }
0x1c: {  	[sflag:s22] =	ssyncset.done $0x0  }
0x1d: {  	[sflag:s22] =	ssyncadd.s32 $0xFFFFC000  }
0x1e: {  	[tilespmem:s3], [sflag:$0x2] =	stream.linear.gather [hbm4b:s6+s3], $0x80, $0x38;
	[tilespmem:$0x1A180] =	vst v63  }
0x1f: {  	_ =	swait.ge [sflag:s22], $0x80  }
0x20: {  	[sflag:s22] =	ssyncset.done $0x0  }
0x21: {  	[sflag:s22] =	ssyncadd.s32 $0xFFFFFF80  }
0x22: {  	[spmem:s2] =	stream.indirect.scatter [tilespmem:s21], [sflag:$0x2], $0x80, s3, s23, $0xb8;
	[tilespmem:$0x1A180] =	vst v63  }
0x23: {  	_ =	swait.ge [sflag:s22], $0x4000  }
0x24: {  	[sflag:s22] =	ssyncset.done $0x0  }
0x25: {  	[sflag:s22] =	ssyncadd.s32 $0xFFFFC000  }
0x26: {  	[tilespmem:s3], [sflag:$0x2] =	stream.linear.gather [hbm4b:s7+s3], $0x80, $0x38;
	[tilespmem:$0x1A180] =	vst v63  }
0x27: {  	_ =	swait.ge [sflag:s22], $0x80  }
0x28: {  	[sflag:s22] =	ssyncset.done $0x0  }
0x29: {  	[sflag:s22] =	ssyncadd.s32 $0xFFFFFF80  }
0x2a: {  	[spmem:s2] =	stream.indirect.scatter [tilespmem:s21], [sflag:$0x2], $0x80, s3, s23, $0xb8;
	[tilespmem:$0x1A180] =	vst v63  }
0x2b: {  	_ =	swait.ge [sflag:s22], $0x4000  }
0x2c: {  	[sflag:s22] =	ssyncset.done $0x0  }
0x2d: {  	[sflag:s22] =	ssyncadd.s32 $0xFFFFC000  }
0x2e: {  	[tilespmem:s3], [sflag:$0x2] =	stream.linear.gather [hbm4b:s8+s3], $0x80, $0x38;
	[tilespmem:$0x1A180] =	vst v63  }
0x2f: {  	_ =	swait.ge [sflag:s22], $0x80  }
0x30: {  	[sflag:s22] =	ssyncset.done $0x0  }
0x31: {  	[sflag:s22] =	ssyncadd.s32 $0xFFFFFF80  }
0x32: {  	[spmem:s2] =	stream.indirect.scatter [tilespmem:s21], [sflag:$0x2], $0x80, s3, s23, $0xb8;
	[tilespmem:$0x1A180] =	vst v63  }
0x33: {  	_ =	swait.ge [sflag:s22], $0x4000  }
0x34: {  	[sflag:s22] =	ssyncset.done $0x0  }
0x35: {  	[sflag:s22] =	ssyncadd.s32 $0xFFFFC000  }
0x36: {  	[tilespmem:s3], [sflag:$0x2] =	stream.linear.gather [hbm4b:s9+s3], $0x80, $0x38;
	[tilespmem:$0x1A180] =	vst v63  }
0x37: {  	_ =	swait.ge [sflag:s22], $0x80  }
0x38: {  	[sflag:s22] =	ssyncset.done $0x0  }
0x39: {  	[sflag:s22] =	ssyncadd.s32 $0xFFFFFF80  }
0x3a: {  	[spmem:s2] =	stream.indirect.scatter [tilespmem:s21], [sflag:$0x2], $0x80, s3, s23, $0xb8;
	[tilespmem:$0x1A180] =	vst v63  }
0x3b: {  	_ =	swait.ge [sflag:s22], $0x4000  }
0x3c: {  	[sflag:s22] =	ssyncset.done $0x0  }
0x3d: {  	[sflag:s22] =	ssyncadd.s32 $0xFFFFC000  }
0x3e: {  	[tilespmem:s3], [sflag:$0x2] =	stream.linear.gather [hbm4b:s11+s3], $0x80, $0x38;
	[tilespmem:$0x1A180] =	vst v63  }
0x3f: {  	_ =	swait.ge [sflag:s22], $0x80  }
0x40: {  	[sflag:s22] =	ssyncset.done $0x0  }
0x41: {  	[sflag:s22] =	ssyncadd.s32 $0xFFFFFF80  }
0x42: {  	[spmem:s2] =	stream.indirect.scatter [tilespmem:s21], [sflag:$0x2], $0x80, s3, s23, $0xb8;
	[tilespmem:$0x1A180] =	vst v63  }
0x43: {  	_ =	swait.ge [sflag:s22], $0x4000  }
0x44: {  	[sflag:s22] =	ssyncset.done $0x0  }
0x45: {  	s26 =	simm.s32 @!p0 $0x0;
	s28 =	simm.s32 @!p0 $0x6880;
	[sflag:s22] =	ssyncadd.s32 $0xFFFFC000  }
0x46: {  	[tilespmem:s28], [sflag:$0x2] =	stream.linear.gather @!p0 [hbm4b:s12+s26], $0x10, $0x38;
	[tilespmem:$0x1A180] =	vst v63  }
0x47: {  	s26 =	simm.s32 @!p0 $0x2  }
0x48: {  	_ =	swait.ge @!p0 [sflag:s26], $0x10  }
0x49: {  	[sflag:s26] =	ssyncset.done @!p0 $0x0  }
0x4a: {  	s29 =	simm.s32 @!p0 $0x10;
	s30 =	simm.s32 @!p0 $0x2880;
	[sflag:s26] =	ssyncadd.s32 @!p0 $0xFFFFFFF0  }
0x4b: {  	[spmem:s2] =	stream.indirect.scatter @!p0 [tilespmem:s30], [sflag:$0x2], $0x80, s28, s29, $0xb8;
	[tilespmem:$0x1A180] =	vst v63  }
0x4c: {  	_ =	swait.ge @!p0 [sflag:s26], $0x800  }
0x4d: {  	[sflag:s26] =	ssyncset.done @!p0 $0x0  }
0x4e: {  	[sflag:s26] =	ssyncadd.s32 @!p0 $0xFFFFF800  }
0x4f: {  	[bflag:$0x0] =	sbarrier.arrive $0xFFFF  }
0x50: {  	[tilespmem:s23], [sflag:$0x2] =	stream.linear.gather [hbm4b:s13+s3], $0x2800, $0x38;
	[tilespmem:$0x1A180] =	vst v63  }
0x51: {  	_ =	swait.ge [sflag:s22], $0x2800  }
0x52: {  	[sflag:s22] =	ssyncset.done $0x0  }
0x53: {  	p1 =	sne.s32 s10, $0x1;
	[sflag:s22] =	ssyncadd.s32 $0xFFFFD800  }
0x54: {  	[tilespmem:s21], [sflag:$0x2] =	stream.linear.gather [hbm4b:s5+s3], $0x4000, $0x38;
	[tilespmem:$0x1A180] =	vst v63  }
.Ltmp0:
0x55: {  	_ = 	snop;
	(pc) =	sbr.rel @!p1 .LBB2_3-.Ltmp0, $4  }
0x56: {  	_ =	swait.ge [sflag:s22], $0x4000  }
0x57: {  	[sflag:s22] =	ssyncset.done $0x0  }
0x58: {  	s28 =	simm.s32 $0x80;
	s26 =	sadd.s32 $0xFFFFFFFF, s10;
	[sflag:s22] =	ssyncadd.s32 $0xFFFFC000  }
0x59: {  	[spmem:s2] =	stream.indirect.scatter.add.f32 [tilespmem:s21], [sflag:$0x1], $0x80, s23, s23, $0xb8;
	[tilespmem:$0x1A180] =	vst v63  }
.LBB2_2:
0x5a: {  	p2 =	sne.s32 s26, $0x1  }
.Ltmp1:
0x5b: {  	_ = 	snop;
	(pc) =	sbr.rel @p2 .LBB2_2-.Ltmp1, $3  }
0x5c: {  	_ = 	snop  }
0x5d: {  	s26 =	sadd.s32 $0xFFFFFFFF, s26;
	s28 =	sadd.s32 $0x80, s28;
	_ =	sdelay $0x1  }
0x5e: {  	[spmem:s2] =	stream.indirect.scatter.add.f32 [tilespmem:s21], [sflag:$0x1], $0x80, s28, s23, $0xb8;
	[tilespmem:$0x1A180] =	vst v63  }
.LBB2_3:
.Ltmp2:
0x5f: {  	(pc) =	sbr.rel @!p1 .LBB2_5-.Ltmp2, $3  }
0x60: {  	_ =	sdelay $0x1  }
0x61: {  	_ =	swait.ge [sflag:s24], $0x4000  }
0x62: {  	s26 =	sadd.s32 $0xFFFFFFFF, s10;
	[sflag:s24] =	ssyncset.done $0x0  }
.LBB2_4:
0x63: {  	p1 =	sne.s32 s26, $0x1;
	s26 =	sadd.s32 $0xFFFFFFFF, s26;
	[sflag:s24] =	ssyncadd.s32 $0xFFFFC000  }
.Ltmp3:
0x64: {  	(pc) =	sbr.rel @p1 .LBB2_4-.Ltmp3, $3  }
0x65: {  	_ =	sdelay $0x1  }
0x66: {  	_ =	swait.ge [sflag:s24], $0x4000  }
0x67: {  	[sflag:s24] =	ssyncset.done $0x0  }
.LBB2_5:
0x68: {  	[sflag:s24] =	ssyncadd.s32 $0xFFFFC000  }
0x69: {  	[bflag:$0x0] =	sbarrier.arrive $0xFFFF  }
0x6a: {  	[tilespmem:s3], [sflag:$0x2] =	stream.linear.gather [hbm4b:s6+s3], $0x80, $0x38;
	[tilespmem:$0x1A180] =	vst v63  }
0x6b: {  	_ =	swait.ge [sflag:s22], $0x80  }
0x6c: {  	[sflag:s22] =	ssyncset.done $0x0  }
0x6d: {  	[sflag:s22] =	ssyncadd.s32 $0xFFFFFF80  }
0x6e: {  	[tilespmem:s21], [sflag:$0x1] =	stream.indirect.gather [spmem:s2], $0x80, s3, s23, $0xb8;
	[tilespmem:$0x1A180] =	vst v63  }
0x6f: {  	_ =	swait.ge [sflag:s24], $0x4000  }
0x70: {  	[sflag:s24] =	ssyncset.done $0x0  }
0x71: {  	[sflag:s24] =	ssyncadd.s32 $0xFFFFC000  }
0x72: {  	[hbm4b:s14+s3] =	stream.linear.scatter [tilespmem:s21], [sflag:$0x2], $0x4000, $0x38;
	[tilespmem:$0x1A180] =	vst v63  }
0x73: {  	_ =	swait.ge [sflag:s22], $0x4000  }
0x74: {  	[sflag:s22] =	ssyncset.done $0x0  }
0x75: {  	[sflag:s22] =	ssyncadd.s32 $0xFFFFC000  }
0x76: {  	[tilespmem:s3], [sflag:$0x2] =	stream.linear.gather [hbm4b:s7+s3], $0x80, $0x38;
	[tilespmem:$0x1A180] =	vst v63  }
0x77: {  	_ =	swait.ge [sflag:s22], $0x80  }
0x78: {  	[sflag:s22] =	ssyncset.done $0x0  }
0x79: {  	[sflag:s22] =	ssyncadd.s32 $0xFFFFFF80  }
0x7a: {  	[tilespmem:s21], [sflag:$0x1] =	stream.indirect.gather [spmem:s2], $0x80, s3, s23, $0xb8;
	[tilespmem:$0x1A180] =	vst v63  }
0x7b: {  	_ =	swait.ge [sflag:s24], $0x4000  }
0x7c: {  	[sflag:s24] =	ssyncset.done $0x0  }
0x7d: {  	[sflag:s24] =	ssyncadd.s32 $0xFFFFC000  }
0x7e: {  	[hbm4b:s15+s3] =	stream.linear.scatter [tilespmem:s21], [sflag:$0x2], $0x4000, $0x38;
	[tilespmem:$0x1A180] =	vst v63  }
0x7f: {  	_ =	swait.ge [sflag:s22], $0x4000  }
0x80: {  	[sflag:s22] =	ssyncset.done $0x0  }
0x81: {  	[sflag:s22] =	ssyncadd.s32 $0xFFFFC000  }
0x82: {  	[tilespmem:s3], [sflag:$0x2] =	stream.linear.gather [hbm4b:s8+s3], $0x80, $0x38;
	[tilespmem:$0x1A180] =	vst v63  }
0x83: {  	_ =	swait.ge [sflag:s22], $0x80  }
0x84: {  	[sflag:s22] =	ssyncset.done $0x0  }
0x85: {  	[sflag:s22] =	ssyncadd.s32 $0xFFFFFF80  }
0x86: {  	[tilespmem:s21], [sflag:$0x1] =	stream.indirect.gather [spmem:s2], $0x80, s3, s23, $0xb8;
	[tilespmem:$0x1A180] =	vst v63  }
0x87: {  	_ =	swait.ge [sflag:s24], $0x4000  }
0x88: {  	[sflag:s24] =	ssyncset.done $0x0  }
0x89: {  	[sflag:s24] =	ssyncadd.s32 $0xFFFFC000  }
0x8a: {  	[hbm4b:s16+s3] =	stream.linear.scatter [tilespmem:s21], [sflag:$0x2], $0x4000, $0x38;
	[tilespmem:$0x1A180] =	vst v63  }
0x8b: {  	_ =	swait.ge [sflag:s22], $0x4000  }
0x8c: {  	[sflag:s22] =	ssyncset.done $0x0  }
0x8d: {  	[sflag:s22] =	ssyncadd.s32 $0xFFFFC000  }
0x8e: {  	[tilespmem:s3], [sflag:$0x2] =	stream.linear.gather [hbm4b:s9+s3], $0x80, $0x38;
	[tilespmem:$0x1A180] =	vst v63  }
0x8f: {  	_ =	swait.ge [sflag:s22], $0x80  }
0x90: {  	[sflag:s22] =	ssyncset.done $0x0  }
0x91: {  	[sflag:s22] =	ssyncadd.s32 $0xFFFFFF80  }
0x92: {  	[tilespmem:s21], [sflag:$0x1] =	stream.indirect.gather [spmem:s2], $0x80, s3, s23, $0xb8;
	[tilespmem:$0x1A180] =	vst v63  }
0x93: {  	_ =	swait.ge [sflag:s24], $0x4000  }
0x94: {  	[sflag:s24] =	ssyncset.done $0x0  }
0x95: {  	[sflag:s24] =	ssyncadd.s32 $0xFFFFC000  }
0x96: {  	[hbm4b:s17+s3] =	stream.linear.scatter [tilespmem:s21], [sflag:$0x2], $0x4000, $0x38;
	[tilespmem:$0x1A180] =	vst v63  }
0x97: {  	_ =	swait.ge [sflag:s22], $0x4000  }
0x98: {  	[sflag:s22] =	ssyncset.done $0x0  }
0x99: {  	[sflag:s22] =	ssyncadd.s32 $0xFFFFC000  }
0x9a: {  	[tilespmem:s3], [sflag:$0x2] =	stream.linear.gather [hbm4b:s11+s3], $0x80, $0x38;
	[tilespmem:$0x1A180] =	vst v63  }
0x9b: {  	_ =	swait.ge [sflag:s22], $0x80  }
0x9c: {  	[sflag:s22] =	ssyncset.done $0x0  }
0x9d: {  	[sflag:s22] =	ssyncadd.s32 $0xFFFFFF80  }
0x9e: {  	[tilespmem:s21], [sflag:$0x1] =	stream.indirect.gather [spmem:s2], $0x80, s3, s23, $0xb8;
	[tilespmem:$0x1A180] =	vst v63  }
0x9f: {  	_ =	swait.ge [sflag:s24], $0x4000  }
0xa0: {  	[sflag:s24] =	ssyncset.done $0x0  }
0xa1: {  	[sflag:s24] =	ssyncadd.s32 $0xFFFFC000  }
0xa2: {  	[hbm4b:s18+s3] =	stream.linear.scatter [tilespmem:s21], [sflag:$0x2], $0x4000, $0x38;
	[tilespmem:$0x1A180] =	vst v63  }
0xa3: {  	_ =	swait.ge [sflag:s22], $0x4000  }
0xa4: {  	s26 =	simm.s32 @!p0 $0x0;
	[sflag:s22] =	ssyncset.done $0x0  }
0xa5: {  	s28 =	simm.s32 @!p0 $0x6880;
	s29 =	simm.s32 @!p0 $0x2;
	[sflag:s22] =	ssyncadd.s32 $0xFFFFC000  }
0xa6: {  	[tilespmem:s28], [sflag:$0x2] =	stream.linear.gather @!p0 [hbm4b:s12+s26], $0x10, $0x38;
	[tilespmem:$0x1A180] =	vst v63  }
0xa7: {  	_ =	swait.ge @!p0 [sflag:s29], $0x10  }
0xa8: {  	[sflag:s29] =	ssyncset.done @!p0 $0x0  }
0xa9: {  	s30 =	simm.s32 @!p0 $0x10;
	s31 =	simm.s32 @!p0 $0x2880;
	[sflag:s29] =	ssyncadd.s32 @!p0 $0xFFFFFFF0  }
0xaa: {  	[tilespmem:s31], [sflag:$0x1] =	stream.indirect.gather @!p0 [spmem:s2], $0x80, s28, s30, $0xb8;
	[tilespmem:$0x1A180] =	vst v63  }
0xab: {  	s28 =	simm.s32 @!p0 $0x1  }
0xac: {  	s25 =	sadd.s32 $0x1, s25;
	_ =	swait.ge @!p0 [sflag:s28], $0x800  }
0xad: {  	p1 =	sne.s32 s25, s20;
	[sflag:s28] =	ssyncset.done @!p0 $0x0  }
.Ltmp4:
0xae: {  	[sflag:s28] =	ssyncadd.s32 @!p0 $0xFFFFF800;
	(pc) =	sbr.rel @p1 .LBB2_1-.Ltmp4, $4  }
0xaf: {  	[hbm4b:s19+s26] =	stream.linear.scatter @!p0 [tilespmem:s31], [sflag:$0x2], $0x800, $0x38;
	[tilespmem:$0x1A180] =	vst v63  }
0xb0: {  	_ =	swait.ge @!p0 [sflag:s29], $0x800  }
0xb1: {  	[sflag:s29] =	ssyncset.done @!p0 $0x0  }
0xb2: {  	[sflag:s29] =	ssyncadd.s32 @!p0 $0xFFFFF800  }
0xb3: {  	_ =	sfence.sel $0x180000  }
0xb4: {  	[bflag:$0x0] =	sbarrier.arrive $0xFFFF  }
0xb5: {  	p0 =	sne.s32 s0, $0x0;
	_ =	strace $0x9000004A  }
0xb6: {  	s0 =	sadd.s32 @!p0 $0x100000, s1;
	[bflag:$0x2] =	sbarrier.arrive $0xFFFF  }
0xb7: {  	[sflag:s0] =	ssyncadd.tile.s32 @!p0 $0x1;
	_ =	shalt  }
.Lfunc_end2:
_tile_overlayer_lowered:
.L_overlay_start_2:
0xb8: {  	(tag) =	ssettag $0x2  }
0xb9: {  	s0 =	rddreg [dreg:$0x0];
	s2 =	stileid.u32  }
0xba: {  	s1 =	rddreg [dreg:$0x1];
	p0 =	sne.s32 s2, $0x0  }
0xbb: {  	s3 =	rddreg [dreg:$0x2];
	[bflag:$0x3] =	sbarrier.arrive $0xFFFF;
	s2 =	simm.s32 @!p0 $0x1C02  }
0xbc: {  	[timem:s3], [sflag:s2] =	dma.local @!p0 [hbm:s0], s1  }
0xbd: {  	s0 =	simm.s32 @!p0 $0x2  }
0xbe: {  	_ =	swait.ge @!p0 [sflag:s0], s1  }
0xbf: {  	s1 =	ssub.s32 @!p0 $0x0, s1;
	[sflag:s0] =	ssyncset.done @!p0 $0x0  }
0xc0: {  	[sflag:s0] =	ssyncadd.s32 @!p0 s1  }
0xc1: {  	[bflag:$0x3] =	sbarrier.arrive $0xFFFF  }
0xc2: {  	_ =	shalt  }

// kernel: kernel.15.cloned.1.call-start
scs
__scs_entry_jumppad:
0x0: {  	(pc) =	sbr.rel $0x88, $3  }
0x1: {  	(tag) =	ssettag $0x0;
	lr =	simm.s32 $0x1  }
0x2: {  	[smem:$0x3F8E] =	sst lr;
	_ =	strace $0xD0000000  }
0x3: {  	_ = 	snop  }
0x4: {  	_ = 	snop  }
0x5: {  	_ = 	snop  }
0x6: {  	_ = 	snop  }
0x7: {  	_ = 	snop  }
__scs_overlays_trampoline_lowered:
0x8: {  	[smem:$0x3F9D] =	sst s0  }
0x9: {  	[smem:$0x3F9E] =	sst s1  }
0xa: {  	[smem:$0x3F9F] =	sst s2  }
0xb: {  	[smem:$0x3FA0] =	sst s3  }
0xc: {  	[smem:$0x3FA1] =	sst s4  }
0xd: {  	[smem:$0x3FA2] =	sst s5  }
0xe: {  	[smem:$0x3FA3] =	sst s6  }
0xf: {  	[smem:$0x3FA4] =	sst s7  }
0x10: {  	[smem:$0x3FA5] =	sst s8  }
0x11: {  	[smem:$0x3FA6] =	sst s9;
	s0 =	simm.s32 @!p0 $0x0  }
0x12: {  	s1 =	sld [smem:$0x3F8C];
	s0 =	simm.s32 @p0 $0x1  }
0x13: {  	[smem:$0x3FA7] =	sst s0;
	s0 =	simm.s32 @!p1 $0x0  }
0x14: {  	s2 =	sld [smem:$0x3F8B];
	s0 =	simm.s32 @p1 $0x1  }
0x15: {  	[smem:$0x3FA8] =	sst s0;
	s0 =	simm.s32 @!p2 $0x0  }
0x16: {  	s3 =	sld [smem:$0x3FDB];
	s0 =	simm.s32 @p2 $0x1  }
0x17: {  	s4 =	simm.s32 $0x1BF5;
	[smem:$0x3FAA] =	sst s0  }
0x18: {  	s0 =	sld [smem:$0x3F8D];
	_ =	swait.ge [sflag:s4], $0x0  }
0x19: {  	s7 =	sld [smem:$0x3F8E]  }
0x1a: {  	s8 =	sadd.s32 $0xFFFFE003, lr  }
0x1b: {  	s9 =	sadd.s32 $0xFFFFFEF7, lr;
	s5 =	simm.s32 $0xFFFFFFFF;
	p2 =	slt.u32 s8, $0xFFFFF086  }
0x1c: {  	p1 =	slt.u32 s9, $0xF7A;
	s5 =	simm.s32 @!p2 $0x0  }
0x1d: {  	s5 =	simm.s32 @p1 $0x1;
	p0 =	seq.s32 s7, s2  }
0x1e: {  	s7 =	smul.u32 @!p0 $0xF7A, s2;
	p2 =	seq.s32 @!p0 s5, $0x0  }
0x1f: {  	s9 =	smul.u32 $0xF7A, s1;
	s8 =	simm.s32 @!p0 $0x1BF5;
	p2 =	por !p2, p0  }
0x20: {  	[sflag:s8] =	ssyncset.s32 @!p0 $0xFFFFF086;
	s6 =	sadd.s32 @!p0 s3, s7;
	s7 =	simm.s32 @!p0 $0x108  }
0x21: {  	s3 =	sadd.s32 s3, s9;
	s6 =	sadd.s32 @!p0 $0x88, s6;
	s7 =	simm.s32 @p2 $0x1082  }
0x22: {  	[simem:s7], [sflag:s8] =	dma.local @!p0 [hbm:s6], $0xF7A  }
0x23: {  	s9 =	sor.u32 $0xD0000000, s2;
	s6 =	simm.s32 $0x108;
	_ =	swait.ge @!p0 [sflag:s8], $0x0  }
0x24: {  	s3 =	sadd.s32 $0x88, s3;
	s6 =	simm.s32 @!p1 $0x1082;
	[sflag:s4] =	ssyncset.s32 $0xFFFFF086  }
0x25: {  	[simem:s6], [sflag:s4] =	dma.local [hbm:s3], $0xF7A  }
0x26: {  	[smem:$0x3F8E] =	sst s1;
	(tag) =	ssettag s2;
	_ =	strace s9  }
0x27: {  	s1 =	sld [smem:$0x3F9E]  }
0x28: {  	s2 =	sld [smem:$0x3F9F]  }
0x29: {  	s4 =	sld [smem:$0x3FA1]  }
0x2a: {  	p0 =	seq.s32 s5, $0x0;
	s5 =	sld [smem:$0x3FA2]  }
0x2b: {  	s6 =	sld [smem:$0x3FA3]  }
0x2c: {  	s7 =	sld [smem:$0x3FA4]  }
0x2d: {  	s3 =	simm.s32 $0x108;
	s8 =	sld [smem:$0x3FA5]  }
0x2e: {  	s3 =	simm.s32 @!p0 $0x1082;
	s9 =	sld [smem:$0x3FA6]  }
0x2f: {  	lr =	sadd.s32 s0, s3;
	s0 =	sld [smem:$0x3F9D]  }
0x30: {  	s3 =	sld [smem:$0x3FA0]  }
0x31: {  	[smem:$0x3FA9] =	sst s10  }
0x32: {  	s10 =	sld [smem:$0x3FA7];
	_ =	sdelay $0x3  }
0x33: {  	p0 =	seq.s32 s10, $0x1;
	s10 =	sld [smem:$0x3FA9];
	_ =	sdelay $0x3  }
0x34: {  	[smem:$0x3FA9] =	sst s10  }
0x35: {  	s10 =	sld [smem:$0x3FA8];
	_ =	sdelay $0x3  }
0x36: {  	p1 =	seq.s32 s10, $0x1;
	s10 =	sld [smem:$0x3FA9];
	_ =	sdelay $0x3  }
0x37: {  	[smem:$0x3FA9] =	sst s10  }
0x38: {  	s10 =	sld [smem:$0x3FAA]  }
0x39: {  	_ = 	snop;
	(pc) =	sbr.ind lr, $3  }
0x3a: {  	_ = 	snop  }
0x3b: {  	_ = 	snop  }
0x3c: {  	p2 =	seq.s32 s10, $0x1;
	s10 =	sld [smem:$0x3FA9]  }
0x3d: {  	_ =	shalt  }
0x3e: {  	_ =	shalt  }
0x3f: {  	_ =	shalt  }
0x40: {  	_ =	shalt  }
0x41: {  	_ =	shalt  }
0x42: {  	_ =	shalt  }
0x43: {  	_ =	shalt  }
0x44: {  	_ =	shalt  }
0x45: {  	_ =	shalt  }
0x46: {  	_ =	shalt  }
0x47: {  	_ =	shalt  }
0x48: {  	_ =	shalt  }
0x49: {  	_ =	shalt  }
0x4a: {  	_ =	shalt  }
0x4b: {  	_ =	shalt  }
0x4c: {  	_ =	shalt  }
0x4d: {  	_ =	shalt  }
0x4e: {  	_ =	shalt  }
0x4f: {  	_ =	shalt  }
0x50: {  	_ =	shalt  }
0x51: {  	_ =	shalt  }
0x52: {  	_ =	shalt  }
0x53: {  	_ =	shalt  }
0x54: {  	_ =	shalt  }
0x55: {  	_ =	shalt  }
0x56: {  	_ =	shalt  }
0x57: {  	_ =	shalt  }
0x58: {  	_ =	shalt  }
0x59: {  	_ =	shalt  }
0x5a: {  	_ =	shalt  }
0x5b: {  	_ =	shalt  }
0x5c: {  	_ =	shalt  }
0x5d: {  	_ =	shalt  }
0x5e: {  	_ =	shalt  }
0x5f: {  	_ =	shalt  }
0x60: {  	_ =	shalt  }
0x61: {  	_ =	shalt  }
0x62: {  	_ =	shalt  }
0x63: {  	_ =	shalt  }
0x64: {  	_ =	shalt  }
0x65: {  	_ =	shalt  }
0x66: {  	_ =	shalt  }
0x67: {  	_ =	shalt  }
0x68: {  	_ =	shalt  }
0x69: {  	_ =	shalt  }
0x6a: {  	_ =	shalt  }
0x6b: {  	_ =	shalt  }
0x6c: {  	_ =	shalt  }
0x6d: {  	_ =	shalt  }
0x6e: {  	_ =	shalt  }
0x6f: {  	_ =	shalt  }
0x70: {  	_ =	shalt  }
0x71: {  	_ =	shalt  }
0x72: {  	_ =	shalt  }
0x73: {  	_ =	shalt  }
0x74: {  	_ =	shalt  }
0x75: {  	_ =	shalt  }
0x76: {  	_ =	shalt  }
0x77: {  	_ =	shalt  }
0x78: {  	_ =	shalt  }
0x79: {  	_ =	shalt  }
0x7a: {  	_ =	shalt  }
0x7b: {  	_ =	shalt  }
0x7c: {  	_ =	shalt  }
0x7d: {  	_ =	shalt  }
0x7e: {  	_ =	shalt  }
0x7f: {  	_ =	shalt  }
0x80: {  	_ =	shalt  }
0x81: {  	_ =	shalt  }
0x82: {  	_ =	shalt  }
0x83: {  	_ =	shalt  }
0x84: {  	_ =	shalt  }
0x85: {  	_ =	shalt  }
0x86: {  	_ =	shalt  }
0x87: {  	_ =	shalt  }
.Lfunc_end0:
.L_simem_size_0:
called_computation.2_lowered:
.L_overlay_start_0:
0x88: {  	s2 =	sld [smem:$0x3FD9]  }
0x89: {  	s3 =	sld [smem:$0x3FFE];
	_ =	sdelay $0x1  }
0x8a: {  	s1 =	srdreg.scid  }
0x8b: {  	s0 =	sand.u32 $0x1, s1  }
0x8c: {  	s17 =	sshll.u32 s0, $0xA;
	s2 =	sadd.s32 s3, s2  }
0x8d: {  	s2 =	sadd.s32 s2, s17  }
0x8e: {  	[smem:$0x3FB5] =	sst s2  }
0x8f: {  	_ = 	snop  }
0x90: {  	(tm) =	ssettm $0x1  }
0x91: {  	s18 =	sld [smem:$0x3FFB];
	_ =	sdelay $0x3  }
0x92: {  	_ =	strace s18  }
0x93: {  	s2 =	sld [smem:$0x3FFC];
	_ =	sdelay $0x3  }
0x94: {  	_ =	strace s2  }
0x95: {  	s2 =	sld [smem:$0x3FFD];
	_ =	sdelay $0x3  }
0x96: {  	_ =	strace s2  }
0x97: {  	_ =	strace $0x8FFFFFFF  }
0x98: {  	s19 =	sld [smem:$0x3FDB];
	_ =	sdelay $0x1  }
0x99: {  	s20 =	simm.s32 $_scs_section_size  }
0x9a: {  	s4 =	simm.s32 $_size__tile_overlayer_lowered;
	s5 =	simm.s32 $_tile_overlayer_lowered  }
0x9b: {  	s6 =	simm.s32 $0x1BFF;
	s21 =	sshll.u32 s5, $0x1;
	s3 =	sadd.s32 s20, s19  }
0x9c: {  	s22 =	simm.s32 $0x0;
	s4 =	sshll.u32 s4, $0x1;
	s5 =	sadd.s32 s21, s3  }
0x9d: {  	[timem:s22], [sflag:s6] =	dma.local [hbm:s5], s4  }
0x9e: {  	_ =	swait.ge [sflag:s6], s4  }
0x9f: {  	s4 =	ssub.s32 $0x0, s4;
	[sflag:s6] =	ssyncset.done $0x0  }
0xa0: {  	[sflag:s6] =	ssyncadd.s32 s4;
	_ =	sdelay $0x1  }
0xa1: {  	s23 =	simm.s32 $0x1B8B  }
0xa2: {  	_ =	swait.ge [sflag:s23], $0x1  }
0xa3: {  	[sflag:s23] =	ssyncset.done $0x0  }
0xa4: {  	[sflag:s23] =	ssyncadd.s32 $0xFFFFFFFF  }
0xa5: {  	s4 =	sld [smem:$0x0]  }
0xa6: {  	s5 =	sand.u32 $0xFFFFFFFE, s1  }
0xa7: {  	p0 =	sne.s32 s1, s5  }
0xa8: {  	s5 =	sshll.u32 @p0 s5, $0xE  }
0xa9: {  	s5 =	sadd.s32 @p0 $0x11B8D, s5;
	s6 =	sshll.u32 @p0 s4, $0x11  }
0xaa: {  	s5 =	sor.u32 @p0 s6, s5  }
0xab: {  	[sflag:s5] =	ssyncadd.remote.s32 @p0 $0x1;
	_ =	sdelay $0x1  }
0xac: {  	s5 =	simm.s32 @p0 $0x1B8D  }
0xad: {  	_ =	swait.eq @p0 [sflag:s5], $0x1  }
0xae: {  	[sflag:s5] =	ssyncadd.s32 @p0 $0xFFFFFFFF  }
0xaf: {  	s6 =	sshll.u32 @!p0 s1, $0xE  }
0xb0: {  	s6 =	sor.u32 @!p0 $0x4000, s6;
	s5 =	simm.s32 @!p0 $0x1B8D  }
0xb1: {  	s4 =	sshll.u32 @!p0 s4, $0x11;
	s6 =	sadd.s32 @!p0 $0x11B8D, s6;
	_ =	swait.eq @!p0 [sflag:s5], $0x1  }
0xb2: {  	s4 =	sor.u32 @!p0 s4, s6;
	[sflag:s5] =	ssyncadd.s32 @!p0 $0xFFFFFFFF  }
0xb3: {  	s25 =	simm.s32 $0x1B8E;
	s24 =	sld [smem:$0x3FFE];
	[sflag:s4] =	ssyncadd.remote.s32 @!p0 $0x1  }
0xb4: {  	s26 =	simm.s32 $execute0_lowered;
	[smem:$0x3FD2] =	sst s25  }
0xb5: {  	s5 =	sshll.u32 s26, $0x1;
	_ =	strace $0x8000004C;
	[dreg:$0x1] =	wrdreg $0xFFFFFFFF  }
0xb6: {  	s28 =	simm.s32 $_size_execute0_lowered;
	s3 =	sadd.s32 s3, s5;
	[dreg:$0x0] =	wrdreg $0x0  }
0xb7: {  	s5 =	sshll.u32 s28, $0x1;
	[dreg:$0x2] =	wrdreg s3  }
0xb8: {  	[dreg:$0x3] =	wrdreg s5  }
0xb9: {  	[dreg:$0x4] =	wrdreg $0xC0  }
0xba: {  	_ =	task [dreg:s22], $0x5FFFF  }
0xbb: {  	[dreg:$0x1] =	wrdreg $0xFFFFFFFF  }
0xbc: {  	[dreg:$0x0] =	wrdreg $0x60  }
0xbd: {  	[dreg:$0x2] =	wrdreg s24  }
0xbe: {  	[dreg:$0x3] =	wrdreg $0xA9000  }
0xbf: {  	[dreg:$0x4] =	wrdreg $0xA  }
0xc0: {  	_ =	task.clear_ibuf [dreg:s22], $0x5FFFF;
	_ =	strace $0x9000004C  }
0xc1: {  	s29 =	simm.s32 $0xA;
	_ =	strace $0x8000004E  }
0xc2: {  	_ =	swait.ge [sflag:s29], $0x1  }
0xc3: {  	[sflag:s29] =	ssyncadd.s32 $0xFFFFFFFF  }
0xc4: {  	_ =	strace $0x9000004E  }
0xc5: {  	_ =	sfence  }
0xc6: {  	s30 =	sld [smem:$0x0];
	_ =	sdelay $0x2  }
0xc7: {  	s31 =	sshll.u32 s1, $0xD;
	s1 =	sshrl.u32 s1, $0x2  }
0xc8: {  	s4 =	sand.u32 $0x4000, s31;
	s1 =	sadd.s32 s1, s30  }
0xc9: {  	s0 =	sor.u32 s4, s0;
	s1 =	sshll.u32 s1, $0x11  }
0xca: {  	s0 =	sor.u32 s1, s0  }
0xcb: {  	s0 =	sadd.s32 $0x8F2B, s0  }
0xcc: {  	[sflag:s0] =	ssyncadd.remote.s32 $0x1  }
0xcd: {  	_ =	sfence.sel $0xFFFF  }
0xce: {  	[dreg:$0x0] =	wrdreg $0xFFFFFFFF;
	(pc) =	sbr.abs _section_cstart, $3  }
0xcf: {  	[dreg:$0x1] =	wrdreg $0xFFFFFFFF  }
0xd0: {  	_ =	task.clear_ibuf [dreg:s22], $0x2FFFF;
	_ =	strace $0x9FFFFFFF  }
0xd1: {  	(tm) =	ssettm $0x7FFFFFFF  }
tec
execute0_lowered:
.L_overlay_start_1:
0x0: {  	(tag) =	ssettag $0x1  }
0x1: {  	s0 =	rddreg [dreg:$0x0]  }
0x2: {  	s1 =	rddreg [dreg:$0x1];
	s2 =	simm.s32 $0x0  }
0x3: {  	s5 =	srdreg.scid;
	s26 =	stileid.u32;
	s28 =	simm.s32 $0x80  }
0x4: {  	s29 =	simm.s32 $0x1480;
	s30 =	simm.s32 $0x100;
	s31 =	simm.s32 $0x6880  }
0x5: {  	[smem:$0x7FF] =	sst s2;
	s4 =	sadd.s32 $0x4800, s0;
	s3 =	sadd.s32 $0x85200, s0  }
0x6: {  	s11 =	sadd.s32 $0x2BA00, s0;
	s5 =	sand.u32 $0x1, s5;
	s10 =	sadd.s32 $0x35A00, s0  }
0x7: {  	s9 =	smul.u32 $0x270, s26;
	s7 =	sadd.s32 $0x36000, s0;
	s8 =	sshll.u32 s26, $0x1  }
0x8: {  	p0 =	sne.s32 s26, $0xF;
	p1 =	sgt.u32 s26, $0x1;
	_ =	strace $0x8000004D  }
0x9: {  	s6 =	ssub.s32 $0x2, s5;
	[dreg:$0x3] =	wrdreg s7;
	s13 =	sor.u32 s5, s8  }
0xa: {  	s5 =	smul.u32 $0x138800, s5;
	s22 =	sshrl.u32 s6, $0x1;
	s23 =	sshrl.u32 s9, $0x3  }
0xb: {  	s14 =	sadd.s32 $0x80, s9;
	s18 =	sadd.s32 $0x100, s9;
	s15 =	smul.u32 $0x4E, s13  }
0xc: {  	s13 =	smin.u32 s13, $0x4;
	s21 =	sadd.s32 $0x180, s9;
	s12 =	ssub.s32 s6, s22  }
0xd: {  	s6 =	sadd.s32 s10, s23;
	s24 =	sshrl.u32 s14, $0x3;
	s25 =	sshrl.u32 s18, $0x3  }
0xe: {  	s22 =	sadd.s32 $0x1F0, s9;
	s7 =	sadd.s32 s10, s24;
	s8 =	sadd.s32 s10, s25  }
0xf: {  	s13 =	sadd.s32 s13, s15;
	s15 =	sshrl.u32 s21, $0x3;
	s17 =	sshrl.u32 s22, $0x3  }
0x10: {  	s16 =	sshll.u32 s13, $0x4;
	s9 =	sadd.s32 s10, s15;
	s10 =	sadd.s32 s10, s17  }
0x11: {  	s15 =	smul.u32 $0x13800, s26;
	s17 =	sadd.s32 $0x35EE0, s0;
	s20 =	sadd.s32 s3, s16  }
0x12: {  	s19 =	sadd.s32 $0x280, s16;
	s23 =	sadd.s32 s11, s16;
	[dreg:$0x4] =	wrdreg s20  }
0x13: {  	s26 =	simm.s32 $0x5;
	[dreg:$0x5] =	wrdreg s23;
	s24 =	sadd.s32 s3, s19  }
0x14: {  	s25 =	sadd.s32 $0x4E0, s16;
	s13 =	sadd.s32 s11, s19;
	[dreg:$0x6] =	wrdreg s24  }
0x15: {  	s16 =	sadd.s32 $0x8F200, s0;
	s3 =	sadd.s32 s3, s25;
	[dreg:$0x7] =	wrdreg s13  }
0x16: {  	s19 =	sshll.u32 s14, $0x7;
	s20 =	sshll.u32 s18, $0x7;
	[dreg:$0x8] =	wrdreg s3  }
0x17: {  	s13 =	sadd.s32 s11, s25;
	s3 =	sadd.s32 s15, s5;
	s0 =	sadd.s32 s5, s19  }
0x18: {  	s24 =	sshll.u32 s21, $0x7;
	s25 =	sshll.u32 s22, $0x7;
	s11 =	simm.s32 $0x4  }
0x19: {  	[dreg:$0x9] =	wrdreg s13;
	s3 =	sshrl.u32 s3, $0x3;
	s0 =	sshrl.u32 s0, $0x3  }
0x1a: {  	s13 =	sadd.s32 s5, s20;
	s3 =	sadd.s32 s16, s3;
	s19 =	sadd.s32 s16, s0  }
0x1b: {  	s23 =	sshrl.u32 s13, $0x3;
	s0 =	sadd.s32 s5, s24;
	s24 =	smax.u32 s12, $0x1  }
0x1c: {  	s12 =	simm.s32 $0x0;
	[dreg:$0xa] =	wrdreg s3;
	s20 =	sadd.s32 s16, s23  }
0x1d: {  	s3 =	sadd.s32 s5, s25;
	s5 =	sshrl.u32 s5, $0x3;
	s0 =	sshrl.u32 s0, $0x3  }
0x1e: {  	s25 =	simm.s32 $0x2880;
	s3 =	sshrl.u32 s3, $0x3;
	s5 =	sadd.s32 s16, s5  }
0x1f: {  	s21 =	sadd.s32 s16, s0;
	s0 =	simm.s32 $0x1;
	s22 =	sadd.s32 s16, s3  }
0x20: {  	s23 =	sadd.s32 $0x27000, s5;
	s3 =	simm.s32 $0x3;
	s5 =	simm.s32 $0x2  }
.LBB2_1:
0x21: {  	s13 =	rddreg [dreg:$0x3]  }
0x22: {  	[tilespmem:s25], [sflag:$0x5] =	stream.linear.gather [hbm4b:s13+s2], $0x4000, $0x38;
	[tilespmem:$0x1E180] =	vst v63  }
0x23: {  	_ =	swait.ge [sflag:s26], $0x4000  }
0x24: {  	[sflag:s26] =	ssyncset.done $0x0  }
0x25: {  	[sflag:s26] =	ssyncadd.s32 $0xFFFFC000  }
0x26: {  	[tilespmem:s2], [sflag:$0x5] =	stream.linear.gather [hbm4b:s6+s2], $0x80, $0x38;
	[tilespmem:$0x1E180] =	vst v63  }
0x27: {  	_ =	swait.ge [sflag:s26], $0x80  }
0x28: {  	[sflag:s26] =	ssyncset.done $0x0  }
0x29: {  	[sflag:s26] =	ssyncadd.s32 $0xFFFFFF80  }
0x2a: {  	[spmem:s1] =	stream.indirect.scatter [tilespmem:s25], [sflag:$0x5], $0x80, s2, s28, $0xb8;
	[tilespmem:$0x1E180] =	vst v63  }
0x2b: {  	_ =	swait.ge [sflag:s26], $0x4000  }
0x2c: {  	[sflag:s26] =	ssyncset.done $0x0  }
0x2d: {  	[sflag:s26] =	ssyncadd.s32 $0xFFFFC000  }
0x2e: {  	[tilespmem:s2], [sflag:$0x5] =	stream.linear.gather [hbm4b:s7+s2], $0x80, $0x38;
	[tilespmem:$0x1E180] =	vst v63  }
0x2f: {  	_ =	swait.ge [sflag:s26], $0x80  }
0x30: {  	[sflag:s26] =	ssyncset.done $0x0  }
0x31: {  	[sflag:s26] =	ssyncadd.s32 $0xFFFFFF80  }
0x32: {  	[spmem:s1] =	stream.indirect.scatter [tilespmem:s25], [sflag:$0x5], $0x80, s2, s28, $0xb8;
	[tilespmem:$0x1E180] =	vst v63  }
0x33: {  	_ =	swait.ge [sflag:s26], $0x4000  }
0x34: {  	[sflag:s26] =	ssyncset.done $0x0  }
0x35: {  	[sflag:s26] =	ssyncadd.s32 $0xFFFFC000  }
0x36: {  	[tilespmem:s2], [sflag:$0x5] =	stream.linear.gather [hbm4b:s8+s2], $0x80, $0x38;
	[tilespmem:$0x1E180] =	vst v63  }
0x37: {  	_ =	swait.ge [sflag:s26], $0x80  }
0x38: {  	[sflag:s26] =	ssyncset.done $0x0  }
0x39: {  	[sflag:s26] =	ssyncadd.s32 $0xFFFFFF80  }
0x3a: {  	[spmem:s1] =	stream.indirect.scatter [tilespmem:s25], [sflag:$0x5], $0x80, s2, s28, $0xb8;
	[tilespmem:$0x1E180] =	vst v63  }
0x3b: {  	_ =	swait.ge [sflag:s26], $0x4000  }
0x3c: {  	[sflag:s26] =	ssyncset.done $0x0  }
0x3d: {  	[sflag:s26] =	ssyncadd.s32 $0xFFFFC000  }
0x3e: {  	[tilespmem:s2], [sflag:$0x5] =	stream.linear.gather [hbm4b:s9+s2], $0x80, $0x38;
	[tilespmem:$0x1E180] =	vst v63  }
0x3f: {  	_ =	swait.ge [sflag:s26], $0x80  }
0x40: {  	[sflag:s26] =	ssyncset.done $0x0  }
0x41: {  	[sflag:s26] =	ssyncadd.s32 $0xFFFFFF80  }
0x42: {  	[spmem:s1] =	stream.indirect.scatter [tilespmem:s25], [sflag:$0x5], $0x80, s2, s28, $0xb8;
	[tilespmem:$0x1E180] =	vst v63  }
0x43: {  	_ =	swait.ge [sflag:s26], $0x4000  }
0x44: {  	[sflag:s26] =	ssyncset.done $0x0  }
0x45: {  	[sflag:s26] =	ssyncadd.s32 $0xFFFFC000  }
0x46: {  	[tilespmem:s2], [sflag:$0x5] =	stream.linear.gather [hbm4b:s10+s2], $0x80, $0x38;
	[tilespmem:$0x1E180] =	vst v63  }
0x47: {  	_ =	swait.ge [sflag:s26], $0x80  }
0x48: {  	[sflag:s26] =	ssyncset.done $0x0  }
0x49: {  	[sflag:s26] =	ssyncadd.s32 $0xFFFFFF80  }
0x4a: {  	[spmem:s1] =	stream.indirect.scatter [tilespmem:s25], [sflag:$0x5], $0x80, s2, s28, $0xb8;
	[tilespmem:$0x1E180] =	vst v63  }
0x4b: {  	_ =	swait.ge [sflag:s26], $0x4000  }
0x4c: {  	[sflag:s26] =	ssyncset.done $0x0  }
0x4d: {  	s14 =	simm.s32 @!p0 $0xA880;
	s13 =	simm.s32 @!p0 $0x0;
	[sflag:s26] =	ssyncadd.s32 $0xFFFFC000  }
0x4e: {  	[tilespmem:s14], [sflag:$0x5] =	stream.linear.gather @!p0 [hbm4b:s17+s13], $0x10, $0x38;
	[tilespmem:$0x1E180] =	vst v63  }
0x4f: {  	s13 =	simm.s32 @!p0 $0x5  }
0x50: {  	_ =	swait.ge @!p0 [sflag:s13], $0x10  }
0x51: {  	[sflag:s13] =	ssyncset.done @!p0 $0x0  }
0x52: {  	s15 =	simm.s32 @!p0 $0x10;
	s16 =	simm.s32 @!p0 $0x2880;
	[sflag:s13] =	ssyncadd.s32 @!p0 $0xFFFFFFF0  }
0x53: {  	[spmem:s1] =	stream.indirect.scatter @!p0 [tilespmem:s16], [sflag:$0x5], $0x80, s14, s15, $0xb8;
	[tilespmem:$0x1E180] =	vst v63  }
0x54: {  	_ =	swait.ge @!p0 [sflag:s13], $0x800  }
0x55: {  	[sflag:s13] =	ssyncset.done @!p0 $0x0  }
0x56: {  	s18 =	rddreg [dreg:$0x4];
	[sflag:s13] =	ssyncadd.s32 @!p0 $0xFFFFF800  }
0x57: {  	[tilespmem:s28], [sflag:$0x5] =	stream.linear.gather [hbm4b:s18+s2], $0x1400, $0x38;
	[tilespmem:$0x1E180] =	vst v63  }
0x58: {  	_ =	swait.ge [sflag:s26], $0x1400  }
0x59: {  	[sflag:s26] =	ssyncset.done $0x0  }
0x5a: {  	s14 =	rddreg [dreg:$0x5];
	[sflag:s26] =	ssyncadd.s32 $0xFFFFEC00  }
0x5b: {  	[tilespmem:s29], [sflag:$0x5] =	stream.linear.gather [hbm4b:s14+s2], $0x1400, $0x38;
	[tilespmem:$0x1E180] =	vst v63  }
0x5c: {  	_ =	swait.ge [sflag:s26], $0x1400  }
0x5d: {  	[sflag:s26] =	ssyncset.done $0x0  }
0x5e: {  	[sflag:s26] =	ssyncadd.s32 $0xFFFFEC00  }
0x5f: {  	[bflag:$0x0] =	sbarrier.arrive $0xFFFF  }
0x60: {  	[tilespmem:s25], [sflag:$0x1] =	stream.indirect.gather [hbm4b:s4+s28], $0x80, s28, s28, $0xb8;
	[tilespmem:$0x1E180] =	vst v63  }
0x61: {  	_ = 	snop  }
0x62: {  	[tilespmem:s31], [sflag:$0x2] =	stream.indirect.gather [hbm4b:s4+s28], $0x80, s30, s28, $0xb8;
	[tilespmem:$0x1E180] =	vst v63  }
0x63: {  	_ =	swait.ge [sflag:s0], $0x4000  }
0x64: {  	[sflag:s0] =	ssyncset.done $0x0  }
0x65: {  	s15 =	simm.s32 $0x1480;
	[sflag:s0] =	ssyncadd.s32 $0xFFFFC000  }
0x66: {  	[spmem:s1] =	stream.indirect.scatter.add.f32 [tilespmem:s25], [sflag:$0x3], $0x80, s15, s28, $0xb8;
	[tilespmem:$0x1E180] =	vst v63  }
0x67: {  	_ =	swait.ge [sflag:s3], $0x4000  }
0x68: {  	[sflag:s3] =	ssyncset.done $0x0  }
0x69: {  	s16 =	simm.s32 $0x180;
	[sflag:s3] =	ssyncadd.s32 $0xFFFFC000  }
0x6a: {  	[tilespmem:s25], [sflag:$0x1] =	stream.indirect.gather [hbm4b:s4+s28], $0x80, s16, s28, $0xb8;
	[tilespmem:$0x1E180] =	vst v63  }
0x6b: {  	_ =	swait.ge [sflag:s5], $0x4000  }
0x6c: {  	[sflag:s5] =	ssyncset.done $0x0  }
0x6d: {  	s18 =	simm.s32 $0x1500;
	[sflag:s5] =	ssyncadd.s32 $0xFFFFC000  }
0x6e: {  	[spmem:s1] =	stream.indirect.scatter.add.f32 [tilespmem:s31], [sflag:$0x4], $0x80, s18, s28, $0xb8;
	[tilespmem:$0x1E180] =	vst v63  }
0x6f: {  	_ =	swait.ge [sflag:s11], $0x4000  }
0x70: {  	[sflag:s11] =	ssyncset.done $0x0  }
0x71: {  	s13 =	simm.s32 $0x400;
	s14 =	simm.s32 $0x200;
	[sflag:s11] =	ssyncadd.s32 $0xFFFFC000  }
.LBB2_2:
0x72: {  	[tilespmem:s31], [sflag:$0x2] =	stream.indirect.gather [hbm4b:s4+s28], $0x80, s14, s28, $0xb8;
	[tilespmem:$0x1E180] =	vst v63  }
0x73: {  	s14 =	smov.u32 s13  }
0x74: {  	p2 =	sne.s32 s13, $0x4800;
	s13 =	sadd.s32 $0x400, s13;
	_ =	swait.ge [sflag:s0], $0x4000  }
0x75: {  	s14 =	sshra.s32 s14, $0x2;
	[sflag:s0] =	ssyncset.done $0x0  }
0x76: {  	s15 =	sadd.s32 $0x1480, s14;
	[sflag:s0] =	ssyncadd.s32 $0xFFFFC000  }
0x77: {  	[spmem:s1] =	stream.indirect.scatter.add.f32 [tilespmem:s25], [sflag:$0x3], $0x80, s15, s28, $0xb8;
	[tilespmem:$0x1E180] =	vst v63  }
0x78: {  	_ =	swait.ge [sflag:s3], $0x4000  }
0x79: {  	[sflag:s3] =	ssyncset.done $0x0  }
0x7a: {  	s15 =	sadd.s32 $0x180, s14;
	[sflag:s3] =	ssyncadd.s32 $0xFFFFC000  }
0x7b: {  	[tilespmem:s25], [sflag:$0x1] =	stream.indirect.gather [hbm4b:s4+s28], $0x80, s15, s28, $0xb8;
	[tilespmem:$0x1E180] =	vst v63  }
0x7c: {  	_ =	swait.ge [sflag:s5], $0x4000  }
0x7d: {  	[sflag:s5] =	ssyncset.done $0x0  }
.Ltmp0:
0x7e: {  	s15 =	sadd.s32 $0x1500, s14;
	[sflag:s5] =	ssyncadd.s32 $0xFFFFC000;
	(pc) =	sbr.rel @p2 .LBB2_2-.Ltmp0, $4  }
0x7f: {  	[spmem:s1] =	stream.indirect.scatter.add.f32 [tilespmem:s31], [sflag:$0x4], $0x80, s15, s28, $0xb8;
	[tilespmem:$0x1E180] =	vst v63  }
0x80: {  	_ =	swait.ge [sflag:s11], $0x4000  }
0x81: {  	[sflag:s11] =	ssyncset.done $0x0  }
0x82: {  	s14 =	sadd.s32 $0x200, s14;
	[sflag:s11] =	ssyncadd.s32 $0xFFFFC000  }
0x83: {  	[tilespmem:s31], [sflag:$0x2] =	stream.indirect.gather [hbm4b:s4+s28], $0x80, s14, s28, $0xb8;
	[tilespmem:$0x1E180] =	vst v63  }
0x84: {  	_ =	swait.ge [sflag:s0], $0x4000  }
0x85: {  	[sflag:s0] =	ssyncset.done $0x0  }
0x86: {  	s13 =	simm.s32 $0x2780;
	[sflag:s0] =	ssyncadd.s32 $0xFFFFC000  }
0x87: {  	[spmem:s1] =	stream.indirect.scatter.add.f32 [tilespmem:s25], [sflag:$0x3], $0x80, s13, s28, $0xb8;
	[tilespmem:$0x1E180] =	vst v63  }
0x88: {  	_ =	swait.ge [sflag:s5], $0x4000  }
0x89: {  	[sflag:s5] =	ssyncset.done $0x0  }
0x8a: {  	s14 =	simm.s32 $0x2800;
	[sflag:s5] =	ssyncadd.s32 $0xFFFFC000  }
0x8b: {  	[spmem:s1] =	stream.indirect.scatter.add.f32 [tilespmem:s31], [sflag:$0x4], $0x80, s14, s28, $0xb8;
	[tilespmem:$0x1E180] =	vst v63  }
0x8c: {  	_ =	swait.ge [sflag:s3], $0x4000  }
0x8d: {  	[sflag:s3] =	ssyncset.done $0x0  }
0x8e: {  	[sflag:s3] =	ssyncadd.s32 $0xFFFFC000  }
0x8f: {  	_ =	swait.ge [sflag:s11], $0x4000  }
0x90: {  	[sflag:s11] =	ssyncset.done $0x0  }
0x91: {  	s15 =	simm.s32 $0x0;
	s16 =	rddreg [dreg:$0x6];
	[sflag:s11] =	ssyncadd.s32 $0xFFFFC000  }
0x92: {  	[tilespmem:s28], [sflag:$0x5] =	stream.linear.gather [hbm4b:s16+s15], $0x1400, $0x38;
	[tilespmem:$0x1E180] =	vst v63  }
0x93: {  	_ =	swait.ge [sflag:s26], $0x1400  }
0x94: {  	[sflag:s26] =	ssyncset.done $0x0  }
0x95: {  	s18 =	rddreg [dreg:$0x7];
	[sflag:s26] =	ssyncadd.s32 $0xFFFFEC00  }
0x96: {  	[tilespmem:s29], [sflag:$0x5] =	stream.linear.gather [hbm4b:s18+s15], $0x1400, $0x38;
	[tilespmem:$0x1E180] =	vst v63  }
0x97: {  	_ =	swait.ge [sflag:s26], $0x1400  }
0x98: {  	[sflag:s26] =	ssyncset.done $0x0  }
0x99: {  	[sflag:s26] =	ssyncadd.s32 $0xFFFFEC00  }
0x9a: {  	[tilespmem:s25], [sflag:$0x1] =	stream.indirect.gather [hbm4b:s4+s28], $0x80, s28, s28, $0xb8;
	[tilespmem:$0x1E180] =	vst v63  }
0x9b: {  	_ = 	snop  }
0x9c: {  	[tilespmem:s31], [sflag:$0x2] =	stream.indirect.gather [hbm4b:s4+s28], $0x80, s30, s28, $0xb8;
	[tilespmem:$0x1E180] =	vst v63  }
0x9d: {  	_ =	swait.ge [sflag:s0], $0x4000  }
0x9e: {  	[sflag:s0] =	ssyncset.done $0x0  }
0x9f: {  	s15 =	simm.s32 $0x1480;
	[sflag:s0] =	ssyncadd.s32 $0xFFFFC000  }
0xa0: {  	[spmem:s1] =	stream.indirect.scatter.add.f32 [tilespmem:s25], [sflag:$0x3], $0x80, s15, s28, $0xb8;
	[tilespmem:$0x1E180] =	vst v63  }
0xa1: {  	_ =	swait.ge [sflag:s3], $0x4000  }
0xa2: {  	[sflag:s3] =	ssyncset.done $0x0  }
0xa3: {  	s16 =	simm.s32 $0x180;
	[sflag:s3] =	ssyncadd.s32 $0xFFFFC000  }
0xa4: {  	[tilespmem:s25], [sflag:$0x1] =	stream.indirect.gather [hbm4b:s4+s28], $0x80, s16, s28, $0xb8;
	[tilespmem:$0x1E180] =	vst v63  }
0xa5: {  	_ =	swait.ge [sflag:s5], $0x4000  }
0xa6: {  	[sflag:s5] =	ssyncset.done $0x0  }
0xa7: {  	s18 =	simm.s32 $0x1500;
	[sflag:s5] =	ssyncadd.s32 $0xFFFFC000  }
0xa8: {  	[spmem:s1] =	stream.indirect.scatter.add.f32 [tilespmem:s31], [sflag:$0x4], $0x80, s18, s28, $0xb8;
	[tilespmem:$0x1E180] =	vst v63  }
0xa9: {  	_ =	swait.ge [sflag:s11], $0x4000  }
0xaa: {  	[sflag:s11] =	ssyncset.done $0x0  }
0xab: {  	s13 =	simm.s32 $0x400;
	s14 =	simm.s32 $0x200;
	[sflag:s11] =	ssyncadd.s32 $0xFFFFC000  }
.LBB2_4:
0xac: {  	[tilespmem:s31], [sflag:$0x2] =	stream.indirect.gather [hbm4b:s4+s28], $0x80, s14, s28, $0xb8;
	[tilespmem:$0x1E180] =	vst v63  }
0xad: {  	s14 =	smov.u32 s13  }
0xae: {  	p2 =	sne.s32 s13, $0x4400;
	s13 =	sadd.s32 $0x400, s13;
	_ =	swait.ge [sflag:s0], $0x4000  }
0xaf: {  	s14 =	sshra.s32 s14, $0x2;
	[sflag:s0] =	ssyncset.done $0x0  }
0xb0: {  	s15 =	sadd.s32 $0x1480, s14;
	[sflag:s0] =	ssyncadd.s32 $0xFFFFC000  }
0xb1: {  	[spmem:s1] =	stream.indirect.scatter.add.f32 [tilespmem:s25], [sflag:$0x3], $0x80, s15, s28, $0xb8;
	[tilespmem:$0x1E180] =	vst v63  }
0xb2: {  	_ =	swait.ge [sflag:s3], $0x4000  }
0xb3: {  	[sflag:s3] =	ssyncset.done $0x0  }
0xb4: {  	s15 =	sadd.s32 $0x180, s14;
	[sflag:s3] =	ssyncadd.s32 $0xFFFFC000  }
0xb5: {  	[tilespmem:s25], [sflag:$0x1] =	stream.indirect.gather [hbm4b:s4+s28], $0x80, s15, s28, $0xb8;
	[tilespmem:$0x1E180] =	vst v63  }
0xb6: {  	_ =	swait.ge [sflag:s5], $0x4000  }
0xb7: {  	[sflag:s5] =	ssyncset.done $0x0  }
.Ltmp1:
0xb8: {  	s15 =	sadd.s32 $0x1500, s14;
	[sflag:s5] =	ssyncadd.s32 $0xFFFFC000;
	(pc) =	sbr.rel @p2 .LBB2_4-.Ltmp1, $4  }
0xb9: {  	[spmem:s1] =	stream.indirect.scatter.add.f32 [tilespmem:s31], [sflag:$0x4], $0x80, s15, s28, $0xb8;
	[tilespmem:$0x1E180] =	vst v63  }
0xba: {  	_ =	swait.ge [sflag:s11], $0x4000  }
0xbb: {  	[sflag:s11] =	ssyncset.done $0x0  }
0xbc: {  	s14 =	sadd.s32 $0x200, s14;
	[sflag:s11] =	ssyncadd.s32 $0xFFFFC000  }
0xbd: {  	[tilespmem:s31], [sflag:$0x2] =	stream.indirect.gather [hbm4b:s4+s28], $0x80, s14, s28, $0xb8;
	[tilespmem:$0x1E180] =	vst v63  }
0xbe: {  	_ =	swait.ge [sflag:s0], $0x4000  }
0xbf: {  	[sflag:s0] =	ssyncset.done $0x0  }
0xc0: {  	s13 =	simm.s32 $0x2680;
	[sflag:s0] =	ssyncadd.s32 $0xFFFFC000  }
0xc1: {  	[spmem:s1] =	stream.indirect.scatter.add.f32 [tilespmem:s25], [sflag:$0x3], $0x80, s13, s28, $0xb8;
	[tilespmem:$0x1E180] =	vst v63  }
0xc2: {  	_ =	swait.ge [sflag:s5], $0x4000  }
0xc3: {  	[sflag:s5] =	ssyncset.done $0x0  }
0xc4: {  	s16 =	simm.s32 $0x2700;
	[sflag:s5] =	ssyncadd.s32 $0xFFFFC000  }
0xc5: {  	[spmem:s1] =	stream.indirect.scatter.add.f32 [tilespmem:s31], [sflag:$0x4], $0x80, s16, s28, $0xb8;
	[tilespmem:$0x1E180] =	vst v63  }
0xc6: {  	_ =	swait.ge [sflag:s3], $0x4000  }
0xc7: {  	[sflag:s3] =	ssyncset.done $0x0  }
0xc8: {  	[sflag:s3] =	ssyncadd.s32 $0xFFFFC000  }
0xc9: {  	_ =	swait.ge [sflag:s11], $0x4000  }
0xca: {  	s14 =	simm.s32 @!p1 $0x80;
	[sflag:s11] =	ssyncset.done $0x0  }
0xcb: {  	s13 =	simm.s32 @!p1 $0x0;
	s15 =	rddreg [dreg:$0x8];
	[sflag:s11] =	ssyncadd.s32 $0xFFFFC000  }
0xcc: {  	[tilespmem:s14], [sflag:$0x5] =	stream.linear.gather @!p1 [hbm4b:s15+s13], $0x80, $0x38;
	[tilespmem:$0x1E180] =	vst v63  }
0xcd: {  	s15 =	simm.s32 @!p1 $0x5  }
0xce: {  	_ =	swait.ge @!p1 [sflag:s15], $0x80  }
0xcf: {  	[sflag:s15] =	ssyncset.done @!p1 $0x0  }
0xd0: {  	s16 =	simm.s32 @!p1 $0x1480;
	s18 =	rddreg [dreg:$0x9];
	[sflag:s15] =	ssyncadd.s32 @!p1 $0xFFFFFF80  }
0xd1: {  	[tilespmem:s16], [sflag:$0x5] =	stream.linear.gather @!p1 [hbm4b:s18+s13], $0x80, $0x38;
	[tilespmem:$0x1E180] =	vst v63  }
0xd2: {  	_ =	swait.ge @!p1 [sflag:s15], $0x80  }
0xd3: {  	[sflag:s15] =	ssyncset.done @!p1 $0x0  }
0xd4: {  	s13 =	simm.s32 @!p1 $0x2880;
	s18 =	simm.s32 @!p1 $0x1;
	[sflag:s15] =	ssyncadd.s32 @!p1 $0xFFFFFF80  }
0xd5: {  	[tilespmem:s13], [sflag:$0x1] =	stream.indirect.gather @!p1 [hbm4b:s4+s14], $0x80, s14, s14, $0xb8;
	[tilespmem:$0x1E180] =	vst v63  }
0xd6: {  	_ =	swait.ge @!p1 [sflag:s18], $0x4000  }
0xd7: {  	[sflag:s18] =	ssyncset.done @!p1 $0x0  }
0xd8: {  	[sflag:s18] =	ssyncadd.s32 @!p1 $0xFFFFC000  }
0xd9: {  	[spmem:s1] =	stream.indirect.scatter.add.f32 @!p1 [tilespmem:s13], [sflag:$0x5], $0x80, s16, s14, $0xb8;
	[tilespmem:$0x1E180] =	vst v63  }
0xda: {  	_ =	swait.ge @!p1 [sflag:s15], $0x4000  }
0xdb: {  	[sflag:s15] =	ssyncset.done @!p1 $0x0  }
0xdc: {  	[sflag:s15] =	ssyncadd.s32 @!p1 $0xFFFFC000  }
0xdd: {  	[bflag:$0x0] =	sbarrier.arrive $0xFFFF  }
0xde: {  	[tilespmem:s2], [sflag:$0x5] =	stream.linear.gather [hbm4b:s6+s2], $0x80, $0x38;
	[tilespmem:$0x1E180] =	vst v63  }
0xdf: {  	_ =	swait.ge [sflag:s26], $0x80  }
0xe0: {  	[sflag:s26] =	ssyncset.done $0x0  }
0xe1: {  	[sflag:s26] =	ssyncadd.s32 $0xFFFFFF80  }
0xe2: {  	[tilespmem:s25], [sflag:$0x1] =	stream.indirect.gather [spmem:s1], $0x80, s2, s28, $0xb8;
	[tilespmem:$0x1E180] =	vst v63  }
0xe3: {  	_ =	swait.ge [sflag:s0], $0x4000  }
0xe4: {  	[sflag:s0] =	ssyncset.done $0x0  }
0xe5: {  	s18 =	rddreg [dreg:$0xa];
	[sflag:s0] =	ssyncadd.s32 $0xFFFFC000  }
0xe6: {  	[hbm4b:s18+s2] =	stream.linear.scatter [tilespmem:s25], [sflag:$0x5], $0x4000, $0x38;
	[tilespmem:$0x1E180] =	vst v63  }
0xe7: {  	_ =	swait.ge [sflag:s26], $0x4000  }
0xe8: {  	[sflag:s26] =	ssyncset.done $0x0  }
0xe9: {  	[sflag:s26] =	ssyncadd.s32 $0xFFFFC000  }
0xea: {  	[tilespmem:s2], [sflag:$0x5] =	stream.linear.gather [hbm4b:s7+s2], $0x80, $0x38;
	[tilespmem:$0x1E180] =	vst v63  }
0xeb: {  	_ =	swait.ge [sflag:s26], $0x80  }
0xec: {  	[sflag:s26] =	ssyncset.done $0x0  }
0xed: {  	[sflag:s26] =	ssyncadd.s32 $0xFFFFFF80  }
0xee: {  	[tilespmem:s25], [sflag:$0x1] =	stream.indirect.gather [spmem:s1], $0x80, s2, s28, $0xb8;
	[tilespmem:$0x1E180] =	vst v63  }
0xef: {  	_ =	swait.ge [sflag:s0], $0x4000  }
0xf0: {  	[sflag:s0] =	ssyncset.done $0x0  }
0xf1: {  	[sflag:s0] =	ssyncadd.s32 $0xFFFFC000  }
0xf2: {  	[hbm4b:s19+s2] =	stream.linear.scatter [tilespmem:s25], [sflag:$0x5], $0x4000, $0x38;
	[tilespmem:$0x1E180] =	vst v63  }
0xf3: {  	_ =	swait.ge [sflag:s26], $0x4000  }
0xf4: {  	[sflag:s26] =	ssyncset.done $0x0  }
0xf5: {  	[sflag:s26] =	ssyncadd.s32 $0xFFFFC000  }
0xf6: {  	[tilespmem:s2], [sflag:$0x5] =	stream.linear.gather [hbm4b:s8+s2], $0x80, $0x38;
	[tilespmem:$0x1E180] =	vst v63  }
0xf7: {  	_ =	swait.ge [sflag:s26], $0x80  }
0xf8: {  	[sflag:s26] =	ssyncset.done $0x0  }
0xf9: {  	[sflag:s26] =	ssyncadd.s32 $0xFFFFFF80  }
0xfa: {  	[tilespmem:s25], [sflag:$0x1] =	stream.indirect.gather [spmem:s1], $0x80, s2, s28, $0xb8;
	[tilespmem:$0x1E180] =	vst v63  }
0xfb: {  	_ =	swait.ge [sflag:s0], $0x4000  }
0xfc: {  	[sflag:s0] =	ssyncset.done $0x0  }
0xfd: {  	[sflag:s0] =	ssyncadd.s32 $0xFFFFC000  }
0xfe: {  	[hbm4b:s20+s2] =	stream.linear.scatter [tilespmem:s25], [sflag:$0x5], $0x4000, $0x38;
	[tilespmem:$0x1E180] =	vst v63  }
0xff: {  	_ =	swait.ge [sflag:s26], $0x4000  }
0x100: {  	[sflag:s26] =	ssyncset.done $0x0  }
0x101: {  	[sflag:s26] =	ssyncadd.s32 $0xFFFFC000  }
0x102: {  	[tilespmem:s2], [sflag:$0x5] =	stream.linear.gather [hbm4b:s9+s2], $0x80, $0x38;
	[tilespmem:$0x1E180] =	vst v63  }
0x103: {  	_ =	swait.ge [sflag:s26], $0x80  }
0x104: {  	[sflag:s26] =	ssyncset.done $0x0  }
0x105: {  	[sflag:s26] =	ssyncadd.s32 $0xFFFFFF80  }
0x106: {  	[tilespmem:s25], [sflag:$0x1] =	stream.indirect.gather [spmem:s1], $0x80, s2, s28, $0xb8;
	[tilespmem:$0x1E180] =	vst v63  }
0x107: {  	_ =	swait.ge [sflag:s0], $0x4000  }
0x108: {  	[sflag:s0] =	ssyncset.done $0x0  }
0x109: {  	[sflag:s0] =	ssyncadd.s32 $0xFFFFC000  }
0x10a: {  	[hbm4b:s21+s2] =	stream.linear.scatter [tilespmem:s25], [sflag:$0x5], $0x4000, $0x38;
	[tilespmem:$0x1E180] =	vst v63  }
0x10b: {  	_ =	swait.ge [sflag:s26], $0x4000  }
0x10c: {  	[sflag:s26] =	ssyncset.done $0x0  }
0x10d: {  	[sflag:s26] =	ssyncadd.s32 $0xFFFFC000  }
0x10e: {  	[tilespmem:s2], [sflag:$0x5] =	stream.linear.gather [hbm4b:s10+s2], $0x80, $0x38;
	[tilespmem:$0x1E180] =	vst v63  }
0x10f: {  	_ =	swait.ge [sflag:s26], $0x80  }
0x110: {  	[sflag:s26] =	ssyncset.done $0x0  }
0x111: {  	[sflag:s26] =	ssyncadd.s32 $0xFFFFFF80  }
0x112: {  	[tilespmem:s25], [sflag:$0x1] =	stream.indirect.gather [spmem:s1], $0x80, s2, s28, $0xb8;
	[tilespmem:$0x1E180] =	vst v63  }
0x113: {  	_ =	swait.ge [sflag:s0], $0x4000  }
0x114: {  	[sflag:s0] =	ssyncset.done $0x0  }
0x115: {  	[sflag:s0] =	ssyncadd.s32 $0xFFFFC000  }
0x116: {  	[hbm4b:s22+s2] =	stream.linear.scatter [tilespmem:s25], [sflag:$0x5], $0x4000, $0x38;
	[tilespmem:$0x1E180] =	vst v63  }
0x117: {  	_ =	swait.ge [sflag:s26], $0x4000  }
0x118: {  	s13 =	simm.s32 @!p0 $0x0;
	[sflag:s26] =	ssyncset.done $0x0  }
0x119: {  	s14 =	simm.s32 @!p0 $0xA880;
	s15 =	simm.s32 @!p0 $0x5;
	[sflag:s26] =	ssyncadd.s32 $0xFFFFC000  }
0x11a: {  	[tilespmem:s14], [sflag:$0x5] =	stream.linear.gather @!p0 [hbm4b:s17+s13], $0x10, $0x38;
	[tilespmem:$0x1E180] =	vst v63  }
0x11b: {  	_ =	swait.ge @!p0 [sflag:s15], $0x10  }
0x11c: {  	[sflag:s15] =	ssyncset.done @!p0 $0x0  }
0x11d: {  	s16 =	simm.s32 @!p0 $0x10;
	s18 =	simm.s32 @!p0 $0x2880;
	[sflag:s15] =	ssyncadd.s32 @!p0 $0xFFFFFFF0  }
0x11e: {  	[tilespmem:s18], [sflag:$0x1] =	stream.indirect.gather @!p0 [spmem:s1], $0x80, s14, s16, $0xb8;
	[tilespmem:$0x1E180] =	vst v63  }
0x11f: {  	s14 =	simm.s32 @!p0 $0x1  }
0x120: {  	s12 =	sadd.s32 $0x1, s12;
	_ =	swait.ge @!p0 [sflag:s14], $0x800  }
0x121: {  	p2 =	sne.s32 s12, s24;
	[sflag:s14] =	ssyncset.done @!p0 $0x0  }
.Ltmp2:
0x122: {  	[sflag:s14] =	ssyncadd.s32 @!p0 $0xFFFFF800;
	(pc) =	sbr.rel @p2 .LBB2_1-.Ltmp2, $4  }
0x123: {  	[hbm4b:s23+s13] =	stream.linear.scatter @!p0 [tilespmem:s18], [sflag:$0x5], $0x800, $0x38;
	[tilespmem:$0x1E180] =	vst v63  }
0x124: {  	_ =	swait.ge @!p0 [sflag:s15], $0x800  }
0x125: {  	[sflag:s15] =	ssyncset.done @!p0 $0x0  }
0x126: {  	[sflag:s15] =	ssyncadd.s32 @!p0 $0xFFFFF800  }
0x127: {  	_ =	sfence.sel $0x180000  }
0x128: {  	[bflag:$0x0] =	sbarrier.arrive $0xFFFF  }
0x129: {  	_ =	strace $0x9000004D  }
0x12a: {  	s0 =	stileid.u32;
	[bflag:$0x2] =	sbarrier.arrive $0xFFFF  }
0x12b: {  	p0 =	sne.s32 s0, $0x0;
	s0 =	rddreg [dreg:$0x2]  }
0x12c: {  	s0 =	sadd.s32 @!p0 $0x100000, s0  }
0x12d: {  	[sflag:s0] =	ssyncadd.tile.s32 @!p0 $0x1;
	_ =	shalt  }
.Lfunc_end2:
_tile_overlayer_lowered:
.L_overlay_start_2:
0x12e: {  	(tag) =	ssettag $0x2  }
0x12f: {  	s0 =	rddreg [dreg:$0x0];
	s2 =	stileid.u32  }
0x130: {  	s1 =	rddreg [dreg:$0x1];
	p0 =	sne.s32 s2, $0x0  }
0x131: {  	s3 =	rddreg [dreg:$0x2];
	[bflag:$0x3] =	sbarrier.arrive $0xFFFF;
	s2 =	simm.s32 @!p0 $0x1C05  }
0x132: {  	[timem:s3], [sflag:s2] =	dma.local @!p0 [hbm:s0], s1  }
0x133: {  	s0 =	simm.s32 @!p0 $0x5  }
0x134: {  	_ =	swait.ge @!p0 [sflag:s0], s1  }
0x135: {  	s1 =	ssub.s32 @!p0 $0x0, s1;
	[sflag:s0] =	ssyncset.done @!p0 $0x0  }
0x136: {  	[sflag:s0] =	ssyncadd.s32 @!p0 s1  }
0x137: {  	[bflag:$0x3] =	sbarrier.arrive $0xFFFF  }
0x138: {  	_ =	shalt  }

// kernel: kernel.18.cloned.1.call-start
scs
__scs_entry_jumppad:
0x0: {  	(pc) =	sbr.rel $0x88, $3  }
0x1: {  	(tag) =	ssettag $0x0;
	lr =	simm.s32 $0x1  }
0x2: {  	[smem:$0x3F8E] =	sst lr;
	_ =	strace $0xD0000000  }
0x3: {  	_ = 	snop  }
0x4: {  	_ = 	snop  }
0x5: {  	_ = 	snop  }
0x6: {  	_ = 	snop  }
0x7: {  	_ = 	snop  }
__scs_overlays_trampoline_lowered:
0x8: {  	[smem:$0x3F9D] =	sst s0  }
0x9: {  	[smem:$0x3F9E] =	sst s1  }
0xa: {  	[smem:$0x3F9F] =	sst s2  }
0xb: {  	[smem:$0x3FA0] =	sst s3  }
0xc: {  	[smem:$0x3FA1] =	sst s4  }
0xd: {  	[smem:$0x3FA2] =	sst s5  }
0xe: {  	[smem:$0x3FA3] =	sst s6  }
0xf: {  	[smem:$0x3FA4] =	sst s7  }
0x10: {  	[smem:$0x3FA5] =	sst s8  }
0x11: {  	[smem:$0x3FA6] =	sst s9;
	s0 =	simm.s32 @!p0 $0x0  }
0x12: {  	s1 =	sld [smem:$0x3F8C];
	s0 =	simm.s32 @p0 $0x1  }
0x13: {  	[smem:$0x3FA7] =	sst s0;
	s0 =	simm.s32 @!p1 $0x0  }
0x14: {  	s2 =	sld [smem:$0x3F8B];
	s0 =	simm.s32 @p1 $0x1  }
0x15: {  	[smem:$0x3FA8] =	sst s0;
	s0 =	simm.s32 @!p2 $0x0  }
0x16: {  	s3 =	sld [smem:$0x3FDB];
	s0 =	simm.s32 @p2 $0x1  }
0x17: {  	s4 =	simm.s32 $0x1BF5;
	[smem:$0x3FAA] =	sst s0  }
0x18: {  	s0 =	sld [smem:$0x3F8D];
	_ =	swait.ge [sflag:s4], $0x0  }
0x19: {  	s7 =	sld [smem:$0x3F8E]  }
0x1a: {  	s8 =	sadd.s32 $0xFFFFE003, lr  }
0x1b: {  	s9 =	sadd.s32 $0xFFFFFEF7, lr;
	s5 =	simm.s32 $0xFFFFFFFF;
	p2 =	slt.u32 s8, $0xFFFFF086  }
0x1c: {  	p1 =	slt.u32 s9, $0xF7A;
	s5 =	simm.s32 @!p2 $0x0  }
0x1d: {  	s5 =	simm.s32 @p1 $0x1;
	p0 =	seq.s32 s7, s2  }
0x1e: {  	s7 =	smul.u32 @!p0 $0xF7A, s2;
	p2 =	seq.s32 @!p0 s5, $0x0  }
0x1f: {  	s9 =	smul.u32 $0xF7A, s1;
	s8 =	simm.s32 @!p0 $0x1BF5;
	p2 =	por !p2, p0  }
0x20: {  	[sflag:s8] =	ssyncset.s32 @!p0 $0xFFFFF086;
	s6 =	sadd.s32 @!p0 s3, s7;
	s7 =	simm.s32 @!p0 $0x108  }
0x21: {  	s3 =	sadd.s32 s3, s9;
	s6 =	sadd.s32 @!p0 $0x88, s6;
	s7 =	simm.s32 @p2 $0x1082  }
0x22: {  	[simem:s7], [sflag:s8] =	dma.local @!p0 [hbm:s6], $0xF7A  }
0x23: {  	s9 =	sor.u32 $0xD0000000, s2;
	s6 =	simm.s32 $0x108;
	_ =	swait.ge @!p0 [sflag:s8], $0x0  }
0x24: {  	s3 =	sadd.s32 $0x88, s3;
	s6 =	simm.s32 @!p1 $0x1082;
	[sflag:s4] =	ssyncset.s32 $0xFFFFF086  }
0x25: {  	[simem:s6], [sflag:s4] =	dma.local [hbm:s3], $0xF7A  }
0x26: {  	[smem:$0x3F8E] =	sst s1;
	(tag) =	ssettag s2;
	_ =	strace s9  }
0x27: {  	s1 =	sld [smem:$0x3F9E]  }
0x28: {  	s2 =	sld [smem:$0x3F9F]  }
0x29: {  	s4 =	sld [smem:$0x3FA1]  }
0x2a: {  	p0 =	seq.s32 s5, $0x0;
	s5 =	sld [smem:$0x3FA2]  }
0x2b: {  	s6 =	sld [smem:$0x3FA3]  }
0x2c: {  	s7 =	sld [smem:$0x3FA4]  }
0x2d: {  	s3 =	simm.s32 $0x108;
	s8 =	sld [smem:$0x3FA5]  }
0x2e: {  	s3 =	simm.s32 @!p0 $0x1082;
	s9 =	sld [smem:$0x3FA6]  }
0x2f: {  	lr =	sadd.s32 s0, s3;
	s0 =	sld [smem:$0x3F9D]  }
0x30: {  	s3 =	sld [smem:$0x3FA0]  }
0x31: {  	[smem:$0x3FA9] =	sst s10  }
0x32: {  	s10 =	sld [smem:$0x3FA7];
	_ =	sdelay $0x3  }
0x33: {  	p0 =	seq.s32 s10, $0x1;
	s10 =	sld [smem:$0x3FA9];
	_ =	sdelay $0x3  }
0x34: {  	[smem:$0x3FA9] =	sst s10  }
0x35: {  	s10 =	sld [smem:$0x3FA8];
	_ =	sdelay $0x3  }
0x36: {  	p1 =	seq.s32 s10, $0x1;
	s10 =	sld [smem:$0x3FA9];
	_ =	sdelay $0x3  }
0x37: {  	[smem:$0x3FA9] =	sst s10  }
0x38: {  	s10 =	sld [smem:$0x3FAA]  }
0x39: {  	_ = 	snop;
	(pc) =	sbr.ind lr, $3  }
0x3a: {  	_ = 	snop  }
0x3b: {  	_ = 	snop  }
0x3c: {  	p2 =	seq.s32 s10, $0x1;
	s10 =	sld [smem:$0x3FA9]  }
0x3d: {  	_ =	shalt  }
0x3e: {  	_ =	shalt  }
0x3f: {  	_ =	shalt  }
0x40: {  	_ =	shalt  }
0x41: {  	_ =	shalt  }
0x42: {  	_ =	shalt  }
0x43: {  	_ =	shalt  }
0x44: {  	_ =	shalt  }
0x45: {  	_ =	shalt  }
0x46: {  	_ =	shalt  }
0x47: {  	_ =	shalt  }
0x48: {  	_ =	shalt  }
0x49: {  	_ =	shalt  }
0x4a: {  	_ =	shalt  }
0x4b: {  	_ =	shalt  }
0x4c: {  	_ =	shalt  }
0x4d: {  	_ =	shalt  }
0x4e: {  	_ =	shalt  }
0x4f: {  	_ =	shalt  }
0x50: {  	_ =	shalt  }
0x51: {  	_ =	shalt  }
0x52: {  	_ =	shalt  }
0x53: {  	_ =	shalt  }
0x54: {  	_ =	shalt  }
0x55: {  	_ =	shalt  }
0x56: {  	_ =	shalt  }
0x57: {  	_ =	shalt  }
0x58: {  	_ =	shalt  }
0x59: {  	_ =	shalt  }
0x5a: {  	_ =	shalt  }
0x5b: {  	_ =	shalt  }
0x5c: {  	_ =	shalt  }
0x5d: {  	_ =	shalt  }
0x5e: {  	_ =	shalt  }
0x5f: {  	_ =	shalt  }
0x60: {  	_ =	shalt  }
0x61: {  	_ =	shalt  }
0x62: {  	_ =	shalt  }
0x63: {  	_ =	shalt  }
0x64: {  	_ =	shalt  }
0x65: {  	_ =	shalt  }
0x66: {  	_ =	shalt  }
0x67: {  	_ =	shalt  }
0x68: {  	_ =	shalt  }
0x69: {  	_ =	shalt  }
0x6a: {  	_ =	shalt  }
0x6b: {  	_ =	shalt  }
0x6c: {  	_ =	shalt  }
0x6d: {  	_ =	shalt  }
0x6e: {  	_ =	shalt  }
0x6f: {  	_ =	shalt  }
0x70: {  	_ =	shalt  }
0x71: {  	_ =	shalt  }
0x72: {  	_ =	shalt  }
0x73: {  	_ =	shalt  }
0x74: {  	_ =	shalt  }
0x75: {  	_ =	shalt  }
0x76: {  	_ =	shalt  }
0x77: {  	_ =	shalt  }
0x78: {  	_ =	shalt  }
0x79: {  	_ =	shalt  }
0x7a: {  	_ =	shalt  }
0x7b: {  	_ =	shalt  }
0x7c: {  	_ =	shalt  }
0x7d: {  	_ =	shalt  }
0x7e: {  	_ =	shalt  }
0x7f: {  	_ =	shalt  }
0x80: {  	_ =	shalt  }
0x81: {  	_ =	shalt  }
0x82: {  	_ =	shalt  }
0x83: {  	_ =	shalt  }
0x84: {  	_ =	shalt  }
0x85: {  	_ =	shalt  }
0x86: {  	_ =	shalt  }
0x87: {  	_ =	shalt  }
.Lfunc_end0:
.L_simem_size_0:
called_computation.3_lowered:
.L_overlay_start_0:
0x88: {  	s2 =	sld [smem:$0x3FD9]  }
0x89: {  	s3 =	sld [smem:$0x3FFE];
	_ =	sdelay $0x1  }
0x8a: {  	s1 =	srdreg.scid  }
0x8b: {  	s0 =	sand.u32 $0x1, s1  }
0x8c: {  	s16 =	sshll.u32 s0, $0xA;
	s2 =	sadd.s32 s3, s2  }
0x8d: {  	s2 =	sadd.s32 s2, s16  }
0x8e: {  	[smem:$0x3FB5] =	sst s2  }
0x8f: {  	_ = 	snop  }
0x90: {  	(tm) =	ssettm $0x1  }
0x91: {  	s17 =	sld [smem:$0x3FFB];
	_ =	sdelay $0x3  }
0x92: {  	_ =	strace s17  }
0x93: {  	s2 =	sld [smem:$0x3FFC];
	_ =	sdelay $0x3  }
0x94: {  	_ =	strace s2  }
0x95: {  	s2 =	sld [smem:$0x3FFD];
	_ =	sdelay $0x3  }
0x96: {  	_ =	strace s2  }
0x97: {  	_ =	strace $0x8FFFFFFF  }
0x98: {  	s18 =	sld [smem:$0x3FDB];
	_ =	sdelay $0x1  }
0x99: {  	s19 =	simm.s32 $_scs_section_size  }
0x9a: {  	s4 =	simm.s32 $_size__tile_overlayer_lowered;
	s5 =	simm.s32 $_tile_overlayer_lowered  }
0x9b: {  	s22 =	simm.s32 $0x1BFF;
	s21 =	sshll.u32 s5, $0x1;
	s2 =	sadd.s32 s19, s18  }
0x9c: {  	s6 =	simm.s32 $0x0;
	s20 =	sshll.u32 s4, $0x1;
	s4 =	sadd.s32 s21, s2  }
0x9d: {  	[timem:s6], [sflag:s22] =	dma.local [hbm:s4], s20  }
0x9e: {  	_ =	swait.ge [sflag:s22], s20  }
0x9f: {  	s3 =	ssub.s32 $0x0, s20;
	[sflag:s22] =	ssyncset.done $0x0  }
0xa0: {  	[sflag:s22] =	ssyncadd.s32 s3;
	_ =	sdelay $0x1  }
0xa1: {  	s23 =	simm.s32 $0x1B8B  }
0xa2: {  	_ =	swait.ge [sflag:s23], $0x1  }
0xa3: {  	[sflag:s23] =	ssyncset.done $0x0  }
0xa4: {  	s25 =	simm.s32 $0x1B8E;
	s24 =	sld [smem:$0x3FFE];
	[sflag:s23] =	ssyncadd.s32 $0xFFFFFFFF  }
0xa5: {  	s26 =	simm.s32 $execute0_lowered;
	[smem:$0x3FD2] =	sst s25  }
0xa6: {  	s4 =	sshll.u32 s26, $0x1;
	_ =	strace $0x8000004F;
	[dreg:$0x1] =	wrdreg $0xFFFFFFFF  }
0xa7: {  	s28 =	simm.s32 $_size_execute0_lowered;
	s2 =	sadd.s32 s2, s4;
	[dreg:$0x0] =	wrdreg $0x0  }
0xa8: {  	s4 =	sshll.u32 s28, $0x1;
	[dreg:$0x2] =	wrdreg s2  }
0xa9: {  	[dreg:$0x3] =	wrdreg s4  }
0xaa: {  	[dreg:$0x4] =	wrdreg $0xC0  }
0xab: {  	_ =	task [dreg:s6], $0x5FFFF  }
0xac: {  	[dreg:$0x1] =	wrdreg $0xFFFFFFFF  }
0xad: {  	[dreg:$0x0] =	wrdreg $0x60  }
0xae: {  	[dreg:$0x2] =	wrdreg s24  }
0xaf: {  	[dreg:$0x3] =	wrdreg $0xA9000  }
0xb0: {  	[dreg:$0x4] =	wrdreg $0x9  }
0xb1: {  	_ =	task.clear_ibuf [dreg:s6], $0x5FFFF;
	_ =	strace $0x9000004F  }
0xb2: {  	s29 =	simm.s32 $0x9;
	_ =	strace $0x80000051  }
0xb3: {  	_ =	swait.ge [sflag:s29], $0x1  }
0xb4: {  	[sflag:s29] =	ssyncadd.s32 $0xFFFFFFFF  }
0xb5: {  	_ =	strace $0x90000051  }
0xb6: {  	_ =	sfence  }
0xb7: {  	s30 =	sld [smem:$0x0];
	_ =	sdelay $0x2  }
0xb8: {  	s31 =	sshll.u32 s1, $0xD;
	s1 =	sshrl.u32 s1, $0x2  }
0xb9: {  	s3 =	sand.u32 $0x4000, s31;
	s1 =	sadd.s32 s1, s30  }
0xba: {  	s0 =	sor.u32 s3, s0;
	s1 =	sshll.u32 s1, $0x11  }
0xbb: {  	s0 =	sor.u32 s1, s0  }
0xbc: {  	s0 =	sadd.s32 $0x8F2B, s0  }
0xbd: {  	[sflag:s0] =	ssyncadd.remote.s32 $0x1  }
0xbe: {  	_ =	sfence.sel $0xFFFF  }
0xbf: {  	[dreg:$0x0] =	wrdreg $0xFFFFFFFF;
	(pc) =	sbr.abs _section_cstart, $3  }
0xc0: {  	[dreg:$0x1] =	wrdreg $0xFFFFFFFF  }
0xc1: {  	_ =	task.clear_ibuf [dreg:s6], $0x2FFFF;
	_ =	strace $0x9FFFFFFF  }
0xc2: {  	(tm) =	ssettm $0x7FFFFFFF  }
0xc3: {  	_ =	shalt  }
tec
execute0_lowered:
.L_overlay_start_1:
0x0: {  	(tag) =	ssettag $0x1  }
0x1: {  	s0 =	rddreg [dreg:$0x0]  }
0x2: {  	s1 =	rddreg [dreg:$0x1];
	s2 =	simm.s32 $0x0  }
0x3: {  	s5 =	srdreg.scid;
	s26 =	stileid.u32;
	s28 =	simm.s32 $0x80  }
0x4: {  	s29 =	simm.s32 $0x1480;
	s30 =	simm.s32 $0x100;
	s31 =	simm.s32 $0x6880  }
0x5: {  	[smem:$0x7FF] =	sst s2;
	s4 =	sadd.s32 $0x4800, s0;
	s3 =	sadd.s32 $0x85200, s0  }
0x6: {  	s11 =	sadd.s32 $0x2BA00, s0;
	s5 =	sand.u32 $0x1, s5;
	s10 =	sadd.s32 $0x35A00, s0  }
0x7: {  	s9 =	smul.u32 $0x270, s26;
	s7 =	sadd.s32 $0x36000, s0;
	s8 =	sshll.u32 s26, $0x1  }
0x8: {  	p0 =	sne.s32 s26, $0xF;
	p1 =	sgt.u32 s26, $0x1;
	_ =	strace $0x80000050  }
0x9: {  	s6 =	ssub.s32 $0x2, s5;
	[dreg:$0x3] =	wrdreg s7;
	s13 =	sor.u32 s5, s8  }
0xa: {  	s5 =	smul.u32 $0x138800, s5;
	s22 =	sshrl.u32 s6, $0x1;
	s23 =	sshrl.u32 s9, $0x3  }
0xb: {  	s14 =	sadd.s32 $0x80, s9;
	s18 =	sadd.s32 $0x100, s9;
	s15 =	smul.u32 $0x4E, s13  }
0xc: {  	s13 =	smin.u32 s13, $0x4;
	s21 =	sadd.s32 $0x180, s9;
	s12 =	ssub.s32 s6, s22  }
0xd: {  	s6 =	sadd.s32 s10, s23;
	s24 =	sshrl.u32 s14, $0x3;
	s25 =	sshrl.u32 s18, $0x3  }
0xe: {  	s22 =	sadd.s32 $0x1F0, s9;
	s7 =	sadd.s32 s10, s24;
	s8 =	sadd.s32 s10, s25  }
0xf: {  	s13 =	sadd.s32 s13, s15;
	s15 =	sshrl.u32 s21, $0x3;
	s17 =	sshrl.u32 s22, $0x3  }
0x10: {  	s16 =	sshll.u32 s13, $0x4;
	s9 =	sadd.s32 s10, s15;
	s10 =	sadd.s32 s10, s17  }
0x11: {  	s15 =	smul.u32 $0x13800, s26;
	s17 =	sadd.s32 $0x35EE0, s0;
	s20 =	sadd.s32 s3, s16  }
0x12: {  	s19 =	sadd.s32 $0x280, s16;
	s23 =	sadd.s32 s11, s16;
	[dreg:$0x4] =	wrdreg s20  }
0x13: {  	s26 =	simm.s32 $0x5;
	[dreg:$0x5] =	wrdreg s23;
	s24 =	sadd.s32 s3, s19  }
0x14: {  	s25 =	sadd.s32 $0x4E0, s16;
	s13 =	sadd.s32 s11, s19;
	[dreg:$0x6] =	wrdreg s24  }
0x15: {  	s16 =	sadd.s32 $0x8F200, s0;
	s3 =	sadd.s32 s3, s25;
	[dreg:$0x7] =	wrdreg s13  }
0x16: {  	s19 =	sshll.u32 s14, $0x7;
	s20 =	sshll.u32 s18, $0x7;
	[dreg:$0x8] =	wrdreg s3  }
0x17: {  	s13 =	sadd.s32 s11, s25;
	s3 =	sadd.s32 s15, s5;
	s0 =	sadd.s32 s5, s19  }
0x18: {  	s24 =	sshll.u32 s21, $0x7;
	s25 =	sshll.u32 s22, $0x7;
	s11 =	simm.s32 $0x4  }
0x19: {  	[dreg:$0x9] =	wrdreg s13;
	s3 =	sshrl.u32 s3, $0x3;
	s0 =	sshrl.u32 s0, $0x3  }
0x1a: {  	s13 =	sadd.s32 s5, s20;
	s3 =	sadd.s32 s16, s3;
	s19 =	sadd.s32 s16, s0  }
0x1b: {  	s23 =	sshrl.u32 s13, $0x3;
	s0 =	sadd.s32 s5, s24;
	s24 =	smax.u32 s12, $0x1  }
0x1c: {  	s12 =	simm.s32 $0x0;
	[dreg:$0xa] =	wrdreg s3;
	s20 =	sadd.s32 s16, s23  }
0x1d: {  	s3 =	sadd.s32 s5, s25;
	s5 =	sshrl.u32 s5, $0x3;
	s0 =	sshrl.u32 s0, $0x3  }
0x1e: {  	s25 =	simm.s32 $0x2880;
	s3 =	sshrl.u32 s3, $0x3;
	s5 =	sadd.s32 s16, s5  }
0x1f: {  	s21 =	sadd.s32 s16, s0;
	s0 =	simm.s32 $0x1;
	s22 =	sadd.s32 s16, s3  }
0x20: {  	s23 =	sadd.s32 $0x27000, s5;
	s3 =	simm.s32 $0x3;
	s5 =	simm.s32 $0x2  }
.LBB2_1:
0x21: {  	s13 =	rddreg [dreg:$0x3]  }
0x22: {  	[tilespmem:s25], [sflag:$0x5] =	stream.linear.gather [hbm4b:s13+s2], $0x4000, $0x38;
	[tilespmem:$0x1E180] =	vst v63  }
0x23: {  	_ =	swait.ge [sflag:s26], $0x4000  }
0x24: {  	[sflag:s26] =	ssyncset.done $0x0  }
0x25: {  	[sflag:s26] =	ssyncadd.s32 $0xFFFFC000  }
0x26: {  	[tilespmem:s2], [sflag:$0x5] =	stream.linear.gather [hbm4b:s6+s2], $0x80, $0x38;
	[tilespmem:$0x1E180] =	vst v63  }
0x27: {  	_ =	swait.ge [sflag:s26], $0x80  }
0x28: {  	[sflag:s26] =	ssyncset.done $0x0  }
0x29: {  	[sflag:s26] =	ssyncadd.s32 $0xFFFFFF80  }
0x2a: {  	[spmem:s1] =	stream.indirect.scatter [tilespmem:s25], [sflag:$0x5], $0x80, s2, s28, $0xb8;
	[tilespmem:$0x1E180] =	vst v63  }
0x2b: {  	_ =	swait.ge [sflag:s26], $0x4000  }
0x2c: {  	[sflag:s26] =	ssyncset.done $0x0  }
0x2d: {  	[sflag:s26] =	ssyncadd.s32 $0xFFFFC000  }
0x2e: {  	[tilespmem:s2], [sflag:$0x5] =	stream.linear.gather [hbm4b:s7+s2], $0x80, $0x38;
	[tilespmem:$0x1E180] =	vst v63  }
0x2f: {  	_ =	swait.ge [sflag:s26], $0x80  }
0x30: {  	[sflag:s26] =	ssyncset.done $0x0  }
0x31: {  	[sflag:s26] =	ssyncadd.s32 $0xFFFFFF80  }
0x32: {  	[spmem:s1] =	stream.indirect.scatter [tilespmem:s25], [sflag:$0x5], $0x80, s2, s28, $0xb8;
	[tilespmem:$0x1E180] =	vst v63  }
0x33: {  	_ =	swait.ge [sflag:s26], $0x4000  }
0x34: {  	[sflag:s26] =	ssyncset.done $0x0  }
0x35: {  	[sflag:s26] =	ssyncadd.s32 $0xFFFFC000  }
0x36: {  	[tilespmem:s2], [sflag:$0x5] =	stream.linear.gather [hbm4b:s8+s2], $0x80, $0x38;
	[tilespmem:$0x1E180] =	vst v63  }
0x37: {  	_ =	swait.ge [sflag:s26], $0x80  }
0x38: {  	[sflag:s26] =	ssyncset.done $0x0  }
0x39: {  	[sflag:s26] =	ssyncadd.s32 $0xFFFFFF80  }
0x3a: {  	[spmem:s1] =	stream.indirect.scatter [tilespmem:s25], [sflag:$0x5], $0x80, s2, s28, $0xb8;
	[tilespmem:$0x1E180] =	vst v63  }
0x3b: {  	_ =	swait.ge [sflag:s26], $0x4000  }
0x3c: {  	[sflag:s26] =	ssyncset.done $0x0  }
0x3d: {  	[sflag:s26] =	ssyncadd.s32 $0xFFFFC000  }
0x3e: {  	[tilespmem:s2], [sflag:$0x5] =	stream.linear.gather [hbm4b:s9+s2], $0x80, $0x38;
	[tilespmem:$0x1E180] =	vst v63  }
0x3f: {  	_ =	swait.ge [sflag:s26], $0x80  }
0x40: {  	[sflag:s26] =	ssyncset.done $0x0  }
0x41: {  	[sflag:s26] =	ssyncadd.s32 $0xFFFFFF80  }
0x42: {  	[spmem:s1] =	stream.indirect.scatter [tilespmem:s25], [sflag:$0x5], $0x80, s2, s28, $0xb8;
	[tilespmem:$0x1E180] =	vst v63  }
0x43: {  	_ =	swait.ge [sflag:s26], $0x4000  }
0x44: {  	[sflag:s26] =	ssyncset.done $0x0  }
0x45: {  	[sflag:s26] =	ssyncadd.s32 $0xFFFFC000  }
0x46: {  	[tilespmem:s2], [sflag:$0x5] =	stream.linear.gather [hbm4b:s10+s2], $0x80, $0x38;
	[tilespmem:$0x1E180] =	vst v63  }
0x47: {  	_ =	swait.ge [sflag:s26], $0x80  }
0x48: {  	[sflag:s26] =	ssyncset.done $0x0  }
0x49: {  	[sflag:s26] =	ssyncadd.s32 $0xFFFFFF80  }
0x4a: {  	[spmem:s1] =	stream.indirect.scatter [tilespmem:s25], [sflag:$0x5], $0x80, s2, s28, $0xb8;
	[tilespmem:$0x1E180] =	vst v63  }
0x4b: {  	_ =	swait.ge [sflag:s26], $0x4000  }
0x4c: {  	[sflag:s26] =	ssyncset.done $0x0  }
0x4d: {  	s14 =	simm.s32 @!p0 $0xA880;
	s13 =	simm.s32 @!p0 $0x0;
	[sflag:s26] =	ssyncadd.s32 $0xFFFFC000  }
0x4e: {  	[tilespmem:s14], [sflag:$0x5] =	stream.linear.gather @!p0 [hbm4b:s17+s13], $0x10, $0x38;
	[tilespmem:$0x1E180] =	vst v63  }
0x4f: {  	s13 =	simm.s32 @!p0 $0x5  }
0x50: {  	_ =	swait.ge @!p0 [sflag:s13], $0x10  }
0x51: {  	[sflag:s13] =	ssyncset.done @!p0 $0x0  }
0x52: {  	s15 =	simm.s32 @!p0 $0x10;
	s16 =	simm.s32 @!p0 $0x2880;
	[sflag:s13] =	ssyncadd.s32 @!p0 $0xFFFFFFF0  }
0x53: {  	[spmem:s1] =	stream.indirect.scatter @!p0 [tilespmem:s16], [sflag:$0x5], $0x80, s14, s15, $0xb8;
	[tilespmem:$0x1E180] =	vst v63  }
0x54: {  	_ =	swait.ge @!p0 [sflag:s13], $0x800  }
0x55: {  	[sflag:s13] =	ssyncset.done @!p0 $0x0  }
0x56: {  	s18 =	rddreg [dreg:$0x4];
	[sflag:s13] =	ssyncadd.s32 @!p0 $0xFFFFF800  }
0x57: {  	[tilespmem:s28], [sflag:$0x5] =	stream.linear.gather [hbm4b:s18+s2], $0x1400, $0x38;
	[tilespmem:$0x1E180] =	vst v63  }
0x58: {  	_ =	swait.ge [sflag:s26], $0x1400  }
0x59: {  	[sflag:s26] =	ssyncset.done $0x0  }
0x5a: {  	s14 =	rddreg [dreg:$0x5];
	[sflag:s26] =	ssyncadd.s32 $0xFFFFEC00  }
0x5b: {  	[tilespmem:s29], [sflag:$0x5] =	stream.linear.gather [hbm4b:s14+s2], $0x1400, $0x38;
	[tilespmem:$0x1E180] =	vst v63  }
0x5c: {  	_ =	swait.ge [sflag:s26], $0x1400  }
0x5d: {  	[sflag:s26] =	ssyncset.done $0x0  }
0x5e: {  	[sflag:s26] =	ssyncadd.s32 $0xFFFFEC00  }
0x5f: {  	[bflag:$0x0] =	sbarrier.arrive $0xFFFF  }
0x60: {  	[tilespmem:s25], [sflag:$0x1] =	stream.indirect.gather [hbm4b:s4+s28], $0x80, s28, s28, $0xb8;
	[tilespmem:$0x1E180] =	vst v63  }
0x61: {  	_ = 	snop  }
0x62: {  	[tilespmem:s31], [sflag:$0x2] =	stream.indirect.gather [hbm4b:s4+s28], $0x80, s30, s28, $0xb8;
	[tilespmem:$0x1E180] =	vst v63  }
0x63: {  	_ =	swait.ge [sflag:s0], $0x4000  }
0x64: {  	[sflag:s0] =	ssyncset.done $0x0  }
0x65: {  	s15 =	simm.s32 $0x1480;
	[sflag:s0] =	ssyncadd.s32 $0xFFFFC000  }
0x66: {  	[spmem:s1] =	stream.indirect.scatter.add.f32 [tilespmem:s25], [sflag:$0x3], $0x80, s15, s28, $0xb8;
	[tilespmem:$0x1E180] =	vst v63  }
0x67: {  	_ =	swait.ge [sflag:s3], $0x4000  }
0x68: {  	[sflag:s3] =	ssyncset.done $0x0  }
0x69: {  	s16 =	simm.s32 $0x180;
	[sflag:s3] =	ssyncadd.s32 $0xFFFFC000  }
0x6a: {  	[tilespmem:s25], [sflag:$0x1] =	stream.indirect.gather [hbm4b:s4+s28], $0x80, s16, s28, $0xb8;
	[tilespmem:$0x1E180] =	vst v63  }
0x6b: {  	_ =	swait.ge [sflag:s5], $0x4000  }
0x6c: {  	[sflag:s5] =	ssyncset.done $0x0  }
0x6d: {  	s18 =	simm.s32 $0x1500;
	[sflag:s5] =	ssyncadd.s32 $0xFFFFC000  }
0x6e: {  	[spmem:s1] =	stream.indirect.scatter.add.f32 [tilespmem:s31], [sflag:$0x4], $0x80, s18, s28, $0xb8;
	[tilespmem:$0x1E180] =	vst v63  }
0x6f: {  	_ =	swait.ge [sflag:s11], $0x4000  }
0x70: {  	[sflag:s11] =	ssyncset.done $0x0  }
0x71: {  	s13 =	simm.s32 $0x400;
	s14 =	simm.s32 $0x200;
	[sflag:s11] =	ssyncadd.s32 $0xFFFFC000  }
.LBB2_2:
0x72: {  	[tilespmem:s31], [sflag:$0x2] =	stream.indirect.gather [hbm4b:s4+s28], $0x80, s14, s28, $0xb8;
	[tilespmem:$0x1E180] =	vst v63  }
0x73: {  	s14 =	smov.u32 s13  }
0x74: {  	p2 =	sne.s32 s13, $0x4800;
	s13 =	sadd.s32 $0x400, s13;
	_ =	swait.ge [sflag:s0], $0x4000  }
0x75: {  	s14 =	sshra.s32 s14, $0x2;
	[sflag:s0] =	ssyncset.done $0x0  }
0x76: {  	s15 =	sadd.s32 $0x1480, s14;
	[sflag:s0] =	ssyncadd.s32 $0xFFFFC000  }
0x77: {  	[spmem:s1] =	stream.indirect.scatter.add.f32 [tilespmem:s25], [sflag:$0x3], $0x80, s15, s28, $0xb8;
	[tilespmem:$0x1E180] =	vst v63  }
0x78: {  	_ =	swait.ge [sflag:s3], $0x4000  }
0x79: {  	[sflag:s3] =	ssyncset.done $0x0  }
0x7a: {  	s15 =	sadd.s32 $0x180, s14;
	[sflag:s3] =	ssyncadd.s32 $0xFFFFC000  }
0x7b: {  	[tilespmem:s25], [sflag:$0x1] =	stream.indirect.gather [hbm4b:s4+s28], $0x80, s15, s28, $0xb8;
	[tilespmem:$0x1E180] =	vst v63  }
0x7c: {  	_ =	swait.ge [sflag:s5], $0x4000  }
0x7d: {  	[sflag:s5] =	ssyncset.done $0x0  }
.Ltmp0:
0x7e: {  	s15 =	sadd.s32 $0x1500, s14;
	[sflag:s5] =	ssyncadd.s32 $0xFFFFC000;
	(pc) =	sbr.rel @p2 .LBB2_2-.Ltmp0, $4  }
0x7f: {  	[spmem:s1] =	stream.indirect.scatter.add.f32 [tilespmem:s31], [sflag:$0x4], $0x80, s15, s28, $0xb8;
	[tilespmem:$0x1E180] =	vst v63  }
0x80: {  	_ =	swait.ge [sflag:s11], $0x4000  }
0x81: {  	[sflag:s11] =	ssyncset.done $0x0  }
0x82: {  	s14 =	sadd.s32 $0x200, s14;
	[sflag:s11] =	ssyncadd.s32 $0xFFFFC000  }
0x83: {  	[tilespmem:s31], [sflag:$0x2] =	stream.indirect.gather [hbm4b:s4+s28], $0x80, s14, s28, $0xb8;
	[tilespmem:$0x1E180] =	vst v63  }
0x84: {  	_ =	swait.ge [sflag:s0], $0x4000  }
0x85: {  	[sflag:s0] =	ssyncset.done $0x0  }
0x86: {  	s13 =	simm.s32 $0x2780;
	[sflag:s0] =	ssyncadd.s32 $0xFFFFC000  }
0x87: {  	[spmem:s1] =	stream.indirect.scatter.add.f32 [tilespmem:s25], [sflag:$0x3], $0x80, s13, s28, $0xb8;
	[tilespmem:$0x1E180] =	vst v63  }
0x88: {  	_ =	swait.ge [sflag:s5], $0x4000  }
0x89: {  	[sflag:s5] =	ssyncset.done $0x0  }
0x8a: {  	s14 =	simm.s32 $0x2800;
	[sflag:s5] =	ssyncadd.s32 $0xFFFFC000  }
0x8b: {  	[spmem:s1] =	stream.indirect.scatter.add.f32 [tilespmem:s31], [sflag:$0x4], $0x80, s14, s28, $0xb8;
	[tilespmem:$0x1E180] =	vst v63  }
0x8c: {  	_ =	swait.ge [sflag:s3], $0x4000  }
0x8d: {  	[sflag:s3] =	ssyncset.done $0x0  }
0x8e: {  	[sflag:s3] =	ssyncadd.s32 $0xFFFFC000  }
0x8f: {  	_ =	swait.ge [sflag:s11], $0x4000  }
0x90: {  	[sflag:s11] =	ssyncset.done $0x0  }
0x91: {  	s15 =	simm.s32 $0x0;
	s16 =	rddreg [dreg:$0x6];
	[sflag:s11] =	ssyncadd.s32 $0xFFFFC000  }
0x92: {  	[tilespmem:s28], [sflag:$0x5] =	stream.linear.gather [hbm4b:s16+s15], $0x1400, $0x38;
	[tilespmem:$0x1E180] =	vst v63  }
0x93: {  	_ =	swait.ge [sflag:s26], $0x1400  }
0x94: {  	[sflag:s26] =	ssyncset.done $0x0  }
0x95: {  	s18 =	rddreg [dreg:$0x7];
	[sflag:s26] =	ssyncadd.s32 $0xFFFFEC00  }
0x96: {  	[tilespmem:s29], [sflag:$0x5] =	stream.linear.gather [hbm4b:s18+s15], $0x1400, $0x38;
	[tilespmem:$0x1E180] =	vst v63  }
0x97: {  	_ =	swait.ge [sflag:s26], $0x1400  }
0x98: {  	[sflag:s26] =	ssyncset.done $0x0  }
0x99: {  	[sflag:s26] =	ssyncadd.s32 $0xFFFFEC00  }
0x9a: {  	[tilespmem:s25], [sflag:$0x1] =	stream.indirect.gather [hbm4b:s4+s28], $0x80, s28, s28, $0xb8;
	[tilespmem:$0x1E180] =	vst v63  }
0x9b: {  	_ = 	snop  }
0x9c: {  	[tilespmem:s31], [sflag:$0x2] =	stream.indirect.gather [hbm4b:s4+s28], $0x80, s30, s28, $0xb8;
	[tilespmem:$0x1E180] =	vst v63  }
0x9d: {  	_ =	swait.ge [sflag:s0], $0x4000  }
0x9e: {  	[sflag:s0] =	ssyncset.done $0x0  }
0x9f: {  	s15 =	simm.s32 $0x1480;
	[sflag:s0] =	ssyncadd.s32 $0xFFFFC000  }
0xa0: {  	[spmem:s1] =	stream.indirect.scatter.add.f32 [tilespmem:s25], [sflag:$0x3], $0x80, s15, s28, $0xb8;
	[tilespmem:$0x1E180] =	vst v63  }
0xa1: {  	_ =	swait.ge [sflag:s3], $0x4000  }
0xa2: {  	[sflag:s3] =	ssyncset.done $0x0  }
0xa3: {  	s16 =	simm.s32 $0x180;
	[sflag:s3] =	ssyncadd.s32 $0xFFFFC000  }
0xa4: {  	[tilespmem:s25], [sflag:$0x1] =	stream.indirect.gather [hbm4b:s4+s28], $0x80, s16, s28, $0xb8;
	[tilespmem:$0x1E180] =	vst v63  }
0xa5: {  	_ =	swait.ge [sflag:s5], $0x4000  }
0xa6: {  	[sflag:s5] =	ssyncset.done $0x0  }
0xa7: {  	s18 =	simm.s32 $0x1500;
	[sflag:s5] =	ssyncadd.s32 $0xFFFFC000  }
0xa8: {  	[spmem:s1] =	stream.indirect.scatter.add.f32 [tilespmem:s31], [sflag:$0x4], $0x80, s18, s28, $0xb8;
	[tilespmem:$0x1E180] =	vst v63  }
0xa9: {  	_ =	swait.ge [sflag:s11], $0x4000  }
0xaa: {  	[sflag:s11] =	ssyncset.done $0x0  }
0xab: {  	s13 =	simm.s32 $0x400;
	s14 =	simm.s32 $0x200;
	[sflag:s11] =	ssyncadd.s32 $0xFFFFC000  }
.LBB2_4:
0xac: {  	[tilespmem:s31], [sflag:$0x2] =	stream.indirect.gather [hbm4b:s4+s28], $0x80, s14, s28, $0xb8;
	[tilespmem:$0x1E180] =	vst v63  }
0xad: {  	s14 =	smov.u32 s13  }
0xae: {  	p2 =	sne.s32 s13, $0x4400;
	s13 =	sadd.s32 $0x400, s13;
	_ =	swait.ge [sflag:s0], $0x4000  }
0xaf: {  	s14 =	sshra.s32 s14, $0x2;
	[sflag:s0] =	ssyncset.done $0x0  }
0xb0: {  	s15 =	sadd.s32 $0x1480, s14;
	[sflag:s0] =	ssyncadd.s32 $0xFFFFC000  }
0xb1: {  	[spmem:s1] =	stream.indirect.scatter.add.f32 [tilespmem:s25], [sflag:$0x3], $0x80, s15, s28, $0xb8;
	[tilespmem:$0x1E180] =	vst v63  }
0xb2: {  	_ =	swait.ge [sflag:s3], $0x4000  }
0xb3: {  	[sflag:s3] =	ssyncset.done $0x0  }
0xb4: {  	s15 =	sadd.s32 $0x180, s14;
	[sflag:s3] =	ssyncadd.s32 $0xFFFFC000  }
0xb5: {  	[tilespmem:s25], [sflag:$0x1] =	stream.indirect.gather [hbm4b:s4+s28], $0x80, s15, s28, $0xb8;
	[tilespmem:$0x1E180] =	vst v63  }
0xb6: {  	_ =	swait.ge [sflag:s5], $0x4000  }
0xb7: {  	[sflag:s5] =	ssyncset.done $0x0  }
.Ltmp1:
0xb8: {  	s15 =	sadd.s32 $0x1500, s14;
	[sflag:s5] =	ssyncadd.s32 $0xFFFFC000;
	(pc) =	sbr.rel @p2 .LBB2_4-.Ltmp1, $4  }
0xb9: {  	[spmem:s1] =	stream.indirect.scatter.add.f32 [tilespmem:s31], [sflag:$0x4], $0x80, s15, s28, $0xb8;
	[tilespmem:$0x1E180] =	vst v63  }
0xba: {  	_ =	swait.ge [sflag:s11], $0x4000  }
0xbb: {  	[sflag:s11] =	ssyncset.done $0x0  }
0xbc: {  	s14 =	sadd.s32 $0x200, s14;
	[sflag:s11] =	ssyncadd.s32 $0xFFFFC000  }
0xbd: {  	[tilespmem:s31], [sflag:$0x2] =	stream.indirect.gather [hbm4b:s4+s28], $0x80, s14, s28, $0xb8;
	[tilespmem:$0x1E180] =	vst v63  }
0xbe: {  	_ =	swait.ge [sflag:s0], $0x4000  }
0xbf: {  	[sflag:s0] =	ssyncset.done $0x0  }
0xc0: {  	s13 =	simm.s32 $0x2680;
	[sflag:s0] =	ssyncadd.s32 $0xFFFFC000  }
0xc1: {  	[spmem:s1] =	stream.indirect.scatter.add.f32 [tilespmem:s25], [sflag:$0x3], $0x80, s13, s28, $0xb8;
	[tilespmem:$0x1E180] =	vst v63  }
0xc2: {  	_ =	swait.ge [sflag:s5], $0x4000  }
0xc3: {  	[sflag:s5] =	ssyncset.done $0x0  }
0xc4: {  	s16 =	simm.s32 $0x2700;
	[sflag:s5] =	ssyncadd.s32 $0xFFFFC000  }
0xc5: {  	[spmem:s1] =	stream.indirect.scatter.add.f32 [tilespmem:s31], [sflag:$0x4], $0x80, s16, s28, $0xb8;
	[tilespmem:$0x1E180] =	vst v63  }
0xc6: {  	_ =	swait.ge [sflag:s3], $0x4000  }
0xc7: {  	[sflag:s3] =	ssyncset.done $0x0  }
0xc8: {  	[sflag:s3] =	ssyncadd.s32 $0xFFFFC000  }
0xc9: {  	_ =	swait.ge [sflag:s11], $0x4000  }
0xca: {  	s14 =	simm.s32 @!p1 $0x80;
	[sflag:s11] =	ssyncset.done $0x0  }
0xcb: {  	s13 =	simm.s32 @!p1 $0x0;
	s15 =	rddreg [dreg:$0x8];
	[sflag:s11] =	ssyncadd.s32 $0xFFFFC000  }
0xcc: {  	[tilespmem:s14], [sflag:$0x5] =	stream.linear.gather @!p1 [hbm4b:s15+s13], $0x80, $0x38;
	[tilespmem:$0x1E180] =	vst v63  }
0xcd: {  	s15 =	simm.s32 @!p1 $0x5  }
0xce: {  	_ =	swait.ge @!p1 [sflag:s15], $0x80  }
0xcf: {  	[sflag:s15] =	ssyncset.done @!p1 $0x0  }
0xd0: {  	s16 =	simm.s32 @!p1 $0x1480;
	s18 =	rddreg [dreg:$0x9];
	[sflag:s15] =	ssyncadd.s32 @!p1 $0xFFFFFF80  }
0xd1: {  	[tilespmem:s16], [sflag:$0x5] =	stream.linear.gather @!p1 [hbm4b:s18+s13], $0x80, $0x38;
	[tilespmem:$0x1E180] =	vst v63  }
0xd2: {  	_ =	swait.ge @!p1 [sflag:s15], $0x80  }
0xd3: {  	[sflag:s15] =	ssyncset.done @!p1 $0x0  }
0xd4: {  	s13 =	simm.s32 @!p1 $0x2880;
	s18 =	simm.s32 @!p1 $0x1;
	[sflag:s15] =	ssyncadd.s32 @!p1 $0xFFFFFF80  }
0xd5: {  	[tilespmem:s13], [sflag:$0x1] =	stream.indirect.gather @!p1 [hbm4b:s4+s14], $0x80, s14, s14, $0xb8;
	[tilespmem:$0x1E180] =	vst v63  }
0xd6: {  	_ =	swait.ge @!p1 [sflag:s18], $0x4000  }
0xd7: {  	[sflag:s18] =	ssyncset.done @!p1 $0x0  }
0xd8: {  	[sflag:s18] =	ssyncadd.s32 @!p1 $0xFFFFC000  }
0xd9: {  	[spmem:s1] =	stream.indirect.scatter.add.f32 @!p1 [tilespmem:s13], [sflag:$0x5], $0x80, s16, s14, $0xb8;
	[tilespmem:$0x1E180] =	vst v63  }
0xda: {  	_ =	swait.ge @!p1 [sflag:s15], $0x4000  }
0xdb: {  	[sflag:s15] =	ssyncset.done @!p1 $0x0  }
0xdc: {  	[sflag:s15] =	ssyncadd.s32 @!p1 $0xFFFFC000  }
0xdd: {  	[bflag:$0x0] =	sbarrier.arrive $0xFFFF  }
0xde: {  	[tilespmem:s2], [sflag:$0x5] =	stream.linear.gather [hbm4b:s6+s2], $0x80, $0x38;
	[tilespmem:$0x1E180] =	vst v63  }
0xdf: {  	_ =	swait.ge [sflag:s26], $0x80  }
0xe0: {  	[sflag:s26] =	ssyncset.done $0x0  }
0xe1: {  	[sflag:s26] =	ssyncadd.s32 $0xFFFFFF80  }
0xe2: {  	[tilespmem:s25], [sflag:$0x1] =	stream.indirect.gather [spmem:s1], $0x80, s2, s28, $0xb8;
	[tilespmem:$0x1E180] =	vst v63  }
0xe3: {  	_ =	swait.ge [sflag:s0], $0x4000  }
0xe4: {  	[sflag:s0] =	ssyncset.done $0x0  }
0xe5: {  	s18 =	rddreg [dreg:$0xa];
	[sflag:s0] =	ssyncadd.s32 $0xFFFFC000  }
0xe6: {  	[hbm4b:s18+s2] =	stream.linear.scatter [tilespmem:s25], [sflag:$0x5], $0x4000, $0x38;
	[tilespmem:$0x1E180] =	vst v63  }
0xe7: {  	_ =	swait.ge [sflag:s26], $0x4000  }
0xe8: {  	[sflag:s26] =	ssyncset.done $0x0  }
0xe9: {  	[sflag:s26] =	ssyncadd.s32 $0xFFFFC000  }
0xea: {  	[tilespmem:s2], [sflag:$0x5] =	stream.linear.gather [hbm4b:s7+s2], $0x80, $0x38;
	[tilespmem:$0x1E180] =	vst v63  }
0xeb: {  	_ =	swait.ge [sflag:s26], $0x80  }
0xec: {  	[sflag:s26] =	ssyncset.done $0x0  }
0xed: {  	[sflag:s26] =	ssyncadd.s32 $0xFFFFFF80  }
0xee: {  	[tilespmem:s25], [sflag:$0x1] =	stream.indirect.gather [spmem:s1], $0x80, s2, s28, $0xb8;
	[tilespmem:$0x1E180] =	vst v63  }
0xef: {  	_ =	swait.ge [sflag:s0], $0x4000  }
0xf0: {  	[sflag:s0] =	ssyncset.done $0x0  }
0xf1: {  	[sflag:s0] =	ssyncadd.s32 $0xFFFFC000  }
0xf2: {  	[hbm4b:s19+s2] =	stream.linear.scatter [tilespmem:s25], [sflag:$0x5], $0x4000, $0x38;
	[tilespmem:$0x1E180] =	vst v63  }
0xf3: {  	_ =	swait.ge [sflag:s26], $0x4000  }
0xf4: {  	[sflag:s26] =	ssyncset.done $0x0  }
0xf5: {  	[sflag:s26] =	ssyncadd.s32 $0xFFFFC000  }
0xf6: {  	[tilespmem:s2], [sflag:$0x5] =	stream.linear.gather [hbm4b:s8+s2], $0x80, $0x38;
	[tilespmem:$0x1E180] =	vst v63  }
0xf7: {  	_ =	swait.ge [sflag:s26], $0x80  }
0xf8: {  	[sflag:s26] =	ssyncset.done $0x0  }
0xf9: {  	[sflag:s26] =	ssyncadd.s32 $0xFFFFFF80  }
0xfa: {  	[tilespmem:s25], [sflag:$0x1] =	stream.indirect.gather [spmem:s1], $0x80, s2, s28, $0xb8;
	[tilespmem:$0x1E180] =	vst v63  }
0xfb: {  	_ =	swait.ge [sflag:s0], $0x4000  }
0xfc: {  	[sflag:s0] =	ssyncset.done $0x0  }
0xfd: {  	[sflag:s0] =	ssyncadd.s32 $0xFFFFC000  }
0xfe: {  	[hbm4b:s20+s2] =	stream.linear.scatter [tilespmem:s25], [sflag:$0x5], $0x4000, $0x38;
	[tilespmem:$0x1E180] =	vst v63  }
0xff: {  	_ =	swait.ge [sflag:s26], $0x4000  }
0x100: {  	[sflag:s26] =	ssyncset.done $0x0  }
0x101: {  	[sflag:s26] =	ssyncadd.s32 $0xFFFFC000  }
0x102: {  	[tilespmem:s2], [sflag:$0x5] =	stream.linear.gather [hbm4b:s9+s2], $0x80, $0x38;
	[tilespmem:$0x1E180] =	vst v63  }
0x103: {  	_ =	swait.ge [sflag:s26], $0x80  }
0x104: {  	[sflag:s26] =	ssyncset.done $0x0  }
0x105: {  	[sflag:s26] =	ssyncadd.s32 $0xFFFFFF80  }
0x106: {  	[tilespmem:s25], [sflag:$0x1] =	stream.indirect.gather [spmem:s1], $0x80, s2, s28, $0xb8;
	[tilespmem:$0x1E180] =	vst v63  }
0x107: {  	_ =	swait.ge [sflag:s0], $0x4000  }
0x108: {  	[sflag:s0] =	ssyncset.done $0x0  }
0x109: {  	[sflag:s0] =	ssyncadd.s32 $0xFFFFC000  }
0x10a: {  	[hbm4b:s21+s2] =	stream.linear.scatter [tilespmem:s25], [sflag:$0x5], $0x4000, $0x38;
	[tilespmem:$0x1E180] =	vst v63  }
0x10b: {  	_ =	swait.ge [sflag:s26], $0x4000  }
0x10c: {  	[sflag:s26] =	ssyncset.done $0x0  }
0x10d: {  	[sflag:s26] =	ssyncadd.s32 $0xFFFFC000  }
0x10e: {  	[tilespmem:s2], [sflag:$0x5] =	stream.linear.gather [hbm4b:s10+s2], $0x80, $0x38;
	[tilespmem:$0x1E180] =	vst v63  }
0x10f: {  	_ =	swait.ge [sflag:s26], $0x80  }
0x110: {  	[sflag:s26] =	ssyncset.done $0x0  }
0x111: {  	[sflag:s26] =	ssyncadd.s32 $0xFFFFFF80  }
0x112: {  	[tilespmem:s25], [sflag:$0x1] =	stream.indirect.gather [spmem:s1], $0x80, s2, s28, $0xb8;
	[tilespmem:$0x1E180] =	vst v63  }
0x113: {  	_ =	swait.ge [sflag:s0], $0x4000  }
0x114: {  	[sflag:s0] =	ssyncset.done $0x0  }
0x115: {  	[sflag:s0] =	ssyncadd.s32 $0xFFFFC000  }
0x116: {  	[hbm4b:s22+s2] =	stream.linear.scatter [tilespmem:s25], [sflag:$0x5], $0x4000, $0x38;
	[tilespmem:$0x1E180] =	vst v63  }
0x117: {  	_ =	swait.ge [sflag:s26], $0x4000  }
0x118: {  	s13 =	simm.s32 @!p0 $0x0;
	[sflag:s26] =	ssyncset.done $0x0  }
0x119: {  	s14 =	simm.s32 @!p0 $0xA880;
	s15 =	simm.s32 @!p0 $0x5;
	[sflag:s26] =	ssyncadd.s32 $0xFFFFC000  }
0x11a: {  	[tilespmem:s14], [sflag:$0x5] =	stream.linear.gather @!p0 [hbm4b:s17+s13], $0x10, $0x38;
	[tilespmem:$0x1E180] =	vst v63  }
0x11b: {  	_ =	swait.ge @!p0 [sflag:s15], $0x10  }
0x11c: {  	[sflag:s15] =	ssyncset.done @!p0 $0x0  }
0x11d: {  	s16 =	simm.s32 @!p0 $0x10;
	s18 =	simm.s32 @!p0 $0x2880;
	[sflag:s15] =	ssyncadd.s32 @!p0 $0xFFFFFFF0  }
0x11e: {  	[tilespmem:s18], [sflag:$0x1] =	stream.indirect.gather @!p0 [spmem:s1], $0x80, s14, s16, $0xb8;
	[tilespmem:$0x1E180] =	vst v63  }
0x11f: {  	s14 =	simm.s32 @!p0 $0x1  }
0x120: {  	s12 =	sadd.s32 $0x1, s12;
	_ =	swait.ge @!p0 [sflag:s14], $0x800  }
0x121: {  	p2 =	sne.s32 s12, s24;
	[sflag:s14] =	ssyncset.done @!p0 $0x0  }
.Ltmp2:
0x122: {  	[sflag:s14] =	ssyncadd.s32 @!p0 $0xFFFFF800;
	(pc) =	sbr.rel @p2 .LBB2_1-.Ltmp2, $4  }
0x123: {  	[hbm4b:s23+s13] =	stream.linear.scatter @!p0 [tilespmem:s18], [sflag:$0x5], $0x800, $0x38;
	[tilespmem:$0x1E180] =	vst v63  }
0x124: {  	_ =	swait.ge @!p0 [sflag:s15], $0x800  }
0x125: {  	[sflag:s15] =	ssyncset.done @!p0 $0x0  }
0x126: {  	[sflag:s15] =	ssyncadd.s32 @!p0 $0xFFFFF800  }
0x127: {  	_ =	sfence.sel $0x180000  }
0x128: {  	[bflag:$0x0] =	sbarrier.arrive $0xFFFF  }
0x129: {  	_ =	strace $0x90000050  }
0x12a: {  	s0 =	stileid.u32;
	[bflag:$0x2] =	sbarrier.arrive $0xFFFF  }
0x12b: {  	p0 =	sne.s32 s0, $0x0;
	s0 =	rddreg [dreg:$0x2]  }
0x12c: {  	s0 =	sadd.s32 @!p0 $0x100000, s0  }
0x12d: {  	[sflag:s0] =	ssyncadd.tile.s32 @!p0 $0x1;
	_ =	shalt  }
.Lfunc_end2:
_tile_overlayer_lowered:
.L_overlay_start_2:
0x12e: {  	(tag) =	ssettag $0x2  }
0x12f: {  	s0 =	rddreg [dreg:$0x0];
	s2 =	stileid.u32  }
0x130: {  	s1 =	rddreg [dreg:$0x1];
	p0 =	sne.s32 s2, $0x0  }
0x131: {  	s3 =	rddreg [dreg:$0x2];
	[bflag:$0x3] =	sbarrier.arrive $0xFFFF;
	s2 =	simm.s32 @!p0 $0x1C05  }
0x132: {  	[timem:s3], [sflag:s2] =	dma.local @!p0 [hbm:s0], s1  }
0x133: {  	s0 =	simm.s32 @!p0 $0x5  }
0x134: {  	_ =	swait.ge @!p0 [sflag:s0], s1  }
0x135: {  	s1 =	ssub.s32 @!p0 $0x0, s1;
	[sflag:s0] =	ssyncset.done @!p0 $0x0  }
0x136: {  	[sflag:s0] =	ssyncadd.s32 @!p0 s1  }
0x137: {  	[bflag:$0x3] =	sbarrier.arrive $0xFFFF  }
0x138: {  	_ =	shalt  }

// kernel: kernel.9.cloned.1.call-start
scs
__scs_entry_jumppad:
0x0: {  	(pc) =	sbr.rel $0x88, $3  }
0x1: {  	(tag) =	ssettag $0x0;
	lr =	simm.s32 $0x1  }
0x2: {  	[smem:$0x3F8E] =	sst lr;
	_ =	strace $0xD0000000  }
0x3: {  	_ = 	snop  }
0x4: {  	_ = 	snop  }
0x5: {  	_ = 	snop  }
0x6: {  	_ = 	snop  }
0x7: {  	_ = 	snop  }
__scs_overlays_trampoline_lowered:
0x8: {  	[smem:$0x3F9D] =	sst s0  }
0x9: {  	[smem:$0x3F9E] =	sst s1  }
0xa: {  	[smem:$0x3F9F] =	sst s2  }
0xb: {  	[smem:$0x3FA0] =	sst s3  }
0xc: {  	[smem:$0x3FA1] =	sst s4  }
0xd: {  	[smem:$0x3FA2] =	sst s5  }
0xe: {  	[smem:$0x3FA3] =	sst s6  }
0xf: {  	[smem:$0x3FA4] =	sst s7  }
0x10: {  	[smem:$0x3FA5] =	sst s8  }
0x11: {  	[smem:$0x3FA6] =	sst s9;
	s0 =	simm.s32 @!p0 $0x0  }
0x12: {  	s1 =	sld [smem:$0x3F8C];
	s0 =	simm.s32 @p0 $0x1  }
0x13: {  	[smem:$0x3FA7] =	sst s0;
	s0 =	simm.s32 @!p1 $0x0  }
0x14: {  	s2 =	sld [smem:$0x3F8B];
	s0 =	simm.s32 @p1 $0x1  }
0x15: {  	[smem:$0x3FA8] =	sst s0;
	s0 =	simm.s32 @!p2 $0x0  }
0x16: {  	s3 =	sld [smem:$0x3FDB];
	s0 =	simm.s32 @p2 $0x1  }
0x17: {  	s4 =	simm.s32 $0x1BF5;
	[smem:$0x3FAA] =	sst s0  }
0x18: {  	s0 =	sld [smem:$0x3F8D];
	_ =	swait.ge [sflag:s4], $0x0  }
0x19: {  	s7 =	sld [smem:$0x3F8E]  }
0x1a: {  	s8 =	sadd.s32 $0xFFFFE003, lr  }
0x1b: {  	s9 =	sadd.s32 $0xFFFFFEF7, lr;
	s5 =	simm.s32 $0xFFFFFFFF;
	p2 =	slt.u32 s8, $0xFFFFF086  }
0x1c: {  	p1 =	slt.u32 s9, $0xF7A;
	s5 =	simm.s32 @!p2 $0x0  }
0x1d: {  	s5 =	simm.s32 @p1 $0x1;
	p0 =	seq.s32 s7, s2  }
0x1e: {  	s7 =	smul.u32 @!p0 $0xF7A, s2;
	p2 =	seq.s32 @!p0 s5, $0x0  }
0x1f: {  	s9 =	smul.u32 $0xF7A, s1;
	s8 =	simm.s32 @!p0 $0x1BF5;
	p2 =	por !p2, p0  }
0x20: {  	[sflag:s8] =	ssyncset.s32 @!p0 $0xFFFFF086;
	s6 =	sadd.s32 @!p0 s3, s7;
	s7 =	simm.s32 @!p0 $0x108  }
0x21: {  	s3 =	sadd.s32 s3, s9;
	s6 =	sadd.s32 @!p0 $0x88, s6;
	s7 =	simm.s32 @p2 $0x1082  }
0x22: {  	[simem:s7], [sflag:s8] =	dma.local @!p0 [hbm:s6], $0xF7A  }
0x23: {  	s9 =	sor.u32 $0xD0000000, s2;
	s6 =	simm.s32 $0x108;
	_ =	swait.ge @!p0 [sflag:s8], $0x0  }
0x24: {  	s3 =	sadd.s32 $0x88, s3;
	s6 =	simm.s32 @!p1 $0x1082;
	[sflag:s4] =	ssyncset.s32 $0xFFFFF086  }
0x25: {  	[simem:s6], [sflag:s4] =	dma.local [hbm:s3], $0xF7A  }
0x26: {  	[smem:$0x3F8E] =	sst s1;
	(tag) =	ssettag s2;
	_ =	strace s9  }
0x27: {  	s1 =	sld [smem:$0x3F9E]  }
0x28: {  	s2 =	sld [smem:$0x3F9F]  }
0x29: {  	s4 =	sld [smem:$0x3FA1]  }
0x2a: {  	p0 =	seq.s32 s5, $0x0;
	s5 =	sld [smem:$0x3FA2]  }
0x2b: {  	s6 =	sld [smem:$0x3FA3]  }
0x2c: {  	s7 =	sld [smem:$0x3FA4]  }
0x2d: {  	s3 =	simm.s32 $0x108;
	s8 =	sld [smem:$0x3FA5]  }
0x2e: {  	s3 =	simm.s32 @!p0 $0x1082;
	s9 =	sld [smem:$0x3FA6]  }
0x2f: {  	lr =	sadd.s32 s0, s3;
	s0 =	sld [smem:$0x3F9D]  }
0x30: {  	s3 =	sld [smem:$0x3FA0]  }
0x31: {  	[smem:$0x3FA9] =	sst s10  }
0x32: {  	s10 =	sld [smem:$0x3FA7];
	_ =	sdelay $0x3  }
0x33: {  	p0 =	seq.s32 s10, $0x1;
	s10 =	sld [smem:$0x3FA9];
	_ =	sdelay $0x3  }
0x34: {  	[smem:$0x3FA9] =	sst s10  }
0x35: {  	s10 =	sld [smem:$0x3FA8];
	_ =	sdelay $0x3  }
0x36: {  	p1 =	seq.s32 s10, $0x1;
	s10 =	sld [smem:$0x3FA9];
	_ =	sdelay $0x3  }
0x37: {  	[smem:$0x3FA9] =	sst s10  }
0x38: {  	s10 =	sld [smem:$0x3FAA]  }
0x39: {  	_ = 	snop;
	(pc) =	sbr.ind lr, $3  }
0x3a: {  	_ = 	snop  }
0x3b: {  	_ = 	snop  }
0x3c: {  	p2 =	seq.s32 s10, $0x1;
	s10 =	sld [smem:$0x3FA9]  }
0x3d: {  	_ =	shalt  }
0x3e: {  	_ =	shalt  }
0x3f: {  	_ =	shalt  }
0x40: {  	_ =	shalt  }
0x41: {  	_ =	shalt  }
0x42: {  	_ =	shalt  }
0x43: {  	_ =	shalt  }
0x44: {  	_ =	shalt  }
0x45: {  	_ =	shalt  }
0x46: {  	_ =	shalt  }
0x47: {  	_ =	shalt  }
0x48: {  	_ =	shalt  }
0x49: {  	_ =	shalt  }
0x4a: {  	_ =	shalt  }
0x4b: {  	_ =	shalt  }
0x4c: {  	_ =	shalt  }
0x4d: {  	_ =	shalt  }
0x4e: {  	_ =	shalt  }
0x4f: {  	_ =	shalt  }
0x50: {  	_ =	shalt  }
0x51: {  	_ =	shalt  }
0x52: {  	_ =	shalt  }
0x53: {  	_ =	shalt  }
0x54: {  	_ =	shalt  }
0x55: {  	_ =	shalt  }
0x56: {  	_ =	shalt  }
0x57: {  	_ =	shalt  }
0x58: {  	_ =	shalt  }
0x59: {  	_ =	shalt  }
0x5a: {  	_ =	shalt  }
0x5b: {  	_ =	shalt  }
0x5c: {  	_ =	shalt  }
0x5d: {  	_ =	shalt  }
0x5e: {  	_ =	shalt  }
0x5f: {  	_ =	shalt  }
0x60: {  	_ =	shalt  }
0x61: {  	_ =	shalt  }
0x62: {  	_ =	shalt  }
0x63: {  	_ =	shalt  }
0x64: {  	_ =	shalt  }
0x65: {  	_ =	shalt  }
0x66: {  	_ =	shalt  }
0x67: {  	_ =	shalt  }
0x68: {  	_ =	shalt  }
0x69: {  	_ =	shalt  }
0x6a: {  	_ =	shalt  }
0x6b: {  	_ =	shalt  }
0x6c: {  	_ =	shalt  }
0x6d: {  	_ =	shalt  }
0x6e: {  	_ =	shalt  }
0x6f: {  	_ =	shalt  }
0x70: {  	_ =	shalt  }
0x71: {  	_ =	shalt  }
0x72: {  	_ =	shalt  }
0x73: {  	_ =	shalt  }
0x74: {  	_ =	shalt  }
0x75: {  	_ =	shalt  }
0x76: {  	_ =	shalt  }
0x77: {  	_ =	shalt  }
0x78: {  	_ =	shalt  }
0x79: {  	_ =	shalt  }
0x7a: {  	_ =	shalt  }
0x7b: {  	_ =	shalt  }
0x7c: {  	_ =	shalt  }
0x7d: {  	_ =	shalt  }
0x7e: {  	_ =	shalt  }
0x7f: {  	_ =	shalt  }
0x80: {  	_ =	shalt  }
0x81: {  	_ =	shalt  }
0x82: {  	_ =	shalt  }
0x83: {  	_ =	shalt  }
0x84: {  	_ =	shalt  }
0x85: {  	_ =	shalt  }
0x86: {  	_ =	shalt  }
0x87: {  	_ =	shalt  }
.Lfunc_end0:
.L_simem_size_0:
called_computation_lowered:
.L_overlay_start_0:
0x88: {  	s2 =	sld [smem:$0x3FD9]  }
0x89: {  	s3 =	sld [smem:$0x3FFE];
	_ =	sdelay $0x1  }
0x8a: {  	s1 =	srdreg.scid  }
0x8b: {  	s0 =	sand.u32 $0x1, s1  }
0x8c: {  	s17 =	sshll.u32 s0, $0xA;
	s2 =	sadd.s32 s3, s2  }
0x8d: {  	s2 =	sadd.s32 s2, s17  }
0x8e: {  	[smem:$0x3FB5] =	sst s2  }
0x8f: {  	_ = 	snop  }
0x90: {  	s2 =	sld [smem:$0x3FC4]  }
0x91: {  	s18 =	sld [smem:$0x3FBF];
	(tm) =	ssettm $0x1  }
0x92: {  	s4 =	sld [smem:$0x3FFB];
	_ =	sdelay $0x3  }
0x93: {  	_ =	strace s4  }
0x94: {  	s4 =	sld [smem:$0x3FFC];
	_ =	sdelay $0x3  }
0x95: {  	_ =	strace s4  }
0x96: {  	s4 =	sld [smem:$0x3FFD];
	_ =	sdelay $0x3  }
0x97: {  	_ =	strace s4  }
0x98: {  	_ =	strace $0x8FFFFFFF  }
0x99: {  	s19 =	sld [smem:$0x3FDB];
	_ =	sdelay $0x1  }
0x9a: {  	s5 =	simm.s32 $_scs_section_size  }
0x9b: {  	s6 =	simm.s32 $_size__tile_overlayer_lowered;
	s7 =	simm.s32 $_tile_overlayer_lowered  }
0x9c: {  	s22 =	simm.s32 $0x1BFF;
	s21 =	sshll.u32 s7, $0x1;
	s4 =	sadd.s32 s5, s19  }
0x9d: {  	s8 =	simm.s32 $0x0;
	s20 =	sshll.u32 s6, $0x1;
	s6 =	sadd.s32 s21, s4  }
0x9e: {  	[timem:s8], [sflag:s22] =	dma.local [hbm:s6], s20  }
0x9f: {  	_ =	swait.ge [sflag:s22], s20  }
0xa0: {  	s5 =	ssub.s32 $0x0, s20;
	[sflag:s22] =	ssyncset.done $0x0  }
0xa1: {  	[sflag:s22] =	ssyncadd.s32 s5;
	_ =	sdelay $0x1  }
0xa2: {  	s23 =	simm.s32 $0x1B8B  }
0xa3: {  	_ =	swait.ge [sflag:s23], $0x1  }
0xa4: {  	[sflag:s23] =	ssyncset.done $0x0  }
0xa5: {  	s25 =	simm.s32 $0x1B8E;
	s24 =	sld [smem:$0x3FFE];
	[sflag:s23] =	ssyncadd.s32 $0xFFFFFFFF  }
0xa6: {  	s26 =	simm.s32 $execute0_lowered;
	[smem:$0x3FD2] =	sst s25  }
0xa7: {  	s6 =	sshll.u32 s26, $0x1;
	_ =	strace $0x80000046;
	[dreg:$0x1] =	wrdreg $0xFFFFFFFF  }
0xa8: {  	s28 =	simm.s32 $_size_execute0_lowered;
	s4 =	sadd.s32 s4, s6;
	[dreg:$0x0] =	wrdreg $0x0  }
0xa9: {  	s6 =	sshll.u32 s28, $0x1;
	[dreg:$0x2] =	wrdreg s4  }
0xaa: {  	[dreg:$0x3] =	wrdreg s6  }
0xab: {  	[dreg:$0x4] =	wrdreg $0xC0  }
0xac: {  	_ =	task [dreg:s8], $0x5FFFF  }
0xad: {  	[dreg:$0x1] =	wrdreg $0xFFFFFFFF  }
0xae: {  	[dreg:$0x0] =	wrdreg $0x60  }
0xaf: {  	[dreg:$0x2] =	wrdreg s18  }
0xb0: {  	[dreg:$0x3] =	wrdreg s2  }
0xb1: {  	[dreg:$0x4] =	wrdreg s24  }
0xb2: {  	[dreg:$0x5] =	wrdreg $0xA  }
0xb3: {  	_ =	task.clear_ibuf [dreg:s8], $0x6FFFF;
	_ =	strace $0x90000046  }
0xb4: {  	s29 =	simm.s32 $0xA;
	_ =	strace $0x80000048  }
0xb5: {  	_ =	swait.ge [sflag:s29], $0x1  }
0xb6: {  	[sflag:s29] =	ssyncadd.s32 $0xFFFFFFFF  }
0xb7: {  	_ =	strace $0x90000048  }
0xb8: {  	_ =	sfence  }
0xb9: {  	s30 =	sld [smem:$0x0];
	_ =	sdelay $0x2  }
0xba: {  	s31 =	sshll.u32 s1, $0xD;
	s1 =	sshrl.u32 s1, $0x2  }
0xbb: {  	s3 =	sand.u32 $0x4000, s31;
	s1 =	sadd.s32 s1, s30  }
0xbc: {  	s0 =	sor.u32 s3, s0;
	s1 =	sshll.u32 s1, $0x11  }
0xbd: {  	s0 =	sor.u32 s1, s0  }
0xbe: {  	s0 =	sadd.s32 $0x8F2B, s0  }
0xbf: {  	[sflag:s0] =	ssyncadd.remote.s32 $0x1  }
0xc0: {  	_ =	sfence.sel $0xFFFF  }
0xc1: {  	[dreg:$0x0] =	wrdreg $0xFFFFFFFF;
	(pc) =	sbr.abs _section_cstart, $3  }
0xc2: {  	[dreg:$0x1] =	wrdreg $0xFFFFFFFF  }
0xc3: {  	_ =	task.clear_ibuf [dreg:s8], $0x2FFFF;
	_ =	strace $0x9FFFFFFF  }
0xc4: {  	(tm) =	ssettm $0x7FFFFFFF  }
0xc5: {  	_ =	shalt  }
tec
execute0_lowered:
.L_overlay_start_1:
0x0: {  	(tag) =	ssettag $0x1  }
0x1: {  	s1 =	rddreg [dreg:$0x0]  }
0x2: {  	s2 =	srdreg.scid;
	s9 =	rddreg [dreg:$0x1]  }
0x3: {  	s0 =	stileid.u32;
	s6 =	rddreg [dreg:$0x2]  }
0x4: {  	s3 =	simm.s32 $0x0;
	s11 =	simm.s32 $0x80;
	s12 =	simm.s32 $0x1  }
0x5: {  	s4 =	sand.u32 $0x1, s2;
	s30 =	sshll.u32 s0, $0x1;
	s2 =	rddreg [dreg:$0x3]  }
0x6: {  	p0 =	slt.u32 s0, $0x7;
	[smem:$0x7FF] =	sst s3;
	s13 =	sor.u32 s4, s30  }
0x7: {  	s4 =	ssub.s32 $0x2, s4;
	s5 =	smul.u32 $0x3, s13;
	s7 =	sshll.u32 s13, $0x1  }
0x8: {  	_ =	strace $0x80000047;
	s31 =	sshrl.u32 s4, $0x1;
	s10 =	sadd.s32 $0xE, s7  }
0x9: {  	s7 =	ssub.s32 s4, s31;
	s4 =	simm.s32 $0x3;
	s10 =	smov.u32 @p0 s5  }
0xa: {  	s4 =	simm.s32 @!p0 $0x2;
	s7 =	smax.u32 s7, $0x1;
	p0 =	sne.s32 s13, $0x1F  }
0xb: {  	s13 =	simm.s32 $0x0;
	s5 =	sshll.u32 s10, $0xB;
	s10 =	sshll.u32 s10, $0x4  }
0xc: {  	s8 =	sadd.s32 s5, s6;
	s5 =	sadd.s32 $0x4E0, s9;
	s6 =	sadd.s32 $0x2B800, s6  }
0xd: {  	s9 =	sadd.s32 s10, s9;
	s10 =	simm.s32 $0x2;
	s8 =	sadd.s32 $0x4800, s8  }
.LBB2_1:
0xe: {  	[tilespmem:s3], [sflag:$0x2] =	stream.linear.gather [hbm4b:s9+s3], $0x80, $0x38;
	[tilespmem:$0x4080] =	vst v63  }
0xf: {  	_ =	swait.ge [sflag:s10], $0x80  }
0x10: {  	[sflag:s10] =	ssyncset.done $0x0  }
0x11: {  	[sflag:s10] =	ssyncadd.s32 $0xFFFFFF80  }
0x12: {  	[tilespmem:s11], [sflag:$0x1] =	stream.indirect.gather [hbm4b:s1+s11], $0x80, s3, s11, $0xb8;
	[tilespmem:$0x4080] =	vst v63  }
0x13: {  	p1 =	sne.s32 s4, $0x1;
	_ =	swait.ge [sflag:s12], $0x4000  }
.Ltmp0:
0x14: {  	[sflag:s12] =	ssyncset.done $0x0;
	(pc) =	sbr.rel @!p1 .LBB2_3-.Ltmp0, $4  }
0x15: {  	[sflag:s12] =	ssyncadd.s32 $0xFFFFC000  }
0x16: {  	[hbm4b:s8+s3] =	stream.linear.scatter [tilespmem:s11], [sflag:$0x2], $0x4000, $0x38;
	[tilespmem:$0x4080] =	vst v63  }
0x17: {  	s14 =	sadd.s32 $0xFFFFFFFF, s4;
	_ =	swait.ge [sflag:s10], $0x4000  }
0x18: {  	s15 =	smov.u32 s8;
	s16 =	smov.u32 s9;
	[sflag:s10] =	ssyncset.done $0x0  }
.LBB2_2:
0x19: {  	[sflag:s10] =	ssyncadd.s32 $0xFFFFC000;
	s15 =	sadd.s32 $0x800, s15;
	s16 =	sadd.s32 $0x10, s16  }
0x1a: {  	[tilespmem:s3], [sflag:$0x2] =	stream.linear.gather [hbm4b:s16+s3], $0x80, $0x38;
	[tilespmem:$0x4080] =	vst v63  }
0x1b: {  	p1 =	sne.s32 s14, $0x1;
	s14 =	sadd.s32 $0xFFFFFFFF, s14;
	_ =	swait.ge [sflag:s10], $0x80  }
0x1c: {  	[sflag:s10] =	ssyncset.done $0x0  }
0x1d: {  	[sflag:s10] =	ssyncadd.s32 $0xFFFFFF80  }
0x1e: {  	[tilespmem:s11], [sflag:$0x1] =	stream.indirect.gather [hbm4b:s1+s11], $0x80, s3, s11, $0xb8;
	[tilespmem:$0x4080] =	vst v63  }
0x1f: {  	_ =	swait.ge [sflag:s12], $0x4000  }
.Ltmp1:
0x20: {  	[sflag:s12] =	ssyncset.done $0x0;
	(pc) =	sbr.rel @p1 .LBB2_2-.Ltmp1, $4  }
0x21: {  	[sflag:s12] =	ssyncadd.s32 $0xFFFFC000  }
0x22: {  	[hbm4b:s15+s3] =	stream.linear.scatter [tilespmem:s11], [sflag:$0x2], $0x4000, $0x38;
	[tilespmem:$0x4080] =	vst v63  }
0x23: {  	_ =	swait.ge [sflag:s10], $0x4000  }
0x24: {  	[sflag:s10] =	ssyncset.done $0x0  }
.LBB2_3:
0x25: {  	[sflag:s10] =	ssyncadd.s32 $0xFFFFC000;
	s14 =	simm.s32 @!p0 $0x0;
	s15 =	simm.s32 @!p0 $0x2  }
0x26: {  	[tilespmem:s14], [sflag:$0x2] =	stream.linear.gather @!p0 [hbm4b:s5+s14], $0x10, $0x38;
	[tilespmem:$0x4080] =	vst v63  }
0x27: {  	_ =	swait.ge @!p0 [sflag:s15], $0x10  }
0x28: {  	[sflag:s15] =	ssyncset.done @!p0 $0x0  }
0x29: {  	s16 =	simm.s32 @!p0 $0x10;
	s17 =	simm.s32 @!p0 $0x80;
	[sflag:s15] =	ssyncadd.s32 @!p0 $0xFFFFFFF0  }
0x2a: {  	[tilespmem:s17], [sflag:$0x1] =	stream.indirect.gather @!p0 [hbm4b:s1+s16], $0x80, s14, s16, $0xb8;
	[tilespmem:$0x4080] =	vst v63  }
0x2b: {  	s16 =	simm.s32 @!p0 $0x1  }
0x2c: {  	s13 =	sadd.s32 $0x1, s13;
	_ =	swait.ge @!p0 [sflag:s16], $0x800  }
0x2d: {  	p1 =	sne.s32 s13, s7;
	[sflag:s16] =	ssyncset.done @!p0 $0x0  }
.Ltmp2:
0x2e: {  	[sflag:s16] =	ssyncadd.s32 @!p0 $0xFFFFF800;
	(pc) =	sbr.rel @p1 .LBB2_1-.Ltmp2, $4  }
0x2f: {  	[hbm4b:s6+s14] =	stream.linear.scatter @!p0 [tilespmem:s17], [sflag:$0x2], $0x800, $0x38;
	[tilespmem:$0x4080] =	vst v63  }
0x30: {  	_ =	swait.ge @!p0 [sflag:s15], $0x800  }
0x31: {  	[sflag:s15] =	ssyncset.done @!p0 $0x0  }
0x32: {  	[sflag:s15] =	ssyncadd.s32 @!p0 $0xFFFFF800  }
0x33: {  	_ =	sfence.sel $0x180000  }
0x34: {  	[bflag:$0x0] =	sbarrier.arrive $0xFFFF  }
0x35: {  	p0 =	sne.s32 s0, $0x0;
	_ =	strace $0x90000047  }
0x36: {  	s0 =	sadd.s32 @!p0 $0x100000, s2;
	[bflag:$0x2] =	sbarrier.arrive $0xFFFF  }
0x37: {  	[sflag:s0] =	ssyncadd.tile.s32 @!p0 $0x1;
	_ =	shalt  }
.Lfunc_end2:
_tile_overlayer_lowered:
.L_overlay_start_2:
0x38: {  	(tag) =	ssettag $0x2  }
0x39: {  	s0 =	rddreg [dreg:$0x0];
	s2 =	stileid.u32  }
0x3a: {  	s1 =	rddreg [dreg:$0x1];
	p0 =	sne.s32 s2, $0x0  }
0x3b: {  	s3 =	rddreg [dreg:$0x2];
	[bflag:$0x3] =	sbarrier.arrive $0xFFFF;
	s2 =	simm.s32 @!p0 $0x1C02  }
0x3c: {  	[timem:s3], [sflag:s2] =	dma.local @!p0 [hbm:s0], s1  }
0x3d: {  	s0 =	simm.s32 @!p0 $0x2  }
0x3e: {  	_ =	swait.ge @!p0 [sflag:s0], s1  }
0x3f: {  	s1 =	ssub.s32 @!p0 $0x0, s1;
	[sflag:s0] =	ssyncset.done @!p0 $0x0  }
0x40: {  	[sflag:s0] =	ssyncadd.s32 @!p0 s1  }
0x41: {  	[bflag:$0x3] =	sbarrier.arrive $0xFFFF  }
0x42: {  	_ =	shalt  }

</sc_bundles>
